<compile_context>
chip_gen: v7x
topology: tpu7x:2x2x1
jax: 0.10.2.dev20260603
libtpu: 0.0.44.dev20260713+nightly
codegen_flags: <defaults>
</compile_context>

<pallas_src>
import dataclasses
import functools

import jax
import jax.numpy as jnp
from jax import lax
from jax.experimental import pallas as pl
from jax.experimental.pallas import tpu as pltpu
from jax.experimental.pallas import tpu_sc as plsc

NUM_ITEMS = 1000000
D = 32
B = 16384
LANES = 128
BN = 65536
BSUB = 16384
N_BLOCKS = -(-NUM_ITEMS // BN)
SROWS = N_BLOCKS * (BN // LANES)
NC = 2
NS = 16
NW = NC * NS
B_PER_W = B // NW
CHUNK = 128
N_CHUNKS = B_PER_W // CHUNK


def _scores_tc():
    def body(u_ref, t_ref, o_ref):
        u = u_ref[...]
        for rr in range(BN // BSUB):
            sub = t_ref[:, pl.ds(rr * BSUB, BSUB)]
            s = jnp.dot(u, sub, preferred_element_type=jnp.float32)
            sig = 1.0 / (1.0 + jnp.exp(-s))
            rbase = rr * (BSUB // LANES)
            for r in range(BSUB // LANES):
                o_ref[pl.ds(rbase + r, 1), :] = (
                    sig[:, r * LANES:(r + 1) * LANES])

    return pl.pallas_call(
        body,
        grid=(N_BLOCKS,),
        in_specs=[
            pl.BlockSpec((1, D), lambda j: (0, 0)),
            pl.BlockSpec((D, BN), lambda j: (0, j)),
        ],
        out_specs=pl.BlockSpec((BN // LANES, LANES), lambda j: (j, 0)),
        out_shape=jax.ShapeDtypeStruct((SROWS, LANES), jnp.float32),
    )


def _gather_sc():
    mesh = plsc.VectorSubcoreMesh(core_axis_name="c", subcore_axis_name="s")
    cp = pltpu.CompilerParams()
    if "needs_layout_passes" in pltpu.CompilerParams.__dataclass_fields__:
        cp = dataclasses.replace(cp, needs_layout_passes=False)

    @functools.partial(
        pl.kernel,
        mesh=mesh,
        compiler_params=cp,
        out_type=jax.ShapeDtypeStruct((B,), jnp.float32),
        scratch_types=[
            pltpu.VMEM((B_PER_W,), jnp.int32),
            pltpu.VMEM((N_CHUNKS, CHUNK), jnp.int32),
            pltpu.VMEM((B_PER_W,), jnp.int32),
            pltpu.VMEM((B_PER_W, LANES), jnp.float32),
            pltpu.VMEM((B_PER_W,), jnp.float32),
            pltpu.SemaphoreType.DMA,
        ],
    )
    def gather_kernel(idx_hbm, sig_hbm, out_hbm,
                      idx_v, rw_v, ln_v, rows_v, out_v, sem):
        wid = lax.axis_index("s") * NC + lax.axis_index("c")
        base = wid * B_PER_W

        pltpu.sync_copy(idx_hbm.at[wid], idx_v)
        for v in range(B_PER_W // 16):
            iv = idx_v[pl.ds(v * 16, 16)]
            j, o = divmod(v * 16, CHUNK)
            rw_v[j, pl.ds(o, 16)] = iv >> 7
            ln_v[pl.ds(v * 16, 16)] = iv & (LANES - 1)

        copies = []
        for j in range(N_CHUNKS):
            copies.append(pltpu.async_copy(
                sig_hbm.at[rw_v.at[j]],
                rows_v.at[pl.ds(j * CHUNK, CHUNK)],
                sem,
            ))
        for c in copies:
            c.wait()

        lane16 = lax.iota(jnp.int32, 16)
        for g in range(B_PER_W // 16):
            kv = g * 16 + lane16
            cv = ln_v[pl.ds(g * 16, 16)]
            out_v[pl.ds(g * 16, 16)] = plsc.load_gather(rows_v, [kv, cv])

        pltpu.sync_copy(out_v, out_hbm.at[pl.ds(base, B_PER_W)])

    return gather_kernel


_tc_scores = _scores_tc()
_sc_gather = _gather_sc()


def kernel(item_indices, item_table, user_embedding):
    idx = item_indices.astype(jnp.int32).reshape(NW, B_PER_W)
    sig = _tc_scores(user_embedding.reshape(1, D), item_table.T)
    return _sc_gather(idx, sig)

# --- scband reference (transcript-rebuilt; emitter-appended) ---
"""Pipeline reference for scband-fcf-69587060129946 (READ-ONLY COPY).

The authoritative reference and input builder live on the scoring server;
editing this copy changes nothing except your own understanding.
"""

import jax, jax.numpy as jnp
import numpy as np

NUM_ITEMS = 1000000
LATENT_DIM = 32
BATCH = 16384

def setup_inputs(seed: int = 0) -> dict:
    key = jax.random.key(seed)
    k1, k2, k3 = jax.random.split(key, 3)
    item_indices = jax.random.randint(k1, (BATCH,), 0, NUM_ITEMS)
    item_table = jax.random.normal(k2, (NUM_ITEMS, LATENT_DIM), dtype=jnp.float32) * 0.02
    user_embedding = jax.random.normal(k3, (1, LATENT_DIM), dtype=jnp.float32) * 0.02
    return {"item_indices": item_indices, "item_table": item_table, "user_embedding": user_embedding}

def reference(item_indices, item_table, user_embedding):
    # FCF.forward with server_model_param=None:
    # embedding lookup -> elementwise mul with user embedding -> sum -> sigmoid
    item_embeddings = jnp.take(item_table, item_indices, axis=0)  # [B, D]
    rating = jnp.multiply(user_embedding, item_embeddings)        # broadcast [1,D]*[B,D]
    rating = jnp.sum(rating, axis=1)                              # [B]
    rating = jax.nn.sigmoid(rating)
    return rating

if __name__ == "__main__":
    import jax
    _d = setup_inputs()
    print(jax.jit(kernel)(*tuple(_d.values())))

</pallas_src>

<mosaic_0001>
#map = affine_map<(d0, d1) -> (0, 0)>
#map1 = affine_map<(d0, d1) -> (0)>
module attributes {stable_mosaic.version = 14 : i64} {
  func.func @gather_kernel(%arg0: i32, %arg1: i32, %arg2: memref<32x512xi32, #tpu.memory_space<hbm>>, %arg3: memref<8192x128xf32, #tpu.memory_space<hbm>>, %arg4: memref<16384xf32, #tpu.memory_space<hbm>>, %arg5: memref<512xi32, #tpu.memory_space<vmem>>, %arg6: memref<4x128xi32, #tpu.memory_space<vmem>>, %arg7: memref<512xi32, #tpu.memory_space<vmem>>, %arg8: memref<512x128xf32, #tpu.memory_space<vmem>>, %arg9: memref<512xf32, #tpu.memory_space<vmem>>, %arg10: memref<!tpu.dma_semaphore, #tpu.memory_space<semaphore_mem>>) attributes {dimension_semantics = [#tpu.dimension_semantics<core_parallel>, #tpu.dimension_semantics<subcore_parallel>], iteration_bounds = array<i64: 2, 16>, scalar_prefetch = 0 : i64, scratch_operands = 6 : i64, tpu.core_type = #tpu.core_type<sc_vector_subcore>, window_params = [{transform_indices = #map}, {transform_indices = #map}, {transform_indices = #map1}]} {
    %mul3A = arith.constant 2 : i32
    %mul3A_0 = arith.muli %arg1, %mul3A : i32
    %add3A = arith.addi %mul3A_0, %arg0 : i32
    %mul3A_1 = arith.constant 512 : i32
    %mul3A_2 = arith.muli %add3A, %mul3A_1 : i32
    "tpu.region"() ({
      %run_scoped3A = tpu.sem_alloc : memref<!tpu.dma_semaphore, #tpu.memory_space<semaphore_mem>>
      %dma_start3A_780 = arith.constant 0 : i32
      %dma_start3A_781 = tpu.memref_slice %arg2[%add3A, %dma_start3A_780] : memref<32x512xi32, #tpu.memory_space<hbm>> -> memref<1x512xi32, #tpu.memory_space<hbm>>
      %dma_start3A_782 = tpu.memref_squeeze %dma_start3A_781 : memref<1x512xi32, #tpu.memory_space<hbm>> -> memref<512xi32, #tpu.memory_space<hbm>>
      %dma_start3A_783 = arith.constant 0 : i32
      %dma_start3A_784 = tpu.memref_slice %arg2[%add3A, %dma_start3A_783] : memref<32x512xi32, #tpu.memory_space<hbm>> -> memref<1x512xi32, #tpu.memory_space<hbm>>
      %dma_start3A_785 = tpu.memref_squeeze %dma_start3A_784 : memref<1x512xi32, #tpu.memory_space<hbm>> -> memref<512xi32, #tpu.memory_space<hbm>>
      tpu.enqueue_dma source(%dma_start3A_785 : memref<512xi32, #tpu.memory_space<hbm>>) target(%arg5 : memref<512xi32, #tpu.memory_space<vmem>>) target_semaphore(%run_scoped3A : memref<!tpu.dma_semaphore, #tpu.memory_space<semaphore_mem>>)
      %dma_wait3A_786 = arith.constant 0 : i32
      %dma_wait3A_787 = tpu.memref_slice %arg2[%add3A, %dma_wait3A_786] : memref<32x512xi32, #tpu.memory_space<hbm>> -> memref<1x512xi32, #tpu.memory_space<hbm>>
      %dma_wait3A_788 = tpu.memref_squeeze %dma_wait3A_787 : memref<1x512xi32, #tpu.memory_space<hbm>> -> memref<512xi32, #tpu.memory_space<hbm>>
      %dma_wait3A_789 = arith.constant 0 : i32
      %dma_wait3A_790 = tpu.memref_slice %arg2[%add3A, %dma_wait3A_789] : memref<32x512xi32, #tpu.memory_space<hbm>> -> memref<1x512xi32, #tpu.memory_space<hbm>>
      %dma_wait3A_791 = tpu.memref_squeeze %dma_wait3A_790 : memref<1x512xi32, #tpu.memory_space<hbm>> -> memref<512xi32, #tpu.memory_space<hbm>>
      tpu.wait_dma2 semaphore(%run_scoped3A : memref<!tpu.dma_semaphore, #tpu.memory_space<semaphore_mem>>) src(%dma_wait3A_791 : memref<512xi32, #tpu.memory_space<hbm>>) dst(%arg5 : memref<512xi32, #tpu.memory_space<vmem>>)
      tpu.yield
    }) : () -> ()
    %get3A = arith.constant 0 : index
    %get3A_3 = tpu.vector_load %arg5[%get3A] {strides = array<i32>} : memref<512xi32, #tpu.memory_space<vmem>>, vector<16xi32>,
    %shift_right_arithmetic3A = arith.constant 7 : i32
    %shift_right_arithmetic3A_4 = vector.broadcast %shift_right_arithmetic3A : i32 to vector<16xi32>
    %shift_right_arithmetic3A_5 = arith.shrsi %get3A_3, %shift_right_arithmetic3A_4 : vector<16xi32>
    %swap3A = arith.constant 0 : i32
    %swap3A_6 = arith.index_cast %swap3A : i32 to index
    %swap3A_7 = arith.constant 0 : index
    %swap3A_8 = tpu.vector_load %arg6[%swap3A_6, %swap3A_7] {strides = array<i32>} : memref<4x128xi32, #tpu.memory_space<vmem>>, vector<16xi32>,
    tpu.vector_store %arg6[%swap3A_6, %swap3A_7], %shift_right_arithmetic3A_5 {strides = array<i32>} : memref<4x128xi32, #tpu.memory_space<vmem>>, vector<16xi32>,
    %and3A = arith.constant 127 : i32
    %and3A_9 = vector.broadcast %and3A : i32 to vector<16xi32>
    %and3A_10 = arith.andi %get3A_3, %and3A_9 : vector<16xi32>
    %swap3A_11 = arith.constant 0 : index
    %swap3A_12 = tpu.vector_load %arg7[%swap3A_11] {strides = array<i32>} : memref<512xi32, #tpu.memory_space<vmem>>, vector<16xi32>,
    tpu.vector_store %arg7[%swap3A_11], %and3A_10 {strides = array<i32>} : memref<512xi32, #tpu.memory_space<vmem>>, vector<16xi32>,
    %get3A_13 = arith.constant 16 : index
    %get3A_14 = tpu.vector_load %arg5[%get3A_13] {strides = array<i32>} : memref<512xi32, #tpu.memory_space<vmem>>, vector<16xi32>,
    %shift_right_arithmetic3A_15 = arith.constant 7 : i32
    %shift_right_arithmetic3A_16 = vector.broadcast %shift_right_arithmetic3A_15 : i32 to vector<16xi32>
    %shift_right_arithmetic3A_17 = arith.shrsi %get3A_14, %shift_right_arithmetic3A_16 : vector<16xi32>
    %swap3A_18 = arith.constant 0 : i32
    %swap3A_19 = arith.index_cast %swap3A_18 : i32 to index
    %swap3A_20 = arith.constant 16 : index
    %swap3A_21 = tpu.vector_load %arg6[%swap3A_19, %swap3A_20] {strides = array<i32>} : memref<4x128xi32, #tpu.memory_space<vmem>>, vector<16xi32>,
    tpu.vector_store %arg6[%swap3A_19, %swap3A_20], %shift_right_arithmetic3A_17 {strides = array<i32>} : memref<4x128xi32, #tpu.memory_space<vmem>>, vector<16xi32>,
    %and3A_22 = arith.constant 127 : i32
    %and3A_23 = vector.broadcast %and3A_22 : i32 to vector<16xi32>
    %and3A_24 = arith.andi %get3A_14, %and3A_23 : vector<16xi32>
    %swap3A_25 = arith.constant 16 : index
    %swap3A_26 = tpu.vector_load %arg7[%swap3A_25] {strides = array<i32>} : memref<512xi32, #tpu.memory_space<vmem>>, vector<16xi32>,
    tpu.vector_store %arg7[%swap3A_25], %and3A_24 {strides = array<i32>} : memref<512xi32, #tpu.memory_space<vmem>>, vector<16xi32>,
    %get3A_27 = arith.constant 32 : index
    %get3A_28 = tpu.vector_load %arg5[%get3A_27] {strides = array<i32>} : memref<512xi32, #tpu.memory_space<vmem>>, vector<16xi32>,
    %shift_right_arithmetic3A_29 = arith.constant 7 : i32
    %shift_right_arithmetic3A_30 = vector.broadcast %shift_right_arithmetic3A_29 : i32 to vector<16xi32>
    %shift_right_arithmetic3A_31 = arith.shrsi %get3A_28, %shift_right_arithmetic3A_30 : vector<16xi32>
    %swap3A_32 = arith.constant 0 : i32
    %swap3A_33 = arith.index_cast %swap3A_32 : i32 to index
    %swap3A_34 = arith.constant 32 : index
    %swap3A_35 = tpu.vector_load %arg6[%swap3A_33, %swap3A_34] {strides = array<i32>} : memref<4x128xi32, #tpu.memory_space<vmem>>, vector<16xi32>,
    tpu.vector_store %arg6[%swap3A_33, %swap3A_34], %shift_right_arithmetic3A_31 {strides = array<i32>} : memref<4x128xi32, #tpu.memory_space<vmem>>, vector<16xi32>,
    %and3A_36 = arith.constant 127 : i32
    %and3A_37 = vector.broadcast %and3A_36 : i32 to vector<16xi32>
    %and3A_38 = arith.andi %get3A_28, %and3A_37 : vector<16xi32>
    %swap3A_39 = arith.constant 32 : index
    %swap3A_40 = tpu.vector_load %arg7[%swap3A_39] {strides = array<i32>} : memref<512xi32, #tpu.memory_space<vmem>>, vector<16xi32>,
    tpu.vector_store %arg7[%swap3A_39], %and3A_38 {strides = array<i32>} : memref<512xi32, #tpu.memory_space<vmem>>, vector<16xi32>,
    %get3A_41 = arith.constant 48 : index
    %get3A_42 = tpu.vector_load %arg5[%get3A_41] {strides = array<i32>} : memref<512xi32, #tpu.memory_space<vmem>>, vector<16xi32>,
    %shift_right_arithmetic3A_43 = arith.constant 7 : i32
    %shift_right_arithmetic3A_44 = vector.broadcast %shift_right_arithmetic3A_43 : i32 to vector<16xi32>
    %shift_right_arithmetic3A_45 = arith.shrsi %get3A_42, %shift_right_arithmetic3A_44 : vector<16xi32>
    %swap3A_46 = arith.constant 0 : i32
    %swap3A_47 = arith.index_cast %swap3A_46 : i32 to index
    %swap3A_48 = arith.constant 48 : index
    %swap3A_49 = tpu.vector_load %arg6[%swap3A_47, %swap3A_48] {strides = array<i32>} : memref<4x128xi32, #tpu.memory_space<vmem>>, vector<16xi32>,
    tpu.vector_store %arg6[%swap3A_47, %swap3A_48], %shift_right_arithmetic3A_45 {strides = array<i32>} : memref<4x128xi32, #tpu.memory_space<vmem>>, vector<16xi32>,
    %and3A_50 = arith.constant 127 : i32
    %and3A_51 = vector.broadcast %and3A_50 : i32 to vector<16xi32>
    %and3A_52 = arith.andi %get3A_42, %and3A_51 : vector<16xi32>
    %swap3A_53 = arith.constant 48 : index
    %swap3A_54 = tpu.vector_load %arg7[%swap3A_53] {strides = array<i32>} : memref<512xi32, #tpu.memory_space<vmem>>, vector<16xi32>,
    tpu.vector_store %arg7[%swap3A_53], %and3A_52 {strides = array<i32>} : memref<512xi32, #tpu.memory_space<vmem>>, vector<16xi32>,
    %get3A_55 = arith.constant 64 : index
    %get3A_56 = tpu.vector_load %arg5[%get3A_55] {strides = array<i32>} : memref<512xi32, #tpu.memory_space<vmem>>, vector<16xi32>,
    %shift_right_arithmetic3A_57 = arith.constant 7 : i32
    %shift_right_arithmetic3A_58 = vector.broadcast %shift_right_arithmetic3A_57 : i32 to vector<16xi32>
    %shift_right_arithmetic3A_59 = arith.shrsi %get3A_56, %shift_right_arithmetic3A_58 : vector<16xi32>
    %swap3A_60 = arith.constant 0 : i32
    %swap3A_61 = arith.index_cast %swap3A_60 : i32 to index
    %swap3A_62 = arith.constant 64 : index
    %swap3A_63 = tpu.vector_load %arg6[%swap3A_61, %swap3A_62] {strides = array<i32>} : memref<4x128xi32, #tpu.memory_space<vmem>>, vector<16xi32>,
    tpu.vector_store %arg6[%swap3A_61, %swap3A_62], %shift_right_arithmetic3A_59 {strides = array<i32>} : memref<4x128xi32, #tpu.memory_space<vmem>>, vector<16xi32>,
    %and3A_64 = arith.constant 127 : i32
    %and3A_65 = vector.broadcast %and3A_64 : i32 to vector<16xi32>
    %and3A_66 = arith.andi %get3A_56, %and3A_65 : vector<16xi32>
    %swap3A_67 = arith.constant 64 : index
    %swap3A_68 = tpu.vector_load %arg7[%swap3A_67] {strides = array<i32>} : memref<512xi32, #tpu.memory_space<vmem>>, vector<16xi32>,
    tpu.vector_store %arg7[%swap3A_67], %and3A_66 {strides = array<i32>} : memref<512xi32, #tpu.memory_space<vmem>>, vector<16xi32>,
    %get3A_69 = arith.constant 80 : index
    %get3A_70 = tpu.vector_load %arg5[%get3A_69] {strides = array<i32>} : memref<512xi32, #tpu.memory_space<vmem>>, vector<16xi32>,
    %shift_right_arithmetic3A_71 = arith.constant 7 : i32
    %shift_right_arithmetic3A_72 = vector.broadcast %shift_right_arithmetic3A_71 : i32 to vector<16xi32>
    %shift_right_arithmetic3A_73 = arith.shrsi %get3A_70, %shift_right_arithmetic3A_72 : vector<16xi32>
    %swap3A_74 = arith.constant 0 : i32
    %swap3A_75 = arith.index_cast %swap3A_74 : i32 to index
    %swap3A_76 = arith.constant 80 : index
    %swap3A_77 = tpu.vector_load %arg6[%swap3A_75, %swap3A_76] {strides = array<i32>} : memref<4x128xi32, #tpu.memory_space<vmem>>, vector<16xi32>,
    tpu.vector_store %arg6[%swap3A_75, %swap3A_76], %shift_right_arithmetic3A_73 {strides = array<i32>} : memref<4x128xi32, #tpu.memory_space<vmem>>, vector<16xi32>,
    %and3A_78 = arith.constant 127 : i32
    %and3A_79 = vector.broadcast %and3A_78 : i32 to vector<16xi32>
    %and3A_80 = arith.andi %get3A_70, %and3A_79 : vector<16xi32>
    %swap3A_81 = arith.constant 80 : index
    %swap3A_82 = tpu.vector_load %arg7[%swap3A_81] {strides = array<i32>} : memref<512xi32, #tpu.memory_space<vmem>>, vector<16xi32>,
    tpu.vector_store %arg7[%swap3A_81], %and3A_80 {strides = array<i32>} : memref<512xi32, #tpu.memory_space<vmem>>, vector<16xi32>,
    %get3A_83 = arith.constant 96 : index
    %get3A_84 = tpu.vector_load %arg5[%get3A_83] {strides = array<i32>} : memref<512xi32, #tpu.memory_space<vmem>>, vector<16xi32>,
    %shift_right_arithmetic3A_85 = arith.constant 7 : i32
    %shift_right_arithmetic3A_86 = vector.broadcast %shift_right_arithmetic3A_85 : i32 to vector<16xi32>
    %shift_right_arithmetic3A_87 = arith.shrsi %get3A_84, %shift_right_arithmetic3A_86 : vector<16xi32>
    %swap3A_88 = arith.constant 0 : i32
    %swap3A_89 = arith.index_cast %swap3A_88 : i32 to index
    %swap3A_90 = arith.constant 96 : index
    %swap3A_91 = tpu.vector_load %arg6[%swap3A_89, %swap3A_90] {strides = array<i32>} : memref<4x128xi32, #tpu.memory_space<vmem>>, vector<16xi32>,
    tpu.vector_store %arg6[%swap3A_89, %swap3A_90], %shift_right_arithmetic3A_87 {strides = array<i32>} : memref<4x128xi32, #tpu.memory_space<vmem>>, vector<16xi32>,
    %and3A_92 = arith.constant 127 : i32
    %and3A_93 = vector.broadcast %and3A_92 : i32 to vector<16xi32>
    %and3A_94 = arith.andi %get3A_84, %and3A_93 : vector<16xi32>
    %swap3A_95 = arith.constant 96 : index
    %swap3A_96 = tpu.vector_load %arg7[%swap3A_95] {strides = array<i32>} : memref<512xi32, #tpu.memory_space<vmem>>, vector<16xi32>,
    tpu.vector_store %arg7[%swap3A_95], %and3A_94 {strides = array<i32>} : memref<512xi32, #tpu.memory_space<vmem>>, vector<16xi32>,
    %get3A_97 = arith.constant 112 : index
    %get3A_98 = tpu.vector_load %arg5[%get3A_97] {strides = array<i32>} : memref<512xi32, #tpu.memory_space<vmem>>, vector<16xi32>,
    %shift_right_arithmetic3A_99 = arith.constant 7 : i32
    %shift_right_arithmetic3A_100 = vector.broadcast %shift_right_arithmetic3A_99 : i32 to vector<16xi32>
    %shift_right_arithmetic3A_101 = arith.shrsi %get3A_98, %shift_right_arithmetic3A_100 : vector<16xi32>
    %swap3A_102 = arith.constant 0 : i32
    %swap3A_103 = arith.index_cast %swap3A_102 : i32 to index
    %swap3A_104 = arith.constant 112 : index
    %swap3A_105 = tpu.vector_load %arg6[%swap3A_103, %swap3A_104] {strides = array<i32>} : memref<4x128xi32, #tpu.memory_space<vmem>>, vector<16xi32>,
    tpu.vector_store %arg6[%swap3A_103, %swap3A_104], %shift_right_arithmetic3A_101 {strides = array<i32>} : memref<4x128xi32, #tpu.memory_space<vmem>>, vector<16xi32>,
    %and3A_106 = arith.constant 127 : i32
    %and3A_107 = vector.broadcast %and3A_106 : i32 to vector<16xi32>
    %and3A_108 = arith.andi %get3A_98, %and3A_107 : vector<16xi32>
    %swap3A_109 = arith.constant 112 : index
    %swap3A_110 = tpu.vector_load %arg7[%swap3A_109] {strides = array<i32>} : memref<512xi32, #tpu.memory_space<vmem>>, vector<16xi32>,
    tpu.vector_store %arg7[%swap3A_109], %and3A_108 {strides = array<i32>} : memref<512xi32, #tpu.memory_space<vmem>>, vector<16xi32>,
    %get3A_111 = arith.constant 128 : index
    %get3A_112 = tpu.vector_load %arg5[%get3A_111] {strides = array<i32>} : memref<512xi32, #tpu.memory_space<vmem>>, vector<16xi32>,
    %shift_right_arithmetic3A_113 = arith.constant 7 : i32
    %shift_right_arithmetic3A_114 = vector.broadcast %shift_right_arithmetic3A_113 : i32 to vector<16xi32>
    %shift_right_arithmetic3A_115 = arith.shrsi %get3A_112, %shift_right_arithmetic3A_114 : vector<16xi32>
    %swap3A_116 = arith.constant 1 : i32
    %swap3A_117 = arith.index_cast %swap3A_116 : i32 to index
    %swap3A_118 = arith.constant 0 : index
    %swap3A_119 = tpu.vector_load %arg6[%swap3A_117, %swap3A_118] {strides = array<i32>} : memref<4x128xi32, #tpu.memory_space<vmem>>, vector<16xi32>,
    tpu.vector_store %arg6[%swap3A_117, %swap3A_118], %shift_right_arithmetic3A_115 {strides = array<i32>} : memref<4x128xi32, #tpu.memory_space<vmem>>, vector<16xi32>,
    %and3A_120 = arith.constant 127 : i32
    %and3A_121 = vector.broadcast %and3A_120 : i32 to vector<16xi32>
    %and3A_122 = arith.andi %get3A_112, %and3A_121 : vector<16xi32>
    %swap3A_123 = arith.constant 128 : index
    %swap3A_124 = tpu.vector_load %arg7[%swap3A_123] {strides = array<i32>} : memref<512xi32, #tpu.memory_space<vmem>>, vector<16xi32>,
    tpu.vector_store %arg7[%swap3A_123], %and3A_122 {strides = array<i32>} : memref<512xi32, #tpu.memory_space<vmem>>, vector<16xi32>,
    %get3A_125 = arith.constant 144 : index
    %get3A_126 = tpu.vector_load %arg5[%get3A_125] {strides = array<i32>} : memref<512xi32, #tpu.memory_space<vmem>>, vector<16xi32>,
    %shift_right_arithmetic3A_127 = arith.constant 7 : i32
    %shift_right_arithmetic3A_128 = vector.broadcast %shift_right_arithmetic3A_127 : i32 to vector<16xi32>
    %shift_right_arithmetic3A_129 = arith.shrsi %get3A_126, %shift_right_arithmetic3A_128 : vector<16xi32>
    %swap3A_130 = arith.constant 1 : i32
    %swap3A_131 = arith.index_cast %swap3A_130 : i32 to index
    %swap3A_132 = arith.constant 16 : index
    %swap3A_133 = tpu.vector_load %arg6[%swap3A_131, %swap3A_132] {strides = array<i32>} : memref<4x128xi32, #tpu.memory_space<vmem>>, vector<16xi32>,
    tpu.vector_store %arg6[%swap3A_131, %swap3A_132], %shift_right_arithmetic3A_129 {strides = array<i32>} : memref<4x128xi32, #tpu.memory_space<vmem>>, vector<16xi32>,
    %and3A_134 = arith.constant 127 : i32
    %and3A_135 = vector.broadcast %and3A_134 : i32 to vector<16xi32>
    %and3A_136 = arith.andi %get3A_126, %and3A_135 : vector<16xi32>
    %swap3A_137 = arith.constant 144 : index
    %swap3A_138 = tpu.vector_load %arg7[%swap3A_137] {strides = array<i32>} : memref<512xi32, #tpu.memory_space<vmem>>, vector<16xi32>,
    tpu.vector_store %arg7[%swap3A_137], %and3A_136 {strides = array<i32>} : memref<512xi32, #tpu.memory_space<vmem>>, vector<16xi32>,
    %get3A_139 = arith.constant 160 : index
    %get3A_140 = tpu.vector_load %arg5[%get3A_139] {strides = array<i32>} : memref<512xi32, #tpu.memory_space<vmem>>, vector<16xi32>,
    %shift_right_arithmetic3A_141 = arith.constant 7 : i32
    %shift_right_arithmetic3A_142 = vector.broadcast %shift_right_arithmetic3A_141 : i32 to vector<16xi32>
    %shift_right_arithmetic3A_143 = arith.shrsi %get3A_140, %shift_right_arithmetic3A_142 : vector<16xi32>
    %swap3A_144 = arith.constant 1 : i32
    %swap3A_145 = arith.index_cast %swap3A_144 : i32 to index
    %swap3A_146 = arith.constant 32 : index
    %swap3A_147 = tpu.vector_load %arg6[%swap3A_145, %swap3A_146] {strides = array<i32>} : memref<4x128xi32, #tpu.memory_space<vmem>>, vector<16xi32>,
    tpu.vector_store %arg6[%swap3A_145, %swap3A_146], %shift_right_arithmetic3A_143 {strides = array<i32>} : memref<4x128xi32, #tpu.memory_space<vmem>>, vector<16xi32>,
    %and3A_148 = arith.constant 127 : i32
    %and3A_149 = vector.broadcast %and3A_148 : i32 to vector<16xi32>
    %and3A_150 = arith.andi %get3A_140, %and3A_149 : vector<16xi32>
    %swap3A_151 = arith.constant 160 : index
    %swap3A_152 = tpu.vector_load %arg7[%swap3A_151] {strides = array<i32>} : memref<512xi32, #tpu.memory_space<vmem>>, vector<16xi32>,
    tpu.vector_store %arg7[%swap3A_151], %and3A_150 {strides = array<i32>} : memref<512xi32, #tpu.memory_space<vmem>>, vector<16xi32>,
    %get3A_153 = arith.constant 176 : index
    %get3A_154 = tpu.vector_load %arg5[%get3A_153] {strides = array<i32>} : memref<512xi32, #tpu.memory_space<vmem>>, vector<16xi32>,
    %shift_right_arithmetic3A_155 = arith.constant 7 : i32
    %shift_right_arithmetic3A_156 = vector.broadcast %shift_right_arithmetic3A_155 : i32 to vector<16xi32>
    %shift_right_arithmetic3A_157 = arith.shrsi %get3A_154, %shift_right_arithmetic3A_156 : vector<16xi32>
    %swap3A_158 = arith.constant 1 : i32
    %swap3A_159 = arith.index_cast %swap3A_158 : i32 to index
    %swap3A_160 = arith.constant 48 : index
    %swap3A_161 = tpu.vector_load %arg6[%swap3A_159, %swap3A_160] {strides = array<i32>} : memref<4x128xi32, #tpu.memory_space<vmem>>, vector<16xi32>,
    tpu.vector_store %arg6[%swap3A_159, %swap3A_160], %shift_right_arithmetic3A_157 {strides = array<i32>} : memref<4x128xi32, #tpu.memory_space<vmem>>, vector<16xi32>,
    %and3A_162 = arith.constant 127 : i32
    %and3A_163 = vector.broadcast %and3A_162 : i32 to vector<16xi32>
    %and3A_164 = arith.andi %get3A_154, %and3A_163 : vector<16xi32>
    %swap3A_165 = arith.constant 176 : index
    %swap3A_166 = tpu.vector_load %arg7[%swap3A_165] {strides = array<i32>} : memref<512xi32, #tpu.memory_space<vmem>>, vector<16xi32>,
    tpu.vector_store %arg7[%swap3A_165], %and3A_164 {strides = array<i32>} : memref<512xi32, #tpu.memory_space<vmem>>, vector<16xi32>,
    %get3A_167 = arith.constant 192 : index
    %get3A_168 = tpu.vector_load %arg5[%get3A_167] {strides = array<i32>} : memref<512xi32, #tpu.memory_space<vmem>>, vector<16xi32>,
    %shift_right_arithmetic3A_169 = arith.constant 7 : i32
    %shift_right_arithmetic3A_170 = vector.broadcast %shift_right_arithmetic3A_169 : i32 to vector<16xi32>
    %shift_right_arithmetic3A_171 = arith.shrsi %get3A_168, %shift_right_arithmetic3A_170 : vector<16xi32>
    %swap3A_172 = arith.constant 1 : i32
    %swap3A_173 = arith.index_cast %swap3A_172 : i32 to index
    %swap3A_174 = arith.constant 64 : index
    %swap3A_175 = tpu.vector_load %arg6[%swap3A_173, %swap3A_174] {strides = array<i32>} : memref<4x128xi32, #tpu.memory_space<vmem>>, vector<16xi32>,
    tpu.vector_store %arg6[%swap3A_173, %swap3A_174], %shift_right_arithmetic3A_171 {strides = array<i32>} : memref<4x128xi32, #tpu.memory_space<vmem>>, vector<16xi32>,
    %and3A_176 = arith.constant 127 : i32
    %and3A_177 = vector.broadcast %and3A_176 : i32 to vector<16xi32>
    %and3A_178 = arith.andi %get3A_168, %and3A_177 : vector<16xi32>
    %swap3A_179 = arith.constant 192 : index
    %swap3A_180 = tpu.vector_load %arg7[%swap3A_179] {strides = array<i32>} : memref<512xi32, #tpu.memory_space<vmem>>, vector<16xi32>,
    tpu.vector_store %arg7[%swap3A_179], %and3A_178 {strides = array<i32>} : memref<512xi32, #tpu.memory_space<vmem>>, vector<16xi32>,
    %get3A_181 = arith.constant 208 : index
    %get3A_182 = tpu.vector_load %arg5[%get3A_181] {strides = array<i32>} : memref<512xi32, #tpu.memory_space<vmem>>, vector<16xi32>,
    %shift_right_arithmetic3A_183 = arith.constant 7 : i32
    %shift_right_arithmetic3A_184 = vector.broadcast %shift_right_arithmetic3A_183 : i32 to vector<16xi32>
    %shift_right_arithmetic3A_185 = arith.shrsi %get3A_182, %shift_right_arithmetic3A_184 : vector<16xi32>
    %swap3A_186 = arith.constant 1 : i32
    %swap3A_187 = arith.index_cast %swap3A_186 : i32 to index
    %swap3A_188 = arith.constant 80 : index
    %swap3A_189 = tpu.vector_load %arg6[%swap3A_187, %swap3A_188] {strides = array<i32>} : memref<4x128xi32, #tpu.memory_space<vmem>>, vector<16xi32>,
    tpu.vector_store %arg6[%swap3A_187, %swap3A_188], %shift_right_arithmetic3A_185 {strides = array<i32>} : memref<4x128xi32, #tpu.memory_space<vmem>>, vector<16xi32>,
    %and3A_190 = arith.constant 127 : i32
    %and3A_191 = vector.broadcast %and3A_190 : i32 to vector<16xi32>
    %and3A_192 = arith.andi %get3A_182, %and3A_191 : vector<16xi32>
    %swap3A_193 = arith.constant 208 : index
    %swap3A_194 = tpu.vector_load %arg7[%swap3A_193] {strides = array<i32>} : memref<512xi32, #tpu.memory_space<vmem>>, vector<16xi32>,
    tpu.vector_store %arg7[%swap3A_193], %and3A_192 {strides = array<i32>} : memref<512xi32, #tpu.memory_space<vmem>>, vector<16xi32>,
    %get3A_195 = arith.constant 224 : index
    %get3A_196 = tpu.vector_load %arg5[%get3A_195] {strides = array<i32>} : memref<512xi32, #tpu.memory_space<vmem>>, vector<16xi32>,
    %shift_right_arithmetic3A_197 = arith.constant 7 : i32
    %shift_right_arithmetic3A_198 = vector.broadcast %shift_right_arithmetic3A_197 : i32 to vector<16xi32>
    %shift_right_arithmetic3A_199 = arith.shrsi %get3A_196, %shift_right_arithmetic3A_198 : vector<16xi32>
    %swap3A_200 = arith.constant 1 : i32
    %swap3A_201 = arith.index_cast %swap3A_200 : i32 to index
    %swap3A_202 = arith.constant 96 : index
    %swap3A_203 = tpu.vector_load %arg6[%swap3A_201, %swap3A_202] {strides = array<i32>} : memref<4x128xi32, #tpu.memory_space<vmem>>, vector<16xi32>,
    tpu.vector_store %arg6[%swap3A_201, %swap3A_202], %shift_right_arithmetic3A_199 {strides = array<i32>} : memref<4x128xi32, #tpu.memory_space<vmem>>, vector<16xi32>,
    %and3A_204 = arith.constant 127 : i32
    %and3A_205 = vector.broadcast %and3A_204 : i32 to vector<16xi32>
    %and3A_206 = arith.andi %get3A_196, %and3A_205 : vector<16xi32>
    %swap3A_207 = arith.constant 224 : index
    %swap3A_208 = tpu.vector_load %arg7[%swap3A_207] {strides = array<i32>} : memref<512xi32, #tpu.memory_space<vmem>>, vector<16xi32>,
    tpu.vector_store %arg7[%swap3A_207], %and3A_206 {strides = array<i32>} : memref<512xi32, #tpu.memory_space<vmem>>, vector<16xi32>,
    %get3A_209 = arith.constant 240 : index
    %get3A_210 = tpu.vector_load %arg5[%get3A_209] {strides = array<i32>} : memref<512xi32, #tpu.memory_space<vmem>>, vector<16xi32>,
    %shift_right_arithmetic3A_211 = arith.constant 7 : i32
    %shift_right_arithmetic3A_212 = vector.broadcast %shift_right_arithmetic3A_211 : i32 to vector<16xi32>
    %shift_right_arithmetic3A_213 = arith.shrsi %get3A_210, %shift_right_arithmetic3A_212 : vector<16xi32>
    %swap3A_214 = arith.constant 1 : i32
    %swap3A_215 = arith.index_cast %swap3A_214 : i32 to index
    %swap3A_216 = arith.constant 112 : index
    %swap3A_217 = tpu.vector_load %arg6[%swap3A_215, %swap3A_216] {strides = array<i32>} : memref<4x128xi32, #tpu.memory_space<vmem>>, vector<16xi32>,
    tpu.vector_store %arg6[%swap3A_215, %swap3A_216], %shift_right_arithmetic3A_213 {strides = array<i32>} : memref<4x128xi32, #tpu.memory_space<vmem>>, vector<16xi32>,
    %and3A_218 = arith.constant 127 : i32
    %and3A_219 = vector.broadcast %and3A_218 : i32 to vector<16xi32>
    %and3A_220 = arith.andi %get3A_210, %and3A_219 : vector<16xi32>
    %swap3A_221 = arith.constant 240 : index
    %swap3A_222 = tpu.vector_load %arg7[%swap3A_221] {strides = array<i32>} : memref<512xi32, #tpu.memory_space<vmem>>, vector<16xi32>,
    tpu.vector_store %arg7[%swap3A_221], %and3A_220 {strides = array<i32>} : memref<512xi32, #tpu.memory_space<vmem>>, vector<16xi32>,
    %get3A_223 = arith.constant 256 : index
    %get3A_224 = tpu.vector_load %arg5[%get3A_223] {strides = array<i32>} : memref<512xi32, #tpu.memory_space<vmem>>, vector<16xi32>,
    %shift_right_arithmetic3A_225 = arith.constant 7 : i32
    %shift_right_arithmetic3A_226 = vector.broadcast %shift_right_arithmetic3A_225 : i32 to vector<16xi32>
    %shift_right_arithmetic3A_227 = arith.shrsi %get3A_224, %shift_right_arithmetic3A_226 : vector<16xi32>
    %swap3A_228 = arith.constant 2 : i32
    %swap3A_229 = arith.index_cast %swap3A_228 : i32 to index
    %swap3A_230 = arith.constant 0 : index
    %swap3A_231 = tpu.vector_load %arg6[%swap3A_229, %swap3A_230] {strides = array<i32>} : memref<4x128xi32, #tpu.memory_space<vmem>>, vector<16xi32>,
    tpu.vector_store %arg6[%swap3A_229, %swap3A_230], %shift_right_arithmetic3A_227 {strides = array<i32>} : memref<4x128xi32, #tpu.memory_space<vmem>>, vector<16xi32>,
    %and3A_232 = arith.constant 127 : i32
    %and3A_233 = vector.broadcast %and3A_232 : i32 to vector<16xi32>
    %and3A_234 = arith.andi %get3A_224, %and3A_233 : vector<16xi32>
    %swap3A_235 = arith.constant 256 : index
    %swap3A_236 = tpu.vector_load %arg7[%swap3A_235] {strides = array<i32>} : memref<512xi32, #tpu.memory_space<vmem>>, vector<16xi32>,
    tpu.vector_store %arg7[%swap3A_235], %and3A_234 {strides = array<i32>} : memref<512xi32, #tpu.memory_space<vmem>>, vector<16xi32>,
    %get3A_237 = arith.constant 272 : index
    %get3A_238 = tpu.vector_load %arg5[%get3A_237] {strides = array<i32>} : memref<512xi32, #tpu.memory_space<vmem>>, vector<16xi32>,
    %shift_right_arithmetic3A_239 = arith.constant 7 : i32
    %shift_right_arithmetic3A_240 = vector.broadcast %shift_right_arithmetic3A_239 : i32 to vector<16xi32>
    %shift_right_arithmetic3A_241 = arith.shrsi %get3A_238, %shift_right_arithmetic3A_240 : vector<16xi32>
    %swap3A_242 = arith.constant 2 : i32
    %swap3A_243 = arith.index_cast %swap3A_242 : i32 to index
    %swap3A_244 = arith.constant 16 : index
    %swap3A_245 = tpu.vector_load %arg6[%swap3A_243, %swap3A_244] {strides = array<i32>} : memref<4x128xi32, #tpu.memory_space<vmem>>, vector<16xi32>,
    tpu.vector_store %arg6[%swap3A_243, %swap3A_244], %shift_right_arithmetic3A_241 {strides = array<i32>} : memref<4x128xi32, #tpu.memory_space<vmem>>, vector<16xi32>,
    %and3A_246 = arith.constant 127 : i32
    %and3A_247 = vector.broadcast %and3A_246 : i32 to vector<16xi32>
    %and3A_248 = arith.andi %get3A_238, %and3A_247 : vector<16xi32>
    %swap3A_249 = arith.constant 272 : index
    %swap3A_250 = tpu.vector_load %arg7[%swap3A_249] {strides = array<i32>} : memref<512xi32, #tpu.memory_space<vmem>>, vector<16xi32>,
    tpu.vector_store %arg7[%swap3A_249], %and3A_248 {strides = array<i32>} : memref<512xi32, #tpu.memory_space<vmem>>, vector<16xi32>,
    %get3A_251 = arith.constant 288 : index
    %get3A_252 = tpu.vector_load %arg5[%get3A_251] {strides = array<i32>} : memref<512xi32, #tpu.memory_space<vmem>>, vector<16xi32>,
    %shift_right_arithmetic3A_253 = arith.constant 7 : i32
    %shift_right_arithmetic3A_254 = vector.broadcast %shift_right_arithmetic3A_253 : i32 to vector<16xi32>
    %shift_right_arithmetic3A_255 = arith.shrsi %get3A_252, %shift_right_arithmetic3A_254 : vector<16xi32>
    %swap3A_256 = arith.constant 2 : i32
    %swap3A_257 = arith.index_cast %swap3A_256 : i32 to index
    %swap3A_258 = arith.constant 32 : index
    %swap3A_259 = tpu.vector_load %arg6[%swap3A_257, %swap3A_258] {strides = array<i32>} : memref<4x128xi32, #tpu.memory_space<vmem>>, vector<16xi32>,
    tpu.vector_store %arg6[%swap3A_257, %swap3A_258], %shift_right_arithmetic3A_255 {strides = array<i32>} : memref<4x128xi32, #tpu.memory_space<vmem>>, vector<16xi32>,
    %and3A_260 = arith.constant 127 : i32
    %and3A_261 = vector.broadcast %and3A_260 : i32 to vector<16xi32>
    %and3A_262 = arith.andi %get3A_252, %and3A_261 : vector<16xi32>
    %swap3A_263 = arith.constant 288 : index
    %swap3A_264 = tpu.vector_load %arg7[%swap3A_263] {strides = array<i32>} : memref<512xi32, #tpu.memory_space<vmem>>, vector<16xi32>,
    tpu.vector_store %arg7[%swap3A_263], %and3A_262 {strides = array<i32>} : memref<512xi32, #tpu.memory_space<vmem>>, vector<16xi32>,
    %get3A_265 = arith.constant 304 : index
    %get3A_266 = tpu.vector_load %arg5[%get3A_265] {strides = array<i32>} : memref<512xi32, #tpu.memory_space<vmem>>, vector<16xi32>,
    %shift_right_arithmetic3A_267 = arith.constant 7 : i32
    %shift_right_arithmetic3A_268 = vector.broadcast %shift_right_arithmetic3A_267 : i32 to vector<16xi32>
    %shift_right_arithmetic3A_269 = arith.shrsi %get3A_266, %shift_right_arithmetic3A_268 : vector<16xi32>
    %swap3A_270 = arith.constant 2 : i32
    %swap3A_271 = arith.index_cast %swap3A_270 : i32 to index
    %swap3A_272 = arith.constant 48 : index
    %swap3A_273 = tpu.vector_load %arg6[%swap3A_271, %swap3A_272] {strides = array<i32>} : memref<4x128xi32, #tpu.memory_space<vmem>>, vector<16xi32>,
    tpu.vector_store %arg6[%swap3A_271, %swap3A_272], %shift_right_arithmetic3A_269 {strides = array<i32>} : memref<4x128xi32, #tpu.memory_space<vmem>>, vector<16xi32>,
    %and3A_274 = arith.constant 127 : i32
    %and3A_275 = vector.broadcast %and3A_274 : i32 to vector<16xi32>
    %and3A_276 = arith.andi %get3A_266, %and3A_275 : vector<16xi32>
    %swap3A_277 = arith.constant 304 : index
    %swap3A_278 = tpu.vector_load %arg7[%swap3A_277] {strides = array<i32>} : memref<512xi32, #tpu.memory_space<vmem>>, vector<16xi32>,
    tpu.vector_store %arg7[%swap3A_277], %and3A_276 {strides = array<i32>} : memref<512xi32, #tpu.memory_space<vmem>>, vector<16xi32>,
    %get3A_279 = arith.constant 320 : index
    %get3A_280 = tpu.vector_load %arg5[%get3A_279] {strides = array<i32>} : memref<512xi32, #tpu.memory_space<vmem>>, vector<16xi32>,
    %shift_right_arithmetic3A_281 = arith.constant 7 : i32
    %shift_right_arithmetic3A_282 = vector.broadcast %shift_right_arithmetic3A_281 : i32 to vector<16xi32>
    %shift_right_arithmetic3A_283 = arith.shrsi %get3A_280, %shift_right_arithmetic3A_282 : vector<16xi32>
    %swap3A_284 = arith.constant 2 : i32
    %swap3A_285 = arith.index_cast %swap3A_284 : i32 to index
    %swap3A_286 = arith.constant 64 : index
    %swap3A_287 = tpu.vector_load %arg6[%swap3A_285, %swap3A_286] {strides = array<i32>} : memref<4x128xi32, #tpu.memory_space<vmem>>, vector<16xi32>,
    tpu.vector_store %arg6[%swap3A_285, %swap3A_286], %shift_right_arithmetic3A_283 {strides = array<i32>} : memref<4x128xi32, #tpu.memory_space<vmem>>, vector<16xi32>,
    %and3A_288 = arith.constant 127 : i32
    %and3A_289 = vector.broadcast %and3A_288 : i32 to vector<16xi32>
    %and3A_290 = arith.andi %get3A_280, %and3A_289 : vector<16xi32>
    %swap3A_291 = arith.constant 320 : index
    %swap3A_292 = tpu.vector_load %arg7[%swap3A_291] {strides = array<i32>} : memref<512xi32, #tpu.memory_space<vmem>>, vector<16xi32>,
    tpu.vector_store %arg7[%swap3A_291], %and3A_290 {strides = array<i32>} : memref<512xi32, #tpu.memory_space<vmem>>, vector<16xi32>,
    %get3A_293 = arith.constant 336 : index
    %get3A_294 = tpu.vector_load %arg5[%get3A_293] {strides = array<i32>} : memref<512xi32, #tpu.memory_space<vmem>>, vector<16xi32>,
    %shift_right_arithmetic3A_295 = arith.constant 7 : i32
    %shift_right_arithmetic3A_296 = vector.broadcast %shift_right_arithmetic3A_295 : i32 to vector<16xi32>
    %shift_right_arithmetic3A_297 = arith.shrsi %get3A_294, %shift_right_arithmetic3A_296 : vector<16xi32>
    %swap3A_298 = arith.constant 2 : i32
    %swap3A_299 = arith.index_cast %swap3A_298 : i32 to index
    %swap3A_300 = arith.constant 80 : index
    %swap3A_301 = tpu.vector_load %arg6[%swap3A_299, %swap3A_300] {strides = array<i32>} : memref<4x128xi32, #tpu.memory_space<vmem>>, vector<16xi32>,
    tpu.vector_store %arg6[%swap3A_299, %swap3A_300], %shift_right_arithmetic3A_297 {strides = array<i32>} : memref<4x128xi32, #tpu.memory_space<vmem>>, vector<16xi32>,
    %and3A_302 = arith.constant 127 : i32
    %and3A_303 = vector.broadcast %and3A_302 : i32 to vector<16xi32>
    %and3A_304 = arith.andi %get3A_294, %and3A_303 : vector<16xi32>
    %swap3A_305 = arith.constant 336 : index
    %swap3A_306 = tpu.vector_load %arg7[%swap3A_305] {strides = array<i32>} : memref<512xi32, #tpu.memory_space<vmem>>, vector<16xi32>,
    tpu.vector_store %arg7[%swap3A_305], %and3A_304 {strides = array<i32>} : memref<512xi32, #tpu.memory_space<vmem>>, vector<16xi32>,
    %get3A_307 = arith.constant 352 : index
    %get3A_308 = tpu.vector_load %arg5[%get3A_307] {strides = array<i32>} : memref<512xi32, #tpu.memory_space<vmem>>, vector<16xi32>,
    %shift_right_arithmetic3A_309 = arith.constant 7 : i32
    %shift_right_arithmetic3A_310 = vector.broadcast %shift_right_arithmetic3A_309 : i32 to vector<16xi32>
    %shift_right_arithmetic3A_311 = arith.shrsi %get3A_308, %shift_right_arithmetic3A_310 : vector<16xi32>
    %swap3A_312 = arith.constant 2 : i32
    %swap3A_313 = arith.index_cast %swap3A_312 : i32 to index
    %swap3A_314 = arith.constant 96 : index
    %swap3A_315 = tpu.vector_load %arg6[%swap3A_313, %swap3A_314] {strides = array<i32>} : memref<4x128xi32, #tpu.memory_space<vmem>>, vector<16xi32>,
    tpu.vector_store %arg6[%swap3A_313, %swap3A_314], %shift_right_arithmetic3A_311 {strides = array<i32>} : memref<4x128xi32, #tpu.memory_space<vmem>>, vector<16xi32>,
    %and3A_316 = arith.constant 127 : i32
    %and3A_317 = vector.broadcast %and3A_316 : i32 to vector<16xi32>
    %and3A_318 = arith.andi %get3A_308, %and3A_317 : vector<16xi32>
    %swap3A_319 = arith.constant 352 : index
    %swap3A_320 = tpu.vector_load %arg7[%swap3A_319] {strides = array<i32>} : memref<512xi32, #tpu.memory_space<vmem>>, vector<16xi32>,
    tpu.vector_store %arg7[%swap3A_319], %and3A_318 {strides = array<i32>} : memref<512xi32, #tpu.memory_space<vmem>>, vector<16xi32>,
    %get3A_321 = arith.constant 368 : index
    %get3A_322 = tpu.vector_load %arg5[%get3A_321] {strides = array<i32>} : memref<512xi32, #tpu.memory_space<vmem>>, vector<16xi32>,
    %shift_right_arithmetic3A_323 = arith.constant 7 : i32
    %shift_right_arithmetic3A_324 = vector.broadcast %shift_right_arithmetic3A_323 : i32 to vector<16xi32>
    %shift_right_arithmetic3A_325 = arith.shrsi %get3A_322, %shift_right_arithmetic3A_324 : vector<16xi32>
    %swap3A_326 = arith.constant 2 : i32
    %swap3A_327 = arith.index_cast %swap3A_326 : i32 to index
    %swap3A_328 = arith.constant 112 : index
    %swap3A_329 = tpu.vector_load %arg6[%swap3A_327, %swap3A_328] {strides = array<i32>} : memref<4x128xi32, #tpu.memory_space<vmem>>, vector<16xi32>,
    tpu.vector_store %arg6[%swap3A_327, %swap3A_328], %shift_right_arithmetic3A_325 {strides = array<i32>} : memref<4x128xi32, #tpu.memory_space<vmem>>, vector<16xi32>,
    %and3A_330 = arith.constant 127 : i32
    %and3A_331 = vector.broadcast %and3A_330 : i32 to vector<16xi32>
    %and3A_332 = arith.andi %get3A_322, %and3A_331 : vector<16xi32>
    %swap3A_333 = arith.constant 368 : index
    %swap3A_334 = tpu.vector_load %arg7[%swap3A_333] {strides = array<i32>} : memref<512xi32, #tpu.memory_space<vmem>>, vector<16xi32>,
    tpu.vector_store %arg7[%swap3A_333], %and3A_332 {strides = array<i32>} : memref<512xi32, #tpu.memory_space<vmem>>, vector<16xi32>,
    %get3A_335 = arith.constant 384 : index
    %get3A_336 = tpu.vector_load %arg5[%get3A_335] {strides = array<i32>} : memref<512xi32, #tpu.memory_space<vmem>>, vector<16xi32>,
    %shift_right_arithmetic3A_337 = arith.constant 7 : i32
    %shift_right_arithmetic3A_338 = vector.broadcast %shift_right_arithmetic3A_337 : i32 to vector<16xi32>
    %shift_right_arithmetic3A_339 = arith.shrsi %get3A_336, %shift_right_arithmetic3A_338 : vector<16xi32>
    %swap3A_340 = arith.constant 3 : i32
    %swap3A_341 = arith.index_cast %swap3A_340 : i32 to index
    %swap3A_342 = arith.constant 0 : index
    %swap3A_343 = tpu.vector_load %arg6[%swap3A_341, %swap3A_342] {strides = array<i32>} : memref<4x128xi32, #tpu.memory_space<vmem>>, vector<16xi32>,
    tpu.vector_store %arg6[%swap3A_341, %swap3A_342], %shift_right_arithmetic3A_339 {strides = array<i32>} : memref<4x128xi32, #tpu.memory_space<vmem>>, vector<16xi32>,
    %and3A_344 = arith.constant 127 : i32
    %and3A_345 = vector.broadcast %and3A_344 : i32 to vector<16xi32>
    %and3A_346 = arith.andi %get3A_336, %and3A_345 : vector<16xi32>
    %swap3A_347 = arith.constant 384 : index
    %swap3A_348 = tpu.vector_load %arg7[%swap3A_347] {strides = array<i32>} : memref<512xi32, #tpu.memory_space<vmem>>, vector<16xi32>,
    tpu.vector_store %arg7[%swap3A_347], %and3A_346 {strides = array<i32>} : memref<512xi32, #tpu.memory_space<vmem>>, vector<16xi32>,
    %get3A_349 = arith.constant 400 : index
    %get3A_350 = tpu.vector_load %arg5[%get3A_349] {strides = array<i32>} : memref<512xi32, #tpu.memory_space<vmem>>, vector<16xi32>,
    %shift_right_arithmetic3A_351 = arith.constant 7 : i32
    %shift_right_arithmetic3A_352 = vector.broadcast %shift_right_arithmetic3A_351 : i32 to vector<16xi32>
    %shift_right_arithmetic3A_353 = arith.shrsi %get3A_350, %shift_right_arithmetic3A_352 : vector<16xi32>
    %swap3A_354 = arith.constant 3 : i32
    %swap3A_355 = arith.index_cast %swap3A_354 : i32 to index
    %swap3A_356 = arith.constant 16 : index
    %swap3A_357 = tpu.vector_load %arg6[%swap3A_355, %swap3A_356] {strides = array<i32>} : memref<4x128xi32, #tpu.memory_space<vmem>>, vector<16xi32>,
    tpu.vector_store %arg6[%swap3A_355, %swap3A_356], %shift_right_arithmetic3A_353 {strides = array<i32>} : memref<4x128xi32, #tpu.memory_space<vmem>>, vector<16xi32>,
    %and3A_358 = arith.constant 127 : i32
    %and3A_359 = vector.broadcast %and3A_358 : i32 to vector<16xi32>
    %and3A_360 = arith.andi %get3A_350, %and3A_359 : vector<16xi32>
    %swap3A_361 = arith.constant 400 : index
    %swap3A_362 = tpu.vector_load %arg7[%swap3A_361] {strides = array<i32>} : memref<512xi32, #tpu.memory_space<vmem>>, vector<16xi32>,
    tpu.vector_store %arg7[%swap3A_361], %and3A_360 {strides = array<i32>} : memref<512xi32, #tpu.memory_space<vmem>>, vector<16xi32>,
    %get3A_363 = arith.constant 416 : index
    %get3A_364 = tpu.vector_load %arg5[%get3A_363] {strides = array<i32>} : memref<512xi32, #tpu.memory_space<vmem>>, vector<16xi32>,
    %shift_right_arithmetic3A_365 = arith.constant 7 : i32
    %shift_right_arithmetic3A_366 = vector.broadcast %shift_right_arithmetic3A_365 : i32 to vector<16xi32>
    %shift_right_arithmetic3A_367 = arith.shrsi %get3A_364, %shift_right_arithmetic3A_366 : vector<16xi32>
    %swap3A_368 = arith.constant 3 : i32
    %swap3A_369 = arith.index_cast %swap3A_368 : i32 to index
    %swap3A_370 = arith.constant 32 : index
    %swap3A_371 = tpu.vector_load %arg6[%swap3A_369, %swap3A_370] {strides = array<i32>} : memref<4x128xi32, #tpu.memory_space<vmem>>, vector<16xi32>,
    tpu.vector_store %arg6[%swap3A_369, %swap3A_370], %shift_right_arithmetic3A_367 {strides = array<i32>} : memref<4x128xi32, #tpu.memory_space<vmem>>, vector<16xi32>,
    %and3A_372 = arith.constant 127 : i32
    %and3A_373 = vector.broadcast %and3A_372 : i32 to vector<16xi32>
    %and3A_374 = arith.andi %get3A_364, %and3A_373 : vector<16xi32>
    %swap3A_375 = arith.constant 416 : index
    %swap3A_376 = tpu.vector_load %arg7[%swap3A_375] {strides = array<i32>} : memref<512xi32, #tpu.memory_space<vmem>>, vector<16xi32>,
    tpu.vector_store %arg7[%swap3A_375], %and3A_374 {strides = array<i32>} : memref<512xi32, #tpu.memory_space<vmem>>, vector<16xi32>,
    %get3A_377 = arith.constant 432 : index
    %get3A_378 = tpu.vector_load %arg5[%get3A_377] {strides = array<i32>} : memref<512xi32, #tpu.memory_space<vmem>>, vector<16xi32>,
    %shift_right_arithmetic3A_379 = arith.constant 7 : i32
    %shift_right_arithmetic3A_380 = vector.broadcast %shift_right_arithmetic3A_379 : i32 to vector<16xi32>
    %shift_right_arithmetic3A_381 = arith.shrsi %get3A_378, %shift_right_arithmetic3A_380 : vector<16xi32>
    %swap3A_382 = arith.constant 3 : i32
    %swap3A_383 = arith.index_cast %swap3A_382 : i32 to index
    %swap3A_384 = arith.constant 48 : index
    %swap3A_385 = tpu.vector_load %arg6[%swap3A_383, %swap3A_384] {strides = array<i32>} : memref<4x128xi32, #tpu.memory_space<vmem>>, vector<16xi32>,
    tpu.vector_store %arg6[%swap3A_383, %swap3A_384], %shift_right_arithmetic3A_381 {strides = array<i32>} : memref<4x128xi32, #tpu.memory_space<vmem>>, vector<16xi32>,
    %and3A_386 = arith.constant 127 : i32
    %and3A_387 = vector.broadcast %and3A_386 : i32 to vector<16xi32>
    %and3A_388 = arith.andi %get3A_378, %and3A_387 : vector<16xi32>
    %swap3A_389 = arith.constant 432 : index
    %swap3A_390 = tpu.vector_load %arg7[%swap3A_389] {strides = array<i32>} : memref<512xi32, #tpu.memory_space<vmem>>, vector<16xi32>,
    tpu.vector_store %arg7[%swap3A_389], %and3A_388 {strides = array<i32>} : memref<512xi32, #tpu.memory_space<vmem>>, vector<16xi32>,
    %get3A_391 = arith.constant 448 : index
    %get3A_392 = tpu.vector_load %arg5[%get3A_391] {strides = array<i32>} : memref<512xi32, #tpu.memory_space<vmem>>, vector<16xi32>,
    %shift_right_arithmetic3A_393 = arith.constant 7 : i32
    %shift_right_arithmetic3A_394 = vector.broadcast %shift_right_arithmetic3A_393 : i32 to vector<16xi32>
    %shift_right_arithmetic3A_395 = arith.shrsi %get3A_392, %shift_right_arithmetic3A_394 : vector<16xi32>
    %swap3A_396 = arith.constant 3 : i32
    %swap3A_397 = arith.index_cast %swap3A_396 : i32 to index
    %swap3A_398 = arith.constant 64 : index
    %swap3A_399 = tpu.vector_load %arg6[%swap3A_397, %swap3A_398] {strides = array<i32>} : memref<4x128xi32, #tpu.memory_space<vmem>>, vector<16xi32>,
    tpu.vector_store %arg6[%swap3A_397, %swap3A_398], %shift_right_arithmetic3A_395 {strides = array<i32>} : memref<4x128xi32, #tpu.memory_space<vmem>>, vector<16xi32>,
    %and3A_400 = arith.constant 127 : i32
    %and3A_401 = vector.broadcast %and3A_400 : i32 to vector<16xi32>
    %and3A_402 = arith.andi %get3A_392, %and3A_401 : vector<16xi32>
    %swap3A_403 = arith.constant 448 : index
    %swap3A_404 = tpu.vector_load %arg7[%swap3A_403] {strides = array<i32>} : memref<512xi32, #tpu.memory_space<vmem>>, vector<16xi32>,
    tpu.vector_store %arg7[%swap3A_403], %and3A_402 {strides = array<i32>} : memref<512xi32, #tpu.memory_space<vmem>>, vector<16xi32>,
    %get3A_405 = arith.constant 464 : index
    %get3A_406 = tpu.vector_load %arg5[%get3A_405] {strides = array<i32>} : memref<512xi32, #tpu.memory_space<vmem>>, vector<16xi32>,
    %shift_right_arithmetic3A_407 = arith.constant 7 : i32
    %shift_right_arithmetic3A_408 = vector.broadcast %shift_right_arithmetic3A_407 : i32 to vector<16xi32>
    %shift_right_arithmetic3A_409 = arith.shrsi %get3A_406, %shift_right_arithmetic3A_408 : vector<16xi32>
    %swap3A_410 = arith.constant 3 : i32
    %swap3A_411 = arith.index_cast %swap3A_410 : i32 to index
    %swap3A_412 = arith.constant 80 : index
    %swap3A_413 = tpu.vector_load %arg6[%swap3A_411, %swap3A_412] {strides = array<i32>} : memref<4x128xi32, #tpu.memory_space<vmem>>, vector<16xi32>,
    tpu.vector_store %arg6[%swap3A_411, %swap3A_412], %shift_right_arithmetic3A_409 {strides = array<i32>} : memref<4x128xi32, #tpu.memory_space<vmem>>, vector<16xi32>,
    %and3A_414 = arith.constant 127 : i32
    %and3A_415 = vector.broadcast %and3A_414 : i32 to vector<16xi32>
    %and3A_416 = arith.andi %get3A_406, %and3A_415 : vector<16xi32>
    %swap3A_417 = arith.constant 464 : index
    %swap3A_418 = tpu.vector_load %arg7[%swap3A_417] {strides = array<i32>} : memref<512xi32, #tpu.memory_space<vmem>>, vector<16xi32>,
    tpu.vector_store %arg7[%swap3A_417], %and3A_416 {strides = array<i32>} : memref<512xi32, #tpu.memory_space<vmem>>, vector<16xi32>,
    %get3A_419 = arith.constant 480 : index
    %get3A_420 = tpu.vector_load %arg5[%get3A_419] {strides = array<i32>} : memref<512xi32, #tpu.memory_space<vmem>>, vector<16xi32>,
    %shift_right_arithmetic3A_421 = arith.constant 7 : i32
    %shift_right_arithmetic3A_422 = vector.broadcast %shift_right_arithmetic3A_421 : i32 to vector<16xi32>
    %shift_right_arithmetic3A_423 = arith.shrsi %get3A_420, %shift_right_arithmetic3A_422 : vector<16xi32>
    %swap3A_424 = arith.constant 3 : i32
    %swap3A_425 = arith.index_cast %swap3A_424 : i32 to index
    %swap3A_426 = arith.constant 96 : index
    %swap3A_427 = tpu.vector_load %arg6[%swap3A_425, %swap3A_426] {strides = array<i32>} : memref<4x128xi32, #tpu.memory_space<vmem>>, vector<16xi32>,
    tpu.vector_store %arg6[%swap3A_425, %swap3A_426], %shift_right_arithmetic3A_423 {strides = array<i32>} : memref<4x128xi32, #tpu.memory_space<vmem>>, vector<16xi32>,
    %and3A_428 = arith.constant 127 : i32
    %and3A_429 = vector.broadcast %and3A_428 : i32 to vector<16xi32>
    %and3A_430 = arith.andi %get3A_420, %and3A_429 : vector<16xi32>
    %swap3A_431 = arith.constant 480 : index
    %swap3A_432 = tpu.vector_load %arg7[%swap3A_431] {strides = array<i32>} : memref<512xi32, #tpu.memory_space<vmem>>, vector<16xi32>,
    tpu.vector_store %arg7[%swap3A_431], %and3A_430 {strides = array<i32>} : memref<512xi32, #tpu.memory_space<vmem>>, vector<16xi32>,
    %get3A_433 = arith.constant 496 : index
    %get3A_434 = tpu.vector_load %arg5[%get3A_433] {strides = array<i32>} : memref<512xi32, #tpu.memory_space<vmem>>, vector<16xi32>,
    %shift_right_arithmetic3A_435 = arith.constant 7 : i32
    %shift_right_arithmetic3A_436 = vector.broadcast %shift_right_arithmetic3A_435 : i32 to vector<16xi32>
    %shift_right_arithmetic3A_437 = arith.shrsi %get3A_434, %shift_right_arithmetic3A_436 : vector<16xi32>
    %swap3A_438 = arith.constant 3 : i32
    %swap3A_439 = arith.index_cast %swap3A_438 : i32 to index
    %swap3A_440 = arith.constant 112 : index
    %swap3A_441 = tpu.vector_load %arg6[%swap3A_439, %swap3A_440] {strides = array<i32>} : memref<4x128xi32, #tpu.memory_space<vmem>>, vector<16xi32>,
    tpu.vector_store %arg6[%swap3A_439, %swap3A_440], %shift_right_arithmetic3A_437 {strides = array<i32>} : memref<4x128xi32, #tpu.memory_space<vmem>>, vector<16xi32>,
    %and3A_442 = arith.constant 127 : i32
    %and3A_443 = vector.broadcast %and3A_442 : i32 to vector<16xi32>
    %and3A_444 = arith.andi %get3A_434, %and3A_443 : vector<16xi32>
    %swap3A_445 = arith.constant 496 : index
    %swap3A_446 = tpu.vector_load %arg7[%swap3A_445] {strides = array<i32>} : memref<512xi32, #tpu.memory_space<vmem>>, vector<16xi32>,
    tpu.vector_store %arg7[%swap3A_445], %and3A_444 {strides = array<i32>} : memref<512xi32, #tpu.memory_space<vmem>>, vector<16xi32>,
    %dma_start3A = arith.constant 0 : i32
    %dma_start3A_447 = arith.constant 0 : i32
    %dma_start3A_448 = arith.constant 0 : i32
    %dma_start3A_449 = tpu.memref_slice %arg8[%dma_start3A_447, %dma_start3A_448] : memref<512x128xf32, #tpu.memory_space<vmem>> -> memref<128x128xf32, #tpu.memory_space<vmem>>
    %dma_start3A_450 = arith.constant 0 : i32
    %dma_start3A_451 = tpu.memref_slice %arg6[%dma_start3A, %dma_start3A_450] : memref<4x128xi32, #tpu.memory_space<vmem>> -> memref<1x128xi32, #tpu.memory_space<vmem>>
    %dma_start3A_452 = tpu.memref_squeeze %dma_start3A_451 : memref<1x128xi32, #tpu.memory_space<vmem>> -> memref<128xi32, #tpu.memory_space<vmem>>
    %dma_start3A_453 = arith.constant 0 : i32
    %dma_start3A_454 = arith.constant 0 : i32
    %dma_start3A_455 = tpu.memref_slice %arg3[%dma_start3A_453, %dma_start3A_454] : memref<8192x128xf32, #tpu.memory_space<hbm>> -> memref<8192x128xf32, #tpu.memory_space<hbm>>
    tpu.enqueue_indirect_dma source(%dma_start3A_455 : memref<8192x128xf32, #tpu.memory_space<hbm>>) target(%dma_start3A_449 : memref<128x128xf32, #tpu.memory_space<vmem>>) offsets(%dma_start3A_452 : memref<128xi32, #tpu.memory_space<vmem>>) semaphore(%arg10 : memref<!tpu.dma_semaphore, #tpu.memory_space<semaphore_mem>>)
    %dma_start3A_456 = arith.constant 1 : i32
    %dma_start3A_457 = arith.constant 128 : i32
    %dma_start3A_458 = arith.constant 0 : i32
    %dma_start3A_459 = tpu.memref_slice %arg8[%dma_start3A_457, %dma_start3A_458] : memref<512x128xf32, #tpu.memory_space<vmem>> -> memref<128x128xf32, #tpu.memory_space<vmem>>
    %dma_start3A_460 = arith.constant 0 : i32
    %dma_start3A_461 = tpu.memref_slice %arg6[%dma_start3A_456, %dma_start3A_460] : memref<4x128xi32, #tpu.memory_space<vmem>> -> memref<1x128xi32, #tpu.memory_space<vmem>>
    %dma_start3A_462 = tpu.memref_squeeze %dma_start3A_461 : memref<1x128xi32, #tpu.memory_space<vmem>> -> memref<128xi32, #tpu.memory_space<vmem>>
    %dma_start3A_463 = arith.constant 0 : i32
    %dma_start3A_464 = arith.constant 0 : i32
    %dma_start3A_465 = tpu.memref_slice %arg3[%dma_start3A_463, %dma_start3A_464] : memref<8192x128xf32, #tpu.memory_space<hbm>> -> memref<8192x128xf32, #tpu.memory_space<hbm>>
    tpu.enqueue_indirect_dma source(%dma_start3A_465 : memref<8192x128xf32, #tpu.memory_space<hbm>>) target(%dma_start3A_459 : memref<128x128xf32, #tpu.memory_space<vmem>>) offsets(%dma_start3A_462 : memref<128xi32, #tpu.memory_space<vmem>>) semaphore(%arg10 : memref<!tpu.dma_semaphore, #tpu.memory_space<semaphore_mem>>)
    %dma_start3A_466 = arith.constant 2 : i32
    %dma_start3A_467 = arith.constant 256 : i32
    %dma_start3A_468 = arith.constant 0 : i32
    %dma_start3A_469 = tpu.memref_slice %arg8[%dma_start3A_467, %dma_start3A_468] : memref<512x128xf32, #tpu.memory_space<vmem>> -> memref<128x128xf32, #tpu.memory_space<vmem>>
    %dma_start3A_470 = arith.constant 0 : i32
    %dma_start3A_471 = tpu.memref_slice %arg6[%dma_start3A_466, %dma_start3A_470] : memref<4x128xi32, #tpu.memory_space<vmem>> -> memref<1x128xi32, #tpu.memory_space<vmem>>
    %dma_start3A_472 = tpu.memref_squeeze %dma_start3A_471 : memref<1x128xi32, #tpu.memory_space<vmem>> -> memref<128xi32, #tpu.memory_space<vmem>>
    %dma_start3A_473 = arith.constant 0 : i32
    %dma_start3A_474 = arith.constant 0 : i32
    %dma_start3A_475 = tpu.memref_slice %arg3[%dma_start3A_473, %dma_start3A_474] : memref<8192x128xf32, #tpu.memory_space<hbm>> -> memref<8192x128xf32, #tpu.memory_space<hbm>>
    tpu.enqueue_indirect_dma source(%dma_start3A_475 : memref<8192x128xf32, #tpu.memory_space<hbm>>) target(%dma_start3A_469 : memref<128x128xf32, #tpu.memory_space<vmem>>) offsets(%dma_start3A_472 : memref<128xi32, #tpu.memory_space<vmem>>) semaphore(%arg10 : memref<!tpu.dma_semaphore, #tpu.memory_space<semaphore_mem>>)
    %dma_start3A_476 = arith.constant 3 : i32
    %dma_start3A_477 = arith.constant 384 : i32
    %dma_start3A_478 = arith.constant 0 : i32
    %dma_start3A_479 = tpu.memref_slice %arg8[%dma_start3A_477, %dma_start3A_478] : memref<512x128xf32, #tpu.memory_space<vmem>> -> memref<128x128xf32, #tpu.memory_space<vmem>>
    %dma_start3A_480 = arith.constant 0 : i32
    %dma_start3A_481 = tpu.memref_slice %arg6[%dma_start3A_476, %dma_start3A_480] : memref<4x128xi32, #tpu.memory_space<vmem>> -> memref<1x128xi32, #tpu.memory_space<vmem>>
    %dma_start3A_482 = tpu.memref_squeeze %dma_start3A_481 : memref<1x128xi32, #tpu.memory_space<vmem>> -> memref<128xi32, #tpu.memory_space<vmem>>
    %dma_start3A_483 = arith.constant 0 : i32
    %dma_start3A_484 = arith.constant 0 : i32
    %dma_start3A_485 = tpu.memref_slice %arg3[%dma_start3A_483, %dma_start3A_484] : memref<8192x128xf32, #tpu.memory_space<hbm>> -> memref<8192x128xf32, #tpu.memory_space<hbm>>
    tpu.enqueue_indirect_dma source(%dma_start3A_485 : memref<8192x128xf32, #tpu.memory_space<hbm>>) target(%dma_start3A_479 : memref<128x128xf32, #tpu.memory_space<vmem>>) offsets(%dma_start3A_482 : memref<128xi32, #tpu.memory_space<vmem>>) semaphore(%arg10 : memref<!tpu.dma_semaphore, #tpu.memory_space<semaphore_mem>>)
    %dma_wait3A = arith.constant 0 : i32
    %dma_wait3A_486 = arith.constant 0 : i32
    %dma_wait3A_487 = arith.constant 0 : i32
    %dma_wait3A_488 = tpu.memref_slice %arg8[%dma_wait3A_486, %dma_wait3A_487] : memref<512x128xf32, #tpu.memory_space<vmem>> -> memref<128x128xf32, #tpu.memory_space<vmem>>
    %dma_wait3A_489 = arith.constant 0 : i32
    %dma_wait3A_490 = tpu.memref_slice %arg6[%dma_wait3A, %dma_wait3A_489] : memref<4x128xi32, #tpu.memory_space<vmem>> -> memref<1x128xi32, #tpu.memory_space<vmem>>
    %dma_wait3A_491 = tpu.memref_squeeze %dma_wait3A_490 : memref<1x128xi32, #tpu.memory_space<vmem>> -> memref<128xi32, #tpu.memory_space<vmem>>
    %dma_wait3A_492 = arith.constant 0 : i32
    %dma_wait3A_493 = arith.constant 0 : i32
    %dma_wait3A_494 = tpu.memref_slice %arg3[%dma_wait3A_492, %dma_wait3A_493] : memref<8192x128xf32, #tpu.memory_space<hbm>> -> memref<8192x128xf32, #tpu.memory_space<hbm>>
    tpu.wait_indirect_dma semaphore(%arg10 : memref<!tpu.dma_semaphore, #tpu.memory_space<semaphore_mem>>) src(%dma_wait3A_494 : memref<8192x128xf32, #tpu.memory_space<hbm>>) dst(%dma_wait3A_488 : memref<128x128xf32, #tpu.memory_space<vmem>>)
    %dma_wait3A_495 = arith.constant 1 : i32
    %dma_wait3A_496 = arith.constant 128 : i32
    %dma_wait3A_497 = arith.constant 0 : i32
    %dma_wait3A_498 = tpu.memref_slice %arg8[%dma_wait3A_496, %dma_wait3A_497] : memref<512x128xf32, #tpu.memory_space<vmem>> -> memref<128x128xf32, #tpu.memory_space<vmem>>
    %dma_wait3A_499 = arith.constant 0 : i32
    %dma_wait3A_500 = tpu.memref_slice %arg6[%dma_wait3A_495, %dma_wait3A_499] : memref<4x128xi32, #tpu.memory_space<vmem>> -> memref<1x128xi32, #tpu.memory_space<vmem>>
    %dma_wait3A_501 = tpu.memref_squeeze %dma_wait3A_500 : memref<1x128xi32, #tpu.memory_space<vmem>> -> memref<128xi32, #tpu.memory_space<vmem>>
    %dma_wait3A_502 = arith.constant 0 : i32
    %dma_wait3A_503 = arith.constant 0 : i32
    %dma_wait3A_504 = tpu.memref_slice %arg3[%dma_wait3A_502, %dma_wait3A_503] : memref<8192x128xf32, #tpu.memory_space<hbm>> -> memref<8192x128xf32, #tpu.memory_space<hbm>>
    tpu.wait_indirect_dma semaphore(%arg10 : memref<!tpu.dma_semaphore, #tpu.memory_space<semaphore_mem>>) src(%dma_wait3A_504 : memref<8192x128xf32, #tpu.memory_space<hbm>>) dst(%dma_wait3A_498 : memref<128x128xf32, #tpu.memory_space<vmem>>)
    %dma_wait3A_505 = arith.constant 2 : i32
    %dma_wait3A_506 = arith.constant 256 : i32
    %dma_wait3A_507 = arith.constant 0 : i32
    %dma_wait3A_508 = tpu.memref_slice %arg8[%dma_wait3A_506, %dma_wait3A_507] : memref<512x128xf32, #tpu.memory_space<vmem>> -> memref<128x128xf32, #tpu.memory_space<vmem>>
    %dma_wait3A_509 = arith.constant 0 : i32
    %dma_wait3A_510 = tpu.memref_slice %arg6[%dma_wait3A_505, %dma_wait3A_509] : memref<4x128xi32, #tpu.memory_space<vmem>> -> memref<1x128xi32, #tpu.memory_space<vmem>>
    %dma_wait3A_511 = tpu.memref_squeeze %dma_wait3A_510 : memref<1x128xi32, #tpu.memory_space<vmem>> -> memref<128xi32, #tpu.memory_space<vmem>>
    %dma_wait3A_512 = arith.constant 0 : i32
    %dma_wait3A_513 = arith.constant 0 : i32
    %dma_wait3A_514 = tpu.memref_slice %arg3[%dma_wait3A_512, %dma_wait3A_513] : memref<8192x128xf32, #tpu.memory_space<hbm>> -> memref<8192x128xf32, #tpu.memory_space<hbm>>
    tpu.wait_indirect_dma semaphore(%arg10 : memref<!tpu.dma_semaphore, #tpu.memory_space<semaphore_mem>>) src(%dma_wait3A_514 : memref<8192x128xf32, #tpu.memory_space<hbm>>) dst(%dma_wait3A_508 : memref<128x128xf32, #tpu.memory_space<vmem>>)
    %dma_wait3A_515 = arith.constant 3 : i32
    %dma_wait3A_516 = arith.constant 384 : i32
    %dma_wait3A_517 = arith.constant 0 : i32
    %dma_wait3A_518 = tpu.memref_slice %arg8[%dma_wait3A_516, %dma_wait3A_517] : memref<512x128xf32, #tpu.memory_space<vmem>> -> memref<128x128xf32, #tpu.memory_space<vmem>>
    %dma_wait3A_519 = arith.constant 0 : i32
    %dma_wait3A_520 = tpu.memref_slice %arg6[%dma_wait3A_515, %dma_wait3A_519] : memref<4x128xi32, #tpu.memory_space<vmem>> -> memref<1x128xi32, #tpu.memory_space<vmem>>
    %dma_wait3A_521 = tpu.memref_squeeze %dma_wait3A_520 : memref<1x128xi32, #tpu.memory_space<vmem>> -> memref<128xi32, #tpu.memory_space<vmem>>
    %dma_wait3A_522 = arith.constant 0 : i32
    %dma_wait3A_523 = arith.constant 0 : i32
    %dma_wait3A_524 = tpu.memref_slice %arg3[%dma_wait3A_522, %dma_wait3A_523] : memref<8192x128xf32, #tpu.memory_space<hbm>> -> memref<8192x128xf32, #tpu.memory_space<hbm>>
    tpu.wait_indirect_dma semaphore(%arg10 : memref<!tpu.dma_semaphore, #tpu.memory_space<semaphore_mem>>) src(%dma_wait3A_524 : memref<8192x128xf32, #tpu.memory_space<hbm>>) dst(%dma_wait3A_518 : memref<128x128xf32, #tpu.memory_space<vmem>>)
    %iota3A = tpu.iota {dimensions = array<i32: 0>} : vector<16xi32>
    %add3A_525 = arith.constant 0 : i32
    %add3A_526 = vector.broadcast %add3A_525 : i32 to vector<16xi32>
    %add3A_527 = arith.addi %add3A_526, %iota3A : vector<16xi32>
    %get3A_528 = arith.constant 0 : index
    %get3A_529 = tpu.vector_load %arg7[%get3A_528] {strides = array<i32>} : memref<512xi32, #tpu.memory_space<vmem>>, vector<16xi32>,
    %gather3A = tpu.vector_load_idx %arg8[%add3A_527, %get3A_529] : memref<512x128xf32, #tpu.memory_space<vmem>>[vector<16xi32>, vector<16xi32>], vector<16xf32>,
    %swap3A_530 = arith.constant 0 : index
    %swap3A_531 = tpu.vector_load %arg9[%swap3A_530] {strides = array<i32>} : memref<512xf32, #tpu.memory_space<vmem>>, vector<16xf32>,
    tpu.vector_store %arg9[%swap3A_530], %gather3A {strides = array<i32>} : memref<512xf32, #tpu.memory_space<vmem>>, vector<16xf32>,
    %add3A_532 = arith.constant 16 : i32
    %add3A_533 = vector.broadcast %add3A_532 : i32 to vector<16xi32>
    %add3A_534 = arith.addi %add3A_533, %iota3A : vector<16xi32>
    %get3A_535 = arith.constant 16 : index
    %get3A_536 = tpu.vector_load %arg7[%get3A_535] {strides = array<i32>} : memref<512xi32, #tpu.memory_space<vmem>>, vector<16xi32>,
    %gather3A_537 = tpu.vector_load_idx %arg8[%add3A_534, %get3A_536] : memref<512x128xf32, #tpu.memory_space<vmem>>[vector<16xi32>, vector<16xi32>], vector<16xf32>,
    %swap3A_538 = arith.constant 16 : index
    %swap3A_539 = tpu.vector_load %arg9[%swap3A_538] {strides = array<i32>} : memref<512xf32, #tpu.memory_space<vmem>>, vector<16xf32>,
    tpu.vector_store %arg9[%swap3A_538], %gather3A_537 {strides = array<i32>} : memref<512xf32, #tpu.memory_space<vmem>>, vector<16xf32>,
    %add3A_540 = arith.constant 32 : i32
    %add3A_541 = vector.broadcast %add3A_540 : i32 to vector<16xi32>
    %add3A_542 = arith.addi %add3A_541, %iota3A : vector<16xi32>
    %get3A_543 = arith.constant 32 : index
    %get3A_544 = tpu.vector_load %arg7[%get3A_543] {strides = array<i32>} : memref<512xi32, #tpu.memory_space<vmem>>, vector<16xi32>,
    %gather3A_545 = tpu.vector_load_idx %arg8[%add3A_542, %get3A_544] : memref<512x128xf32, #tpu.memory_space<vmem>>[vector<16xi32>, vector<16xi32>], vector<16xf32>,
    %swap3A_546 = arith.constant 32 : index
    %swap3A_547 = tpu.vector_load %arg9[%swap3A_546] {strides = array<i32>} : memref<512xf32, #tpu.memory_space<vmem>>, vector<16xf32>,
    tpu.vector_store %arg9[%swap3A_546], %gather3A_545 {strides = array<i32>} : memref<512xf32, #tpu.memory_space<vmem>>, vector<16xf32>,
    %add3A_548 = arith.constant 48 : i32
    %add3A_549 = vector.broadcast %add3A_548 : i32 to vector<16xi32>
    %add3A_550 = arith.addi %add3A_549, %iota3A : vector<16xi32>
    %get3A_551 = arith.constant 48 : index
    %get3A_552 = tpu.vector_load %arg7[%get3A_551] {strides = array<i32>} : memref<512xi32, #tpu.memory_space<vmem>>, vector<16xi32>,
    %gather3A_553 = tpu.vector_load_idx %arg8[%add3A_550, %get3A_552] : memref<512x128xf32, #tpu.memory_space<vmem>>[vector<16xi32>, vector<16xi32>], vector<16xf32>,
    %swap3A_554 = arith.constant 48 : index
    %swap3A_555 = tpu.vector_load %arg9[%swap3A_554] {strides = array<i32>} : memref<512xf32, #tpu.memory_space<vmem>>, vector<16xf32>,
    tpu.vector_store %arg9[%swap3A_554], %gather3A_553 {strides = array<i32>} : memref<512xf32, #tpu.memory_space<vmem>>, vector<16xf32>,
    %add3A_556 = arith.constant 64 : i32
    %add3A_557 = vector.broadcast %add3A_556 : i32 to vector<16xi32>
    %add3A_558 = arith.addi %add3A_557, %iota3A : vector<16xi32>
    %get3A_559 = arith.constant 64 : index
    %get3A_560 = tpu.vector_load %arg7[%get3A_559] {strides = array<i32>} : memref<512xi32, #tpu.memory_space<vmem>>, vector<16xi32>,
    %gather3A_561 = tpu.vector_load_idx %arg8[%add3A_558, %get3A_560] : memref<512x128xf32, #tpu.memory_space<vmem>>[vector<16xi32>, vector<16xi32>], vector<16xf32>,
    %swap3A_562 = arith.constant 64 : index
    %swap3A_563 = tpu.vector_load %arg9[%swap3A_562] {strides = array<i32>} : memref<512xf32, #tpu.memory_space<vmem>>, vector<16xf32>,
    tpu.vector_store %arg9[%swap3A_562], %gather3A_561 {strides = array<i32>} : memref<512xf32, #tpu.memory_space<vmem>>, vector<16xf32>,
    %add3A_564 = arith.constant 80 : i32
    %add3A_565 = vector.broadcast %add3A_564 : i32 to vector<16xi32>
    %add3A_566 = arith.addi %add3A_565, %iota3A : vector<16xi32>
    %get3A_567 = arith.constant 80 : index
    %get3A_568 = tpu.vector_load %arg7[%get3A_567] {strides = array<i32>} : memref<512xi32, #tpu.memory_space<vmem>>, vector<16xi32>,
    %gather3A_569 = tpu.vector_load_idx %arg8[%add3A_566, %get3A_568] : memref<512x128xf32, #tpu.memory_space<vmem>>[vector<16xi32>, vector<16xi32>], vector<16xf32>,
    %swap3A_570 = arith.constant 80 : index
    %swap3A_571 = tpu.vector_load %arg9[%swap3A_570] {strides = array<i32>} : memref<512xf32, #tpu.memory_space<vmem>>, vector<16xf32>,
    tpu.vector_store %arg9[%swap3A_570], %gather3A_569 {strides = array<i32>} : memref<512xf32, #tpu.memory_space<vmem>>, vector<16xf32>,
    %add3A_572 = arith.constant 96 : i32
    %add3A_573 = vector.broadcast %add3A_572 : i32 to vector<16xi32>
    %add3A_574 = arith.addi %add3A_573, %iota3A : vector<16xi32>
    %get3A_575 = arith.constant 96 : index
    %get3A_576 = tpu.vector_load %arg7[%get3A_575] {strides = array<i32>} : memref<512xi32, #tpu.memory_space<vmem>>, vector<16xi32>,
    %gather3A_577 = tpu.vector_load_idx %arg8[%add3A_574, %get3A_576] : memref<512x128xf32, #tpu.memory_space<vmem>>[vector<16xi32>, vector<16xi32>], vector<16xf32>,
    %swap3A_578 = arith.constant 96 : index
    %swap3A_579 = tpu.vector_load %arg9[%swap3A_578] {strides = array<i32>} : memref<512xf32, #tpu.memory_space<vmem>>, vector<16xf32>,
    tpu.vector_store %arg9[%swap3A_578], %gather3A_577 {strides = array<i32>} : memref<512xf32, #tpu.memory_space<vmem>>, vector<16xf32>,
    %add3A_580 = arith.constant 112 : i32
    %add3A_581 = vector.broadcast %add3A_580 : i32 to vector<16xi32>
    %add3A_582 = arith.addi %add3A_581, %iota3A : vector<16xi32>
    %get3A_583 = arith.constant 112 : index
    %get3A_584 = tpu.vector_load %arg7[%get3A_583] {strides = array<i32>} : memref<512xi32, #tpu.memory_space<vmem>>, vector<16xi32>,
    %gather3A_585 = tpu.vector_load_idx %arg8[%add3A_582, %get3A_584] : memref<512x128xf32, #tpu.memory_space<vmem>>[vector<16xi32>, vector<16xi32>], vector<16xf32>,
    %swap3A_586 = arith.constant 112 : index
    %swap3A_587 = tpu.vector_load %arg9[%swap3A_586] {strides = array<i32>} : memref<512xf32, #tpu.memory_space<vmem>>, vector<16xf32>,
    tpu.vector_store %arg9[%swap3A_586], %gather3A_585 {strides = array<i32>} : memref<512xf32, #tpu.memory_space<vmem>>, vector<16xf32>,
    %add3A_588 = arith.constant 128 : i32
    %add3A_589 = vector.broadcast %add3A_588 : i32 to vector<16xi32>
    %add3A_590 = arith.addi %add3A_589, %iota3A : vector<16xi32>
    %get3A_591 = arith.constant 128 : index
    %get3A_592 = tpu.vector_load %arg7[%get3A_591] {strides = array<i32>} : memref<512xi32, #tpu.memory_space<vmem>>, vector<16xi32>,
    %gather3A_593 = tpu.vector_load_idx %arg8[%add3A_590, %get3A_592] : memref<512x128xf32, #tpu.memory_space<vmem>>[vector<16xi32>, vector<16xi32>], vector<16xf32>,
    %swap3A_594 = arith.constant 128 : index
    %swap3A_595 = tpu.vector_load %arg9[%swap3A_594] {strides = array<i32>} : memref<512xf32, #tpu.memory_space<vmem>>, vector<16xf32>,
    tpu.vector_store %arg9[%swap3A_594], %gather3A_593 {strides = array<i32>} : memref<512xf32, #tpu.memory_space<vmem>>, vector<16xf32>,
    %add3A_596 = arith.constant 144 : i32
    %add3A_597 = vector.broadcast %add3A_596 : i32 to vector<16xi32>
    %add3A_598 = arith.addi %add3A_597, %iota3A : vector<16xi32>
    %get3A_599 = arith.constant 144 : index
    %get3A_600 = tpu.vector_load %arg7[%get3A_599] {strides = array<i32>} : memref<512xi32, #tpu.memory_space<vmem>>, vector<16xi32>,
    %gather3A_601 = tpu.vector_load_idx %arg8[%add3A_598, %get3A_600] : memref<512x128xf32, #tpu.memory_space<vmem>>[vector<16xi32>, vector<16xi32>], vector<16xf32>,
    %swap3A_602 = arith.constant 144 : index
    %swap3A_603 = tpu.vector_load %arg9[%swap3A_602] {strides = array<i32>} : memref<512xf32, #tpu.memory_space<vmem>>, vector<16xf32>,
    tpu.vector_store %arg9[%swap3A_602], %gather3A_601 {strides = array<i32>} : memref<512xf32, #tpu.memory_space<vmem>>, vector<16xf32>,
    %add3A_604 = arith.constant 160 : i32
    %add3A_605 = vector.broadcast %add3A_604 : i32 to vector<16xi32>
    %add3A_606 = arith.addi %add3A_605, %iota3A : vector<16xi32>
    %get3A_607 = arith.constant 160 : index
    %get3A_608 = tpu.vector_load %arg7[%get3A_607] {strides = array<i32>} : memref<512xi32, #tpu.memory_space<vmem>>, vector<16xi32>,
    %gather3A_609 = tpu.vector_load_idx %arg8[%add3A_606, %get3A_608] : memref<512x128xf32, #tpu.memory_space<vmem>>[vector<16xi32>, vector<16xi32>], vector<16xf32>,
    %swap3A_610 = arith.constant 160 : index
    %swap3A_611 = tpu.vector_load %arg9[%swap3A_610] {strides = array<i32>} : memref<512xf32, #tpu.memory_space<vmem>>, vector<16xf32>,
    tpu.vector_store %arg9[%swap3A_610], %gather3A_609 {strides = array<i32>} : memref<512xf32, #tpu.memory_space<vmem>>, vector<16xf32>,
    %add3A_612 = arith.constant 176 : i32
    %add3A_613 = vector.broadcast %add3A_612 : i32 to vector<16xi32>
    %add3A_614 = arith.addi %add3A_613, %iota3A : vector<16xi32>
    %get3A_615 = arith.constant 176 : index
    %get3A_616 = tpu.vector_load %arg7[%get3A_615] {strides = array<i32>} : memref<512xi32, #tpu.memory_space<vmem>>, vector<16xi32>,
    %gather3A_617 = tpu.vector_load_idx %arg8[%add3A_614, %get3A_616] : memref<512x128xf32, #tpu.memory_space<vmem>>[vector<16xi32>, vector<16xi32>], vector<16xf32>,
    %swap3A_618 = arith.constant 176 : index
    %swap3A_619 = tpu.vector_load %arg9[%swap3A_618] {strides = array<i32>} : memref<512xf32, #tpu.memory_space<vmem>>, vector<16xf32>,
    tpu.vector_store %arg9[%swap3A_618], %gather3A_617 {strides = array<i32>} : memref<512xf32, #tpu.memory_space<vmem>>, vector<16xf32>,
    %add3A_620 = arith.constant 192 : i32
    %add3A_621 = vector.broadcast %add3A_620 : i32 to vector<16xi32>
    %add3A_622 = arith.addi %add3A_621, %iota3A : vector<16xi32>
    %get3A_623 = arith.constant 192 : index
    %get3A_624 = tpu.vector_load %arg7[%get3A_623] {strides = array<i32>} : memref<512xi32, #tpu.memory_space<vmem>>, vector<16xi32>,
    %gather3A_625 = tpu.vector_load_idx %arg8[%add3A_622, %get3A_624] : memref<512x128xf32, #tpu.memory_space<vmem>>[vector<16xi32>, vector<16xi32>], vector<16xf32>,
    %swap3A_626 = arith.constant 192 : index
    %swap3A_627 = tpu.vector_load %arg9[%swap3A_626] {strides = array<i32>} : memref<512xf32, #tpu.memory_space<vmem>>, vector<16xf32>,
    tpu.vector_store %arg9[%swap3A_626], %gather3A_625 {strides = array<i32>} : memref<512xf32, #tpu.memory_space<vmem>>, vector<16xf32>,
    %add3A_628 = arith.constant 208 : i32
    %add3A_629 = vector.broadcast %add3A_628 : i32 to vector<16xi32>
    %add3A_630 = arith.addi %add3A_629, %iota3A : vector<16xi32>
    %get3A_631 = arith.constant 208 : index
    %get3A_632 = tpu.vector_load %arg7[%get3A_631] {strides = array<i32>} : memref<512xi32, #tpu.memory_space<vmem>>, vector<16xi32>,
    %gather3A_633 = tpu.vector_load_idx %arg8[%add3A_630, %get3A_632] : memref<512x128xf32, #tpu.memory_space<vmem>>[vector<16xi32>, vector<16xi32>], vector<16xf32>,
    %swap3A_634 = arith.constant 208 : index
    %swap3A_635 = tpu.vector_load %arg9[%swap3A_634] {strides = array<i32>} : memref<512xf32, #tpu.memory_space<vmem>>, vector<16xf32>,
    tpu.vector_store %arg9[%swap3A_634], %gather3A_633 {strides = array<i32>} : memref<512xf32, #tpu.memory_space<vmem>>, vector<16xf32>,
    %add3A_636 = arith.constant 224 : i32
    %add3A_637 = vector.broadcast %add3A_636 : i32 to vector<16xi32>
    %add3A_638 = arith.addi %add3A_637, %iota3A : vector<16xi32>
    %get3A_639 = arith.constant 224 : index
    %get3A_640 = tpu.vector_load %arg7[%get3A_639] {strides = array<i32>} : memref<512xi32, #tpu.memory_space<vmem>>, vector<16xi32>,
    %gather3A_641 = tpu.vector_load_idx %arg8[%add3A_638, %get3A_640] : memref<512x128xf32, #tpu.memory_space<vmem>>[vector<16xi32>, vector<16xi32>], vector<16xf32>,
    %swap3A_642 = arith.constant 224 : index
    %swap3A_643 = tpu.vector_load %arg9[%swap3A_642] {strides = array<i32>} : memref<512xf32, #tpu.memory_space<vmem>>, vector<16xf32>,
    tpu.vector_store %arg9[%swap3A_642], %gather3A_641 {strides = array<i32>} : memref<512xf32, #tpu.memory_space<vmem>>, vector<16xf32>,
    %add3A_644 = arith.constant 240 : i32
    %add3A_645 = vector.broadcast %add3A_644 : i32 to vector<16xi32>
    %add3A_646 = arith.addi %add3A_645, %iota3A : vector<16xi32>
    %get3A_647 = arith.constant 240 : index
    %get3A_648 = tpu.vector_load %arg7[%get3A_647] {strides = array<i32>} : memref<512xi32, #tpu.memory_space<vmem>>, vector<16xi32>,
    %gather3A_649 = tpu.vector_load_idx %arg8[%add3A_646, %get3A_648] : memref<512x128xf32, #tpu.memory_space<vmem>>[vector<16xi32>, vector<16xi32>], vector<16xf32>,
    %swap3A_650 = arith.constant 240 : index
    %swap3A_651 = tpu.vector_load %arg9[%swap3A_650] {strides = array<i32>} : memref<512xf32, #tpu.memory_space<vmem>>, vector<16xf32>,
    tpu.vector_store %arg9[%swap3A_650], %gather3A_649 {strides = array<i32>} : memref<512xf32, #tpu.memory_space<vmem>>, vector<16xf32>,
    %add3A_652 = arith.constant 256 : i32
    %add3A_653 = vector.broadcast %add3A_652 : i32 to vector<16xi32>
    %add3A_654 = arith.addi %add3A_653, %iota3A : vector<16xi32>
    %get3A_655 = arith.constant 256 : index
    %get3A_656 = tpu.vector_load %arg7[%get3A_655] {strides = array<i32>} : memref<512xi32, #tpu.memory_space<vmem>>, vector<16xi32>,
    %gather3A_657 = tpu.vector_load_idx %arg8[%add3A_654, %get3A_656] : memref<512x128xf32, #tpu.memory_space<vmem>>[vector<16xi32>, vector<16xi32>], vector<16xf32>,
    %swap3A_658 = arith.constant 256 : index
    %swap3A_659 = tpu.vector_load %arg9[%swap3A_658] {strides = array<i32>} : memref<512xf32, #tpu.memory_space<vmem>>, vector<16xf32>,
    tpu.vector_store %arg9[%swap3A_658], %gather3A_657 {strides = array<i32>} : memref<512xf32, #tpu.memory_space<vmem>>, vector<16xf32>,
    %add3A_660 = arith.constant 272 : i32
    %add3A_661 = vector.broadcast %add3A_660 : i32 to vector<16xi32>
    %add3A_662 = arith.addi %add3A_661, %iota3A : vector<16xi32>
    %get3A_663 = arith.constant 272 : index
    %get3A_664 = tpu.vector_load %arg7[%get3A_663] {strides = array<i32>} : memref<512xi32, #tpu.memory_space<vmem>>, vector<16xi32>,
    %gather3A_665 = tpu.vector_load_idx %arg8[%add3A_662, %get3A_664] : memref<512x128xf32, #tpu.memory_space<vmem>>[vector<16xi32>, vector<16xi32>], vector<16xf32>,
    %swap3A_666 = arith.constant 272 : index
    %swap3A_667 = tpu.vector_load %arg9[%swap3A_666] {strides = array<i32>} : memref<512xf32, #tpu.memory_space<vmem>>, vector<16xf32>,
    tpu.vector_store %arg9[%swap3A_666], %gather3A_665 {strides = array<i32>} : memref<512xf32, #tpu.memory_space<vmem>>, vector<16xf32>,
    %add3A_668 = arith.constant 288 : i32
    %add3A_669 = vector.broadcast %add3A_668 : i32 to vector<16xi32>
    %add3A_670 = arith.addi %add3A_669, %iota3A : vector<16xi32>
    %get3A_671 = arith.constant 288 : index
    %get3A_672 = tpu.vector_load %arg7[%get3A_671] {strides = array<i32>} : memref<512xi32, #tpu.memory_space<vmem>>, vector<16xi32>,
    %gather3A_673 = tpu.vector_load_idx %arg8[%add3A_670, %get3A_672] : memref<512x128xf32, #tpu.memory_space<vmem>>[vector<16xi32>, vector<16xi32>], vector<16xf32>,
    %swap3A_674 = arith.constant 288 : index
    %swap3A_675 = tpu.vector_load %arg9[%swap3A_674] {strides = array<i32>} : memref<512xf32, #tpu.memory_space<vmem>>, vector<16xf32>,
    tpu.vector_store %arg9[%swap3A_674], %gather3A_673 {strides = array<i32>} : memref<512xf32, #tpu.memory_space<vmem>>, vector<16xf32>,
    %add3A_676 = arith.constant 304 : i32
    %add3A_677 = vector.broadcast %add3A_676 : i32 to vector<16xi32>
    %add3A_678 = arith.addi %add3A_677, %iota3A : vector<16xi32>
    %get3A_679 = arith.constant 304 : index
    %get3A_680 = tpu.vector_load %arg7[%get3A_679] {strides = array<i32>} : memref<512xi32, #tpu.memory_space<vmem>>, vector<16xi32>,
    %gather3A_681 = tpu.vector_load_idx %arg8[%add3A_678, %get3A_680] : memref<512x128xf32, #tpu.memory_space<vmem>>[vector<16xi32>, vector<16xi32>], vector<16xf32>,
    %swap3A_682 = arith.constant 304 : index
    %swap3A_683 = tpu.vector_load %arg9[%swap3A_682] {strides = array<i32>} : memref<512xf32, #tpu.memory_space<vmem>>, vector<16xf32>,
    tpu.vector_store %arg9[%swap3A_682], %gather3A_681 {strides = array<i32>} : memref<512xf32, #tpu.memory_space<vmem>>, vector<16xf32>,
    %add3A_684 = arith.constant 320 : i32
    %add3A_685 = vector.broadcast %add3A_684 : i32 to vector<16xi32>
    %add3A_686 = arith.addi %add3A_685, %iota3A : vector<16xi32>
    %get3A_687 = arith.constant 320 : index
    %get3A_688 = tpu.vector_load %arg7[%get3A_687] {strides = array<i32>} : memref<512xi32, #tpu.memory_space<vmem>>, vector<16xi32>,
    %gather3A_689 = tpu.vector_load_idx %arg8[%add3A_686, %get3A_688] : memref<512x128xf32, #tpu.memory_space<vmem>>[vector<16xi32>, vector<16xi32>], vector<16xf32>,
    %swap3A_690 = arith.constant 320 : index
    %swap3A_691 = tpu.vector_load %arg9[%swap3A_690] {strides = array<i32>} : memref<512xf32, #tpu.memory_space<vmem>>, vector<16xf32>,
    tpu.vector_store %arg9[%swap3A_690], %gather3A_689 {strides = array<i32>} : memref<512xf32, #tpu.memory_space<vmem>>, vector<16xf32>,
    %add3A_692 = arith.constant 336 : i32
    %add3A_693 = vector.broadcast %add3A_692 : i32 to vector<16xi32>
    %add3A_694 = arith.addi %add3A_693, %iota3A : vector<16xi32>
    %get3A_695 = arith.constant 336 : index
    %get3A_696 = tpu.vector_load %arg7[%get3A_695] {strides = array<i32>} : memref<512xi32, #tpu.memory_space<vmem>>, vector<16xi32>,
    %gather3A_697 = tpu.vector_load_idx %arg8[%add3A_694, %get3A_696] : memref<512x128xf32, #tpu.memory_space<vmem>>[vector<16xi32>, vector<16xi32>], vector<16xf32>,
    %swap3A_698 = arith.constant 336 : index
    %swap3A_699 = tpu.vector_load %arg9[%swap3A_698] {strides = array<i32>} : memref<512xf32, #tpu.memory_space<vmem>>, vector<16xf32>,
    tpu.vector_store %arg9[%swap3A_698], %gather3A_697 {strides = array<i32>} : memref<512xf32, #tpu.memory_space<vmem>>, vector<16xf32>,
    %add3A_700 = arith.constant 352 : i32
    %add3A_701 = vector.broadcast %add3A_700 : i32 to vector<16xi32>
    %add3A_702 = arith.addi %add3A_701, %iota3A : vector<16xi32>
    %get3A_703 = arith.constant 352 : index
    %get3A_704 = tpu.vector_load %arg7[%get3A_703] {strides = array<i32>} : memref<512xi32, #tpu.memory_space<vmem>>, vector<16xi32>,
    %gather3A_705 = tpu.vector_load_idx %arg8[%add3A_702, %get3A_704] : memref<512x128xf32, #tpu.memory_space<vmem>>[vector<16xi32>, vector<16xi32>], vector<16xf32>,
    %swap3A_706 = arith.constant 352 : index
    %swap3A_707 = tpu.vector_load %arg9[%swap3A_706] {strides = array<i32>} : memref<512xf32, #tpu.memory_space<vmem>>, vector<16xf32>,
    tpu.vector_store %arg9[%swap3A_706], %gather3A_705 {strides = array<i32>} : memref<512xf32, #tpu.memory_space<vmem>>, vector<16xf32>,
    %add3A_708 = arith.constant 368 : i32
    %add3A_709 = vector.broadcast %add3A_708 : i32 to vector<16xi32>
    %add3A_710 = arith.addi %add3A_709, %iota3A : vector<16xi32>
    %get3A_711 = arith.constant 368 : index
    %get3A_712 = tpu.vector_load %arg7[%get3A_711] {strides = array<i32>} : memref<512xi32, #tpu.memory_space<vmem>>, vector<16xi32>,
    %gather3A_713 = tpu.vector_load_idx %arg8[%add3A_710, %get3A_712] : memref<512x128xf32, #tpu.memory_space<vmem>>[vector<16xi32>, vector<16xi32>], vector<16xf32>,
    %swap3A_714 = arith.constant 368 : index
    %swap3A_715 = tpu.vector_load %arg9[%swap3A_714] {strides = array<i32>} : memref<512xf32, #tpu.memory_space<vmem>>, vector<16xf32>,
    tpu.vector_store %arg9[%swap3A_714], %gather3A_713 {strides = array<i32>} : memref<512xf32, #tpu.memory_space<vmem>>, vector<16xf32>,
    %add3A_716 = arith.constant 384 : i32
    %add3A_717 = vector.broadcast %add3A_716 : i32 to vector<16xi32>
    %add3A_718 = arith.addi %add3A_717, %iota3A : vector<16xi32>
    %get3A_719 = arith.constant 384 : index
    %get3A_720 = tpu.vector_load %arg7[%get3A_719] {strides = array<i32>} : memref<512xi32, #tpu.memory_space<vmem>>, vector<16xi32>,
    %gather3A_721 = tpu.vector_load_idx %arg8[%add3A_718, %get3A_720] : memref<512x128xf32, #tpu.memory_space<vmem>>[vector<16xi32>, vector<16xi32>], vector<16xf32>,
    %swap3A_722 = arith.constant 384 : index
    %swap3A_723 = tpu.vector_load %arg9[%swap3A_722] {strides = array<i32>} : memref<512xf32, #tpu.memory_space<vmem>>, vector<16xf32>,
    tpu.vector_store %arg9[%swap3A_722], %gather3A_721 {strides = array<i32>} : memref<512xf32, #tpu.memory_space<vmem>>, vector<16xf32>,
    %add3A_724 = arith.constant 400 : i32
    %add3A_725 = vector.broadcast %add3A_724 : i32 to vector<16xi32>
    %add3A_726 = arith.addi %add3A_725, %iota3A : vector<16xi32>
    %get3A_727 = arith.constant 400 : index
    %get3A_728 = tpu.vector_load %arg7[%get3A_727] {strides = array<i32>} : memref<512xi32, #tpu.memory_space<vmem>>, vector<16xi32>,
    %gather3A_729 = tpu.vector_load_idx %arg8[%add3A_726, %get3A_728] : memref<512x128xf32, #tpu.memory_space<vmem>>[vector<16xi32>, vector<16xi32>], vector<16xf32>,
    %swap3A_730 = arith.constant 400 : index
    %swap3A_731 = tpu.vector_load %arg9[%swap3A_730] {strides = array<i32>} : memref<512xf32, #tpu.memory_space<vmem>>, vector<16xf32>,
    tpu.vector_store %arg9[%swap3A_730], %gather3A_729 {strides = array<i32>} : memref<512xf32, #tpu.memory_space<vmem>>, vector<16xf32>,
    %add3A_732 = arith.constant 416 : i32
    %add3A_733 = vector.broadcast %add3A_732 : i32 to vector<16xi32>
    %add3A_734 = arith.addi %add3A_733, %iota3A : vector<16xi32>
    %get3A_735 = arith.constant 416 : index
    %get3A_736 = tpu.vector_load %arg7[%get3A_735] {strides = array<i32>} : memref<512xi32, #tpu.memory_space<vmem>>, vector<16xi32>,
    %gather3A_737 = tpu.vector_load_idx %arg8[%add3A_734, %get3A_736] : memref<512x128xf32, #tpu.memory_space<vmem>>[vector<16xi32>, vector<16xi32>], vector<16xf32>,
    %swap3A_738 = arith.constant 416 : index
    %swap3A_739 = tpu.vector_load %arg9[%swap3A_738] {strides = array<i32>} : memref<512xf32, #tpu.memory_space<vmem>>, vector<16xf32>,
    tpu.vector_store %arg9[%swap3A_738], %gather3A_737 {strides = array<i32>} : memref<512xf32, #tpu.memory_space<vmem>>, vector<16xf32>,
    %add3A_740 = arith.constant 432 : i32
    %add3A_741 = vector.broadcast %add3A_740 : i32 to vector<16xi32>
    %add3A_742 = arith.addi %add3A_741, %iota3A : vector<16xi32>
    %get3A_743 = arith.constant 432 : index
    %get3A_744 = tpu.vector_load %arg7[%get3A_743] {strides = array<i32>} : memref<512xi32, #tpu.memory_space<vmem>>, vector<16xi32>,
    %gather3A_745 = tpu.vector_load_idx %arg8[%add3A_742, %get3A_744] : memref<512x128xf32, #tpu.memory_space<vmem>>[vector<16xi32>, vector<16xi32>], vector<16xf32>,
    %swap3A_746 = arith.constant 432 : index
    %swap3A_747 = tpu.vector_load %arg9[%swap3A_746] {strides = array<i32>} : memref<512xf32, #tpu.memory_space<vmem>>, vector<16xf32>,
    tpu.vector_store %arg9[%swap3A_746], %gather3A_745 {strides = array<i32>} : memref<512xf32, #tpu.memory_space<vmem>>, vector<16xf32>,
    %add3A_748 = arith.constant 448 : i32
    %add3A_749 = vector.broadcast %add3A_748 : i32 to vector<16xi32>
    %add3A_750 = arith.addi %add3A_749, %iota3A : vector<16xi32>
    %get3A_751 = arith.constant 448 : index
    %get3A_752 = tpu.vector_load %arg7[%get3A_751] {strides = array<i32>} : memref<512xi32, #tpu.memory_space<vmem>>, vector<16xi32>,
    %gather3A_753 = tpu.vector_load_idx %arg8[%add3A_750, %get3A_752] : memref<512x128xf32, #tpu.memory_space<vmem>>[vector<16xi32>, vector<16xi32>], vector<16xf32>,
    %swap3A_754 = arith.constant 448 : index
    %swap3A_755 = tpu.vector_load %arg9[%swap3A_754] {strides = array<i32>} : memref<512xf32, #tpu.memory_space<vmem>>, vector<16xf32>,
    tpu.vector_store %arg9[%swap3A_754], %gather3A_753 {strides = array<i32>} : memref<512xf32, #tpu.memory_space<vmem>>, vector<16xf32>,
    %add3A_756 = arith.constant 464 : i32
    %add3A_757 = vector.broadcast %add3A_756 : i32 to vector<16xi32>
    %add3A_758 = arith.addi %add3A_757, %iota3A : vector<16xi32>
    %get3A_759 = arith.constant 464 : index
    %get3A_760 = tpu.vector_load %arg7[%get3A_759] {strides = array<i32>} : memref<512xi32, #tpu.memory_space<vmem>>, vector<16xi32>,
    %gather3A_761 = tpu.vector_load_idx %arg8[%add3A_758, %get3A_760] : memref<512x128xf32, #tpu.memory_space<vmem>>[vector<16xi32>, vector<16xi32>], vector<16xf32>,
    %swap3A_762 = arith.constant 464 : index
    %swap3A_763 = tpu.vector_load %arg9[%swap3A_762] {strides = array<i32>} : memref<512xf32, #tpu.memory_space<vmem>>, vector<16xf32>,
    tpu.vector_store %arg9[%swap3A_762], %gather3A_761 {strides = array<i32>} : memref<512xf32, #tpu.memory_space<vmem>>, vector<16xf32>,
    %add3A_764 = arith.constant 480 : i32
    %add3A_765 = vector.broadcast %add3A_764 : i32 to vector<16xi32>
    %add3A_766 = arith.addi %add3A_765, %iota3A : vector<16xi32>
    %get3A_767 = arith.constant 480 : index
    %get3A_768 = tpu.vector_load %arg7[%get3A_767] {strides = array<i32>} : memref<512xi32, #tpu.memory_space<vmem>>, vector<16xi32>,
    %gather3A_769 = tpu.vector_load_idx %arg8[%add3A_766, %get3A_768] : memref<512x128xf32, #tpu.memory_space<vmem>>[vector<16xi32>, vector<16xi32>], vector<16xf32>,
    %swap3A_770 = arith.constant 480 : index
    %swap3A_771 = tpu.vector_load %arg9[%swap3A_770] {strides = array<i32>} : memref<512xf32, #tpu.memory_space<vmem>>, vector<16xf32>,
    tpu.vector_store %arg9[%swap3A_770], %gather3A_769 {strides = array<i32>} : memref<512xf32, #tpu.memory_space<vmem>>, vector<16xf32>,
    %add3A_772 = arith.constant 496 : i32
    %add3A_773 = vector.broadcast %add3A_772 : i32 to vector<16xi32>
    %add3A_774 = arith.addi %add3A_773, %iota3A : vector<16xi32>
    %get3A_775 = arith.constant 496 : index
    %get3A_776 = tpu.vector_load %arg7[%get3A_775] {strides = array<i32>} : memref<512xi32, #tpu.memory_space<vmem>>, vector<16xi32>,
    %gather3A_777 = tpu.vector_load_idx %arg8[%add3A_774, %get3A_776] : memref<512x128xf32, #tpu.memory_space<vmem>>[vector<16xi32>, vector<16xi32>], vector<16xf32>,
    %swap3A_778 = arith.constant 496 : index
    %swap3A_779 = tpu.vector_load %arg9[%swap3A_778] {strides = array<i32>} : memref<512xf32, #tpu.memory_space<vmem>>, vector<16xf32>,
    tpu.vector_store %arg9[%swap3A_778], %gather3A_777 {strides = array<i32>} : memref<512xf32, #tpu.memory_space<vmem>>, vector<16xf32>,
    "tpu.region"() ({
      %run_scoped3A = tpu.sem_alloc : memref<!tpu.dma_semaphore, #tpu.memory_space<semaphore_mem>>
      %dma_start3A_780 = tpu.memref_slice %arg4[%mul3A_2] : memref<16384xf32, #tpu.memory_space<hbm>> -> memref<512xf32, #tpu.memory_space<hbm>>
      %dma_start3A_781 = tpu.memref_slice %arg4[%mul3A_2] : memref<16384xf32, #tpu.memory_space<hbm>> -> memref<512xf32, #tpu.memory_space<hbm>>
      tpu.enqueue_dma source(%arg9 : memref<512xf32, #tpu.memory_space<vmem>>) target(%dma_start3A_781 : memref<512xf32, #tpu.memory_space<hbm>>) target_semaphore(%run_scoped3A : memref<!tpu.dma_semaphore, #tpu.memory_space<semaphore_mem>>)
      %dma_wait3A_782 = tpu.memref_slice %arg4[%mul3A_2] : memref<16384xf32, #tpu.memory_space<hbm>> -> memref<512xf32, #tpu.memory_space<hbm>>
      %dma_wait3A_783 = tpu.memref_slice %arg4[%mul3A_2] : memref<16384xf32, #tpu.memory_space<hbm>> -> memref<512xf32, #tpu.memory_space<hbm>>
      tpu.wait_dma2 semaphore(%run_scoped3A : memref<!tpu.dma_semaphore, #tpu.memory_space<semaphore_mem>>) src(%arg9 : memref<512xf32, #tpu.memory_space<vmem>>) dst(%dma_wait3A_783 : memref<512xf32, #tpu.memory_space<hbm>>)
      tpu.yield
    }) : () -> ()
    return
  }
}

module attributes {stable_mosaic.version = 14 : i64} {
  func.func @body(%arg0: i32, %arg1: memref<1x32xf32, #tpu.memory_space<vmem>>, %arg2: memref<32x65536xf32, #tpu.memory_space<vmem>>, %arg3: memref<512x128xf32, #tpu.memory_space<vmem>>) attributes {dimension_semantics = [#tpu.dimension_semantics<arbitrary>], iteration_bounds = array<i64: 16>, scalar_prefetch = 0 : i64, scratch_operands = 0 : i64, tpu.core_type = #tpu.core_type<tc>, window_params = [{pipeline_mode = #tpu.pipeline_mode<synchronous>, transform_indices = @transform_0, window_bounds = array<i64: 1, 32>}, {transform_indices = @transform_1, window_bounds = array<i64: 32, 65536>}, {transform_indices = @transform_2, window_bounds = array<i64: 512, 128>}]} {
    %get3A = arith.constant 0 : index
    %get3A_0 = arith.constant 0 : index
    %get3A_1 = vector.load %arg1[%get3A, %get3A_0] : memref<1x32xf32, #tpu.memory_space<vmem>>, vector<1x32xf32>
    %get3A_2 = arith.constant 0 : index
    %get3A_3 = arith.constant 0 : index
    %get3A_4 = vector.load %arg2[%get3A_2, %get3A_3] : memref<32x65536xf32, #tpu.memory_space<vmem>>, vector<32x16384xf32>
    %dot_general3A = arith.constant dense<0.000000e+00> : vector<1x16384xf32>
    %dot_general3A_5 = tpu.matmul %get3A_1, %get3A_4, %dot_general3A {dimension_numbers = #tpu.dot_dimension_numbers<[1], [0], [0], [1], [0, 0, 1, 1], [], []>, transpose_lhs_hint = false} : vector<1x32xf32>, vector<32x16384xf32>, vector<1x16384xf32> -> vector<1x16384xf32>
    %neg3A = arith.constant 0.000000e+00 : f32
    %neg3A_6 = vector.broadcast %neg3A : f32 to vector<1x16384xf32>
    %neg3A_7 = arith.subf %neg3A_6, %dot_general3A_5 : vector<1x16384xf32>
    %exp3A = math.exp %neg3A_7 : vector<1x16384xf32>
    %add3A = arith.constant 1.000000e+00 : f32
    %add3A_8 = vector.broadcast %add3A : f32 to vector<1x16384xf32>
    %add3A_9 = arith.addf %add3A_8, %exp3A : vector<1x16384xf32>
    %div3A = arith.constant 1.000000e+00 : f32
    %div3A_10 = vector.broadcast %div3A : f32 to vector<1x16384xf32>
    %div3A_11 = arith.divf %div3A_10, %add3A_9 : vector<1x16384xf32>
    %slice3A = vector.extract_strided_slice %div3A_11 {offsets = [0, 0], sizes = [1, 128], strides = [1, 1]} : vector<1x16384xf32> to vector<1x128xf32>
    %swap3A = arith.constant 0 : index
    %swap3A_12 = arith.constant 0 : index
    %swap3A_13 = vector.load %arg3[%swap3A, %swap3A_12] : memref<512x128xf32, #tpu.memory_space<vmem>>, vector<1x128xf32>
    tpu.vector_store %arg3[%swap3A, %swap3A_12], %slice3A {strides = array<i32>} : memref<512x128xf32, #tpu.memory_space<vmem>>, vector<1x128xf32>,
    %slice3A_14 = vector.extract_strided_slice %div3A_11 {offsets = [0, 128], sizes = [1, 128], strides = [1, 1]} : vector<1x16384xf32> to vector<1x128xf32>
    %swap3A_15 = arith.constant 1 : index
    %swap3A_16 = arith.constant 0 : index
    %swap3A_17 = vector.load %arg3[%swap3A_15, %swap3A_16] : memref<512x128xf32, #tpu.memory_space<vmem>>, vector<1x128xf32>
    tpu.vector_store %arg3[%swap3A_15, %swap3A_16], %slice3A_14 {strides = array<i32>} : memref<512x128xf32, #tpu.memory_space<vmem>>, vector<1x128xf32>,
    %slice3A_18 = vector.extract_strided_slice %div3A_11 {offsets = [0, 256], sizes = [1, 128], strides = [1, 1]} : vector<1x16384xf32> to vector<1x128xf32>
    %swap3A_19 = arith.constant 2 : index
    %swap3A_20 = arith.constant 0 : index
    %swap3A_21 = vector.load %arg3[%swap3A_19, %swap3A_20] : memref<512x128xf32, #tpu.memory_space<vmem>>, vector<1x128xf32>
    tpu.vector_store %arg3[%swap3A_19, %swap3A_20], %slice3A_18 {strides = array<i32>} : memref<512x128xf32, #tpu.memory_space<vmem>>, vector<1x128xf32>,
    %slice3A_22 = vector.extract_strided_slice %div3A_11 {offsets = [0, 384], sizes = [1, 128], strides = [1, 1]} : vector<1x16384xf32> to vector<1x128xf32>
    %swap3A_23 = arith.constant 3 : index
    %swap3A_24 = arith.constant 0 : index
    %swap3A_25 = vector.load %arg3[%swap3A_23, %swap3A_24] : memref<512x128xf32, #tpu.memory_space<vmem>>, vector<1x128xf32>
    tpu.vector_store %arg3[%swap3A_23, %swap3A_24], %slice3A_22 {strides = array<i32>} : memref<512x128xf32, #tpu.memory_space<vmem>>, vector<1x128xf32>,
    %slice3A_26 = vector.extract_strided_slice %div3A_11 {offsets = [0, 512], sizes = [1, 128], strides = [1, 1]} : vector<1x16384xf32> to vector<1x128xf32>
    %swap3A_27 = arith.constant 4 : index
    %swap3A_28 = arith.constant 0 : index
    %swap3A_29 = vector.load %arg3[%swap3A_27, %swap3A_28] : memref<512x128xf32, #tpu.memory_space<vmem>>, vector<1x128xf32>
    tpu.vector_store %arg3[%swap3A_27, %swap3A_28], %slice3A_26 {strides = array<i32>} : memref<512x128xf32, #tpu.memory_space<vmem>>, vector<1x128xf32>,
    %slice3A_30 = vector.extract_strided_slice %div3A_11 {offsets = [0, 640], sizes = [1, 128], strides = [1, 1]} : vector<1x16384xf32> to vector<1x128xf32>
    %swap3A_31 = arith.constant 5 : index
    %swap3A_32 = arith.constant 0 : index
    %swap3A_33 = vector.load %arg3[%swap3A_31, %swap3A_32] : memref<512x128xf32, #tpu.memory_space<vmem>>, vector<1x128xf32>
    tpu.vector_store %arg3[%swap3A_31, %swap3A_32], %slice3A_30 {strides = array<i32>} : memref<512x128xf32, #tpu.memory_space<vmem>>, vector<1x128xf32>,
    %slice3A_34 = vector.extract_strided_slice %div3A_11 {offsets = [0, 768], sizes = [1, 128], strides = [1, 1]} : vector<1x16384xf32> to vector<1x128xf32>
    %swap3A_35 = arith.constant 6 : index
    %swap3A_36 = arith.constant 0 : index
    %swap3A_37 = vector.load %arg3[%swap3A_35, %swap3A_36] : memref<512x128xf32, #tpu.memory_space<vmem>>, vector<1x128xf32>
    tpu.vector_store %arg3[%swap3A_35, %swap3A_36], %slice3A_34 {strides = array<i32>} : memref<512x128xf32, #tpu.memory_space<vmem>>, vector<1x128xf32>,
    %slice3A_38 = vector.extract_strided_slice %div3A_11 {offsets = [0, 896], sizes = [1, 128], strides = [1, 1]} : vector<1x16384xf32> to vector<1x128xf32>
    %swap3A_39 = arith.constant 7 : index
    %swap3A_40 = arith.constant 0 : index
    %swap3A_41 = vector.load %arg3[%swap3A_39, %swap3A_40] : memref<512x128xf32, #tpu.memory_space<vmem>>, vector<1x128xf32>
    tpu.vector_store %arg3[%swap3A_39, %swap3A_40], %slice3A_38 {strides = array<i32>} : memref<512x128xf32, #tpu.memory_space<vmem>>, vector<1x128xf32>,
    %slice3A_42 = vector.extract_strided_slice %div3A_11 {offsets = [0, 1024], sizes = [1, 128], strides = [1, 1]} : vector<1x16384xf32> to vector<1x128xf32>
    %swap3A_43 = arith.constant 8 : index
    %swap3A_44 = arith.constant 0 : index
    %swap3A_45 = vector.load %arg3[%swap3A_43, %swap3A_44] : memref<512x128xf32, #tpu.memory_space<vmem>>, vector<1x128xf32>
    tpu.vector_store %arg3[%swap3A_43, %swap3A_44], %slice3A_42 {strides = array<i32>} : memref<512x128xf32, #tpu.memory_space<vmem>>, vector<1x128xf32>,
    %slice3A_46 = vector.extract_strided_slice %div3A_11 {offsets = [0, 1152], sizes = [1, 128], strides = [1, 1]} : vector<1x16384xf32> to vector<1x128xf32>
    %swap3A_47 = arith.constant 9 : index
    %swap3A_48 = arith.constant 0 : index
    %swap3A_49 = vector.load %arg3[%swap3A_47, %swap3A_48] : memref<512x128xf32, #tpu.memory_space<vmem>>, vector<1x128xf32>
    tpu.vector_store %arg3[%swap3A_47, %swap3A_48], %slice3A_46 {strides = array<i32>} : memref<512x128xf32, #tpu.memory_space<vmem>>, vector<1x128xf32>,
    %slice3A_50 = vector.extract_strided_slice %div3A_11 {offsets = [0, 1280], sizes = [1, 128], strides = [1, 1]} : vector<1x16384xf32> to vector<1x128xf32>
    %swap3A_51 = arith.constant 10 : index
    %swap3A_52 = arith.constant 0 : index
    %swap3A_53 = vector.load %arg3[%swap3A_51, %swap3A_52] : memref<512x128xf32, #tpu.memory_space<vmem>>, vector<1x128xf32>
    tpu.vector_store %arg3[%swap3A_51, %swap3A_52], %slice3A_50 {strides = array<i32>} : memref<512x128xf32, #tpu.memory_space<vmem>>, vector<1x128xf32>,
    %slice3A_54 = vector.extract_strided_slice %div3A_11 {offsets = [0, 1408], sizes = [1, 128], strides = [1, 1]} : vector<1x16384xf32> to vector<1x128xf32>
    %swap3A_55 = arith.constant 11 : index
    %swap3A_56 = arith.constant 0 : index
    %swap3A_57 = vector.load %arg3[%swap3A_55, %swap3A_56] : memref<512x128xf32, #tpu.memory_space<vmem>>, vector<1x128xf32>
    tpu.vector_store %arg3[%swap3A_55, %swap3A_56], %slice3A_54 {strides = array<i32>} : memref<512x128xf32, #tpu.memory_space<vmem>>, vector<1x128xf32>,
    %slice3A_58 = vector.extract_strided_slice %div3A_11 {offsets = [0, 1536], sizes = [1, 128], strides = [1, 1]} : vector<1x16384xf32> to vector<1x128xf32>
    %swap3A_59 = arith.constant 12 : index
    %swap3A_60 = arith.constant 0 : index
    %swap3A_61 = vector.load %arg3[%swap3A_59, %swap3A_60] : memref<512x128xf32, #tpu.memory_space<vmem>>, vector<1x128xf32>
    tpu.vector_store %arg3[%swap3A_59, %swap3A_60], %slice3A_58 {strides = array<i32>} : memref<512x128xf32, #tpu.memory_space<vmem>>, vector<1x128xf32>,
    %slice3A_62 = vector.extract_strided_slice %div3A_11 {offsets = [0, 1664], sizes = [1, 128], strides = [1, 1]} : vector<1x16384xf32> to vector<1x128xf32>
    %swap3A_63 = arith.constant 13 : index
    %swap3A_64 = arith.constant 0 : index
    %swap3A_65 = vector.load %arg3[%swap3A_63, %swap3A_64] : memref<512x128xf32, #tpu.memory_space<vmem>>, vector<1x128xf32>
    tpu.vector_store %arg3[%swap3A_63, %swap3A_64], %slice3A_62 {strides = array<i32>} : memref<512x128xf32, #tpu.memory_space<vmem>>, vector<1x128xf32>,
    %slice3A_66 = vector.extract_strided_slice %div3A_11 {offsets = [0, 1792], sizes = [1, 128], strides = [1, 1]} : vector<1x16384xf32> to vector<1x128xf32>
    %swap3A_67 = arith.constant 14 : index
    %swap3A_68 = arith.constant 0 : index
    %swap3A_69 = vector.load %arg3[%swap3A_67, %swap3A_68] : memref<512x128xf32, #tpu.memory_space<vmem>>, vector<1x128xf32>
    tpu.vector_store %arg3[%swap3A_67, %swap3A_68], %slice3A_66 {strides = array<i32>} : memref<512x128xf32, #tpu.memory_space<vmem>>, vector<1x128xf32>,
    %slice3A_70 = vector.extract_strided_slice %div3A_11 {offsets = [0, 1920], sizes = [1, 128], strides = [1, 1]} : vector<1x16384xf32> to vector<1x128xf32>
    %swap3A_71 = arith.constant 15 : index
    %swap3A_72 = arith.constant 0 : index
    %swap3A_73 = vector.load %arg3[%swap3A_71, %swap3A_72] : memref<512x128xf32, #tpu.memory_space<vmem>>, vector<1x128xf32>
    tpu.vector_store %arg3[%swap3A_71, %swap3A_72], %slice3A_70 {strides = array<i32>} : memref<512x128xf32, #tpu.memory_space<vmem>>, vector<1x128xf32>,
    %slice3A_74 = vector.extract_strided_slice %div3A_11 {offsets = [0, 2048], sizes = [1, 128], strides = [1, 1]} : vector<1x16384xf32> to vector<1x128xf32>
    %swap3A_75 = arith.constant 16 : index
    %swap3A_76 = arith.constant 0 : index
    %swap3A_77 = vector.load %arg3[%swap3A_75, %swap3A_76] : memref<512x128xf32, #tpu.memory_space<vmem>>, vector<1x128xf32>
    tpu.vector_store %arg3[%swap3A_75, %swap3A_76], %slice3A_74 {strides = array<i32>} : memref<512x128xf32, #tpu.memory_space<vmem>>, vector<1x128xf32>,
    %slice3A_78 = vector.extract_strided_slice %div3A_11 {offsets = [0, 2176], sizes = [1, 128], strides = [1, 1]} : vector<1x16384xf32> to vector<1x128xf32>
    %swap3A_79 = arith.constant 17 : index
    %swap3A_80 = arith.constant 0 : index
    %swap3A_81 = vector.load %arg3[%swap3A_79, %swap3A_80] : memref<512x128xf32, #tpu.memory_space<vmem>>, vector<1x128xf32>
    tpu.vector_store %arg3[%swap3A_79, %swap3A_80], %slice3A_78 {strides = array<i32>} : memref<512x128xf32, #tpu.memory_space<vmem>>, vector<1x128xf32>,
    %slice3A_82 = vector.extract_strided_slice %div3A_11 {offsets = [0, 2304], sizes = [1, 128], strides = [1, 1]} : vector<1x16384xf32> to vector<1x128xf32>
    %swap3A_83 = arith.constant 18 : index
    %swap3A_84 = arith.constant 0 : index
    %swap3A_85 = vector.load %arg3[%swap3A_83, %swap3A_84] : memref<512x128xf32, #tpu.memory_space<vmem>>, vector<1x128xf32>
    tpu.vector_store %arg3[%swap3A_83, %swap3A_84], %slice3A_82 {strides = array<i32>} : memref<512x128xf32, #tpu.memory_space<vmem>>, vector<1x128xf32>,
    %slice3A_86 = vector.extract_strided_slice %div3A_11 {offsets = [0, 2432], sizes = [1, 128], strides = [1, 1]} : vector<1x16384xf32> to vector<1x128xf32>
    %swap3A_87 = arith.constant 19 : index
    %swap3A_88 = arith.constant 0 : index
    %swap3A_89 = vector.load %arg3[%swap3A_87, %swap3A_88] : memref<512x128xf32, #tpu.memory_space<vmem>>, vector<1x128xf32>
    tpu.vector_store %arg3[%swap3A_87, %swap3A_88], %slice3A_86 {strides = array<i32>} : memref<512x128xf32, #tpu.memory_space<vmem>>, vector<1x128xf32>,
    %slice3A_90 = vector.extract_strided_slice %div3A_11 {offsets = [0, 2560], sizes = [1, 128], strides = [1, 1]} : vector<1x16384xf32> to vector<1x128xf32>
    %swap3A_91 = arith.constant 20 : index
    %swap3A_92 = arith.constant 0 : index
    %swap3A_93 = vector.load %arg3[%swap3A_91, %swap3A_92] : memref<512x128xf32, #tpu.memory_space<vmem>>, vector<1x128xf32>
    tpu.vector_store %arg3[%swap3A_91, %swap3A_92], %slice3A_90 {strides = array<i32>} : memref<512x128xf32, #tpu.memory_space<vmem>>, vector<1x128xf32>,
    %slice3A_94 = vector.extract_strided_slice %div3A_11 {offsets = [0, 2688], sizes = [1, 128], strides = [1, 1]} : vector<1x16384xf32> to vector<1x128xf32>
    %swap3A_95 = arith.constant 21 : index
    %swap3A_96 = arith.constant 0 : index
    %swap3A_97 = vector.load %arg3[%swap3A_95, %swap3A_96] : memref<512x128xf32, #tpu.memory_space<vmem>>, vector<1x128xf32>
    tpu.vector_store %arg3[%swap3A_95, %swap3A_96], %slice3A_94 {strides = array<i32>} : memref<512x128xf32, #tpu.memory_space<vmem>>, vector<1x128xf32>,
    %slice3A_98 = vector.extract_strided_slice %div3A_11 {offsets = [0, 2816], sizes = [1, 128], strides = [1, 1]} : vector<1x16384xf32> to vector<1x128xf32>
    %swap3A_99 = arith.constant 22 : index
    %swap3A_100 = arith.constant 0 : index
    %swap3A_101 = vector.load %arg3[%swap3A_99, %swap3A_100] : memref<512x128xf32, #tpu.memory_space<vmem>>, vector<1x128xf32>
    tpu.vector_store %arg3[%swap3A_99, %swap3A_100], %slice3A_98 {strides = array<i32>} : memref<512x128xf32, #tpu.memory_space<vmem>>, vector<1x128xf32>,
    %slice3A_102 = vector.extract_strided_slice %div3A_11 {offsets = [0, 2944], sizes = [1, 128], strides = [1, 1]} : vector<1x16384xf32> to vector<1x128xf32>
    %swap3A_103 = arith.constant 23 : index
    %swap3A_104 = arith.constant 0 : index
    %swap3A_105 = vector.load %arg3[%swap3A_103, %swap3A_104] : memref<512x128xf32, #tpu.memory_space<vmem>>, vector<1x128xf32>
    tpu.vector_store %arg3[%swap3A_103, %swap3A_104], %slice3A_102 {strides = array<i32>} : memref<512x128xf32, #tpu.memory_space<vmem>>, vector<1x128xf32>,
    %slice3A_106 = vector.extract_strided_slice %div3A_11 {offsets = [0, 3072], sizes = [1, 128], strides = [1, 1]} : vector<1x16384xf32> to vector<1x128xf32>
    %swap3A_107 = arith.constant 24 : index
    %swap3A_108 = arith.constant 0 : index
    %swap3A_109 = vector.load %arg3[%swap3A_107, %swap3A_108] : memref<512x128xf32, #tpu.memory_space<vmem>>, vector<1x128xf32>
    tpu.vector_store %arg3[%swap3A_107, %swap3A_108], %slice3A_106 {strides = array<i32>} : memref<512x128xf32, #tpu.memory_space<vmem>>, vector<1x128xf32>,
    %slice3A_110 = vector.extract_strided_slice %div3A_11 {offsets = [0, 3200], sizes = [1, 128], strides = [1, 1]} : vector<1x16384xf32> to vector<1x128xf32>
    %swap3A_111 = arith.constant 25 : index
    %swap3A_112 = arith.constant 0 : index
    %swap3A_113 = vector.load %arg3[%swap3A_111, %swap3A_112] : memref<512x128xf32, #tpu.memory_space<vmem>>, vector<1x128xf32>
    tpu.vector_store %arg3[%swap3A_111, %swap3A_112], %slice3A_110 {strides = array<i32>} : memref<512x128xf32, #tpu.memory_space<vmem>>, vector<1x128xf32>,
    %slice3A_114 = vector.extract_strided_slice %div3A_11 {offsets = [0, 3328], sizes = [1, 128], strides = [1, 1]} : vector<1x16384xf32> to vector<1x128xf32>
    %swap3A_115 = arith.constant 26 : index
    %swap3A_116 = arith.constant 0 : index
    %swap3A_117 = vector.load %arg3[%swap3A_115, %swap3A_116] : memref<512x128xf32, #tpu.memory_space<vmem>>, vector<1x128xf32>
    tpu.vector_store %arg3[%swap3A_115, %swap3A_116], %slice3A_114 {strides = array<i32>} : memref<512x128xf32, #tpu.memory_space<vmem>>, vector<1x128xf32>,
    %slice3A_118 = vector.extract_strided_slice %div3A_11 {offsets = [0, 3456], sizes = [1, 128], strides = [1, 1]} : vector<1x16384xf32> to vector<1x128xf32>
    %swap3A_119 = arith.constant 27 : index
    %swap3A_120 = arith.constant 0 : index
    %swap3A_121 = vector.load %arg3[%swap3A_119, %swap3A_120] : memref<512x128xf32, #tpu.memory_space<vmem>>, vector<1x128xf32>
    tpu.vector_store %arg3[%swap3A_119, %swap3A_120], %slice3A_118 {strides = array<i32>} : memref<512x128xf32, #tpu.memory_space<vmem>>, vector<1x128xf32>,
    %slice3A_122 = vector.extract_strided_slice %div3A_11 {offsets = [0, 3584], sizes = [1, 128], strides = [1, 1]} : vector<1x16384xf32> to vector<1x128xf32>
    %swap3A_123 = arith.constant 28 : index
    %swap3A_124 = arith.constant 0 : index
    %swap3A_125 = vector.load %arg3[%swap3A_123, %swap3A_124] : memref<512x128xf32, #tpu.memory_space<vmem>>, vector<1x128xf32>
    tpu.vector_store %arg3[%swap3A_123, %swap3A_124], %slice3A_122 {strides = array<i32>} : memref<512x128xf32, #tpu.memory_space<vmem>>, vector<1x128xf32>,
    %slice3A_126 = vector.extract_strided_slice %div3A_11 {offsets = [0, 3712], sizes = [1, 128], strides = [1, 1]} : vector<1x16384xf32> to vector<1x128xf32>
    %swap3A_127 = arith.constant 29 : index
    %swap3A_128 = arith.constant 0 : index
    %swap3A_129 = vector.load %arg3[%swap3A_127, %swap3A_128] : memref<512x128xf32, #tpu.memory_space<vmem>>, vector<1x128xf32>
    tpu.vector_store %arg3[%swap3A_127, %swap3A_128], %slice3A_126 {strides = array<i32>} : memref<512x128xf32, #tpu.memory_space<vmem>>, vector<1x128xf32>,
    %slice3A_130 = vector.extract_strided_slice %div3A_11 {offsets = [0, 3840], sizes = [1, 128], strides = [1, 1]} : vector<1x16384xf32> to vector<1x128xf32>
    %swap3A_131 = arith.constant 30 : index
    %swap3A_132 = arith.constant 0 : index
    %swap3A_133 = vector.load %arg3[%swap3A_131, %swap3A_132] : memref<512x128xf32, #tpu.memory_space<vmem>>, vector<1x128xf32>
    tpu.vector_store %arg3[%swap3A_131, %swap3A_132], %slice3A_130 {strides = array<i32>} : memref<512x128xf32, #tpu.memory_space<vmem>>, vector<1x128xf32>,
    %slice3A_134 = vector.extract_strided_slice %div3A_11 {offsets = [0, 3968], sizes = [1, 128], strides = [1, 1]} : vector<1x16384xf32> to vector<1x128xf32>
    %swap3A_135 = arith.constant 31 : index
    %swap3A_136 = arith.constant 0 : index
    %swap3A_137 = vector.load %arg3[%swap3A_135, %swap3A_136] : memref<512x128xf32, #tpu.memory_space<vmem>>, vector<1x128xf32>
    tpu.vector_store %arg3[%swap3A_135, %swap3A_136], %slice3A_134 {strides = array<i32>} : memref<512x128xf32, #tpu.memory_space<vmem>>, vector<1x128xf32>,
    %slice3A_138 = vector.extract_strided_slice %div3A_11 {offsets = [0, 4096], sizes = [1, 128], strides = [1, 1]} : vector<1x16384xf32> to vector<1x128xf32>
    %swap3A_139 = arith.constant 32 : index
    %swap3A_140 = arith.constant 0 : index
    %swap3A_141 = vector.load %arg3[%swap3A_139, %swap3A_140] : memref<512x128xf32, #tpu.memory_space<vmem>>, vector<1x128xf32>
    tpu.vector_store %arg3[%swap3A_139, %swap3A_140], %slice3A_138 {strides = array<i32>} : memref<512x128xf32, #tpu.memory_space<vmem>>, vector<1x128xf32>,
    %slice3A_142 = vector.extract_strided_slice %div3A_11 {offsets = [0, 4224], sizes = [1, 128], strides = [1, 1]} : vector<1x16384xf32> to vector<1x128xf32>
    %swap3A_143 = arith.constant 33 : index
    %swap3A_144 = arith.constant 0 : index
    %swap3A_145 = vector.load %arg3[%swap3A_143, %swap3A_144] : memref<512x128xf32, #tpu.memory_space<vmem>>, vector<1x128xf32>
    tpu.vector_store %arg3[%swap3A_143, %swap3A_144], %slice3A_142 {strides = array<i32>} : memref<512x128xf32, #tpu.memory_space<vmem>>, vector<1x128xf32>,
    %slice3A_146 = vector.extract_strided_slice %div3A_11 {offsets = [0, 4352], sizes = [1, 128], strides = [1, 1]} : vector<1x16384xf32> to vector<1x128xf32>
    %swap3A_147 = arith.constant 34 : index
    %swap3A_148 = arith.constant 0 : index
    %swap3A_149 = vector.load %arg3[%swap3A_147, %swap3A_148] : memref<512x128xf32, #tpu.memory_space<vmem>>, vector<1x128xf32>
    tpu.vector_store %arg3[%swap3A_147, %swap3A_148], %slice3A_146 {strides = array<i32>} : memref<512x128xf32, #tpu.memory_space<vmem>>, vector<1x128xf32>,
    %slice3A_150 = vector.extract_strided_slice %div3A_11 {offsets = [0, 4480], sizes = [1, 128], strides = [1, 1]} : vector<1x16384xf32> to vector<1x128xf32>
    %swap3A_151 = arith.constant 35 : index
    %swap3A_152 = arith.constant 0 : index
    %swap3A_153 = vector.load %arg3[%swap3A_151, %swap3A_152] : memref<512x128xf32, #tpu.memory_space<vmem>>, vector<1x128xf32>
    tpu.vector_store %arg3[%swap3A_151, %swap3A_152], %slice3A_150 {strides = array<i32>} : memref<512x128xf32, #tpu.memory_space<vmem>>, vector<1x128xf32>,
    %slice3A_154 = vector.extract_strided_slice %div3A_11 {offsets = [0, 4608], sizes = [1, 128], strides = [1, 1]} : vector<1x16384xf32> to vector<1x128xf32>
    %swap3A_155 = arith.constant 36 : index
    %swap3A_156 = arith.constant 0 : index
    %swap3A_157 = vector.load %arg3[%swap3A_155, %swap3A_156] : memref<512x128xf32, #tpu.memory_space<vmem>>, vector<1x128xf32>
    tpu.vector_store %arg3[%swap3A_155, %swap3A_156], %slice3A_154 {strides = array<i32>} : memref<512x128xf32, #tpu.memory_space<vmem>>, vector<1x128xf32>,
    %slice3A_158 = vector.extract_strided_slice %div3A_11 {offsets = [0, 4736], sizes = [1, 128], strides = [1, 1]} : vector<1x16384xf32> to vector<1x128xf32>
    %swap3A_159 = arith.constant 37 : index
    %swap3A_160 = arith.constant 0 : index
    %swap3A_161 = vector.load %arg3[%swap3A_159, %swap3A_160] : memref<512x128xf32, #tpu.memory_space<vmem>>, vector<1x128xf32>
    tpu.vector_store %arg3[%swap3A_159, %swap3A_160], %slice3A_158 {strides = array<i32>} : memref<512x128xf32, #tpu.memory_space<vmem>>, vector<1x128xf32>,
    %slice3A_162 = vector.extract_strided_slice %div3A_11 {offsets = [0, 4864], sizes = [1, 128], strides = [1, 1]} : vector<1x16384xf32> to vector<1x128xf32>
    %swap3A_163 = arith.constant 38 : index
    %swap3A_164 = arith.constant 0 : index
    %swap3A_165 = vector.load %arg3[%swap3A_163, %swap3A_164] : memref<512x128xf32, #tpu.memory_space<vmem>>, vector<1x128xf32>
    tpu.vector_store %arg3[%swap3A_163, %swap3A_164], %slice3A_162 {strides = array<i32>} : memref<512x128xf32, #tpu.memory_space<vmem>>, vector<1x128xf32>,
    %slice3A_166 = vector.extract_strided_slice %div3A_11 {offsets = [0, 4992], sizes = [1, 128], strides = [1, 1]} : vector<1x16384xf32> to vector<1x128xf32>
    %swap3A_167 = arith.constant 39 : index
    %swap3A_168 = arith.constant 0 : index
    %swap3A_169 = vector.load %arg3[%swap3A_167, %swap3A_168] : memref<512x128xf32, #tpu.memory_space<vmem>>, vector<1x128xf32>
    tpu.vector_store %arg3[%swap3A_167, %swap3A_168], %slice3A_166 {strides = array<i32>} : memref<512x128xf32, #tpu.memory_space<vmem>>, vector<1x128xf32>,
    %slice3A_170 = vector.extract_strided_slice %div3A_11 {offsets = [0, 5120], sizes = [1, 128], strides = [1, 1]} : vector<1x16384xf32> to vector<1x128xf32>
    %swap3A_171 = arith.constant 40 : index
    %swap3A_172 = arith.constant 0 : index
    %swap3A_173 = vector.load %arg3[%swap3A_171, %swap3A_172] : memref<512x128xf32, #tpu.memory_space<vmem>>, vector<1x128xf32>
    tpu.vector_store %arg3[%swap3A_171, %swap3A_172], %slice3A_170 {strides = array<i32>} : memref<512x128xf32, #tpu.memory_space<vmem>>, vector<1x128xf32>,
    %slice3A_174 = vector.extract_strided_slice %div3A_11 {offsets = [0, 5248], sizes = [1, 128], strides = [1, 1]} : vector<1x16384xf32> to vector<1x128xf32>
    %swap3A_175 = arith.constant 41 : index
    %swap3A_176 = arith.constant 0 : index
    %swap3A_177 = vector.load %arg3[%swap3A_175, %swap3A_176] : memref<512x128xf32, #tpu.memory_space<vmem>>, vector<1x128xf32>
    tpu.vector_store %arg3[%swap3A_175, %swap3A_176], %slice3A_174 {strides = array<i32>} : memref<512x128xf32, #tpu.memory_space<vmem>>, vector<1x128xf32>,
    %slice3A_178 = vector.extract_strided_slice %div3A_11 {offsets = [0, 5376], sizes = [1, 128], strides = [1, 1]} : vector<1x16384xf32> to vector<1x128xf32>
    %swap3A_179 = arith.constant 42 : index
    %swap3A_180 = arith.constant 0 : index
    %swap3A_181 = vector.load %arg3[%swap3A_179, %swap3A_180] : memref<512x128xf32, #tpu.memory_space<vmem>>, vector<1x128xf32>
    tpu.vector_store %arg3[%swap3A_179, %swap3A_180], %slice3A_178 {strides = array<i32>} : memref<512x128xf32, #tpu.memory_space<vmem>>, vector<1x128xf32>,
    %slice3A_182 = vector.extract_strided_slice %div3A_11 {offsets = [0, 5504], sizes = [1, 128], strides = [1, 1]} : vector<1x16384xf32> to vector<1x128xf32>
    %swap3A_183 = arith.constant 43 : index
    %swap3A_184 = arith.constant 0 : index
    %swap3A_185 = vector.load %arg3[%swap3A_183, %swap3A_184] : memref<512x128xf32, #tpu.memory_space<vmem>>, vector<1x128xf32>
    tpu.vector_store %arg3[%swap3A_183, %swap3A_184], %slice3A_182 {strides = array<i32>} : memref<512x128xf32, #tpu.memory_space<vmem>>, vector<1x128xf32>,
    %slice3A_186 = vector.extract_strided_slice %div3A_11 {offsets = [0, 5632], sizes = [1, 128], strides = [1, 1]} : vector<1x16384xf32> to vector<1x128xf32>
    %swap3A_187 = arith.constant 44 : index
    %swap3A_188 = arith.constant 0 : index
    %swap3A_189 = vector.load %arg3[%swap3A_187, %swap3A_188] : memref<512x128xf32, #tpu.memory_space<vmem>>, vector<1x128xf32>
    tpu.vector_store %arg3[%swap3A_187, %swap3A_188], %slice3A_186 {strides = array<i32>} : memref<512x128xf32, #tpu.memory_space<vmem>>, vector<1x128xf32>,
    %slice3A_190 = vector.extract_strided_slice %div3A_11 {offsets = [0, 5760], sizes = [1, 128], strides = [1, 1]} : vector<1x16384xf32> to vector<1x128xf32>
    %swap3A_191 = arith.constant 45 : index
    %swap3A_192 = arith.constant 0 : index
    %swap3A_193 = vector.load %arg3[%swap3A_191, %swap3A_192] : memref<512x128xf32, #tpu.memory_space<vmem>>, vector<1x128xf32>
    tpu.vector_store %arg3[%swap3A_191, %swap3A_192], %slice3A_190 {strides = array<i32>} : memref<512x128xf32, #tpu.memory_space<vmem>>, vector<1x128xf32>,
    %slice3A_194 = vector.extract_strided_slice %div3A_11 {offsets = [0, 5888], sizes = [1, 128], strides = [1, 1]} : vector<1x16384xf32> to vector<1x128xf32>
    %swap3A_195 = arith.constant 46 : index
    %swap3A_196 = arith.constant 0 : index
    %swap3A_197 = vector.load %arg3[%swap3A_195, %swap3A_196] : memref<512x128xf32, #tpu.memory_space<vmem>>, vector<1x128xf32>
    tpu.vector_store %arg3[%swap3A_195, %swap3A_196], %slice3A_194 {strides = array<i32>} : memref<512x128xf32, #tpu.memory_space<vmem>>, vector<1x128xf32>,
    %slice3A_198 = vector.extract_strided_slice %div3A_11 {offsets = [0, 6016], sizes = [1, 128], strides = [1, 1]} : vector<1x16384xf32> to vector<1x128xf32>
    %swap3A_199 = arith.constant 47 : index
    %swap3A_200 = arith.constant 0 : index
    %swap3A_201 = vector.load %arg3[%swap3A_199, %swap3A_200] : memref<512x128xf32, #tpu.memory_space<vmem>>, vector<1x128xf32>
    tpu.vector_store %arg3[%swap3A_199, %swap3A_200], %slice3A_198 {strides = array<i32>} : memref<512x128xf32, #tpu.memory_space<vmem>>, vector<1x128xf32>,
    %slice3A_202 = vector.extract_strided_slice %div3A_11 {offsets = [0, 6144], sizes = [1, 128], strides = [1, 1]} : vector<1x16384xf32> to vector<1x128xf32>
    %swap3A_203 = arith.constant 48 : index
    %swap3A_204 = arith.constant 0 : index
    %swap3A_205 = vector.load %arg3[%swap3A_203, %swap3A_204] : memref<512x128xf32, #tpu.memory_space<vmem>>, vector<1x128xf32>
    tpu.vector_store %arg3[%swap3A_203, %swap3A_204], %slice3A_202 {strides = array<i32>} : memref<512x128xf32, #tpu.memory_space<vmem>>, vector<1x128xf32>,
    %slice3A_206 = vector.extract_strided_slice %div3A_11 {offsets = [0, 6272], sizes = [1, 128], strides = [1, 1]} : vector<1x16384xf32> to vector<1x128xf32>
    %swap3A_207 = arith.constant 49 : index
    %swap3A_208 = arith.constant 0 : index
    %swap3A_209 = vector.load %arg3[%swap3A_207, %swap3A_208] : memref<512x128xf32, #tpu.memory_space<vmem>>, vector<1x128xf32>
    tpu.vector_store %arg3[%swap3A_207, %swap3A_208], %slice3A_206 {strides = array<i32>} : memref<512x128xf32, #tpu.memory_space<vmem>>, vector<1x128xf32>,
    %slice3A_210 = vector.extract_strided_slice %div3A_11 {offsets = [0, 6400], sizes = [1, 128], strides = [1, 1]} : vector<1x16384xf32> to vector<1x128xf32>
    %swap3A_211 = arith.constant 50 : index
    %swap3A_212 = arith.constant 0 : index
    %swap3A_213 = vector.load %arg3[%swap3A_211, %swap3A_212] : memref<512x128xf32, #tpu.memory_space<vmem>>, vector<1x128xf32>
    tpu.vector_store %arg3[%swap3A_211, %swap3A_212], %slice3A_210 {strides = array<i32>} : memref<512x128xf32, #tpu.memory_space<vmem>>, vector<1x128xf32>,
    %slice3A_214 = vector.extract_strided_slice %div3A_11 {offsets = [0, 6528], sizes = [1, 128], strides = [1, 1]} : vector<1x16384xf32> to vector<1x128xf32>
    %swap3A_215 = arith.constant 51 : index
    %swap3A_216 = arith.constant 0 : index
    %swap3A_217 = vector.load %arg3[%swap3A_215, %swap3A_216] : memref<512x128xf32, #tpu.memory_space<vmem>>, vector<1x128xf32>
    tpu.vector_store %arg3[%swap3A_215, %swap3A_216], %slice3A_214 {strides = array<i32>} : memref<512x128xf32, #tpu.memory_space<vmem>>, vector<1x128xf32>,
    %slice3A_218 = vector.extract_strided_slice %div3A_11 {offsets = [0, 6656], sizes = [1, 128], strides = [1, 1]} : vector<1x16384xf32> to vector<1x128xf32>
    %swap3A_219 = arith.constant 52 : index
    %swap3A_220 = arith.constant 0 : index
    %swap3A_221 = vector.load %arg3[%swap3A_219, %swap3A_220] : memref<512x128xf32, #tpu.memory_space<vmem>>, vector<1x128xf32>
    tpu.vector_store %arg3[%swap3A_219, %swap3A_220], %slice3A_218 {strides = array<i32>} : memref<512x128xf32, #tpu.memory_space<vmem>>, vector<1x128xf32>,
    %slice3A_222 = vector.extract_strided_slice %div3A_11 {offsets = [0, 6784], sizes = [1, 128], strides = [1, 1]} : vector<1x16384xf32> to vector<1x128xf32>
    %swap3A_223 = arith.constant 53 : index
    %swap3A_224 = arith.constant 0 : index
    %swap3A_225 = vector.load %arg3[%swap3A_223, %swap3A_224] : memref<512x128xf32, #tpu.memory_space<vmem>>, vector<1x128xf32>
    tpu.vector_store %arg3[%swap3A_223, %swap3A_224], %slice3A_222 {strides = array<i32>} : memref<512x128xf32, #tpu.memory_space<vmem>>, vector<1x128xf32>,
    %slice3A_226 = vector.extract_strided_slice %div3A_11 {offsets = [0, 6912], sizes = [1, 128], strides = [1, 1]} : vector<1x16384xf32> to vector<1x128xf32>
    %swap3A_227 = arith.constant 54 : index
    %swap3A_228 = arith.constant 0 : index
    %swap3A_229 = vector.load %arg3[%swap3A_227, %swap3A_228] : memref<512x128xf32, #tpu.memory_space<vmem>>, vector<1x128xf32>
    tpu.vector_store %arg3[%swap3A_227, %swap3A_228], %slice3A_226 {strides = array<i32>} : memref<512x128xf32, #tpu.memory_space<vmem>>, vector<1x128xf32>,
    %slice3A_230 = vector.extract_strided_slice %div3A_11 {offsets = [0, 7040], sizes = [1, 128], strides = [1, 1]} : vector<1x16384xf32> to vector<1x128xf32>
    %swap3A_231 = arith.constant 55 : index
    %swap3A_232 = arith.constant 0 : index
    %swap3A_233 = vector.load %arg3[%swap3A_231, %swap3A_232] : memref<512x128xf32, #tpu.memory_space<vmem>>, vector<1x128xf32>
    tpu.vector_store %arg3[%swap3A_231, %swap3A_232], %slice3A_230 {strides = array<i32>} : memref<512x128xf32, #tpu.memory_space<vmem>>, vector<1x128xf32>,
    %slice3A_234 = vector.extract_strided_slice %div3A_11 {offsets = [0, 7168], sizes = [1, 128], strides = [1, 1]} : vector<1x16384xf32> to vector<1x128xf32>
    %swap3A_235 = arith.constant 56 : index
    %swap3A_236 = arith.constant 0 : index
    %swap3A_237 = vector.load %arg3[%swap3A_235, %swap3A_236] : memref<512x128xf32, #tpu.memory_space<vmem>>, vector<1x128xf32>
    tpu.vector_store %arg3[%swap3A_235, %swap3A_236], %slice3A_234 {strides = array<i32>} : memref<512x128xf32, #tpu.memory_space<vmem>>, vector<1x128xf32>,
    %slice3A_238 = vector.extract_strided_slice %div3A_11 {offsets = [0, 7296], sizes = [1, 128], strides = [1, 1]} : vector<1x16384xf32> to vector<1x128xf32>
    %swap3A_239 = arith.constant 57 : index
    %swap3A_240 = arith.constant 0 : index
    %swap3A_241 = vector.load %arg3[%swap3A_239, %swap3A_240] : memref<512x128xf32, #tpu.memory_space<vmem>>, vector<1x128xf32>
    tpu.vector_store %arg3[%swap3A_239, %swap3A_240], %slice3A_238 {strides = array<i32>} : memref<512x128xf32, #tpu.memory_space<vmem>>, vector<1x128xf32>,
    %slice3A_242 = vector.extract_strided_slice %div3A_11 {offsets = [0, 7424], sizes = [1, 128], strides = [1, 1]} : vector<1x16384xf32> to vector<1x128xf32>
    %swap3A_243 = arith.constant 58 : index
    %swap3A_244 = arith.constant 0 : index
    %swap3A_245 = vector.load %arg3[%swap3A_243, %swap3A_244] : memref<512x128xf32, #tpu.memory_space<vmem>>, vector<1x128xf32>
    tpu.vector_store %arg3[%swap3A_243, %swap3A_244], %slice3A_242 {strides = array<i32>} : memref<512x128xf32, #tpu.memory_space<vmem>>, vector<1x128xf32>,
    %slice3A_246 = vector.extract_strided_slice %div3A_11 {offsets = [0, 7552], sizes = [1, 128], strides = [1, 1]} : vector<1x16384xf32> to vector<1x128xf32>
    %swap3A_247 = arith.constant 59 : index
    %swap3A_248 = arith.constant 0 : index
    %swap3A_249 = vector.load %arg3[%swap3A_247, %swap3A_248] : memref<512x128xf32, #tpu.memory_space<vmem>>, vector<1x128xf32>
    tpu.vector_store %arg3[%swap3A_247, %swap3A_248], %slice3A_246 {strides = array<i32>} : memref<512x128xf32, #tpu.memory_space<vmem>>, vector<1x128xf32>,
    %slice3A_250 = vector.extract_strided_slice %div3A_11 {offsets = [0, 7680], sizes = [1, 128], strides = [1, 1]} : vector<1x16384xf32> to vector<1x128xf32>
    %swap3A_251 = arith.constant 60 : index
    %swap3A_252 = arith.constant 0 : index
    %swap3A_253 = vector.load %arg3[%swap3A_251, %swap3A_252] : memref<512x128xf32, #tpu.memory_space<vmem>>, vector<1x128xf32>
    tpu.vector_store %arg3[%swap3A_251, %swap3A_252], %slice3A_250 {strides = array<i32>} : memref<512x128xf32, #tpu.memory_space<vmem>>, vector<1x128xf32>,
    %slice3A_254 = vector.extract_strided_slice %div3A_11 {offsets = [0, 7808], sizes = [1, 128], strides = [1, 1]} : vector<1x16384xf32> to vector<1x128xf32>
    %swap3A_255 = arith.constant 61 : index
    %swap3A_256 = arith.constant 0 : index
    %swap3A_257 = vector.load %arg3[%swap3A_255, %swap3A_256] : memref<512x128xf32, #tpu.memory_space<vmem>>, vector<1x128xf32>
    tpu.vector_store %arg3[%swap3A_255, %swap3A_256], %slice3A_254 {strides = array<i32>} : memref<512x128xf32, #tpu.memory_space<vmem>>, vector<1x128xf32>,
    %slice3A_258 = vector.extract_strided_slice %div3A_11 {offsets = [0, 7936], sizes = [1, 128], strides = [1, 1]} : vector<1x16384xf32> to vector<1x128xf32>
    %swap3A_259 = arith.constant 62 : index
    %swap3A_260 = arith.constant 0 : index
    %swap3A_261 = vector.load %arg3[%swap3A_259, %swap3A_260] : memref<512x128xf32, #tpu.memory_space<vmem>>, vector<1x128xf32>
    tpu.vector_store %arg3[%swap3A_259, %swap3A_260], %slice3A_258 {strides = array<i32>} : memref<512x128xf32, #tpu.memory_space<vmem>>, vector<1x128xf32>,
    %slice3A_262 = vector.extract_strided_slice %div3A_11 {offsets = [0, 8064], sizes = [1, 128], strides = [1, 1]} : vector<1x16384xf32> to vector<1x128xf32>
    %swap3A_263 = arith.constant 63 : index
    %swap3A_264 = arith.constant 0 : index
    %swap3A_265 = vector.load %arg3[%swap3A_263, %swap3A_264] : memref<512x128xf32, #tpu.memory_space<vmem>>, vector<1x128xf32>
    tpu.vector_store %arg3[%swap3A_263, %swap3A_264], %slice3A_262 {strides = array<i32>} : memref<512x128xf32, #tpu.memory_space<vmem>>, vector<1x128xf32>,
    %slice3A_266 = vector.extract_strided_slice %div3A_11 {offsets = [0, 8192], sizes = [1, 128], strides = [1, 1]} : vector<1x16384xf32> to vector<1x128xf32>
    %swap3A_267 = arith.constant 64 : index
    %swap3A_268 = arith.constant 0 : index
    %swap3A_269 = vector.load %arg3[%swap3A_267, %swap3A_268] : memref<512x128xf32, #tpu.memory_space<vmem>>, vector<1x128xf32>
    tpu.vector_store %arg3[%swap3A_267, %swap3A_268], %slice3A_266 {strides = array<i32>} : memref<512x128xf32, #tpu.memory_space<vmem>>, vector<1x128xf32>,
    %slice3A_270 = vector.extract_strided_slice %div3A_11 {offsets = [0, 8320], sizes = [1, 128], strides = [1, 1]} : vector<1x16384xf32> to vector<1x128xf32>
    %swap3A_271 = arith.constant 65 : index
    %swap3A_272 = arith.constant 0 : index
    %swap3A_273 = vector.load %arg3[%swap3A_271, %swap3A_272] : memref<512x128xf32, #tpu.memory_space<vmem>>, vector<1x128xf32>
    tpu.vector_store %arg3[%swap3A_271, %swap3A_272], %slice3A_270 {strides = array<i32>} : memref<512x128xf32, #tpu.memory_space<vmem>>, vector<1x128xf32>,
    %slice3A_274 = vector.extract_strided_slice %div3A_11 {offsets = [0, 8448], sizes = [1, 128], strides = [1, 1]} : vector<1x16384xf32> to vector<1x128xf32>
    %swap3A_275 = arith.constant 66 : index
    %swap3A_276 = arith.constant 0 : index
    %swap3A_277 = vector.load %arg3[%swap3A_275, %swap3A_276] : memref<512x128xf32, #tpu.memory_space<vmem>>, vector<1x128xf32>
    tpu.vector_store %arg3[%swap3A_275, %swap3A_276], %slice3A_274 {strides = array<i32>} : memref<512x128xf32, #tpu.memory_space<vmem>>, vector<1x128xf32>,
    %slice3A_278 = vector.extract_strided_slice %div3A_11 {offsets = [0, 8576], sizes = [1, 128], strides = [1, 1]} : vector<1x16384xf32> to vector<1x128xf32>
    %swap3A_279 = arith.constant 67 : index
    %swap3A_280 = arith.constant 0 : index
    %swap3A_281 = vector.load %arg3[%swap3A_279, %swap3A_280] : memref<512x128xf32, #tpu.memory_space<vmem>>, vector<1x128xf32>
    tpu.vector_store %arg3[%swap3A_279, %swap3A_280], %slice3A_278 {strides = array<i32>} : memref<512x128xf32, #tpu.memory_space<vmem>>, vector<1x128xf32>,
    %slice3A_282 = vector.extract_strided_slice %div3A_11 {offsets = [0, 8704], sizes = [1, 128], strides = [1, 1]} : vector<1x16384xf32> to vector<1x128xf32>
    %swap3A_283 = arith.constant 68 : index
    %swap3A_284 = arith.constant 0 : index
    %swap3A_285 = vector.load %arg3[%swap3A_283, %swap3A_284] : memref<512x128xf32, #tpu.memory_space<vmem>>, vector<1x128xf32>
    tpu.vector_store %arg3[%swap3A_283, %swap3A_284], %slice3A_282 {strides = array<i32>} : memref<512x128xf32, #tpu.memory_space<vmem>>, vector<1x128xf32>,
    %slice3A_286 = vector.extract_strided_slice %div3A_11 {offsets = [0, 8832], sizes = [1, 128], strides = [1, 1]} : vector<1x16384xf32> to vector<1x128xf32>
    %swap3A_287 = arith.constant 69 : index
    %swap3A_288 = arith.constant 0 : index
    %swap3A_289 = vector.load %arg3[%swap3A_287, %swap3A_288] : memref<512x128xf32, #tpu.memory_space<vmem>>, vector<1x128xf32>
    tpu.vector_store %arg3[%swap3A_287, %swap3A_288], %slice3A_286 {strides = array<i32>} : memref<512x128xf32, #tpu.memory_space<vmem>>, vector<1x128xf32>,
    %slice3A_290 = vector.extract_strided_slice %div3A_11 {offsets = [0, 8960], sizes = [1, 128], strides = [1, 1]} : vector<1x16384xf32> to vector<1x128xf32>
    %swap3A_291 = arith.constant 70 : index
    %swap3A_292 = arith.constant 0 : index
    %swap3A_293 = vector.load %arg3[%swap3A_291, %swap3A_292] : memref<512x128xf32, #tpu.memory_space<vmem>>, vector<1x128xf32>
    tpu.vector_store %arg3[%swap3A_291, %swap3A_292], %slice3A_290 {strides = array<i32>} : memref<512x128xf32, #tpu.memory_space<vmem>>, vector<1x128xf32>,
    %slice3A_294 = vector.extract_strided_slice %div3A_11 {offsets = [0, 9088], sizes = [1, 128], strides = [1, 1]} : vector<1x16384xf32> to vector<1x128xf32>
    %swap3A_295 = arith.constant 71 : index
    %swap3A_296 = arith.constant 0 : index
    %swap3A_297 = vector.load %arg3[%swap3A_295, %swap3A_296] : memref<512x128xf32, #tpu.memory_space<vmem>>, vector<1x128xf32>
    tpu.vector_store %arg3[%swap3A_295, %swap3A_296], %slice3A_294 {strides = array<i32>} : memref<512x128xf32, #tpu.memory_space<vmem>>, vector<1x128xf32>,
    %slice3A_298 = vector.extract_strided_slice %div3A_11 {offsets = [0, 9216], sizes = [1, 128], strides = [1, 1]} : vector<1x16384xf32> to vector<1x128xf32>
    %swap3A_299 = arith.constant 72 : index
    %swap3A_300 = arith.constant 0 : index
    %swap3A_301 = vector.load %arg3[%swap3A_299, %swap3A_300] : memref<512x128xf32, #tpu.memory_space<vmem>>, vector<1x128xf32>
    tpu.vector_store %arg3[%swap3A_299, %swap3A_300], %slice3A_298 {strides = array<i32>} : memref<512x128xf32, #tpu.memory_space<vmem>>, vector<1x128xf32>,
    %slice3A_302 = vector.extract_strided_slice %div3A_11 {offsets = [0, 9344], sizes = [1, 128], strides = [1, 1]} : vector<1x16384xf32> to vector<1x128xf32>
    %swap3A_303 = arith.constant 73 : index
    %swap3A_304 = arith.constant 0 : index
    %swap3A_305 = vector.load %arg3[%swap3A_303, %swap3A_304] : memref<512x128xf32, #tpu.memory_space<vmem>>, vector<1x128xf32>
    tpu.vector_store %arg3[%swap3A_303, %swap3A_304], %slice3A_302 {strides = array<i32>} : memref<512x128xf32, #tpu.memory_space<vmem>>, vector<1x128xf32>,
    %slice3A_306 = vector.extract_strided_slice %div3A_11 {offsets = [0, 9472], sizes = [1, 128], strides = [1, 1]} : vector<1x16384xf32> to vector<1x128xf32>
    %swap3A_307 = arith.constant 74 : index
    %swap3A_308 = arith.constant 0 : index
    %swap3A_309 = vector.load %arg3[%swap3A_307, %swap3A_308] : memref<512x128xf32, #tpu.memory_space<vmem>>, vector<1x128xf32>
    tpu.vector_store %arg3[%swap3A_307, %swap3A_308], %slice3A_306 {strides = array<i32>} : memref<512x128xf32, #tpu.memory_space<vmem>>, vector<1x128xf32>,
    %slice3A_310 = vector.extract_strided_slice %div3A_11 {offsets = [0, 9600], sizes = [1, 128], strides = [1, 1]} : vector<1x16384xf32> to vector<1x128xf32>
    %swap3A_311 = arith.constant 75 : index
    %swap3A_312 = arith.constant 0 : index
    %swap3A_313 = vector.load %arg3[%swap3A_311, %swap3A_312] : memref<512x128xf32, #tpu.memory_space<vmem>>, vector<1x128xf32>
    tpu.vector_store %arg3[%swap3A_311, %swap3A_312], %slice3A_310 {strides = array<i32>} : memref<512x128xf32, #tpu.memory_space<vmem>>, vector<1x128xf32>,
    %slice3A_314 = vector.extract_strided_slice %div3A_11 {offsets = [0, 9728], sizes = [1, 128], strides = [1, 1]} : vector<1x16384xf32> to vector<1x128xf32>
    %swap3A_315 = arith.constant 76 : index
    %swap3A_316 = arith.constant 0 : index
    %swap3A_317 = vector.load %arg3[%swap3A_315, %swap3A_316] : memref<512x128xf32, #tpu.memory_space<vmem>>, vector<1x128xf32>
    tpu.vector_store %arg3[%swap3A_315, %swap3A_316], %slice3A_314 {strides = array<i32>} : memref<512x128xf32, #tpu.memory_space<vmem>>, vector<1x128xf32>,
    %slice3A_318 = vector.extract_strided_slice %div3A_11 {offsets = [0, 9856], sizes = [1, 128], strides = [1, 1]} : vector<1x16384xf32> to vector<1x128xf32>
    %swap3A_319 = arith.constant 77 : index
    %swap3A_320 = arith.constant 0 : index
    %swap3A_321 = vector.load %arg3[%swap3A_319, %swap3A_320] : memref<512x128xf32, #tpu.memory_space<vmem>>, vector<1x128xf32>
    tpu.vector_store %arg3[%swap3A_319, %swap3A_320], %slice3A_318 {strides = array<i32>} : memref<512x128xf32, #tpu.memory_space<vmem>>, vector<1x128xf32>,
    %slice3A_322 = vector.extract_strided_slice %div3A_11 {offsets = [0, 9984], sizes = [1, 128], strides = [1, 1]} : vector<1x16384xf32> to vector<1x128xf32>
    %swap3A_323 = arith.constant 78 : index
    %swap3A_324 = arith.constant 0 : index
    %swap3A_325 = vector.load %arg3[%swap3A_323, %swap3A_324] : memref<512x128xf32, #tpu.memory_space<vmem>>, vector<1x128xf32>
    tpu.vector_store %arg3[%swap3A_323, %swap3A_324], %slice3A_322 {strides = array<i32>} : memref<512x128xf32, #tpu.memory_space<vmem>>, vector<1x128xf32>,
    %slice3A_326 = vector.extract_strided_slice %div3A_11 {offsets = [0, 10112], sizes = [1, 128], strides = [1, 1]} : vector<1x16384xf32> to vector<1x128xf32>
    %swap3A_327 = arith.constant 79 : index
    %swap3A_328 = arith.constant 0 : index
    %swap3A_329 = vector.load %arg3[%swap3A_327, %swap3A_328] : memref<512x128xf32, #tpu.memory_space<vmem>>, vector<1x128xf32>
    tpu.vector_store %arg3[%swap3A_327, %swap3A_328], %slice3A_326 {strides = array<i32>} : memref<512x128xf32, #tpu.memory_space<vmem>>, vector<1x128xf32>,
    %slice3A_330 = vector.extract_strided_slice %div3A_11 {offsets = [0, 10240], sizes = [1, 128], strides = [1, 1]} : vector<1x16384xf32> to vector<1x128xf32>
    %swap3A_331 = arith.constant 80 : index
    %swap3A_332 = arith.constant 0 : index
    %swap3A_333 = vector.load %arg3[%swap3A_331, %swap3A_332] : memref<512x128xf32, #tpu.memory_space<vmem>>, vector<1x128xf32>
    tpu.vector_store %arg3[%swap3A_331, %swap3A_332], %slice3A_330 {strides = array<i32>} : memref<512x128xf32, #tpu.memory_space<vmem>>, vector<1x128xf32>,
    %slice3A_334 = vector.extract_strided_slice %div3A_11 {offsets = [0, 10368], sizes = [1, 128], strides = [1, 1]} : vector<1x16384xf32> to vector<1x128xf32>
    %swap3A_335 = arith.constant 81 : index
    %swap3A_336 = arith.constant 0 : index
    %swap3A_337 = vector.load %arg3[%swap3A_335, %swap3A_336] : memref<512x128xf32, #tpu.memory_space<vmem>>, vector<1x128xf32>
    tpu.vector_store %arg3[%swap3A_335, %swap3A_336], %slice3A_334 {strides = array<i32>} : memref<512x128xf32, #tpu.memory_space<vmem>>, vector<1x128xf32>,
    %slice3A_338 = vector.extract_strided_slice %div3A_11 {offsets = [0, 10496], sizes = [1, 128], strides = [1, 1]} : vector<1x16384xf32> to vector<1x128xf32>
    %swap3A_339 = arith.constant 82 : index
    %swap3A_340 = arith.constant 0 : index
    %swap3A_341 = vector.load %arg3[%swap3A_339, %swap3A_340] : memref<512x128xf32, #tpu.memory_space<vmem>>, vector<1x128xf32>
    tpu.vector_store %arg3[%swap3A_339, %swap3A_340], %slice3A_338 {strides = array<i32>} : memref<512x128xf32, #tpu.memory_space<vmem>>, vector<1x128xf32>,
    %slice3A_342 = vector.extract_strided_slice %div3A_11 {offsets = [0, 10624], sizes = [1, 128], strides = [1, 1]} : vector<1x16384xf32> to vector<1x128xf32>
    %swap3A_343 = arith.constant 83 : index
    %swap3A_344 = arith.constant 0 : index
    %swap3A_345 = vector.load %arg3[%swap3A_343, %swap3A_344] : memref<512x128xf32, #tpu.memory_space<vmem>>, vector<1x128xf32>
    tpu.vector_store %arg3[%swap3A_343, %swap3A_344], %slice3A_342 {strides = array<i32>} : memref<512x128xf32, #tpu.memory_space<vmem>>, vector<1x128xf32>,
    %slice3A_346 = vector.extract_strided_slice %div3A_11 {offsets = [0, 10752], sizes = [1, 128], strides = [1, 1]} : vector<1x16384xf32> to vector<1x128xf32>
    %swap3A_347 = arith.constant 84 : index
    %swap3A_348 = arith.constant 0 : index
    %swap3A_349 = vector.load %arg3[%swap3A_347, %swap3A_348] : memref<512x128xf32, #tpu.memory_space<vmem>>, vector<1x128xf32>
    tpu.vector_store %arg3[%swap3A_347, %swap3A_348], %slice3A_346 {strides = array<i32>} : memref<512x128xf32, #tpu.memory_space<vmem>>, vector<1x128xf32>,
    %slice3A_350 = vector.extract_strided_slice %div3A_11 {offsets = [0, 10880], sizes = [1, 128], strides = [1, 1]} : vector<1x16384xf32> to vector<1x128xf32>
    %swap3A_351 = arith.constant 85 : index
    %swap3A_352 = arith.constant 0 : index
    %swap3A_353 = vector.load %arg3[%swap3A_351, %swap3A_352] : memref<512x128xf32, #tpu.memory_space<vmem>>, vector<1x128xf32>
    tpu.vector_store %arg3[%swap3A_351, %swap3A_352], %slice3A_350 {strides = array<i32>} : memref<512x128xf32, #tpu.memory_space<vmem>>, vector<1x128xf32>,
    %slice3A_354 = vector.extract_strided_slice %div3A_11 {offsets = [0, 11008], sizes = [1, 128], strides = [1, 1]} : vector<1x16384xf32> to vector<1x128xf32>
    %swap3A_355 = arith.constant 86 : index
    %swap3A_356 = arith.constant 0 : index
    %swap3A_357 = vector.load %arg3[%swap3A_355, %swap3A_356] : memref<512x128xf32, #tpu.memory_space<vmem>>, vector<1x128xf32>
    tpu.vector_store %arg3[%swap3A_355, %swap3A_356], %slice3A_354 {strides = array<i32>} : memref<512x128xf32, #tpu.memory_space<vmem>>, vector<1x128xf32>,
    %slice3A_358 = vector.extract_strided_slice %div3A_11 {offsets = [0, 11136], sizes = [1, 128], strides = [1, 1]} : vector<1x16384xf32> to vector<1x128xf32>
    %swap3A_359 = arith.constant 87 : index
    %swap3A_360 = arith.constant 0 : index
    %swap3A_361 = vector.load %arg3[%swap3A_359, %swap3A_360] : memref<512x128xf32, #tpu.memory_space<vmem>>, vector<1x128xf32>
    tpu.vector_store %arg3[%swap3A_359, %swap3A_360], %slice3A_358 {strides = array<i32>} : memref<512x128xf32, #tpu.memory_space<vmem>>, vector<1x128xf32>,
    %slice3A_362 = vector.extract_strided_slice %div3A_11 {offsets = [0, 11264], sizes = [1, 128], strides = [1, 1]} : vector<1x16384xf32> to vector<1x128xf32>
    %swap3A_363 = arith.constant 88 : index
    %swap3A_364 = arith.constant 0 : index
    %swap3A_365 = vector.load %arg3[%swap3A_363, %swap3A_364] : memref<512x128xf32, #tpu.memory_space<vmem>>, vector<1x128xf32>
    tpu.vector_store %arg3[%swap3A_363, %swap3A_364], %slice3A_362 {strides = array<i32>} : memref<512x128xf32, #tpu.memory_space<vmem>>, vector<1x128xf32>,
    %slice3A_366 = vector.extract_strided_slice %div3A_11 {offsets = [0, 11392], sizes = [1, 128], strides = [1, 1]} : vector<1x16384xf32> to vector<1x128xf32>
    %swap3A_367 = arith.constant 89 : index
    %swap3A_368 = arith.constant 0 : index
    %swap3A_369 = vector.load %arg3[%swap3A_367, %swap3A_368] : memref<512x128xf32, #tpu.memory_space<vmem>>, vector<1x128xf32>
    tpu.vector_store %arg3[%swap3A_367, %swap3A_368], %slice3A_366 {strides = array<i32>} : memref<512x128xf32, #tpu.memory_space<vmem>>, vector<1x128xf32>,
    %slice3A_370 = vector.extract_strided_slice %div3A_11 {offsets = [0, 11520], sizes = [1, 128], strides = [1, 1]} : vector<1x16384xf32> to vector<1x128xf32>
    %swap3A_371 = arith.constant 90 : index
    %swap3A_372 = arith.constant 0 : index
    %swap3A_373 = vector.load %arg3[%swap3A_371, %swap3A_372] : memref<512x128xf32, #tpu.memory_space<vmem>>, vector<1x128xf32>
    tpu.vector_store %arg3[%swap3A_371, %swap3A_372], %slice3A_370 {strides = array<i32>} : memref<512x128xf32, #tpu.memory_space<vmem>>, vector<1x128xf32>,
    %slice3A_374 = vector.extract_strided_slice %div3A_11 {offsets = [0, 11648], sizes = [1, 128], strides = [1, 1]} : vector<1x16384xf32> to vector<1x128xf32>
    %swap3A_375 = arith.constant 91 : index
    %swap3A_376 = arith.constant 0 : index
    %swap3A_377 = vector.load %arg3[%swap3A_375, %swap3A_376] : memref<512x128xf32, #tpu.memory_space<vmem>>, vector<1x128xf32>
    tpu.vector_store %arg3[%swap3A_375, %swap3A_376], %slice3A_374 {strides = array<i32>} : memref<512x128xf32, #tpu.memory_space<vmem>>, vector<1x128xf32>,
    %slice3A_378 = vector.extract_strided_slice %div3A_11 {offsets = [0, 11776], sizes = [1, 128], strides = [1, 1]} : vector<1x16384xf32> to vector<1x128xf32>
    %swap3A_379 = arith.constant 92 : index
    %swap3A_380 = arith.constant 0 : index
    %swap3A_381 = vector.load %arg3[%swap3A_379, %swap3A_380] : memref<512x128xf32, #tpu.memory_space<vmem>>, vector<1x128xf32>
    tpu.vector_store %arg3[%swap3A_379, %swap3A_380], %slice3A_378 {strides = array<i32>} : memref<512x128xf32, #tpu.memory_space<vmem>>, vector<1x128xf32>,
    %slice3A_382 = vector.extract_strided_slice %div3A_11 {offsets = [0, 11904], sizes = [1, 128], strides = [1, 1]} : vector<1x16384xf32> to vector<1x128xf32>
    %swap3A_383 = arith.constant 93 : index
    %swap3A_384 = arith.constant 0 : index
    %swap3A_385 = vector.load %arg3[%swap3A_383, %swap3A_384] : memref<512x128xf32, #tpu.memory_space<vmem>>, vector<1x128xf32>
    tpu.vector_store %arg3[%swap3A_383, %swap3A_384], %slice3A_382 {strides = array<i32>} : memref<512x128xf32, #tpu.memory_space<vmem>>, vector<1x128xf32>,
    %slice3A_386 = vector.extract_strided_slice %div3A_11 {offsets = [0, 12032], sizes = [1, 128], strides = [1, 1]} : vector<1x16384xf32> to vector<1x128xf32>
    %swap3A_387 = arith.constant 94 : index
    %swap3A_388 = arith.constant 0 : index
    %swap3A_389 = vector.load %arg3[%swap3A_387, %swap3A_388] : memref<512x128xf32, #tpu.memory_space<vmem>>, vector<1x128xf32>
    tpu.vector_store %arg3[%swap3A_387, %swap3A_388], %slice3A_386 {strides = array<i32>} : memref<512x128xf32, #tpu.memory_space<vmem>>, vector<1x128xf32>,
    %slice3A_390 = vector.extract_strided_slice %div3A_11 {offsets = [0, 12160], sizes = [1, 128], strides = [1, 1]} : vector<1x16384xf32> to vector<1x128xf32>
    %swap3A_391 = arith.constant 95 : index
    %swap3A_392 = arith.constant 0 : index
    %swap3A_393 = vector.load %arg3[%swap3A_391, %swap3A_392] : memref<512x128xf32, #tpu.memory_space<vmem>>, vector<1x128xf32>
    tpu.vector_store %arg3[%swap3A_391, %swap3A_392], %slice3A_390 {strides = array<i32>} : memref<512x128xf32, #tpu.memory_space<vmem>>, vector<1x128xf32>,
    %slice3A_394 = vector.extract_strided_slice %div3A_11 {offsets = [0, 12288], sizes = [1, 128], strides = [1, 1]} : vector<1x16384xf32> to vector<1x128xf32>
    %swap3A_395 = arith.constant 96 : index
    %swap3A_396 = arith.constant 0 : index
    %swap3A_397 = vector.load %arg3[%swap3A_395, %swap3A_396] : memref<512x128xf32, #tpu.memory_space<vmem>>, vector<1x128xf32>
    tpu.vector_store %arg3[%swap3A_395, %swap3A_396], %slice3A_394 {strides = array<i32>} : memref<512x128xf32, #tpu.memory_space<vmem>>, vector<1x128xf32>,
    %slice3A_398 = vector.extract_strided_slice %div3A_11 {offsets = [0, 12416], sizes = [1, 128], strides = [1, 1]} : vector<1x16384xf32> to vector<1x128xf32>
    %swap3A_399 = arith.constant 97 : index
    %swap3A_400 = arith.constant 0 : index
    %swap3A_401 = vector.load %arg3[%swap3A_399, %swap3A_400] : memref<512x128xf32, #tpu.memory_space<vmem>>, vector<1x128xf32>
    tpu.vector_store %arg3[%swap3A_399, %swap3A_400], %slice3A_398 {strides = array<i32>} : memref<512x128xf32, #tpu.memory_space<vmem>>, vector<1x128xf32>,
    %slice3A_402 = vector.extract_strided_slice %div3A_11 {offsets = [0, 12544], sizes = [1, 128], strides = [1, 1]} : vector<1x16384xf32> to vector<1x128xf32>
    %swap3A_403 = arith.constant 98 : index
    %swap3A_404 = arith.constant 0 : index
    %swap3A_405 = vector.load %arg3[%swap3A_403, %swap3A_404] : memref<512x128xf32, #tpu.memory_space<vmem>>, vector<1x128xf32>
    tpu.vector_store %arg3[%swap3A_403, %swap3A_404], %slice3A_402 {strides = array<i32>} : memref<512x128xf32, #tpu.memory_space<vmem>>, vector<1x128xf32>,
    %slice3A_406 = vector.extract_strided_slice %div3A_11 {offsets = [0, 12672], sizes = [1, 128], strides = [1, 1]} : vector<1x16384xf32> to vector<1x128xf32>
    %swap3A_407 = arith.constant 99 : index
    %swap3A_408 = arith.constant 0 : index
    %swap3A_409 = vector.load %arg3[%swap3A_407, %swap3A_408] : memref<512x128xf32, #tpu.memory_space<vmem>>, vector<1x128xf32>
    tpu.vector_store %arg3[%swap3A_407, %swap3A_408], %slice3A_406 {strides = array<i32>} : memref<512x128xf32, #tpu.memory_space<vmem>>, vector<1x128xf32>,
    %slice3A_410 = vector.extract_strided_slice %div3A_11 {offsets = [0, 12800], sizes = [1, 128], strides = [1, 1]} : vector<1x16384xf32> to vector<1x128xf32>
    %swap3A_411 = arith.constant 100 : index
    %swap3A_412 = arith.constant 0 : index
    %swap3A_413 = vector.load %arg3[%swap3A_411, %swap3A_412] : memref<512x128xf32, #tpu.memory_space<vmem>>, vector<1x128xf32>
    tpu.vector_store %arg3[%swap3A_411, %swap3A_412], %slice3A_410 {strides = array<i32>} : memref<512x128xf32, #tpu.memory_space<vmem>>, vector<1x128xf32>,
    %slice3A_414 = vector.extract_strided_slice %div3A_11 {offsets = [0, 12928], sizes = [1, 128], strides = [1, 1]} : vector<1x16384xf32> to vector<1x128xf32>
    %swap3A_415 = arith.constant 101 : index
    %swap3A_416 = arith.constant 0 : index
    %swap3A_417 = vector.load %arg3[%swap3A_415, %swap3A_416] : memref<512x128xf32, #tpu.memory_space<vmem>>, vector<1x128xf32>
    tpu.vector_store %arg3[%swap3A_415, %swap3A_416], %slice3A_414 {strides = array<i32>} : memref<512x128xf32, #tpu.memory_space<vmem>>, vector<1x128xf32>,
    %slice3A_418 = vector.extract_strided_slice %div3A_11 {offsets = [0, 13056], sizes = [1, 128], strides = [1, 1]} : vector<1x16384xf32> to vector<1x128xf32>
    %swap3A_419 = arith.constant 102 : index
    %swap3A_420 = arith.constant 0 : index
    %swap3A_421 = vector.load %arg3[%swap3A_419, %swap3A_420] : memref<512x128xf32, #tpu.memory_space<vmem>>, vector<1x128xf32>
    tpu.vector_store %arg3[%swap3A_419, %swap3A_420], %slice3A_418 {strides = array<i32>} : memref<512x128xf32, #tpu.memory_space<vmem>>, vector<1x128xf32>,
    %slice3A_422 = vector.extract_strided_slice %div3A_11 {offsets = [0, 13184], sizes = [1, 128], strides = [1, 1]} : vector<1x16384xf32> to vector<1x128xf32>
    %swap3A_423 = arith.constant 103 : index
    %swap3A_424 = arith.constant 0 : index
    %swap3A_425 = vector.load %arg3[%swap3A_423, %swap3A_424] : memref<512x128xf32, #tpu.memory_space<vmem>>, vector<1x128xf32>
    tpu.vector_store %arg3[%swap3A_423, %swap3A_424], %slice3A_422 {strides = array<i32>} : memref<512x128xf32, #tpu.memory_space<vmem>>, vector<1x128xf32>,
    %slice3A_426 = vector.extract_strided_slice %div3A_11 {offsets = [0, 13312], sizes = [1, 128], strides = [1, 1]} : vector<1x16384xf32> to vector<1x128xf32>
    %swap3A_427 = arith.constant 104 : index
    %swap3A_428 = arith.constant 0 : index
    %swap3A_429 = vector.load %arg3[%swap3A_427, %swap3A_428] : memref<512x128xf32, #tpu.memory_space<vmem>>, vector<1x128xf32>
    tpu.vector_store %arg3[%swap3A_427, %swap3A_428], %slice3A_426 {strides = array<i32>} : memref<512x128xf32, #tpu.memory_space<vmem>>, vector<1x128xf32>,
    %slice3A_430 = vector.extract_strided_slice %div3A_11 {offsets = [0, 13440], sizes = [1, 128], strides = [1, 1]} : vector<1x16384xf32> to vector<1x128xf32>
    %swap3A_431 = arith.constant 105 : index
    %swap3A_432 = arith.constant 0 : index
    %swap3A_433 = vector.load %arg3[%swap3A_431, %swap3A_432] : memref<512x128xf32, #tpu.memory_space<vmem>>, vector<1x128xf32>
    tpu.vector_store %arg3[%swap3A_431, %swap3A_432], %slice3A_430 {strides = array<i32>} : memref<512x128xf32, #tpu.memory_space<vmem>>, vector<1x128xf32>,
    %slice3A_434 = vector.extract_strided_slice %div3A_11 {offsets = [0, 13568], sizes = [1, 128], strides = [1, 1]} : vector<1x16384xf32> to vector<1x128xf32>
    %swap3A_435 = arith.constant 106 : index
    %swap3A_436 = arith.constant 0 : index
    %swap3A_437 = vector.load %arg3[%swap3A_435, %swap3A_436] : memref<512x128xf32, #tpu.memory_space<vmem>>, vector<1x128xf32>
    tpu.vector_store %arg3[%swap3A_435, %swap3A_436], %slice3A_434 {strides = array<i32>} : memref<512x128xf32, #tpu.memory_space<vmem>>, vector<1x128xf32>,
    %slice3A_438 = vector.extract_strided_slice %div3A_11 {offsets = [0, 13696], sizes = [1, 128], strides = [1, 1]} : vector<1x16384xf32> to vector<1x128xf32>
    %swap3A_439 = arith.constant 107 : index
    %swap3A_440 = arith.constant 0 : index
    %swap3A_441 = vector.load %arg3[%swap3A_439, %swap3A_440] : memref<512x128xf32, #tpu.memory_space<vmem>>, vector<1x128xf32>
    tpu.vector_store %arg3[%swap3A_439, %swap3A_440], %slice3A_438 {strides = array<i32>} : memref<512x128xf32, #tpu.memory_space<vmem>>, vector<1x128xf32>,
    %slice3A_442 = vector.extract_strided_slice %div3A_11 {offsets = [0, 13824], sizes = [1, 128], strides = [1, 1]} : vector<1x16384xf32> to vector<1x128xf32>
    %swap3A_443 = arith.constant 108 : index
    %swap3A_444 = arith.constant 0 : index
    %swap3A_445 = vector.load %arg3[%swap3A_443, %swap3A_444] : memref<512x128xf32, #tpu.memory_space<vmem>>, vector<1x128xf32>
    tpu.vector_store %arg3[%swap3A_443, %swap3A_444], %slice3A_442 {strides = array<i32>} : memref<512x128xf32, #tpu.memory_space<vmem>>, vector<1x128xf32>,
    %slice3A_446 = vector.extract_strided_slice %div3A_11 {offsets = [0, 13952], sizes = [1, 128], strides = [1, 1]} : vector<1x16384xf32> to vector<1x128xf32>
    %swap3A_447 = arith.constant 109 : index
    %swap3A_448 = arith.constant 0 : index
    %swap3A_449 = vector.load %arg3[%swap3A_447, %swap3A_448] : memref<512x128xf32, #tpu.memory_space<vmem>>, vector<1x128xf32>
    tpu.vector_store %arg3[%swap3A_447, %swap3A_448], %slice3A_446 {strides = array<i32>} : memref<512x128xf32, #tpu.memory_space<vmem>>, vector<1x128xf32>,
    %slice3A_450 = vector.extract_strided_slice %div3A_11 {offsets = [0, 14080], sizes = [1, 128], strides = [1, 1]} : vector<1x16384xf32> to vector<1x128xf32>
    %swap3A_451 = arith.constant 110 : index
    %swap3A_452 = arith.constant 0 : index
    %swap3A_453 = vector.load %arg3[%swap3A_451, %swap3A_452] : memref<512x128xf32, #tpu.memory_space<vmem>>, vector<1x128xf32>
    tpu.vector_store %arg3[%swap3A_451, %swap3A_452], %slice3A_450 {strides = array<i32>} : memref<512x128xf32, #tpu.memory_space<vmem>>, vector<1x128xf32>,
    %slice3A_454 = vector.extract_strided_slice %div3A_11 {offsets = [0, 14208], sizes = [1, 128], strides = [1, 1]} : vector<1x16384xf32> to vector<1x128xf32>
    %swap3A_455 = arith.constant 111 : index
    %swap3A_456 = arith.constant 0 : index
    %swap3A_457 = vector.load %arg3[%swap3A_455, %swap3A_456] : memref<512x128xf32, #tpu.memory_space<vmem>>, vector<1x128xf32>
    tpu.vector_store %arg3[%swap3A_455, %swap3A_456], %slice3A_454 {strides = array<i32>} : memref<512x128xf32, #tpu.memory_space<vmem>>, vector<1x128xf32>,
    %slice3A_458 = vector.extract_strided_slice %div3A_11 {offsets = [0, 14336], sizes = [1, 128], strides = [1, 1]} : vector<1x16384xf32> to vector<1x128xf32>
    %swap3A_459 = arith.constant 112 : index
    %swap3A_460 = arith.constant 0 : index
    %swap3A_461 = vector.load %arg3[%swap3A_459, %swap3A_460] : memref<512x128xf32, #tpu.memory_space<vmem>>, vector<1x128xf32>
    tpu.vector_store %arg3[%swap3A_459, %swap3A_460], %slice3A_458 {strides = array<i32>} : memref<512x128xf32, #tpu.memory_space<vmem>>, vector<1x128xf32>,
    %slice3A_462 = vector.extract_strided_slice %div3A_11 {offsets = [0, 14464], sizes = [1, 128], strides = [1, 1]} : vector<1x16384xf32> to vector<1x128xf32>
    %swap3A_463 = arith.constant 113 : index
    %swap3A_464 = arith.constant 0 : index
    %swap3A_465 = vector.load %arg3[%swap3A_463, %swap3A_464] : memref<512x128xf32, #tpu.memory_space<vmem>>, vector<1x128xf32>
    tpu.vector_store %arg3[%swap3A_463, %swap3A_464], %slice3A_462 {strides = array<i32>} : memref<512x128xf32, #tpu.memory_space<vmem>>, vector<1x128xf32>,
    %slice3A_466 = vector.extract_strided_slice %div3A_11 {offsets = [0, 14592], sizes = [1, 128], strides = [1, 1]} : vector<1x16384xf32> to vector<1x128xf32>
    %swap3A_467 = arith.constant 114 : index
    %swap3A_468 = arith.constant 0 : index
    %swap3A_469 = vector.load %arg3[%swap3A_467, %swap3A_468] : memref<512x128xf32, #tpu.memory_space<vmem>>, vector<1x128xf32>
    tpu.vector_store %arg3[%swap3A_467, %swap3A_468], %slice3A_466 {strides = array<i32>} : memref<512x128xf32, #tpu.memory_space<vmem>>, vector<1x128xf32>,
    %slice3A_470 = vector.extract_strided_slice %div3A_11 {offsets = [0, 14720], sizes = [1, 128], strides = [1, 1]} : vector<1x16384xf32> to vector<1x128xf32>
    %swap3A_471 = arith.constant 115 : index
    %swap3A_472 = arith.constant 0 : index
    %swap3A_473 = vector.load %arg3[%swap3A_471, %swap3A_472] : memref<512x128xf32, #tpu.memory_space<vmem>>, vector<1x128xf32>
    tpu.vector_store %arg3[%swap3A_471, %swap3A_472], %slice3A_470 {strides = array<i32>} : memref<512x128xf32, #tpu.memory_space<vmem>>, vector<1x128xf32>,
    %slice3A_474 = vector.extract_strided_slice %div3A_11 {offsets = [0, 14848], sizes = [1, 128], strides = [1, 1]} : vector<1x16384xf32> to vector<1x128xf32>
    %swap3A_475 = arith.constant 116 : index
    %swap3A_476 = arith.constant 0 : index
    %swap3A_477 = vector.load %arg3[%swap3A_475, %swap3A_476] : memref<512x128xf32, #tpu.memory_space<vmem>>, vector<1x128xf32>
    tpu.vector_store %arg3[%swap3A_475, %swap3A_476], %slice3A_474 {strides = array<i32>} : memref<512x128xf32, #tpu.memory_space<vmem>>, vector<1x128xf32>,
    %slice3A_478 = vector.extract_strided_slice %div3A_11 {offsets = [0, 14976], sizes = [1, 128], strides = [1, 1]} : vector<1x16384xf32> to vector<1x128xf32>
    %swap3A_479 = arith.constant 117 : index
    %swap3A_480 = arith.constant 0 : index
    %swap3A_481 = vector.load %arg3[%swap3A_479, %swap3A_480] : memref<512x128xf32, #tpu.memory_space<vmem>>, vector<1x128xf32>
    tpu.vector_store %arg3[%swap3A_479, %swap3A_480], %slice3A_478 {strides = array<i32>} : memref<512x128xf32, #tpu.memory_space<vmem>>, vector<1x128xf32>,
    %slice3A_482 = vector.extract_strided_slice %div3A_11 {offsets = [0, 15104], sizes = [1, 128], strides = [1, 1]} : vector<1x16384xf32> to vector<1x128xf32>
    %swap3A_483 = arith.constant 118 : index
    %swap3A_484 = arith.constant 0 : index
    %swap3A_485 = vector.load %arg3[%swap3A_483, %swap3A_484] : memref<512x128xf32, #tpu.memory_space<vmem>>, vector<1x128xf32>
    tpu.vector_store %arg3[%swap3A_483, %swap3A_484], %slice3A_482 {strides = array<i32>} : memref<512x128xf32, #tpu.memory_space<vmem>>, vector<1x128xf32>,
    %slice3A_486 = vector.extract_strided_slice %div3A_11 {offsets = [0, 15232], sizes = [1, 128], strides = [1, 1]} : vector<1x16384xf32> to vector<1x128xf32>
    %swap3A_487 = arith.constant 119 : index
    %swap3A_488 = arith.constant 0 : index
    %swap3A_489 = vector.load %arg3[%swap3A_487, %swap3A_488] : memref<512x128xf32, #tpu.memory_space<vmem>>, vector<1x128xf32>
    tpu.vector_store %arg3[%swap3A_487, %swap3A_488], %slice3A_486 {strides = array<i32>} : memref<512x128xf32, #tpu.memory_space<vmem>>, vector<1x128xf32>,
    %slice3A_490 = vector.extract_strided_slice %div3A_11 {offsets = [0, 15360], sizes = [1, 128], strides = [1, 1]} : vector<1x16384xf32> to vector<1x128xf32>
    %swap3A_491 = arith.constant 120 : index
    %swap3A_492 = arith.constant 0 : index
    %swap3A_493 = vector.load %arg3[%swap3A_491, %swap3A_492] : memref<512x128xf32, #tpu.memory_space<vmem>>, vector<1x128xf32>
    tpu.vector_store %arg3[%swap3A_491, %swap3A_492], %slice3A_490 {strides = array<i32>} : memref<512x128xf32, #tpu.memory_space<vmem>>, vector<1x128xf32>,
    %slice3A_494 = vector.extract_strided_slice %div3A_11 {offsets = [0, 15488], sizes = [1, 128], strides = [1, 1]} : vector<1x16384xf32> to vector<1x128xf32>
    %swap3A_495 = arith.constant 121 : index
    %swap3A_496 = arith.constant 0 : index
    %swap3A_497 = vector.load %arg3[%swap3A_495, %swap3A_496] : memref<512x128xf32, #tpu.memory_space<vmem>>, vector<1x128xf32>
    tpu.vector_store %arg3[%swap3A_495, %swap3A_496], %slice3A_494 {strides = array<i32>} : memref<512x128xf32, #tpu.memory_space<vmem>>, vector<1x128xf32>,
    %slice3A_498 = vector.extract_strided_slice %div3A_11 {offsets = [0, 15616], sizes = [1, 128], strides = [1, 1]} : vector<1x16384xf32> to vector<1x128xf32>
    %swap3A_499 = arith.constant 122 : index
    %swap3A_500 = arith.constant 0 : index
    %swap3A_501 = vector.load %arg3[%swap3A_499, %swap3A_500] : memref<512x128xf32, #tpu.memory_space<vmem>>, vector<1x128xf32>
    tpu.vector_store %arg3[%swap3A_499, %swap3A_500], %slice3A_498 {strides = array<i32>} : memref<512x128xf32, #tpu.memory_space<vmem>>, vector<1x128xf32>,
    %slice3A_502 = vector.extract_strided_slice %div3A_11 {offsets = [0, 15744], sizes = [1, 128], strides = [1, 1]} : vector<1x16384xf32> to vector<1x128xf32>
    %swap3A_503 = arith.constant 123 : index
    %swap3A_504 = arith.constant 0 : index
    %swap3A_505 = vector.load %arg3[%swap3A_503, %swap3A_504] : memref<512x128xf32, #tpu.memory_space<vmem>>, vector<1x128xf32>
    tpu.vector_store %arg3[%swap3A_503, %swap3A_504], %slice3A_502 {strides = array<i32>} : memref<512x128xf32, #tpu.memory_space<vmem>>, vector<1x128xf32>,
    %slice3A_506 = vector.extract_strided_slice %div3A_11 {offsets = [0, 15872], sizes = [1, 128], strides = [1, 1]} : vector<1x16384xf32> to vector<1x128xf32>
    %swap3A_507 = arith.constant 124 : index
    %swap3A_508 = arith.constant 0 : index
    %swap3A_509 = vector.load %arg3[%swap3A_507, %swap3A_508] : memref<512x128xf32, #tpu.memory_space<vmem>>, vector<1x128xf32>
    tpu.vector_store %arg3[%swap3A_507, %swap3A_508], %slice3A_506 {strides = array<i32>} : memref<512x128xf32, #tpu.memory_space<vmem>>, vector<1x128xf32>,
    %slice3A_510 = vector.extract_strided_slice %div3A_11 {offsets = [0, 16000], sizes = [1, 128], strides = [1, 1]} : vector<1x16384xf32> to vector<1x128xf32>
    %swap3A_511 = arith.constant 125 : index
    %swap3A_512 = arith.constant 0 : index
    %swap3A_513 = vector.load %arg3[%swap3A_511, %swap3A_512] : memref<512x128xf32, #tpu.memory_space<vmem>>, vector<1x128xf32>
    tpu.vector_store %arg3[%swap3A_511, %swap3A_512], %slice3A_510 {strides = array<i32>} : memref<512x128xf32, #tpu.memory_space<vmem>>, vector<1x128xf32>,
    %slice3A_514 = vector.extract_strided_slice %div3A_11 {offsets = [0, 16128], sizes = [1, 128], strides = [1, 1]} : vector<1x16384xf32> to vector<1x128xf32>
    %swap3A_515 = arith.constant 126 : index
    %swap3A_516 = arith.constant 0 : index
    %swap3A_517 = vector.load %arg3[%swap3A_515, %swap3A_516] : memref<512x128xf32, #tpu.memory_space<vmem>>, vector<1x128xf32>
    tpu.vector_store %arg3[%swap3A_515, %swap3A_516], %slice3A_514 {strides = array<i32>} : memref<512x128xf32, #tpu.memory_space<vmem>>, vector<1x128xf32>,
    %slice3A_518 = vector.extract_strided_slice %div3A_11 {offsets = [0, 16256], sizes = [1, 128], strides = [1, 1]} : vector<1x16384xf32> to vector<1x128xf32>
    %swap3A_519 = arith.constant 127 : index
    %swap3A_520 = arith.constant 0 : index
    %swap3A_521 = vector.load %arg3[%swap3A_519, %swap3A_520] : memref<512x128xf32, #tpu.memory_space<vmem>>, vector<1x128xf32>
    tpu.vector_store %arg3[%swap3A_519, %swap3A_520], %slice3A_518 {strides = array<i32>} : memref<512x128xf32, #tpu.memory_space<vmem>>, vector<1x128xf32>,
    %get3A_522 = arith.constant 0 : index
    %get3A_523 = arith.constant 16384 : index
    %get3A_524 = vector.load %arg2[%get3A_522, %get3A_523] : memref<32x65536xf32, #tpu.memory_space<vmem>>, vector<32x16384xf32>
    %dot_general3A_525 = arith.constant dense<0.000000e+00> : vector<1x16384xf32>
    %dot_general3A_526 = tpu.matmul %get3A_1, %get3A_524, %dot_general3A_525 {dimension_numbers = #tpu.dot_dimension_numbers<[1], [0], [0], [1], [0, 0, 1, 1], [], []>, transpose_lhs_hint = false} : vector<1x32xf32>, vector<32x16384xf32>, vector<1x16384xf32> -> vector<1x16384xf32>
    %neg3A_527 = arith.constant 0.000000e+00 : f32
    %neg3A_528 = vector.broadcast %neg3A_527 : f32 to vector<1x16384xf32>
    %neg3A_529 = arith.subf %neg3A_528, %dot_general3A_526 : vector<1x16384xf32>
    %exp3A_530 = math.exp %neg3A_529 : vector<1x16384xf32>
    %add3A_531 = arith.constant 1.000000e+00 : f32
    %add3A_532 = vector.broadcast %add3A_531 : f32 to vector<1x16384xf32>
    %add3A_533 = arith.addf %add3A_532, %exp3A_530 : vector<1x16384xf32>
    %div3A_534 = arith.constant 1.000000e+00 : f32
    %div3A_535 = vector.broadcast %div3A_534 : f32 to vector<1x16384xf32>
    %div3A_536 = arith.divf %div3A_535, %add3A_533 : vector<1x16384xf32>
    %slice3A_537 = vector.extract_strided_slice %div3A_536 {offsets = [0, 0], sizes = [1, 128], strides = [1, 1]} : vector<1x16384xf32> to vector<1x128xf32>
    %swap3A_538 = arith.constant 128 : index
    %swap3A_539 = arith.constant 0 : index
    %swap3A_540 = vector.load %arg3[%swap3A_538, %swap3A_539] : memref<512x128xf32, #tpu.memory_space<vmem>>, vector<1x128xf32>
    tpu.vector_store %arg3[%swap3A_538, %swap3A_539], %slice3A_537 {strides = array<i32>} : memref<512x128xf32, #tpu.memory_space<vmem>>, vector<1x128xf32>,
    %slice3A_541 = vector.extract_strided_slice %div3A_536 {offsets = [0, 128], sizes = [1, 128], strides = [1, 1]} : vector<1x16384xf32> to vector<1x128xf32>
    %swap3A_542 = arith.constant 129 : index
    %swap3A_543 = arith.constant 0 : index
    %swap3A_544 = vector.load %arg3[%swap3A_542, %swap3A_543] : memref<512x128xf32, #tpu.memory_space<vmem>>, vector<1x128xf32>
    tpu.vector_store %arg3[%swap3A_542, %swap3A_543], %slice3A_541 {strides = array<i32>} : memref<512x128xf32, #tpu.memory_space<vmem>>, vector<1x128xf32>,
    %slice3A_545 = vector.extract_strided_slice %div3A_536 {offsets = [0, 256], sizes = [1, 128], strides = [1, 1]} : vector<1x16384xf32> to vector<1x128xf32>
    %swap3A_546 = arith.constant 130 : index
    %swap3A_547 = arith.constant 0 : index
    %swap3A_548 = vector.load %arg3[%swap3A_546, %swap3A_547] : memref<512x128xf32, #tpu.memory_space<vmem>>, vector<1x128xf32>
    tpu.vector_store %arg3[%swap3A_546, %swap3A_547], %slice3A_545 {strides = array<i32>} : memref<512x128xf32, #tpu.memory_space<vmem>>, vector<1x128xf32>,
    %slice3A_549 = vector.extract_strided_slice %div3A_536 {offsets = [0, 384], sizes = [1, 128], strides = [1, 1]} : vector<1x16384xf32> to vector<1x128xf32>
    %swap3A_550 = arith.constant 131 : index
    %swap3A_551 = arith.constant 0 : index
    %swap3A_552 = vector.load %arg3[%swap3A_550, %swap3A_551] : memref<512x128xf32, #tpu.memory_space<vmem>>, vector<1x128xf32>
    tpu.vector_store %arg3[%swap3A_550, %swap3A_551], %slice3A_549 {strides = array<i32>} : memref<512x128xf32, #tpu.memory_space<vmem>>, vector<1x128xf32>,
    %slice3A_553 = vector.extract_strided_slice %div3A_536 {offsets = [0, 512], sizes = [1, 128], strides = [1, 1]} : vector<1x16384xf32> to vector<1x128xf32>
    %swap3A_554 = arith.constant 132 : index
    %swap3A_555 = arith.constant 0 : index
    %swap3A_556 = vector.load %arg3[%swap3A_554, %swap3A_555] : memref<512x128xf32, #tpu.memory_space<vmem>>, vector<1x128xf32>
    tpu.vector_store %arg3[%swap3A_554, %swap3A_555], %slice3A_553 {strides = array<i32>} : memref<512x128xf32, #tpu.memory_space<vmem>>, vector<1x128xf32>,
    %slice3A_557 = vector.extract_strided_slice %div3A_536 {offsets = [0, 640], sizes = [1, 128], strides = [1, 1]} : vector<1x16384xf32> to vector<1x128xf32>
    %swap3A_558 = arith.constant 133 : index
    %swap3A_559 = arith.constant 0 : index
    %swap3A_560 = vector.load %arg3[%swap3A_558, %swap3A_559] : memref<512x128xf32, #tpu.memory_space<vmem>>, vector<1x128xf32>
    tpu.vector_store %arg3[%swap3A_558, %swap3A_559], %slice3A_557 {strides = array<i32>} : memref<512x128xf32, #tpu.memory_space<vmem>>, vector<1x128xf32>,
    %slice3A_561 = vector.extract_strided_slice %div3A_536 {offsets = [0, 768], sizes = [1, 128], strides = [1, 1]} : vector<1x16384xf32> to vector<1x128xf32>
    %swap3A_562 = arith.constant 134 : index
    %swap3A_563 = arith.constant 0 : index
    %swap3A_564 = vector.load %arg3[%swap3A_562, %swap3A_563] : memref<512x128xf32, #tpu.memory_space<vmem>>, vector<1x128xf32>
    tpu.vector_store %arg3[%swap3A_562, %swap3A_563], %slice3A_561 {strides = array<i32>} : memref<512x128xf32, #tpu.memory_space<vmem>>, vector<1x128xf32>,
    %slice3A_565 = vector.extract_strided_slice %div3A_536 {offsets = [0, 896], sizes = [1, 128], strides = [1, 1]} : vector<1x16384xf32> to vector<1x128xf32>
    %swap3A_566 = arith.constant 135 : index
    %swap3A_567 = arith.constant 0 : index
    %swap3A_568 = vector.load %arg3[%swap3A_566, %swap3A_567] : memref<512x128xf32, #tpu.memory_space<vmem>>, vector<1x128xf32>
    tpu.vector_store %arg3[%swap3A_566, %swap3A_567], %slice3A_565 {strides = array<i32>} : memref<512x128xf32, #tpu.memory_space<vmem>>, vector<1x128xf32>,
    %slice3A_569 = vector.extract_strided_slice %div3A_536 {offsets = [0, 1024], sizes = [1, 128], strides = [1, 1]} : vector<1x16384xf32> to vector<1x128xf32>
    %swap3A_570 = arith.constant 136 : index
    %swap3A_571 = arith.constant 0 : index
    %swap3A_572 = vector.load %arg3[%swap3A_570, %swap3A_571] : memref<512x128xf32, #tpu.memory_space<vmem>>, vector<1x128xf32>
    tpu.vector_store %arg3[%swap3A_570, %swap3A_571], %slice3A_569 {strides = array<i32>} : memref<512x128xf32, #tpu.memory_space<vmem>>, vector<1x128xf32>,
    %slice3A_573 = vector.extract_strided_slice %div3A_536 {offsets = [0, 1152], sizes = [1, 128], strides = [1, 1]} : vector<1x16384xf32> to vector<1x128xf32>
    %swap3A_574 = arith.constant 137 : index
    %swap3A_575 = arith.constant 0 : index
    %swap3A_576 = vector.load %arg3[%swap3A_574, %swap3A_575] : memref<512x128xf32, #tpu.memory_space<vmem>>, vector<1x128xf32>
    tpu.vector_store %arg3[%swap3A_574, %swap3A_575], %slice3A_573 {strides = array<i32>} : memref<512x128xf32, #tpu.memory_space<vmem>>, vector<1x128xf32>,
    %slice3A_577 = vector.extract_strided_slice %div3A_536 {offsets = [0, 1280], sizes = [1, 128], strides = [1, 1]} : vector<1x16384xf32> to vector<1x128xf32>
    %swap3A_578 = arith.constant 138 : index
    %swap3A_579 = arith.constant 0 : index
    %swap3A_580 = vector.load %arg3[%swap3A_578, %swap3A_579] : memref<512x128xf32, #tpu.memory_space<vmem>>, vector<1x128xf32>
    tpu.vector_store %arg3[%swap3A_578, %swap3A_579], %slice3A_577 {strides = array<i32>} : memref<512x128xf32, #tpu.memory_space<vmem>>, vector<1x128xf32>,
    %slice3A_581 = vector.extract_strided_slice %div3A_536 {offsets = [0, 1408], sizes = [1, 128], strides = [1, 1]} : vector<1x16384xf32> to vector<1x128xf32>
    %swap3A_582 = arith.constant 139 : index
    %swap3A_583 = arith.constant 0 : index
    %swap3A_584 = vector.load %arg3[%swap3A_582, %swap3A_583] : memref<512x128xf32, #tpu.memory_space<vmem>>, vector<1x128xf32>
    tpu.vector_store %arg3[%swap3A_582, %swap3A_583], %slice3A_581 {strides = array<i32>} : memref<512x128xf32, #tpu.memory_space<vmem>>, vector<1x128xf32>,
    %slice3A_585 = vector.extract_strided_slice %div3A_536 {offsets = [0, 1536], sizes = [1, 128], strides = [1, 1]} : vector<1x16384xf32> to vector<1x128xf32>
    %swap3A_586 = arith.constant 140 : index
    %swap3A_587 = arith.constant 0 : index
    %swap3A_588 = vector.load %arg3[%swap3A_586, %swap3A_587] : memref<512x128xf32, #tpu.memory_space<vmem>>, vector<1x128xf32>
    tpu.vector_store %arg3[%swap3A_586, %swap3A_587], %slice3A_585 {strides = array<i32>} : memref<512x128xf32, #tpu.memory_space<vmem>>, vector<1x128xf32>,
    %slice3A_589 = vector.extract_strided_slice %div3A_536 {offsets = [0, 1664], sizes = [1, 128], strides = [1, 1]} : vector<1x16384xf32> to vector<1x128xf32>
    %swap3A_590 = arith.constant 141 : index
    %swap3A_591 = arith.constant 0 : index
    %swap3A_592 = vector.load %arg3[%swap3A_590, %swap3A_591] : memref<512x128xf32, #tpu.memory_space<vmem>>, vector<1x128xf32>
    tpu.vector_store %arg3[%swap3A_590, %swap3A_591], %slice3A_589 {strides = array<i32>} : memref<512x128xf32, #tpu.memory_space<vmem>>, vector<1x128xf32>,
    %slice3A_593 = vector.extract_strided_slice %div3A_536 {offsets = [0, 1792], sizes = [1, 128], strides = [1, 1]} : vector<1x16384xf32> to vector<1x128xf32>
    %swap3A_594 = arith.constant 142 : index
    %swap3A_595 = arith.constant 0 : index
    %swap3A_596 = vector.load %arg3[%swap3A_594, %swap3A_595] : memref<512x128xf32, #tpu.memory_space<vmem>>, vector<1x128xf32>
    tpu.vector_store %arg3[%swap3A_594, %swap3A_595], %slice3A_593 {strides = array<i32>} : memref<512x128xf32, #tpu.memory_space<vmem>>, vector<1x128xf32>,
    %slice3A_597 = vector.extract_strided_slice %div3A_536 {offsets = [0, 1920], sizes = [1, 128], strides = [1, 1]} : vector<1x16384xf32> to vector<1x128xf32>
    %swap3A_598 = arith.constant 143 : index
    %swap3A_599 = arith.constant 0 : index
    %swap3A_600 = vector.load %arg3[%swap3A_598, %swap3A_599] : memref<512x128xf32, #tpu.memory_space<vmem>>, vector<1x128xf32>
    tpu.vector_store %arg3[%swap3A_598, %swap3A_599], %slice3A_597 {strides = array<i32>} : memref<512x128xf32, #tpu.memory_space<vmem>>, vector<1x128xf32>,
    %slice3A_601 = vector.extract_strided_slice %div3A_536 {offsets = [0, 2048], sizes = [1, 128], strides = [1, 1]} : vector<1x16384xf32> to vector<1x128xf32>
    %swap3A_602 = arith.constant 144 : index
    %swap3A_603 = arith.constant 0 : index
    %swap3A_604 = vector.load %arg3[%swap3A_602, %swap3A_603] : memref<512x128xf32, #tpu.memory_space<vmem>>, vector<1x128xf32>
    tpu.vector_store %arg3[%swap3A_602, %swap3A_603], %slice3A_601 {strides = array<i32>} : memref<512x128xf32, #tpu.memory_space<vmem>>, vector<1x128xf32>,
    %slice3A_605 = vector.extract_strided_slice %div3A_536 {offsets = [0, 2176], sizes = [1, 128], strides = [1, 1]} : vector<1x16384xf32> to vector<1x128xf32>
    %swap3A_606 = arith.constant 145 : index
    %swap3A_607 = arith.constant 0 : index
    %swap3A_608 = vector.load %arg3[%swap3A_606, %swap3A_607] : memref<512x128xf32, #tpu.memory_space<vmem>>, vector<1x128xf32>
    tpu.vector_store %arg3[%swap3A_606, %swap3A_607], %slice3A_605 {strides = array<i32>} : memref<512x128xf32, #tpu.memory_space<vmem>>, vector<1x128xf32>,
    %slice3A_609 = vector.extract_strided_slice %div3A_536 {offsets = [0, 2304], sizes = [1, 128], strides = [1, 1]} : vector<1x16384xf32> to vector<1x128xf32>
    %swap3A_610 = arith.constant 146 : index
    %swap3A_611 = arith.constant 0 : index
    %swap3A_612 = vector.load %arg3[%swap3A_610, %swap3A_611] : memref<512x128xf32, #tpu.memory_space<vmem>>, vector<1x128xf32>
    tpu.vector_store %arg3[%swap3A_610, %swap3A_611], %slice3A_609 {strides = array<i32>} : memref<512x128xf32, #tpu.memory_space<vmem>>, vector<1x128xf32>,
    %slice3A_613 = vector.extract_strided_slice %div3A_536 {offsets = [0, 2432], sizes = [1, 128], strides = [1, 1]} : vector<1x16384xf32> to vector<1x128xf32>
    %swap3A_614 = arith.constant 147 : index
    %swap3A_615 = arith.constant 0 : index
    %swap3A_616 = vector.load %arg3[%swap3A_614, %swap3A_615] : memref<512x128xf32, #tpu.memory_space<vmem>>, vector<1x128xf32>
    tpu.vector_store %arg3[%swap3A_614, %swap3A_615], %slice3A_613 {strides = array<i32>} : memref<512x128xf32, #tpu.memory_space<vmem>>, vector<1x128xf32>,
    %slice3A_617 = vector.extract_strided_slice %div3A_536 {offsets = [0, 2560], sizes = [1, 128], strides = [1, 1]} : vector<1x16384xf32> to vector<1x128xf32>
    %swap3A_618 = arith.constant 148 : index
    %swap3A_619 = arith.constant 0 : index
    %swap3A_620 = vector.load %arg3[%swap3A_618, %swap3A_619] : memref<512x128xf32, #tpu.memory_space<vmem>>, vector<1x128xf32>
    tpu.vector_store %arg3[%swap3A_618, %swap3A_619], %slice3A_617 {strides = array<i32>} : memref<512x128xf32, #tpu.memory_space<vmem>>, vector<1x128xf32>,
    %slice3A_621 = vector.extract_strided_slice %div3A_536 {offsets = [0, 2688], sizes = [1, 128], strides = [1, 1]} : vector<1x16384xf32> to vector<1x128xf32>
    %swap3A_622 = arith.constant 149 : index
    %swap3A_623 = arith.constant 0 : index
    %swap3A_624 = vector.load %arg3[%swap3A_622, %swap3A_623] : memref<512x128xf32, #tpu.memory_space<vmem>>, vector<1x128xf32>
    tpu.vector_store %arg3[%swap3A_622, %swap3A_623], %slice3A_621 {strides = array<i32>} : memref<512x128xf32, #tpu.memory_space<vmem>>, vector<1x128xf32>,
    %slice3A_625 = vector.extract_strided_slice %div3A_536 {offsets = [0, 2816], sizes = [1, 128], strides = [1, 1]} : vector<1x16384xf32> to vector<1x128xf32>
    %swap3A_626 = arith.constant 150 : index
    %swap3A_627 = arith.constant 0 : index
    %swap3A_628 = vector.load %arg3[%swap3A_626, %swap3A_627] : memref<512x128xf32, #tpu.memory_space<vmem>>, vector<1x128xf32>
    tpu.vector_store %arg3[%swap3A_626, %swap3A_627], %slice3A_625 {strides = array<i32>} : memref<512x128xf32, #tpu.memory_space<vmem>>, vector<1x128xf32>,
    %slice3A_629 = vector.extract_strided_slice %div3A_536 {offsets = [0, 2944], sizes = [1, 128], strides = [1, 1]} : vector<1x16384xf32> to vector<1x128xf32>
    %swap3A_630 = arith.constant 151 : index
    %swap3A_631 = arith.constant 0 : index
    %swap3A_632 = vector.load %arg3[%swap3A_630, %swap3A_631] : memref<512x128xf32, #tpu.memory_space<vmem>>, vector<1x128xf32>
    tpu.vector_store %arg3[%swap3A_630, %swap3A_631], %slice3A_629 {strides = array<i32>} : memref<512x128xf32, #tpu.memory_space<vmem>>, vector<1x128xf32>,
    %slice3A_633 = vector.extract_strided_slice %div3A_536 {offsets = [0, 3072], sizes = [1, 128], strides = [1, 1]} : vector<1x16384xf32> to vector<1x128xf32>
    %swap3A_634 = arith.constant 152 : index
    %swap3A_635 = arith.constant 0 : index
    %swap3A_636 = vector.load %arg3[%swap3A_634, %swap3A_635] : memref<512x128xf32, #tpu.memory_space<vmem>>, vector<1x128xf32>
    tpu.vector_store %arg3[%swap3A_634, %swap3A_635], %slice3A_633 {strides = array<i32>} : memref<512x128xf32, #tpu.memory_space<vmem>>, vector<1x128xf32>,
    %slice3A_637 = vector.extract_strided_slice %div3A_536 {offsets = [0, 3200], sizes = [1, 128], strides = [1, 1]} : vector<1x16384xf32> to vector<1x128xf32>
    %swap3A_638 = arith.constant 153 : index
    %swap3A_639 = arith.constant 0 : index
    %swap3A_640 = vector.load %arg3[%swap3A_638, %swap3A_639] : memref<512x128xf32, #tpu.memory_space<vmem>>, vector<1x128xf32>
    tpu.vector_store %arg3[%swap3A_638, %swap3A_639], %slice3A_637 {strides = array<i32>} : memref<512x128xf32, #tpu.memory_space<vmem>>, vector<1x128xf32>,
    %slice3A_641 = vector.extract_strided_slice %div3A_536 {offsets = [0, 3328], sizes = [1, 128], strides = [1, 1]} : vector<1x16384xf32> to vector<1x128xf32>
    %swap3A_642 = arith.constant 154 : index
    %swap3A_643 = arith.constant 0 : index
    %swap3A_644 = vector.load %arg3[%swap3A_642, %swap3A_643] : memref<512x128xf32, #tpu.memory_space<vmem>>, vector<1x128xf32>
    tpu.vector_store %arg3[%swap3A_642, %swap3A_643], %slice3A_641 {strides = array<i32>} : memref<512x128xf32, #tpu.memory_space<vmem>>, vector<1x128xf32>,
    %slice3A_645 = vector.extract_strided_slice %div3A_536 {offsets = [0, 3456], sizes = [1, 128], strides = [1, 1]} : vector<1x16384xf32> to vector<1x128xf32>
    %swap3A_646 = arith.constant 155 : index
    %swap3A_647 = arith.constant 0 : index
    %swap3A_648 = vector.load %arg3[%swap3A_646, %swap3A_647] : memref<512x128xf32, #tpu.memory_space<vmem>>, vector<1x128xf32>
    tpu.vector_store %arg3[%swap3A_646, %swap3A_647], %slice3A_645 {strides = array<i32>} : memref<512x128xf32, #tpu.memory_space<vmem>>, vector<1x128xf32>,
    %slice3A_649 = vector.extract_strided_slice %div3A_536 {offsets = [0, 3584], sizes = [1, 128], strides = [1, 1]} : vector<1x16384xf32> to vector<1x128xf32>
    %swap3A_650 = arith.constant 156 : index
    %swap3A_651 = arith.constant 0 : index
    %swap3A_652 = vector.load %arg3[%swap3A_650, %swap3A_651] : memref<512x128xf32, #tpu.memory_space<vmem>>, vector<1x128xf32>
    tpu.vector_store %arg3[%swap3A_650, %swap3A_651], %slice3A_649 {strides = array<i32>} : memref<512x128xf32, #tpu.memory_space<vmem>>, vector<1x128xf32>,
    %slice3A_653 = vector.extract_strided_slice %div3A_536 {offsets = [0, 3712], sizes = [1, 128], strides = [1, 1]} : vector<1x16384xf32> to vector<1x128xf32>
    %swap3A_654 = arith.constant 157 : index
    %swap3A_655 = arith.constant 0 : index
    %swap3A_656 = vector.load %arg3[%swap3A_654, %swap3A_655] : memref<512x128xf32, #tpu.memory_space<vmem>>, vector<1x128xf32>
    tpu.vector_store %arg3[%swap3A_654, %swap3A_655], %slice3A_653 {strides = array<i32>} : memref<512x128xf32, #tpu.memory_space<vmem>>, vector<1x128xf32>,
    %slice3A_657 = vector.extract_strided_slice %div3A_536 {offsets = [0, 3840], sizes = [1, 128], strides = [1, 1]} : vector<1x16384xf32> to vector<1x128xf32>
    %swap3A_658 = arith.constant 158 : index
    %swap3A_659 = arith.constant 0 : index
    %swap3A_660 = vector.load %arg3[%swap3A_658, %swap3A_659] : memref<512x128xf32, #tpu.memory_space<vmem>>, vector<1x128xf32>
    tpu.vector_store %arg3[%swap3A_658, %swap3A_659], %slice3A_657 {strides = array<i32>} : memref<512x128xf32, #tpu.memory_space<vmem>>, vector<1x128xf32>,
    %slice3A_661 = vector.extract_strided_slice %div3A_536 {offsets = [0, 3968], sizes = [1, 128], strides = [1, 1]} : vector<1x16384xf32> to vector<1x128xf32>
    %swap3A_662 = arith.constant 159 : index
    %swap3A_663 = arith.constant 0 : index
    %swap3A_664 = vector.load %arg3[%swap3A_662, %swap3A_663] : memref<512x128xf32, #tpu.memory_space<vmem>>, vector<1x128xf32>
    tpu.vector_store %arg3[%swap3A_662, %swap3A_663], %slice3A_661 {strides = array<i32>} : memref<512x128xf32, #tpu.memory_space<vmem>>, vector<1x128xf32>,
    %slice3A_665 = vector.extract_strided_slice %div3A_536 {offsets = [0, 4096], sizes = [1, 128], strides = [1, 1]} : vector<1x16384xf32> to vector<1x128xf32>
    %swap3A_666 = arith.constant 160 : index
    %swap3A_667 = arith.constant 0 : index
    %swap3A_668 = vector.load %arg3[%swap3A_666, %swap3A_667] : memref<512x128xf32, #tpu.memory_space<vmem>>, vector<1x128xf32>
    tpu.vector_store %arg3[%swap3A_666, %swap3A_667], %slice3A_665 {strides = array<i32>} : memref<512x128xf32, #tpu.memory_space<vmem>>, vector<1x128xf32>,
    %slice3A_669 = vector.extract_strided_slice %div3A_536 {offsets = [0, 4224], sizes = [1, 128], strides = [1, 1]} : vector<1x16384xf32> to vector<1x128xf32>
    %swap3A_670 = arith.constant 161 : index
    %swap3A_671 = arith.constant 0 : index
    %swap3A_672 = vector.load %arg3[%swap3A_670, %swap3A_671] : memref<512x128xf32, #tpu.memory_space<vmem>>, vector<1x128xf32>
    tpu.vector_store %arg3[%swap3A_670, %swap3A_671], %slice3A_669 {strides = array<i32>} : memref<512x128xf32, #tpu.memory_space<vmem>>, vector<1x128xf32>,
    %slice3A_673 = vector.extract_strided_slice %div3A_536 {offsets = [0, 4352], sizes = [1, 128], strides = [1, 1]} : vector<1x16384xf32> to vector<1x128xf32>
    %swap3A_674 = arith.constant 162 : index
    %swap3A_675 = arith.constant 0 : index
    %swap3A_676 = vector.load %arg3[%swap3A_674, %swap3A_675] : memref<512x128xf32, #tpu.memory_space<vmem>>, vector<1x128xf32>
    tpu.vector_store %arg3[%swap3A_674, %swap3A_675], %slice3A_673 {strides = array<i32>} : memref<512x128xf32, #tpu.memory_space<vmem>>, vector<1x128xf32>,
    %slice3A_677 = vector.extract_strided_slice %div3A_536 {offsets = [0, 4480], sizes = [1, 128], strides = [1, 1]} : vector<1x16384xf32> to vector<1x128xf32>
    %swap3A_678 = arith.constant 163 : index
    %swap3A_679 = arith.constant 0 : index
    %swap3A_680 = vector.load %arg3[%swap3A_678, %swap3A_679] : memref<512x128xf32, #tpu.memory_space<vmem>>, vector<1x128xf32>
    tpu.vector_store %arg3[%swap3A_678, %swap3A_679], %slice3A_677 {strides = array<i32>} : memref<512x128xf32, #tpu.memory_space<vmem>>, vector<1x128xf32>,
    %slice3A_681 = vector.extract_strided_slice %div3A_536 {offsets = [0, 4608], sizes = [1, 128], strides = [1, 1]} : vector<1x16384xf32> to vector<1x128xf32>
    %swap3A_682 = arith.constant 164 : index
    %swap3A_683 = arith.constant 0 : index
    %swap3A_684 = vector.load %arg3[%swap3A_682, %swap3A_683] : memref<512x128xf32, #tpu.memory_space<vmem>>, vector<1x128xf32>
    tpu.vector_store %arg3[%swap3A_682, %swap3A_683], %slice3A_681 {strides = array<i32>} : memref<512x128xf32, #tpu.memory_space<vmem>>, vector<1x128xf32>,
    %slice3A_685 = vector.extract_strided_slice %div3A_536 {offsets = [0, 4736], sizes = [1, 128], strides = [1, 1]} : vector<1x16384xf32> to vector<1x128xf32>
    %swap3A_686 = arith.constant 165 : index
    %swap3A_687 = arith.constant 0 : index
    %swap3A_688 = vector.load %arg3[%swap3A_686, %swap3A_687] : memref<512x128xf32, #tpu.memory_space<vmem>>, vector<1x128xf32>
    tpu.vector_store %arg3[%swap3A_686, %swap3A_687], %slice3A_685 {strides = array<i32>} : memref<512x128xf32, #tpu.memory_space<vmem>>, vector<1x128xf32>,
    %slice3A_689 = vector.extract_strided_slice %div3A_536 {offsets = [0, 4864], sizes = [1, 128], strides = [1, 1]} : vector<1x16384xf32> to vector<1x128xf32>
    %swap3A_690 = arith.constant 166 : index
    %swap3A_691 = arith.constant 0 : index
    %swap3A_692 = vector.load %arg3[%swap3A_690, %swap3A_691] : memref<512x128xf32, #tpu.memory_space<vmem>>, vector<1x128xf32>
    tpu.vector_store %arg3[%swap3A_690, %swap3A_691], %slice3A_689 {strides = array<i32>} : memref<512x128xf32, #tpu.memory_space<vmem>>, vector<1x128xf32>,
    %slice3A_693 = vector.extract_strided_slice %div3A_536 {offsets = [0, 4992], sizes = [1, 128], strides = [1, 1]} : vector<1x16384xf32> to vector<1x128xf32>
    %swap3A_694 = arith.constant 167 : index
    %swap3A_695 = arith.constant 0 : index
    %swap3A_696 = vector.load %arg3[%swap3A_694, %swap3A_695] : memref<512x128xf32, #tpu.memory_space<vmem>>, vector<1x128xf32>
    tpu.vector_store %arg3[%swap3A_694, %swap3A_695], %slice3A_693 {strides = array<i32>} : memref<512x128xf32, #tpu.memory_space<vmem>>, vector<1x128xf32>,
    %slice3A_697 = vector.extract_strided_slice %div3A_536 {offsets = [0, 5120], sizes = [1, 128], strides = [1, 1]} : vector<1x16384xf32> to vector<1x128xf32>
    %swap3A_698 = arith.constant 168 : index
    %swap3A_699 = arith.constant 0 : index
    %swap3A_700 = vector.load %arg3[%swap3A_698, %swap3A_699] : memref<512x128xf32, #tpu.memory_space<vmem>>, vector<1x128xf32>
    tpu.vector_store %arg3[%swap3A_698, %swap3A_699], %slice3A_697 {strides = array<i32>} : memref<512x128xf32, #tpu.memory_space<vmem>>, vector<1x128xf32>,
    %slice3A_701 = vector.extract_strided_slice %div3A_536 {offsets = [0, 5248], sizes = [1, 128], strides = [1, 1]} : vector<1x16384xf32> to vector<1x128xf32>
    %swap3A_702 = arith.constant 169 : index
    %swap3A_703 = arith.constant 0 : index
    %swap3A_704 = vector.load %arg3[%swap3A_702, %swap3A_703] : memref<512x128xf32, #tpu.memory_space<vmem>>, vector<1x128xf32>
    tpu.vector_store %arg3[%swap3A_702, %swap3A_703], %slice3A_701 {strides = array<i32>} : memref<512x128xf32, #tpu.memory_space<vmem>>, vector<1x128xf32>,
    %slice3A_705 = vector.extract_strided_slice %div3A_536 {offsets = [0, 5376], sizes = [1, 128], strides = [1, 1]} : vector<1x16384xf32> to vector<1x128xf32>
    %swap3A_706 = arith.constant 170 : index
    %swap3A_707 = arith.constant 0 : index
    %swap3A_708 = vector.load %arg3[%swap3A_706, %swap3A_707] : memref<512x128xf32, #tpu.memory_space<vmem>>, vector<1x128xf32>
    tpu.vector_store %arg3[%swap3A_706, %swap3A_707], %slice3A_705 {strides = array<i32>} : memref<512x128xf32, #tpu.memory_space<vmem>>, vector<1x128xf32>,
    %slice3A_709 = vector.extract_strided_slice %div3A_536 {offsets = [0, 5504], sizes = [1, 128], strides = [1, 1]} : vector<1x16384xf32> to vector<1x128xf32>
    %swap3A_710 = arith.constant 171 : index
    %swap3A_711 = arith.constant 0 : index
    %swap3A_712 = vector.load %arg3[%swap3A_710, %swap3A_711] : memref<512x128xf32, #tpu.memory_space<vmem>>, vector<1x128xf32>
    tpu.vector_store %arg3[%swap3A_710, %swap3A_711], %slice3A_709 {strides = array<i32>} : memref<512x128xf32, #tpu.memory_space<vmem>>, vector<1x128xf32>,
    %slice3A_713 = vector.extract_strided_slice %div3A_536 {offsets = [0, 5632], sizes = [1, 128], strides = [1, 1]} : vector<1x16384xf32> to vector<1x128xf32>
    %swap3A_714 = arith.constant 172 : index
    %swap3A_715 = arith.constant 0 : index
    %swap3A_716 = vector.load %arg3[%swap3A_714, %swap3A_715] : memref<512x128xf32, #tpu.memory_space<vmem>>, vector<1x128xf32>
    tpu.vector_store %arg3[%swap3A_714, %swap3A_715], %slice3A_713 {strides = array<i32>} : memref<512x128xf32, #tpu.memory_space<vmem>>, vector<1x128xf32>,
    %slice3A_717 = vector.extract_strided_slice %div3A_536 {offsets = [0, 5760], sizes = [1, 128], strides = [1, 1]} : vector<1x16384xf32> to vector<1x128xf32>
    %swap3A_718 = arith.constant 173 : index
    %swap3A_719 = arith.constant 0 : index
    %swap3A_720 = vector.load %arg3[%swap3A_718, %swap3A_719] : memref<512x128xf32, #tpu.memory_space<vmem>>, vector<1x128xf32>
    tpu.vector_store %arg3[%swap3A_718, %swap3A_719], %slice3A_717 {strides = array<i32>} : memref<512x128xf32, #tpu.memory_space<vmem>>, vector<1x128xf32>,
    %slice3A_721 = vector.extract_strided_slice %div3A_536 {offsets = [0, 5888], sizes = [1, 128], strides = [1, 1]} : vector<1x16384xf32> to vector<1x128xf32>
    %swap3A_722 = arith.constant 174 : index
    %swap3A_723 = arith.constant 0 : index
    %swap3A_724 = vector.load %arg3[%swap3A_722, %swap3A_723] : memref<512x128xf32, #tpu.memory_space<vmem>>, vector<1x128xf32>
    tpu.vector_store %arg3[%swap3A_722, %swap3A_723], %slice3A_721 {strides = array<i32>} : memref<512x128xf32, #tpu.memory_space<vmem>>, vector<1x128xf32>,
    %slice3A_725 = vector.extract_strided_slice %div3A_536 {offsets = [0, 6016], sizes = [1, 128], strides = [1, 1]} : vector<1x16384xf32> to vector<1x128xf32>
    %swap3A_726 = arith.constant 175 : index
    %swap3A_727 = arith.constant 0 : index
    %swap3A_728 = vector.load %arg3[%swap3A_726, %swap3A_727] : memref<512x128xf32, #tpu.memory_space<vmem>>, vector<1x128xf32>
    tpu.vector_store %arg3[%swap3A_726, %swap3A_727], %slice3A_725 {strides = array<i32>} : memref<512x128xf32, #tpu.memory_space<vmem>>, vector<1x128xf32>,
    %slice3A_729 = vector.extract_strided_slice %div3A_536 {offsets = [0, 6144], sizes = [1, 128], strides = [1, 1]} : vector<1x16384xf32> to vector<1x128xf32>
    %swap3A_730 = arith.constant 176 : index
    %swap3A_731 = arith.constant 0 : index
    %swap3A_732 = vector.load %arg3[%swap3A_730, %swap3A_731] : memref<512x128xf32, #tpu.memory_space<vmem>>, vector<1x128xf32>
    tpu.vector_store %arg3[%swap3A_730, %swap3A_731], %slice3A_729 {strides = array<i32>} : memref<512x128xf32, #tpu.memory_space<vmem>>, vector<1x128xf32>,
    %slice3A_733 = vector.extract_strided_slice %div3A_536 {offsets = [0, 6272], sizes = [1, 128], strides = [1, 1]} : vector<1x16384xf32> to vector<1x128xf32>
    %swap3A_734 = arith.constant 177 : index
    %swap3A_735 = arith.constant 0 : index
    %swap3A_736 = vector.load %arg3[%swap3A_734, %swap3A_735] : memref<512x128xf32, #tpu.memory_space<vmem>>, vector<1x128xf32>
    tpu.vector_store %arg3[%swap3A_734, %swap3A_735], %slice3A_733 {strides = array<i32>} : memref<512x128xf32, #tpu.memory_space<vmem>>, vector<1x128xf32>,
    %slice3A_737 = vector.extract_strided_slice %div3A_536 {offsets = [0, 6400], sizes = [1, 128], strides = [1, 1]} : vector<1x16384xf32> to vector<1x128xf32>
    %swap3A_738 = arith.constant 178 : index
    %swap3A_739 = arith.constant 0 : index
    %swap3A_740 = vector.load %arg3[%swap3A_738, %swap3A_739] : memref<512x128xf32, #tpu.memory_space<vmem>>, vector<1x128xf32>
    tpu.vector_store %arg3[%swap3A_738, %swap3A_739], %slice3A_737 {strides = array<i32>} : memref<512x128xf32, #tpu.memory_space<vmem>>, vector<1x128xf32>,
    %slice3A_741 = vector.extract_strided_slice %div3A_536 {offsets = [0, 6528], sizes = [1, 128], strides = [1, 1]} : vector<1x16384xf32> to vector<1x128xf32>
    %swap3A_742 = arith.constant 179 : index
    %swap3A_743 = arith.constant 0 : index
    %swap3A_744 = vector.load %arg3[%swap3A_742, %swap3A_743] : memref<512x128xf32, #tpu.memory_space<vmem>>, vector<1x128xf32>
    tpu.vector_store %arg3[%swap3A_742, %swap3A_743], %slice3A_741 {strides = array<i32>} : memref<512x128xf32, #tpu.memory_space<vmem>>, vector<1x128xf32>,
    %slice3A_745 = vector.extract_strided_slice %div3A_536 {offsets = [0, 6656], sizes = [1, 128], strides = [1, 1]} : vector<1x16384xf32> to vector<1x128xf32>
    %swap3A_746 = arith.constant 180 : index
    %swap3A_747 = arith.constant 0 : index
    %swap3A_748 = vector.load %arg3[%swap3A_746, %swap3A_747] : memref<512x128xf32, #tpu.memory_space<vmem>>, vector<1x128xf32>
    tpu.vector_store %arg3[%swap3A_746, %swap3A_747], %slice3A_745 {strides = array<i32>} : memref<512x128xf32, #tpu.memory_space<vmem>>, vector<1x128xf32>,
    %slice3A_749 = vector.extract_strided_slice %div3A_536 {offsets = [0, 6784], sizes = [1, 128], strides = [1, 1]} : vector<1x16384xf32> to vector<1x128xf32>
    %swap3A_750 = arith.constant 181 : index
    %swap3A_751 = arith.constant 0 : index
    %swap3A_752 = vector.load %arg3[%swap3A_750, %swap3A_751] : memref<512x128xf32, #tpu.memory_space<vmem>>, vector<1x128xf32>
    tpu.vector_store %arg3[%swap3A_750, %swap3A_751], %slice3A_749 {strides = array<i32>} : memref<512x128xf32, #tpu.memory_space<vmem>>, vector<1x128xf32>,
    %slice3A_753 = vector.extract_strided_slice %div3A_536 {offsets = [0, 6912], sizes = [1, 128], strides = [1, 1]} : vector<1x16384xf32> to vector<1x128xf32>
    %swap3A_754 = arith.constant 182 : index
    %swap3A_755 = arith.constant 0 : index
    %swap3A_756 = vector.load %arg3[%swap3A_754, %swap3A_755] : memref<512x128xf32, #tpu.memory_space<vmem>>, vector<1x128xf32>
    tpu.vector_store %arg3[%swap3A_754, %swap3A_755], %slice3A_753 {strides = array<i32>} : memref<512x128xf32, #tpu.memory_space<vmem>>, vector<1x128xf32>,
    %slice3A_757 = vector.extract_strided_slice %div3A_536 {offsets = [0, 7040], sizes = [1, 128], strides = [1, 1]} : vector<1x16384xf32> to vector<1x128xf32>
    %swap3A_758 = arith.constant 183 : index
    %swap3A_759 = arith.constant 0 : index
    %swap3A_760 = vector.load %arg3[%swap3A_758, %swap3A_759] : memref<512x128xf32, #tpu.memory_space<vmem>>, vector<1x128xf32>
    tpu.vector_store %arg3[%swap3A_758, %swap3A_759], %slice3A_757 {strides = array<i32>} : memref<512x128xf32, #tpu.memory_space<vmem>>, vector<1x128xf32>,
    %slice3A_761 = vector.extract_strided_slice %div3A_536 {offsets = [0, 7168], sizes = [1, 128], strides = [1, 1]} : vector<1x16384xf32> to vector<1x128xf32>
    %swap3A_762 = arith.constant 184 : index
    %swap3A_763 = arith.constant 0 : index
    %swap3A_764 = vector.load %arg3[%swap3A_762, %swap3A_763] : memref<512x128xf32, #tpu.memory_space<vmem>>, vector<1x128xf32>
    tpu.vector_store %arg3[%swap3A_762, %swap3A_763], %slice3A_761 {strides = array<i32>} : memref<512x128xf32, #tpu.memory_space<vmem>>, vector<1x128xf32>,
    %slice3A_765 = vector.extract_strided_slice %div3A_536 {offsets = [0, 7296], sizes = [1, 128], strides = [1, 1]} : vector<1x16384xf32> to vector<1x128xf32>
    %swap3A_766 = arith.constant 185 : index
    %swap3A_767 = arith.constant 0 : index
    %swap3A_768 = vector.load %arg3[%swap3A_766, %swap3A_767] : memref<512x128xf32, #tpu.memory_space<vmem>>, vector<1x128xf32>
    tpu.vector_store %arg3[%swap3A_766, %swap3A_767], %slice3A_765 {strides = array<i32>} : memref<512x128xf32, #tpu.memory_space<vmem>>, vector<1x128xf32>,
    %slice3A_769 = vector.extract_strided_slice %div3A_536 {offsets = [0, 7424], sizes = [1, 128], strides = [1, 1]} : vector<1x16384xf32> to vector<1x128xf32>
    %swap3A_770 = arith.constant 186 : index
    %swap3A_771 = arith.constant 0 : index
    %swap3A_772 = vector.load %arg3[%swap3A_770, %swap3A_771] : memref<512x128xf32, #tpu.memory_space<vmem>>, vector<1x128xf32>
    tpu.vector_store %arg3[%swap3A_770, %swap3A_771], %slice3A_769 {strides = array<i32>} : memref<512x128xf32, #tpu.memory_space<vmem>>, vector<1x128xf32>,
    %slice3A_773 = vector.extract_strided_slice %div3A_536 {offsets = [0, 7552], sizes = [1, 128], strides = [1, 1]} : vector<1x16384xf32> to vector<1x128xf32>
    %swap3A_774 = arith.constant 187 : index
    %swap3A_775 = arith.constant 0 : index
    %swap3A_776 = vector.load %arg3[%swap3A_774, %swap3A_775] : memref<512x128xf32, #tpu.memory_space<vmem>>, vector<1x128xf32>
    tpu.vector_store %arg3[%swap3A_774, %swap3A_775], %slice3A_773 {strides = array<i32>} : memref<512x128xf32, #tpu.memory_space<vmem>>, vector<1x128xf32>,
    %slice3A_777 = vector.extract_strided_slice %div3A_536 {offsets = [0, 7680], sizes = [1, 128], strides = [1, 1]} : vector<1x16384xf32> to vector<1x128xf32>
    %swap3A_778 = arith.constant 188 : index
    %swap3A_779 = arith.constant 0 : index
    %swap3A_780 = vector.load %arg3[%swap3A_778, %swap3A_779] : memref<512x128xf32, #tpu.memory_space<vmem>>, vector<1x128xf32>
    tpu.vector_store %arg3[%swap3A_778, %swap3A_779], %slice3A_777 {strides = array<i32>} : memref<512x128xf32, #tpu.memory_space<vmem>>, vector<1x128xf32>,
    %slice3A_781 = vector.extract_strided_slice %div3A_536 {offsets = [0, 7808], sizes = [1, 128], strides = [1, 1]} : vector<1x16384xf32> to vector<1x128xf32>
    %swap3A_782 = arith.constant 189 : index
    %swap3A_783 = arith.constant 0 : index
    %swap3A_784 = vector.load %arg3[%swap3A_782, %swap3A_783] : memref<512x128xf32, #tpu.memory_space<vmem>>, vector<1x128xf32>
    tpu.vector_store %arg3[%swap3A_782, %swap3A_783], %slice3A_781 {strides = array<i32>} : memref<512x128xf32, #tpu.memory_space<vmem>>, vector<1x128xf32>,
    %slice3A_785 = vector.extract_strided_slice %div3A_536 {offsets = [0, 7936], sizes = [1, 128], strides = [1, 1]} : vector<1x16384xf32> to vector<1x128xf32>
    %swap3A_786 = arith.constant 190 : index
    %swap3A_787 = arith.constant 0 : index
    %swap3A_788 = vector.load %arg3[%swap3A_786, %swap3A_787] : memref<512x128xf32, #tpu.memory_space<vmem>>, vector<1x128xf32>
    tpu.vector_store %arg3[%swap3A_786, %swap3A_787], %slice3A_785 {strides = array<i32>} : memref<512x128xf32, #tpu.memory_space<vmem>>, vector<1x128xf32>,
    %slice3A_789 = vector.extract_strided_slice %div3A_536 {offsets = [0, 8064], sizes = [1, 128], strides = [1, 1]} : vector<1x16384xf32> to vector<1x128xf32>
    %swap3A_790 = arith.constant 191 : index
    %swap3A_791 = arith.constant 0 : index
    %swap3A_792 = vector.load %arg3[%swap3A_790, %swap3A_791] : memref<512x128xf32, #tpu.memory_space<vmem>>, vector<1x128xf32>
    tpu.vector_store %arg3[%swap3A_790, %swap3A_791], %slice3A_789 {strides = array<i32>} : memref<512x128xf32, #tpu.memory_space<vmem>>, vector<1x128xf32>,
    %slice3A_793 = vector.extract_strided_slice %div3A_536 {offsets = [0, 8192], sizes = [1, 128], strides = [1, 1]} : vector<1x16384xf32> to vector<1x128xf32>
    %swap3A_794 = arith.constant 192 : index
    %swap3A_795 = arith.constant 0 : index
    %swap3A_796 = vector.load %arg3[%swap3A_794, %swap3A_795] : memref<512x128xf32, #tpu.memory_space<vmem>>, vector<1x128xf32>
    tpu.vector_store %arg3[%swap3A_794, %swap3A_795], %slice3A_793 {strides = array<i32>} : memref<512x128xf32, #tpu.memory_space<vmem>>, vector<1x128xf32>,
    %slice3A_797 = vector.extract_strided_slice %div3A_536 {offsets = [0, 8320], sizes = [1, 128], strides = [1, 1]} : vector<1x16384xf32> to vector<1x128xf32>
    %swap3A_798 = arith.constant 193 : index
    %swap3A_799 = arith.constant 0 : index
    %swap3A_800 = vector.load %arg3[%swap3A_798, %swap3A_799] : memref<512x128xf32, #tpu.memory_space<vmem>>, vector<1x128xf32>
    tpu.vector_store %arg3[%swap3A_798, %swap3A_799], %slice3A_797 {strides = array<i32>} : memref<512x128xf32, #tpu.memory_space<vmem>>, vector<1x128xf32>,
    %slice3A_801 = vector.extract_strided_slice %div3A_536 {offsets = [0, 8448], sizes = [1, 128], strides = [1, 1]} : vector<1x16384xf32> to vector<1x128xf32>
    %swap3A_802 = arith.constant 194 : index
    %swap3A_803 = arith.constant 0 : index
    %swap3A_804 = vector.load %arg3[%swap3A_802, %swap3A_803] : memref<512x128xf32, #tpu.memory_space<vmem>>, vector<1x128xf32>
    tpu.vector_store %arg3[%swap3A_802, %swap3A_803], %slice3A_801 {strides = array<i32>} : memref<512x128xf32, #tpu.memory_space<vmem>>, vector<1x128xf32>,
    %slice3A_805 = vector.extract_strided_slice %div3A_536 {offsets = [0, 8576], sizes = [1, 128], strides = [1, 1]} : vector<1x16384xf32> to vector<1x128xf32>
    %swap3A_806 = arith.constant 195 : index
    %swap3A_807 = arith.constant 0 : index
    %swap3A_808 = vector.load %arg3[%swap3A_806, %swap3A_807] : memref<512x128xf32, #tpu.memory_space<vmem>>, vector<1x128xf32>
    tpu.vector_store %arg3[%swap3A_806, %swap3A_807], %slice3A_805 {strides = array<i32>} : memref<512x128xf32, #tpu.memory_space<vmem>>, vector<1x128xf32>,
    %slice3A_809 = vector.extract_strided_slice %div3A_536 {offsets = [0, 8704], sizes = [1, 128], strides = [1, 1]} : vector<1x16384xf32> to vector<1x128xf32>
    %swap3A_810 = arith.constant 196 : index
    %swap3A_811 = arith.constant 0 : index
    %swap3A_812 = vector.load %arg3[%swap3A_810, %swap3A_811] : memref<512x128xf32, #tpu.memory_space<vmem>>, vector<1x128xf32>
    tpu.vector_store %arg3[%swap3A_810, %swap3A_811], %slice3A_809 {strides = array<i32>} : memref<512x128xf32, #tpu.memory_space<vmem>>, vector<1x128xf32>,
    %slice3A_813 = vector.extract_strided_slice %div3A_536 {offsets = [0, 8832], sizes = [1, 128], strides = [1, 1]} : vector<1x16384xf32> to vector<1x128xf32>
    %swap3A_814 = arith.constant 197 : index
    %swap3A_815 = arith.constant 0 : index
    %swap3A_816 = vector.load %arg3[%swap3A_814, %swap3A_815] : memref<512x128xf32, #tpu.memory_space<vmem>>, vector<1x128xf32>
    tpu.vector_store %arg3[%swap3A_814, %swap3A_815], %slice3A_813 {strides = array<i32>} : memref<512x128xf32, #tpu.memory_space<vmem>>, vector<1x128xf32>,
    %slice3A_817 = vector.extract_strided_slice %div3A_536 {offsets = [0, 8960], sizes = [1, 128], strides = [1, 1]} : vector<1x16384xf32> to vector<1x128xf32>
    %swap3A_818 = arith.constant 198 : index
    %swap3A_819 = arith.constant 0 : index
    %swap3A_820 = vector.load %arg3[%swap3A_818, %swap3A_819] : memref<512x128xf32, #tpu.memory_space<vmem>>, vector<1x128xf32>
    tpu.vector_store %arg3[%swap3A_818, %swap3A_819], %slice3A_817 {strides = array<i32>} : memref<512x128xf32, #tpu.memory_space<vmem>>, vector<1x128xf32>,
    %slice3A_821 = vector.extract_strided_slice %div3A_536 {offsets = [0, 9088], sizes = [1, 128], strides = [1, 1]} : vector<1x16384xf32> to vector<1x128xf32>
    %swap3A_822 = arith.constant 199 : index
    %swap3A_823 = arith.constant 0 : index
    %swap3A_824 = vector.load %arg3[%swap3A_822, %swap3A_823] : memref<512x128xf32, #tpu.memory_space<vmem>>, vector<1x128xf32>
    tpu.vector_store %arg3[%swap3A_822, %swap3A_823], %slice3A_821 {strides = array<i32>} : memref<512x128xf32, #tpu.memory_space<vmem>>, vector<1x128xf32>,
    %slice3A_825 = vector.extract_strided_slice %div3A_536 {offsets = [0, 9216], sizes = [1, 128], strides = [1, 1]} : vector<1x16384xf32> to vector<1x128xf32>
    %swap3A_826 = arith.constant 200 : index
    %swap3A_827 = arith.constant 0 : index
    %swap3A_828 = vector.load %arg3[%swap3A_826, %swap3A_827] : memref<512x128xf32, #tpu.memory_space<vmem>>, vector<1x128xf32>
    tpu.vector_store %arg3[%swap3A_826, %swap3A_827], %slice3A_825 {strides = array<i32>} : memref<512x128xf32, #tpu.memory_space<vmem>>, vector<1x128xf32>,
    %slice3A_829 = vector.extract_strided_slice %div3A_536 {offsets = [0, 9344], sizes = [1, 128], strides = [1, 1]} : vector<1x16384xf32> to vector<1x128xf32>
    %swap3A_830 = arith.constant 201 : index
    %swap3A_831 = arith.constant 0 : index
    %swap3A_832 = vector.load %arg3[%swap3A_830, %swap3A_831] : memref<512x128xf32, #tpu.memory_space<vmem>>, vector<1x128xf32>
    tpu.vector_store %arg3[%swap3A_830, %swap3A_831], %slice3A_829 {strides = array<i32>} : memref<512x128xf32, #tpu.memory_space<vmem>>, vector<1x128xf32>,
    %slice3A_833 = vector.extract_strided_slice %div3A_536 {offsets = [0, 9472], sizes = [1, 128], strides = [1, 1]} : vector<1x16384xf32> to vector<1x128xf32>
    %swap3A_834 = arith.constant 202 : index
    %swap3A_835 = arith.constant 0 : index
    %swap3A_836 = vector.load %arg3[%swap3A_834, %swap3A_835] : memref<512x128xf32, #tpu.memory_space<vmem>>, vector<1x128xf32>
    tpu.vector_store %arg3[%swap3A_834, %swap3A_835], %slice3A_833 {strides = array<i32>} : memref<512x128xf32, #tpu.memory_space<vmem>>, vector<1x128xf32>,
    %slice3A_837 = vector.extract_strided_slice %div3A_536 {offsets = [0, 9600], sizes = [1, 128], strides = [1, 1]} : vector<1x16384xf32> to vector<1x128xf32>
    %swap3A_838 = arith.constant 203 : index
    %swap3A_839 = arith.constant 0 : index
    %swap3A_840 = vector.load %arg3[%swap3A_838, %swap3A_839] : memref<512x128xf32, #tpu.memory_space<vmem>>, vector<1x128xf32>
    tpu.vector_store %arg3[%swap3A_838, %swap3A_839], %slice3A_837 {strides = array<i32>} : memref<512x128xf32, #tpu.memory_space<vmem>>, vector<1x128xf32>,
    %slice3A_841 = vector.extract_strided_slice %div3A_536 {offsets = [0, 9728], sizes = [1, 128], strides = [1, 1]} : vector<1x16384xf32> to vector<1x128xf32>
    %swap3A_842 = arith.constant 204 : index
    %swap3A_843 = arith.constant 0 : index
    %swap3A_844 = vector.load %arg3[%swap3A_842, %swap3A_843] : memref<512x128xf32, #tpu.memory_space<vmem>>, vector<1x128xf32>
    tpu.vector_store %arg3[%swap3A_842, %swap3A_843], %slice3A_841 {strides = array<i32>} : memref<512x128xf32, #tpu.memory_space<vmem>>, vector<1x128xf32>,
    %slice3A_845 = vector.extract_strided_slice %div3A_536 {offsets = [0, 9856], sizes = [1, 128], strides = [1, 1]} : vector<1x16384xf32> to vector<1x128xf32>
    %swap3A_846 = arith.constant 205 : index
    %swap3A_847 = arith.constant 0 : index
    %swap3A_848 = vector.load %arg3[%swap3A_846, %swap3A_847] : memref<512x128xf32, #tpu.memory_space<vmem>>, vector<1x128xf32>
    tpu.vector_store %arg3[%swap3A_846, %swap3A_847], %slice3A_845 {strides = array<i32>} : memref<512x128xf32, #tpu.memory_space<vmem>>, vector<1x128xf32>,
    %slice3A_849 = vector.extract_strided_slice %div3A_536 {offsets = [0, 9984], sizes = [1, 128], strides = [1, 1]} : vector<1x16384xf32> to vector<1x128xf32>
    %swap3A_850 = arith.constant 206 : index
    %swap3A_851 = arith.constant 0 : index
    %swap3A_852 = vector.load %arg3[%swap3A_850, %swap3A_851] : memref<512x128xf32, #tpu.memory_space<vmem>>, vector<1x128xf32>
    tpu.vector_store %arg3[%swap3A_850, %swap3A_851], %slice3A_849 {strides = array<i32>} : memref<512x128xf32, #tpu.memory_space<vmem>>, vector<1x128xf32>,
    %slice3A_853 = vector.extract_strided_slice %div3A_536 {offsets = [0, 10112], sizes = [1, 128], strides = [1, 1]} : vector<1x16384xf32> to vector<1x128xf32>
    %swap3A_854 = arith.constant 207 : index
    %swap3A_855 = arith.constant 0 : index
    %swap3A_856 = vector.load %arg3[%swap3A_854, %swap3A_855] : memref<512x128xf32, #tpu.memory_space<vmem>>, vector<1x128xf32>
    tpu.vector_store %arg3[%swap3A_854, %swap3A_855], %slice3A_853 {strides = array<i32>} : memref<512x128xf32, #tpu.memory_space<vmem>>, vector<1x128xf32>,
    %slice3A_857 = vector.extract_strided_slice %div3A_536 {offsets = [0, 10240], sizes = [1, 128], strides = [1, 1]} : vector<1x16384xf32> to vector<1x128xf32>
    %swap3A_858 = arith.constant 208 : index
    %swap3A_859 = arith.constant 0 : index
    %swap3A_860 = vector.load %arg3[%swap3A_858, %swap3A_859] : memref<512x128xf32, #tpu.memory_space<vmem>>, vector<1x128xf32>
    tpu.vector_store %arg3[%swap3A_858, %swap3A_859], %slice3A_857 {strides = array<i32>} : memref<512x128xf32, #tpu.memory_space<vmem>>, vector<1x128xf32>,
    %slice3A_861 = vector.extract_strided_slice %div3A_536 {offsets = [0, 10368], sizes = [1, 128], strides = [1, 1]} : vector<1x16384xf32> to vector<1x128xf32>
    %swap3A_862 = arith.constant 209 : index
    %swap3A_863 = arith.constant 0 : index
    %swap3A_864 = vector.load %arg3[%swap3A_862, %swap3A_863] : memref<512x128xf32, #tpu.memory_space<vmem>>, vector<1x128xf32>
    tpu.vector_store %arg3[%swap3A_862, %swap3A_863], %slice3A_861 {strides = array<i32>} : memref<512x128xf32, #tpu.memory_space<vmem>>, vector<1x128xf32>,
    %slice3A_865 = vector.extract_strided_slice %div3A_536 {offsets = [0, 10496], sizes = [1, 128], strides = [1, 1]} : vector<1x16384xf32> to vector<1x128xf32>
    %swap3A_866 = arith.constant 210 : index
    %swap3A_867 = arith.constant 0 : index
    %swap3A_868 = vector.load %arg3[%swap3A_866, %swap3A_867] : memref<512x128xf32, #tpu.memory_space<vmem>>, vector<1x128xf32>
    tpu.vector_store %arg3[%swap3A_866, %swap3A_867], %slice3A_865 {strides = array<i32>} : memref<512x128xf32, #tpu.memory_space<vmem>>, vector<1x128xf32>,
    %slice3A_869 = vector.extract_strided_slice %div3A_536 {offsets = [0, 10624], sizes = [1, 128], strides = [1, 1]} : vector<1x16384xf32> to vector<1x128xf32>
    %swap3A_870 = arith.constant 211 : index
    %swap3A_871 = arith.constant 0 : index
    %swap3A_872 = vector.load %arg3[%swap3A_870, %swap3A_871] : memref<512x128xf32, #tpu.memory_space<vmem>>, vector<1x128xf32>
    tpu.vector_store %arg3[%swap3A_870, %swap3A_871], %slice3A_869 {strides = array<i32>} : memref<512x128xf32, #tpu.memory_space<vmem>>, vector<1x128xf32>,
    %slice3A_873 = vector.extract_strided_slice %div3A_536 {offsets = [0, 10752], sizes = [1, 128], strides = [1, 1]} : vector<1x16384xf32> to vector<1x128xf32>
    %swap3A_874 = arith.constant 212 : index
    %swap3A_875 = arith.constant 0 : index
    %swap3A_876 = vector.load %arg3[%swap3A_874, %swap3A_875] : memref<512x128xf32, #tpu.memory_space<vmem>>, vector<1x128xf32>
    tpu.vector_store %arg3[%swap3A_874, %swap3A_875], %slice3A_873 {strides = array<i32>} : memref<512x128xf32, #tpu.memory_space<vmem>>, vector<1x128xf32>,
    %slice3A_877 = vector.extract_strided_slice %div3A_536 {offsets = [0, 10880], sizes = [1, 128], strides = [1, 1]} : vector<1x16384xf32> to vector<1x128xf32>
    %swap3A_878 = arith.constant 213 : index
    %swap3A_879 = arith.constant 0 : index
    %swap3A_880 = vector.load %arg3[%swap3A_878, %swap3A_879] : memref<512x128xf32, #tpu.memory_space<vmem>>, vector<1x128xf32>
    tpu.vector_store %arg3[%swap3A_878, %swap3A_879], %slice3A_877 {strides = array<i32>} : memref<512x128xf32, #tpu.memory_space<vmem>>, vector<1x128xf32>,
    %slice3A_881 = vector.extract_strided_slice %div3A_536 {offsets = [0, 11008], sizes = [1, 128], strides = [1, 1]} : vector<1x16384xf32> to vector<1x128xf32>
    %swap3A_882 = arith.constant 214 : index
    %swap3A_883 = arith.constant 0 : index
    %swap3A_884 = vector.load %arg3[%swap3A_882, %swap3A_883] : memref<512x128xf32, #tpu.memory_space<vmem>>, vector<1x128xf32>
    tpu.vector_store %arg3[%swap3A_882, %swap3A_883], %slice3A_881 {strides = array<i32>} : memref<512x128xf32, #tpu.memory_space<vmem>>, vector<1x128xf32>,
    %slice3A_885 = vector.extract_strided_slice %div3A_536 {offsets = [0, 11136], sizes = [1, 128], strides = [1, 1]} : vector<1x16384xf32> to vector<1x128xf32>
    %swap3A_886 = arith.constant 215 : index
    %swap3A_887 = arith.constant 0 : index
    %swap3A_888 = vector.load %arg3[%swap3A_886, %swap3A_887] : memref<512x128xf32, #tpu.memory_space<vmem>>, vector<1x128xf32>
    tpu.vector_store %arg3[%swap3A_886, %swap3A_887], %slice3A_885 {strides = array<i32>} : memref<512x128xf32, #tpu.memory_space<vmem>>, vector<1x128xf32>,
    %slice3A_889 = vector.extract_strided_slice %div3A_536 {offsets = [0, 11264], sizes = [1, 128], strides = [1, 1]} : vector<1x16384xf32> to vector<1x128xf32>
    %swap3A_890 = arith.constant 216 : index
    %swap3A_891 = arith.constant 0 : index
    %swap3A_892 = vector.load %arg3[%swap3A_890, %swap3A_891] : memref<512x128xf32, #tpu.memory_space<vmem>>, vector<1x128xf32>
    tpu.vector_store %arg3[%swap3A_890, %swap3A_891], %slice3A_889 {strides = array<i32>} : memref<512x128xf32, #tpu.memory_space<vmem>>, vector<1x128xf32>,
    %slice3A_893 = vector.extract_strided_slice %div3A_536 {offsets = [0, 11392], sizes = [1, 128], strides = [1, 1]} : vector<1x16384xf32> to vector<1x128xf32>
    %swap3A_894 = arith.constant 217 : index
    %swap3A_895 = arith.constant 0 : index
    %swap3A_896 = vector.load %arg3[%swap3A_894, %swap3A_895] : memref<512x128xf32, #tpu.memory_space<vmem>>, vector<1x128xf32>
    tpu.vector_store %arg3[%swap3A_894, %swap3A_895], %slice3A_893 {strides = array<i32>} : memref<512x128xf32, #tpu.memory_space<vmem>>, vector<1x128xf32>,
    %slice3A_897 = vector.extract_strided_slice %div3A_536 {offsets = [0, 11520], sizes = [1, 128], strides = [1, 1]} : vector<1x16384xf32> to vector<1x128xf32>
    %swap3A_898 = arith.constant 218 : index
    %swap3A_899 = arith.constant 0 : index
    %swap3A_900 = vector.load %arg3[%swap3A_898, %swap3A_899] : memref<512x128xf32, #tpu.memory_space<vmem>>, vector<1x128xf32>
    tpu.vector_store %arg3[%swap3A_898, %swap3A_899], %slice3A_897 {strides = array<i32>} : memref<512x128xf32, #tpu.memory_space<vmem>>, vector<1x128xf32>,
    %slice3A_901 = vector.extract_strided_slice %div3A_536 {offsets = [0, 11648], sizes = [1, 128], strides = [1, 1]} : vector<1x16384xf32> to vector<1x128xf32>
    %swap3A_902 = arith.constant 219 : index
    %swap3A_903 = arith.constant 0 : index
    %swap3A_904 = vector.load %arg3[%swap3A_902, %swap3A_903] : memref<512x128xf32, #tpu.memory_space<vmem>>, vector<1x128xf32>
    tpu.vector_store %arg3[%swap3A_902, %swap3A_903], %slice3A_901 {strides = array<i32>} : memref<512x128xf32, #tpu.memory_space<vmem>>, vector<1x128xf32>,
    %slice3A_905 = vector.extract_strided_slice %div3A_536 {offsets = [0, 11776], sizes = [1, 128], strides = [1, 1]} : vector<1x16384xf32> to vector<1x128xf32>
    %swap3A_906 = arith.constant 220 : index
    %swap3A_907 = arith.constant 0 : index
    %swap3A_908 = vector.load %arg3[%swap3A_906, %swap3A_907] : memref<512x128xf32, #tpu.memory_space<vmem>>, vector<1x128xf32>
    tpu.vector_store %arg3[%swap3A_906, %swap3A_907], %slice3A_905 {strides = array<i32>} : memref<512x128xf32, #tpu.memory_space<vmem>>, vector<1x128xf32>,
    %slice3A_909 = vector.extract_strided_slice %div3A_536 {offsets = [0, 11904], sizes = [1, 128], strides = [1, 1]} : vector<1x16384xf32> to vector<1x128xf32>
    %swap3A_910 = arith.constant 221 : index
    %swap3A_911 = arith.constant 0 : index
    %swap3A_912 = vector.load %arg3[%swap3A_910, %swap3A_911] : memref<512x128xf32, #tpu.memory_space<vmem>>, vector<1x128xf32>
    tpu.vector_store %arg3[%swap3A_910, %swap3A_911], %slice3A_909 {strides = array<i32>} : memref<512x128xf32, #tpu.memory_space<vmem>>, vector<1x128xf32>,
    %slice3A_913 = vector.extract_strided_slice %div3A_536 {offsets = [0, 12032], sizes = [1, 128], strides = [1, 1]} : vector<1x16384xf32> to vector<1x128xf32>
    %swap3A_914 = arith.constant 222 : index
    %swap3A_915 = arith.constant 0 : index
    %swap3A_916 = vector.load %arg3[%swap3A_914, %swap3A_915] : memref<512x128xf32, #tpu.memory_space<vmem>>, vector<1x128xf32>
    tpu.vector_store %arg3[%swap3A_914, %swap3A_915], %slice3A_913 {strides = array<i32>} : memref<512x128xf32, #tpu.memory_space<vmem>>, vector<1x128xf32>,
    %slice3A_917 = vector.extract_strided_slice %div3A_536 {offsets = [0, 12160], sizes = [1, 128], strides = [1, 1]} : vector<1x16384xf32> to vector<1x128xf32>
    %swap3A_918 = arith.constant 223 : index
    %swap3A_919 = arith.constant 0 : index
    %swap3A_920 = vector.load %arg3[%swap3A_918, %swap3A_919] : memref<512x128xf32, #tpu.memory_space<vmem>>, vector<1x128xf32>
    tpu.vector_store %arg3[%swap3A_918, %swap3A_919], %slice3A_917 {strides = array<i32>} : memref<512x128xf32, #tpu.memory_space<vmem>>, vector<1x128xf32>,
    %slice3A_921 = vector.extract_strided_slice %div3A_536 {offsets = [0, 12288], sizes = [1, 128], strides = [1, 1]} : vector<1x16384xf32> to vector<1x128xf32>
    %swap3A_922 = arith.constant 224 : index
    %swap3A_923 = arith.constant 0 : index
    %swap3A_924 = vector.load %arg3[%swap3A_922, %swap3A_923] : memref<512x128xf32, #tpu.memory_space<vmem>>, vector<1x128xf32>
    tpu.vector_store %arg3[%swap3A_922, %swap3A_923], %slice3A_921 {strides = array<i32>} : memref<512x128xf32, #tpu.memory_space<vmem>>, vector<1x128xf32>,
    %slice3A_925 = vector.extract_strided_slice %div3A_536 {offsets = [0, 12416], sizes = [1, 128], strides = [1, 1]} : vector<1x16384xf32> to vector<1x128xf32>
    %swap3A_926 = arith.constant 225 : index
    %swap3A_927 = arith.constant 0 : index
    %swap3A_928 = vector.load %arg3[%swap3A_926, %swap3A_927] : memref<512x128xf32, #tpu.memory_space<vmem>>, vector<1x128xf32>
    tpu.vector_store %arg3[%swap3A_926, %swap3A_927], %slice3A_925 {strides = array<i32>} : memref<512x128xf32, #tpu.memory_space<vmem>>, vector<1x128xf32>,
    %slice3A_929 = vector.extract_strided_slice %div3A_536 {offsets = [0, 12544], sizes = [1, 128], strides = [1, 1]} : vector<1x16384xf32> to vector<1x128xf32>
    %swap3A_930 = arith.constant 226 : index
    %swap3A_931 = arith.constant 0 : index
    %swap3A_932 = vector.load %arg3[%swap3A_930, %swap3A_931] : memref<512x128xf32, #tpu.memory_space<vmem>>, vector<1x128xf32>
    tpu.vector_store %arg3[%swap3A_930, %swap3A_931], %slice3A_929 {strides = array<i32>} : memref<512x128xf32, #tpu.memory_space<vmem>>, vector<1x128xf32>,
    %slice3A_933 = vector.extract_strided_slice %div3A_536 {offsets = [0, 12672], sizes = [1, 128], strides = [1, 1]} : vector<1x16384xf32> to vector<1x128xf32>
    %swap3A_934 = arith.constant 227 : index
    %swap3A_935 = arith.constant 0 : index
    %swap3A_936 = vector.load %arg3[%swap3A_934, %swap3A_935] : memref<512x128xf32, #tpu.memory_space<vmem>>, vector<1x128xf32>
    tpu.vector_store %arg3[%swap3A_934, %swap3A_935], %slice3A_933 {strides = array<i32>} : memref<512x128xf32, #tpu.memory_space<vmem>>, vector<1x128xf32>,
    %slice3A_937 = vector.extract_strided_slice %div3A_536 {offsets = [0, 12800], sizes = [1, 128], strides = [1, 1]} : vector<1x16384xf32> to vector<1x128xf32>
    %swap3A_938 = arith.constant 228 : index
    %swap3A_939 = arith.constant 0 : index
    %swap3A_940 = vector.load %arg3[%swap3A_938, %swap3A_939] : memref<512x128xf32, #tpu.memory_space<vmem>>, vector<1x128xf32>
    tpu.vector_store %arg3[%swap3A_938, %swap3A_939], %slice3A_937 {strides = array<i32>} : memref<512x128xf32, #tpu.memory_space<vmem>>, vector<1x128xf32>,
    %slice3A_941 = vector.extract_strided_slice %div3A_536 {offsets = [0, 12928], sizes = [1, 128], strides = [1, 1]} : vector<1x16384xf32> to vector<1x128xf32>
    %swap3A_942 = arith.constant 229 : index
    %swap3A_943 = arith.constant 0 : index
    %swap3A_944 = vector.load %arg3[%swap3A_942, %swap3A_943] : memref<512x128xf32, #tpu.memory_space<vmem>>, vector<1x128xf32>
    tpu.vector_store %arg3[%swap3A_942, %swap3A_943], %slice3A_941 {strides = array<i32>} : memref<512x128xf32, #tpu.memory_space<vmem>>, vector<1x128xf32>,
    %slice3A_945 = vector.extract_strided_slice %div3A_536 {offsets = [0, 13056], sizes = [1, 128], strides = [1, 1]} : vector<1x16384xf32> to vector<1x128xf32>
    %swap3A_946 = arith.constant 230 : index
    %swap3A_947 = arith.constant 0 : index
    %swap3A_948 = vector.load %arg3[%swap3A_946, %swap3A_947] : memref<512x128xf32, #tpu.memory_space<vmem>>, vector<1x128xf32>
    tpu.vector_store %arg3[%swap3A_946, %swap3A_947], %slice3A_945 {strides = array<i32>} : memref<512x128xf32, #tpu.memory_space<vmem>>, vector<1x128xf32>,
    %slice3A_949 = vector.extract_strided_slice %div3A_536 {offsets = [0, 13184], sizes = [1, 128], strides = [1, 1]} : vector<1x16384xf32> to vector<1x128xf32>
    %swap3A_950 = arith.constant 231 : index
    %swap3A_951 = arith.constant 0 : index
    %swap3A_952 = vector.load %arg3[%swap3A_950, %swap3A_951] : memref<512x128xf32, #tpu.memory_space<vmem>>, vector<1x128xf32>
    tpu.vector_store %arg3[%swap3A_950, %swap3A_951], %slice3A_949 {strides = array<i32>} : memref<512x128xf32, #tpu.memory_space<vmem>>, vector<1x128xf32>,
    %slice3A_953 = vector.extract_strided_slice %div3A_536 {offsets = [0, 13312], sizes = [1, 128], strides = [1, 1]} : vector<1x16384xf32> to vector<1x128xf32>
    %swap3A_954 = arith.constant 232 : index
    %swap3A_955 = arith.constant 0 : index
    %swap3A_956 = vector.load %arg3[%swap3A_954, %swap3A_955] : memref<512x128xf32, #tpu.memory_space<vmem>>, vector<1x128xf32>
    tpu.vector_store %arg3[%swap3A_954, %swap3A_955], %slice3A_953 {strides = array<i32>} : memref<512x128xf32, #tpu.memory_space<vmem>>, vector<1x128xf32>,
    %slice3A_957 = vector.extract_strided_slice %div3A_536 {offsets = [0, 13440], sizes = [1, 128], strides = [1, 1]} : vector<1x16384xf32> to vector<1x128xf32>
    %swap3A_958 = arith.constant 233 : index
    %swap3A_959 = arith.constant 0 : index
    %swap3A_960 = vector.load %arg3[%swap3A_958, %swap3A_959] : memref<512x128xf32, #tpu.memory_space<vmem>>, vector<1x128xf32>
    tpu.vector_store %arg3[%swap3A_958, %swap3A_959], %slice3A_957 {strides = array<i32>} : memref<512x128xf32, #tpu.memory_space<vmem>>, vector<1x128xf32>,
    %slice3A_961 = vector.extract_strided_slice %div3A_536 {offsets = [0, 13568], sizes = [1, 128], strides = [1, 1]} : vector<1x16384xf32> to vector<1x128xf32>
    %swap3A_962 = arith.constant 234 : index
    %swap3A_963 = arith.constant 0 : index
    %swap3A_964 = vector.load %arg3[%swap3A_962, %swap3A_963] : memref<512x128xf32, #tpu.memory_space<vmem>>, vector<1x128xf32>
    tpu.vector_store %arg3[%swap3A_962, %swap3A_963], %slice3A_961 {strides = array<i32>} : memref<512x128xf32, #tpu.memory_space<vmem>>, vector<1x128xf32>,
    %slice3A_965 = vector.extract_strided_slice %div3A_536 {offsets = [0, 13696], sizes = [1, 128], strides = [1, 1]} : vector<1x16384xf32> to vector<1x128xf32>
    %swap3A_966 = arith.constant 235 : index
    %swap3A_967 = arith.constant 0 : index
    %swap3A_968 = vector.load %arg3[%swap3A_966, %swap3A_967] : memref<512x128xf32, #tpu.memory_space<vmem>>, vector<1x128xf32>
    tpu.vector_store %arg3[%swap3A_966, %swap3A_967], %slice3A_965 {strides = array<i32>} : memref<512x128xf32, #tpu.memory_space<vmem>>, vector<1x128xf32>,
    %slice3A_969 = vector.extract_strided_slice %div3A_536 {offsets = [0, 13824], sizes = [1, 128], strides = [1, 1]} : vector<1x16384xf32> to vector<1x128xf32>
    %swap3A_970 = arith.constant 236 : index
    %swap3A_971 = arith.constant 0 : index
    %swap3A_972 = vector.load %arg3[%swap3A_970, %swap3A_971] : memref<512x128xf32, #tpu.memory_space<vmem>>, vector<1x128xf32>
    tpu.vector_store %arg3[%swap3A_970, %swap3A_971], %slice3A_969 {strides = array<i32>} : memref<512x128xf32, #tpu.memory_space<vmem>>, vector<1x128xf32>,
    %slice3A_973 = vector.extract_strided_slice %div3A_536 {offsets = [0, 13952], sizes = [1, 128], strides = [1, 1]} : vector<1x16384xf32> to vector<1x128xf32>
    %swap3A_974 = arith.constant 237 : index
    %swap3A_975 = arith.constant 0 : index
    %swap3A_976 = vector.load %arg3[%swap3A_974, %swap3A_975] : memref<512x128xf32, #tpu.memory_space<vmem>>, vector<1x128xf32>
    tpu.vector_store %arg3[%swap3A_974, %swap3A_975], %slice3A_973 {strides = array<i32>} : memref<512x128xf32, #tpu.memory_space<vmem>>, vector<1x128xf32>,
    %slice3A_977 = vector.extract_strided_slice %div3A_536 {offsets = [0, 14080], sizes = [1, 128], strides = [1, 1]} : vector<1x16384xf32> to vector<1x128xf32>
    %swap3A_978 = arith.constant 238 : index
    %swap3A_979 = arith.constant 0 : index
    %swap3A_980 = vector.load %arg3[%swap3A_978, %swap3A_979] : memref<512x128xf32, #tpu.memory_space<vmem>>, vector<1x128xf32>
    tpu.vector_store %arg3[%swap3A_978, %swap3A_979], %slice3A_977 {strides = array<i32>} : memref<512x128xf32, #tpu.memory_space<vmem>>, vector<1x128xf32>,
    %slice3A_981 = vector.extract_strided_slice %div3A_536 {offsets = [0, 14208], sizes = [1, 128], strides = [1, 1]} : vector<1x16384xf32> to vector<1x128xf32>
    %swap3A_982 = arith.constant 239 : index
    %swap3A_983 = arith.constant 0 : index
    %swap3A_984 = vector.load %arg3[%swap3A_982, %swap3A_983] : memref<512x128xf32, #tpu.memory_space<vmem>>, vector<1x128xf32>
    tpu.vector_store %arg3[%swap3A_982, %swap3A_983], %slice3A_981 {strides = array<i32>} : memref<512x128xf32, #tpu.memory_space<vmem>>, vector<1x128xf32>,
    %slice3A_985 = vector.extract_strided_slice %div3A_536 {offsets = [0, 14336], sizes = [1, 128], strides = [1, 1]} : vector<1x16384xf32> to vector<1x128xf32>
    %swap3A_986 = arith.constant 240 : index
    %swap3A_987 = arith.constant 0 : index
    %swap3A_988 = vector.load %arg3[%swap3A_986, %swap3A_987] : memref<512x128xf32, #tpu.memory_space<vmem>>, vector<1x128xf32>
    tpu.vector_store %arg3[%swap3A_986, %swap3A_987], %slice3A_985 {strides = array<i32>} : memref<512x128xf32, #tpu.memory_space<vmem>>, vector<1x128xf32>,
    %slice3A_989 = vector.extract_strided_slice %div3A_536 {offsets = [0, 14464], sizes = [1, 128], strides = [1, 1]} : vector<1x16384xf32> to vector<1x128xf32>
    %swap3A_990 = arith.constant 241 : index
    %swap3A_991 = arith.constant 0 : index
    %swap3A_992 = vector.load %arg3[%swap3A_990, %swap3A_991] : memref<512x128xf32, #tpu.memory_space<vmem>>, vector<1x128xf32>
    tpu.vector_store %arg3[%swap3A_990, %swap3A_991], %slice3A_989 {strides = array<i32>} : memref<512x128xf32, #tpu.memory_space<vmem>>, vector<1x128xf32>,
    %slice3A_993 = vector.extract_strided_slice %div3A_536 {offsets = [0, 14592], sizes = [1, 128], strides = [1, 1]} : vector<1x16384xf32> to vector<1x128xf32>
    %swap3A_994 = arith.constant 242 : index
    %swap3A_995 = arith.constant 0 : index
    %swap3A_996 = vector.load %arg3[%swap3A_994, %swap3A_995] : memref<512x128xf32, #tpu.memory_space<vmem>>, vector<1x128xf32>
    tpu.vector_store %arg3[%swap3A_994, %swap3A_995], %slice3A_993 {strides = array<i32>} : memref<512x128xf32, #tpu.memory_space<vmem>>, vector<1x128xf32>,
    %slice3A_997 = vector.extract_strided_slice %div3A_536 {offsets = [0, 14720], sizes = [1, 128], strides = [1, 1]} : vector<1x16384xf32> to vector<1x128xf32>
    %swap3A_998 = arith.constant 243 : index
    %swap3A_999 = arith.constant 0 : index
    %swap3A_1000 = vector.load %arg3[%swap3A_998, %swap3A_999] : memref<512x128xf32, #tpu.memory_space<vmem>>, vector<1x128xf32>
    tpu.vector_store %arg3[%swap3A_998, %swap3A_999], %slice3A_997 {strides = array<i32>} : memref<512x128xf32, #tpu.memory_space<vmem>>, vector<1x128xf32>,
    %slice3A_1001 = vector.extract_strided_slice %div3A_536 {offsets = [0, 14848], sizes = [1, 128], strides = [1, 1]} : vector<1x16384xf32> to vector<1x128xf32>
    %swap3A_1002 = arith.constant 244 : index
    %swap3A_1003 = arith.constant 0 : index
    %swap3A_1004 = vector.load %arg3[%swap3A_1002, %swap3A_1003] : memref<512x128xf32, #tpu.memory_space<vmem>>, vector<1x128xf32>
    tpu.vector_store %arg3[%swap3A_1002, %swap3A_1003], %slice3A_1001 {strides = array<i32>} : memref<512x128xf32, #tpu.memory_space<vmem>>, vector<1x128xf32>,
    %slice3A_1005 = vector.extract_strided_slice %div3A_536 {offsets = [0, 14976], sizes = [1, 128], strides = [1, 1]} : vector<1x16384xf32> to vector<1x128xf32>
    %swap3A_1006 = arith.constant 245 : index
    %swap3A_1007 = arith.constant 0 : index
    %swap3A_1008 = vector.load %arg3[%swap3A_1006, %swap3A_1007] : memref<512x128xf32, #tpu.memory_space<vmem>>, vector<1x128xf32>
    tpu.vector_store %arg3[%swap3A_1006, %swap3A_1007], %slice3A_1005 {strides = array<i32>} : memref<512x128xf32, #tpu.memory_space<vmem>>, vector<1x128xf32>,
    %slice3A_1009 = vector.extract_strided_slice %div3A_536 {offsets = [0, 15104], sizes = [1, 128], strides = [1, 1]} : vector<1x16384xf32> to vector<1x128xf32>
    %swap3A_1010 = arith.constant 246 : index
    %swap3A_1011 = arith.constant 0 : index
    %swap3A_1012 = vector.load %arg3[%swap3A_1010, %swap3A_1011] : memref<512x128xf32, #tpu.memory_space<vmem>>, vector<1x128xf32>
    tpu.vector_store %arg3[%swap3A_1010, %swap3A_1011], %slice3A_1009 {strides = array<i32>} : memref<512x128xf32, #tpu.memory_space<vmem>>, vector<1x128xf32>,
    %slice3A_1013 = vector.extract_strided_slice %div3A_536 {offsets = [0, 15232], sizes = [1, 128], strides = [1, 1]} : vector<1x16384xf32> to vector<1x128xf32>
    %swap3A_1014 = arith.constant 247 : index
    %swap3A_1015 = arith.constant 0 : index
    %swap3A_1016 = vector.load %arg3[%swap3A_1014, %swap3A_1015] : memref<512x128xf32, #tpu.memory_space<vmem>>, vector<1x128xf32>
    tpu.vector_store %arg3[%swap3A_1014, %swap3A_1015], %slice3A_1013 {strides = array<i32>} : memref<512x128xf32, #tpu.memory_space<vmem>>, vector<1x128xf32>,
    %slice3A_1017 = vector.extract_strided_slice %div3A_536 {offsets = [0, 15360], sizes = [1, 128], strides = [1, 1]} : vector<1x16384xf32> to vector<1x128xf32>
    %swap3A_1018 = arith.constant 248 : index
    %swap3A_1019 = arith.constant 0 : index
    %swap3A_1020 = vector.load %arg3[%swap3A_1018, %swap3A_1019] : memref<512x128xf32, #tpu.memory_space<vmem>>, vector<1x128xf32>
    tpu.vector_store %arg3[%swap3A_1018, %swap3A_1019], %slice3A_1017 {strides = array<i32>} : memref<512x128xf32, #tpu.memory_space<vmem>>, vector<1x128xf32>,
    %slice3A_1021 = vector.extract_strided_slice %div3A_536 {offsets = [0, 15488], sizes = [1, 128], strides = [1, 1]} : vector<1x16384xf32> to vector<1x128xf32>
    %swap3A_1022 = arith.constant 249 : index
    %swap3A_1023 = arith.constant 0 : index
    %swap3A_1024 = vector.load %arg3[%swap3A_1022, %swap3A_1023] : memref<512x128xf32, #tpu.memory_space<vmem>>, vector<1x128xf32>
    tpu.vector_store %arg3[%swap3A_1022, %swap3A_1023], %slice3A_1021 {strides = array<i32>} : memref<512x128xf32, #tpu.memory_space<vmem>>, vector<1x128xf32>,
    %slice3A_1025 = vector.extract_strided_slice %div3A_536 {offsets = [0, 15616], sizes = [1, 128], strides = [1, 1]} : vector<1x16384xf32> to vector<1x128xf32>
    %swap3A_1026 = arith.constant 250 : index
    %swap3A_1027 = arith.constant 0 : index
    %swap3A_1028 = vector.load %arg3[%swap3A_1026, %swap3A_1027] : memref<512x128xf32, #tpu.memory_space<vmem>>, vector<1x128xf32>
    tpu.vector_store %arg3[%swap3A_1026, %swap3A_1027], %slice3A_1025 {strides = array<i32>} : memref<512x128xf32, #tpu.memory_space<vmem>>, vector<1x128xf32>,
    %slice3A_1029 = vector.extract_strided_slice %div3A_536 {offsets = [0, 15744], sizes = [1, 128], strides = [1, 1]} : vector<1x16384xf32> to vector<1x128xf32>
    %swap3A_1030 = arith.constant 251 : index
    %swap3A_1031 = arith.constant 0 : index
    %swap3A_1032 = vector.load %arg3[%swap3A_1030, %swap3A_1031] : memref<512x128xf32, #tpu.memory_space<vmem>>, vector<1x128xf32>
    tpu.vector_store %arg3[%swap3A_1030, %swap3A_1031], %slice3A_1029 {strides = array<i32>} : memref<512x128xf32, #tpu.memory_space<vmem>>, vector<1x128xf32>,
    %slice3A_1033 = vector.extract_strided_slice %div3A_536 {offsets = [0, 15872], sizes = [1, 128], strides = [1, 1]} : vector<1x16384xf32> to vector<1x128xf32>
    %swap3A_1034 = arith.constant 252 : index
    %swap3A_1035 = arith.constant 0 : index
    %swap3A_1036 = vector.load %arg3[%swap3A_1034, %swap3A_1035] : memref<512x128xf32, #tpu.memory_space<vmem>>, vector<1x128xf32>
    tpu.vector_store %arg3[%swap3A_1034, %swap3A_1035], %slice3A_1033 {strides = array<i32>} : memref<512x128xf32, #tpu.memory_space<vmem>>, vector<1x128xf32>,
    %slice3A_1037 = vector.extract_strided_slice %div3A_536 {offsets = [0, 16000], sizes = [1, 128], strides = [1, 1]} : vector<1x16384xf32> to vector<1x128xf32>
    %swap3A_1038 = arith.constant 253 : index
    %swap3A_1039 = arith.constant 0 : index
    %swap3A_1040 = vector.load %arg3[%swap3A_1038, %swap3A_1039] : memref<512x128xf32, #tpu.memory_space<vmem>>, vector<1x128xf32>
    tpu.vector_store %arg3[%swap3A_1038, %swap3A_1039], %slice3A_1037 {strides = array<i32>} : memref<512x128xf32, #tpu.memory_space<vmem>>, vector<1x128xf32>,
    %slice3A_1041 = vector.extract_strided_slice %div3A_536 {offsets = [0, 16128], sizes = [1, 128], strides = [1, 1]} : vector<1x16384xf32> to vector<1x128xf32>
    %swap3A_1042 = arith.constant 254 : index
    %swap3A_1043 = arith.constant 0 : index
    %swap3A_1044 = vector.load %arg3[%swap3A_1042, %swap3A_1043] : memref<512x128xf32, #tpu.memory_space<vmem>>, vector<1x128xf32>
    tpu.vector_store %arg3[%swap3A_1042, %swap3A_1043], %slice3A_1041 {strides = array<i32>} : memref<512x128xf32, #tpu.memory_space<vmem>>, vector<1x128xf32>,
    %slice3A_1045 = vector.extract_strided_slice %div3A_536 {offsets = [0, 16256], sizes = [1, 128], strides = [1, 1]} : vector<1x16384xf32> to vector<1x128xf32>
    %swap3A_1046 = arith.constant 255 : index
    %swap3A_1047 = arith.constant 0 : index
    %swap3A_1048 = vector.load %arg3[%swap3A_1046, %swap3A_1047] : memref<512x128xf32, #tpu.memory_space<vmem>>, vector<1x128xf32>
    tpu.vector_store %arg3[%swap3A_1046, %swap3A_1047], %slice3A_1045 {strides = array<i32>} : memref<512x128xf32, #tpu.memory_space<vmem>>, vector<1x128xf32>,
    %get3A_1049 = arith.constant 0 : index
    %get3A_1050 = arith.constant 32768 : index
    %get3A_1051 = vector.load %arg2[%get3A_1049, %get3A_1050] : memref<32x65536xf32, #tpu.memory_space<vmem>>, vector<32x16384xf32>
    %dot_general3A_1052 = arith.constant dense<0.000000e+00> : vector<1x16384xf32>
    %dot_general3A_1053 = tpu.matmul %get3A_1, %get3A_1051, %dot_general3A_1052 {dimension_numbers = #tpu.dot_dimension_numbers<[1], [0], [0], [1], [0, 0, 1, 1], [], []>, transpose_lhs_hint = false} : vector<1x32xf32>, vector<32x16384xf32>, vector<1x16384xf32> -> vector<1x16384xf32>
    %neg3A_1054 = arith.constant 0.000000e+00 : f32
    %neg3A_1055 = vector.broadcast %neg3A_1054 : f32 to vector<1x16384xf32>
    %neg3A_1056 = arith.subf %neg3A_1055, %dot_general3A_1053 : vector<1x16384xf32>
    %exp3A_1057 = math.exp %neg3A_1056 : vector<1x16384xf32>
    %add3A_1058 = arith.constant 1.000000e+00 : f32
    %add3A_1059 = vector.broadcast %add3A_1058 : f32 to vector<1x16384xf32>
    %add3A_1060 = arith.addf %add3A_1059, %exp3A_1057 : vector<1x16384xf32>
    %div3A_1061 = arith.constant 1.000000e+00 : f32
    %div3A_1062 = vector.broadcast %div3A_1061 : f32 to vector<1x16384xf32>
    %div3A_1063 = arith.divf %div3A_1062, %add3A_1060 : vector<1x16384xf32>
    %slice3A_1064 = vector.extract_strided_slice %div3A_1063 {offsets = [0, 0], sizes = [1, 128], strides = [1, 1]} : vector<1x16384xf32> to vector<1x128xf32>
    %swap3A_1065 = arith.constant 256 : index
    %swap3A_1066 = arith.constant 0 : index
    %swap3A_1067 = vector.load %arg3[%swap3A_1065, %swap3A_1066] : memref<512x128xf32, #tpu.memory_space<vmem>>, vector<1x128xf32>
    tpu.vector_store %arg3[%swap3A_1065, %swap3A_1066], %slice3A_1064 {strides = array<i32>} : memref<512x128xf32, #tpu.memory_space<vmem>>, vector<1x128xf32>,
    %slice3A_1068 = vector.extract_strided_slice %div3A_1063 {offsets = [0, 128], sizes = [1, 128], strides = [1, 1]} : vector<1x16384xf32> to vector<1x128xf32>
    %swap3A_1069 = arith.constant 257 : index
    %swap3A_1070 = arith.constant 0 : index
    %swap3A_1071 = vector.load %arg3[%swap3A_1069, %swap3A_1070] : memref<512x128xf32, #tpu.memory_space<vmem>>, vector<1x128xf32>
    tpu.vector_store %arg3[%swap3A_1069, %swap3A_1070], %slice3A_1068 {strides = array<i32>} : memref<512x128xf32, #tpu.memory_space<vmem>>, vector<1x128xf32>,
    %slice3A_1072 = vector.extract_strided_slice %div3A_1063 {offsets = [0, 256], sizes = [1, 128], strides = [1, 1]} : vector<1x16384xf32> to vector<1x128xf32>
    %swap3A_1073 = arith.constant 258 : index
    %swap3A_1074 = arith.constant 0 : index
    %swap3A_1075 = vector.load %arg3[%swap3A_1073, %swap3A_1074] : memref<512x128xf32, #tpu.memory_space<vmem>>, vector<1x128xf32>
    tpu.vector_store %arg3[%swap3A_1073, %swap3A_1074], %slice3A_1072 {strides = array<i32>} : memref<512x128xf32, #tpu.memory_space<vmem>>, vector<1x128xf32>,
    %slice3A_1076 = vector.extract_strided_slice %div3A_1063 {offsets = [0, 384], sizes = [1, 128], strides = [1, 1]} : vector<1x16384xf32> to vector<1x128xf32>
    %swap3A_1077 = arith.constant 259 : index
    %swap3A_1078 = arith.constant 0 : index
    %swap3A_1079 = vector.load %arg3[%swap3A_1077, %swap3A_1078] : memref<512x128xf32, #tpu.memory_space<vmem>>, vector<1x128xf32>
    tpu.vector_store %arg3[%swap3A_1077, %swap3A_1078], %slice3A_1076 {strides = array<i32>} : memref<512x128xf32, #tpu.memory_space<vmem>>, vector<1x128xf32>,
    %slice3A_1080 = vector.extract_strided_slice %div3A_1063 {offsets = [0, 512], sizes = [1, 128], strides = [1, 1]} : vector<1x16384xf32> to vector<1x128xf32>
    %swap3A_1081 = arith.constant 260 : index
    %swap3A_1082 = arith.constant 0 : index
    %swap3A_1083 = vector.load %arg3[%swap3A_1081, %swap3A_1082] : memref<512x128xf32, #tpu.memory_space<vmem>>, vector<1x128xf32>
    tpu.vector_store %arg3[%swap3A_1081, %swap3A_1082], %slice3A_1080 {strides = array<i32>} : memref<512x128xf32, #tpu.memory_space<vmem>>, vector<1x128xf32>,
    %slice3A_1084 = vector.extract_strided_slice %div3A_1063 {offsets = [0, 640], sizes = [1, 128], strides = [1, 1]} : vector<1x16384xf32> to vector<1x128xf32>
    %swap3A_1085 = arith.constant 261 : index
    %swap3A_1086 = arith.constant 0 : index
    %swap3A_1087 = vector.load %arg3[%swap3A_1085, %swap3A_1086] : memref<512x128xf32, #tpu.memory_space<vmem>>, vector<1x128xf32>
    tpu.vector_store %arg3[%swap3A_1085, %swap3A_1086], %slice3A_1084 {strides = array<i32>} : memref<512x128xf32, #tpu.memory_space<vmem>>, vector<1x128xf32>,
    %slice3A_1088 = vector.extract_strided_slice %div3A_1063 {offsets = [0, 768], sizes = [1, 128], strides = [1, 1]} : vector<1x16384xf32> to vector<1x128xf32>
    %swap3A_1089 = arith.constant 262 : index
    %swap3A_1090 = arith.constant 0 : index
    %swap3A_1091 = vector.load %arg3[%swap3A_1089, %swap3A_1090] : memref<512x128xf32, #tpu.memory_space<vmem>>, vector<1x128xf32>
    tpu.vector_store %arg3[%swap3A_1089, %swap3A_1090], %slice3A_1088 {strides = array<i32>} : memref<512x128xf32, #tpu.memory_space<vmem>>, vector<1x128xf32>,
    %slice3A_1092 = vector.extract_strided_slice %div3A_1063 {offsets = [0, 896], sizes = [1, 128], strides = [1, 1]} : vector<1x16384xf32> to vector<1x128xf32>
    %swap3A_1093 = arith.constant 263 : index
    %swap3A_1094 = arith.constant 0 : index
    %swap3A_1095 = vector.load %arg3[%swap3A_1093, %swap3A_1094] : memref<512x128xf32, #tpu.memory_space<vmem>>, vector<1x128xf32>
    tpu.vector_store %arg3[%swap3A_1093, %swap3A_1094], %slice3A_1092 {strides = array<i32>} : memref<512x128xf32, #tpu.memory_space<vmem>>, vector<1x128xf32>,
    %slice3A_1096 = vector.extract_strided_slice %div3A_1063 {offsets = [0, 1024], sizes = [1, 128], strides = [1, 1]} : vector<1x16384xf32> to vector<1x128xf32>
    %swap3A_1097 = arith.constant 264 : index
    %swap3A_1098 = arith.constant 0 : index
    %swap3A_1099 = vector.load %arg3[%swap3A_1097, %swap3A_1098] : memref<512x128xf32, #tpu.memory_space<vmem>>, vector<1x128xf32>
    tpu.vector_store %arg3[%swap3A_1097, %swap3A_1098], %slice3A_1096 {strides = array<i32>} : memref<512x128xf32, #tpu.memory_space<vmem>>, vector<1x128xf32>,
    %slice3A_1100 = vector.extract_strided_slice %div3A_1063 {offsets = [0, 1152], sizes = [1, 128], strides = [1, 1]} : vector<1x16384xf32> to vector<1x128xf32>
    %swap3A_1101 = arith.constant 265 : index
    %swap3A_1102 = arith.constant 0 : index
    %swap3A_1103 = vector.load %arg3[%swap3A_1101, %swap3A_1102] : memref<512x128xf32, #tpu.memory_space<vmem>>, vector<1x128xf32>
    tpu.vector_store %arg3[%swap3A_1101, %swap3A_1102], %slice3A_1100 {strides = array<i32>} : memref<512x128xf32, #tpu.memory_space<vmem>>, vector<1x128xf32>,
    %slice3A_1104 = vector.extract_strided_slice %div3A_1063 {offsets = [0, 1280], sizes = [1, 128], strides = [1, 1]} : vector<1x16384xf32> to vector<1x128xf32>
    %swap3A_1105 = arith.constant 266 : index
    %swap3A_1106 = arith.constant 0 : index
    %swap3A_1107 = vector.load %arg3[%swap3A_1105, %swap3A_1106] : memref<512x128xf32, #tpu.memory_space<vmem>>, vector<1x128xf32>
    tpu.vector_store %arg3[%swap3A_1105, %swap3A_1106], %slice3A_1104 {strides = array<i32>} : memref<512x128xf32, #tpu.memory_space<vmem>>, vector<1x128xf32>,
    %slice3A_1108 = vector.extract_strided_slice %div3A_1063 {offsets = [0, 1408], sizes = [1, 128], strides = [1, 1]} : vector<1x16384xf32> to vector<1x128xf32>
    %swap3A_1109 = arith.constant 267 : index
    %swap3A_1110 = arith.constant 0 : index
    %swap3A_1111 = vector.load %arg3[%swap3A_1109, %swap3A_1110] : memref<512x128xf32, #tpu.memory_space<vmem>>, vector<1x128xf32>
    tpu.vector_store %arg3[%swap3A_1109, %swap3A_1110], %slice3A_1108 {strides = array<i32>} : memref<512x128xf32, #tpu.memory_space<vmem>>, vector<1x128xf32>,
    %slice3A_1112 = vector.extract_strided_slice %div3A_1063 {offsets = [0, 1536], sizes = [1, 128], strides = [1, 1]} : vector<1x16384xf32> to vector<1x128xf32>
    %swap3A_1113 = arith.constant 268 : index
    %swap3A_1114 = arith.constant 0 : index
    %swap3A_1115 = vector.load %arg3[%swap3A_1113, %swap3A_1114] : memref<512x128xf32, #tpu.memory_space<vmem>>, vector<1x128xf32>
    tpu.vector_store %arg3[%swap3A_1113, %swap3A_1114], %slice3A_1112 {strides = array<i32>} : memref<512x128xf32, #tpu.memory_space<vmem>>, vector<1x128xf32>,
    %slice3A_1116 = vector.extract_strided_slice %div3A_1063 {offsets = [0, 1664], sizes = [1, 128], strides = [1, 1]} : vector<1x16384xf32> to vector<1x128xf32>
    %swap3A_1117 = arith.constant 269 : index
    %swap3A_1118 = arith.constant 0 : index
    %swap3A_1119 = vector.load %arg3[%swap3A_1117, %swap3A_1118] : memref<512x128xf32, #tpu.memory_space<vmem>>, vector<1x128xf32>
    tpu.vector_store %arg3[%swap3A_1117, %swap3A_1118], %slice3A_1116 {strides = array<i32>} : memref<512x128xf32, #tpu.memory_space<vmem>>, vector<1x128xf32>,
    %slice3A_1120 = vector.extract_strided_slice %div3A_1063 {offsets = [0, 1792], sizes = [1, 128], strides = [1, 1]} : vector<1x16384xf32> to vector<1x128xf32>
    %swap3A_1121 = arith.constant 270 : index
    %swap3A_1122 = arith.constant 0 : index
    %swap3A_1123 = vector.load %arg3[%swap3A_1121, %swap3A_1122] : memref<512x128xf32, #tpu.memory_space<vmem>>, vector<1x128xf32>
    tpu.vector_store %arg3[%swap3A_1121, %swap3A_1122], %slice3A_1120 {strides = array<i32>} : memref<512x128xf32, #tpu.memory_space<vmem>>, vector<1x128xf32>,
    %slice3A_1124 = vector.extract_strided_slice %div3A_1063 {offsets = [0, 1920], sizes = [1, 128], strides = [1, 1]} : vector<1x16384xf32> to vector<1x128xf32>
    %swap3A_1125 = arith.constant 271 : index
    %swap3A_1126 = arith.constant 0 : index
    %swap3A_1127 = vector.load %arg3[%swap3A_1125, %swap3A_1126] : memref<512x128xf32, #tpu.memory_space<vmem>>, vector<1x128xf32>
    tpu.vector_store %arg3[%swap3A_1125, %swap3A_1126], %slice3A_1124 {strides = array<i32>} : memref<512x128xf32, #tpu.memory_space<vmem>>, vector<1x128xf32>,
    %slice3A_1128 = vector.extract_strided_slice %div3A_1063 {offsets = [0, 2048], sizes = [1, 128], strides = [1, 1]} : vector<1x16384xf32> to vector<1x128xf32>
    %swap3A_1129 = arith.constant 272 : index
    %swap3A_1130 = arith.constant 0 : index
    %swap3A_1131 = vector.load %arg3[%swap3A_1129, %swap3A_1130] : memref<512x128xf32, #tpu.memory_space<vmem>>, vector<1x128xf32>
    tpu.vector_store %arg3[%swap3A_1129, %swap3A_1130], %slice3A_1128 {strides = array<i32>} : memref<512x128xf32, #tpu.memory_space<vmem>>, vector<1x128xf32>,
    %slice3A_1132 = vector.extract_strided_slice %div3A_1063 {offsets = [0, 2176], sizes = [1, 128], strides = [1, 1]} : vector<1x16384xf32> to vector<1x128xf32>
    %swap3A_1133 = arith.constant 273 : index
    %swap3A_1134 = arith.constant 0 : index
    %swap3A_1135 = vector.load %arg3[%swap3A_1133, %swap3A_1134] : memref<512x128xf32, #tpu.memory_space<vmem>>, vector<1x128xf32>
    tpu.vector_store %arg3[%swap3A_1133, %swap3A_1134], %slice3A_1132 {strides = array<i32>} : memref<512x128xf32, #tpu.memory_space<vmem>>, vector<1x128xf32>,
    %slice3A_1136 = vector.extract_strided_slice %div3A_1063 {offsets = [0, 2304], sizes = [1, 128], strides = [1, 1]} : vector<1x16384xf32> to vector<1x128xf32>
    %swap3A_1137 = arith.constant 274 : index
    %swap3A_1138 = arith.constant 0 : index
    %swap3A_1139 = vector.load %arg3[%swap3A_1137, %swap3A_1138] : memref<512x128xf32, #tpu.memory_space<vmem>>, vector<1x128xf32>
    tpu.vector_store %arg3[%swap3A_1137, %swap3A_1138], %slice3A_1136 {strides = array<i32>} : memref<512x128xf32, #tpu.memory_space<vmem>>, vector<1x128xf32>,
    %slice3A_1140 = vector.extract_strided_slice %div3A_1063 {offsets = [0, 2432], sizes = [1, 128], strides = [1, 1]} : vector<1x16384xf32> to vector<1x128xf32>
    %swap3A_1141 = arith.constant 275 : index
    %swap3A_1142 = arith.constant 0 : index
    %swap3A_1143 = vector.load %arg3[%swap3A_1141, %swap3A_1142] : memref<512x128xf32, #tpu.memory_space<vmem>>, vector<1x128xf32>
    tpu.vector_store %arg3[%swap3A_1141, %swap3A_1142], %slice3A_1140 {strides = array<i32>} : memref<512x128xf32, #tpu.memory_space<vmem>>, vector<1x128xf32>,
    %slice3A_1144 = vector.extract_strided_slice %div3A_1063 {offsets = [0, 2560], sizes = [1, 128], strides = [1, 1]} : vector<1x16384xf32> to vector<1x128xf32>
    %swap3A_1145 = arith.constant 276 : index
    %swap3A_1146 = arith.constant 0 : index
    %swap3A_1147 = vector.load %arg3[%swap3A_1145, %swap3A_1146] : memref<512x128xf32, #tpu.memory_space<vmem>>, vector<1x128xf32>
    tpu.vector_store %arg3[%swap3A_1145, %swap3A_1146], %slice3A_1144 {strides = array<i32>} : memref<512x128xf32, #tpu.memory_space<vmem>>, vector<1x128xf32>,
    %slice3A_1148 = vector.extract_strided_slice %div3A_1063 {offsets = [0, 2688], sizes = [1, 128], strides = [1, 1]} : vector<1x16384xf32> to vector<1x128xf32>
    %swap3A_1149 = arith.constant 277 : index
    %swap3A_1150 = arith.constant 0 : index
    %swap3A_1151 = vector.load %arg3[%swap3A_1149, %swap3A_1150] : memref<512x128xf32, #tpu.memory_space<vmem>>, vector<1x128xf32>
    tpu.vector_store %arg3[%swap3A_1149, %swap3A_1150], %slice3A_1148 {strides = array<i32>} : memref<512x128xf32, #tpu.memory_space<vmem>>, vector<1x128xf32>,
    %slice3A_1152 = vector.extract_strided_slice %div3A_1063 {offsets = [0, 2816], sizes = [1, 128], strides = [1, 1]} : vector<1x16384xf32> to vector<1x128xf32>
    %swap3A_1153 = arith.constant 278 : index
    %swap3A_1154 = arith.constant 0 : index
    %swap3A_1155 = vector.load %arg3[%swap3A_1153, %swap3A_1154] : memref<512x128xf32, #tpu.memory_space<vmem>>, vector<1x128xf32>
    tpu.vector_store %arg3[%swap3A_1153, %swap3A_1154], %slice3A_1152 {strides = array<i32>} : memref<512x128xf32, #tpu.memory_space<vmem>>, vector<1x128xf32>,
    %slice3A_1156 = vector.extract_strided_slice %div3A_1063 {offsets = [0, 2944], sizes = [1, 128], strides = [1, 1]} : vector<1x16384xf32> to vector<1x128xf32>
    %swap3A_1157 = arith.constant 279 : index
    %swap3A_1158 = arith.constant 0 : index
    %swap3A_1159 = vector.load %arg3[%swap3A_1157, %swap3A_1158] : memref<512x128xf32, #tpu.memory_space<vmem>>, vector<1x128xf32>
    tpu.vector_store %arg3[%swap3A_1157, %swap3A_1158], %slice3A_1156 {strides = array<i32>} : memref<512x128xf32, #tpu.memory_space<vmem>>, vector<1x128xf32>,
    %slice3A_1160 = vector.extract_strided_slice %div3A_1063 {offsets = [0, 3072], sizes = [1, 128], strides = [1, 1]} : vector<1x16384xf32> to vector<1x128xf32>
    %swap3A_1161 = arith.constant 280 : index
    %swap3A_1162 = arith.constant 0 : index
    %swap3A_1163 = vector.load %arg3[%swap3A_1161, %swap3A_1162] : memref<512x128xf32, #tpu.memory_space<vmem>>, vector<1x128xf32>
    tpu.vector_store %arg3[%swap3A_1161, %swap3A_1162], %slice3A_1160 {strides = array<i32>} : memref<512x128xf32, #tpu.memory_space<vmem>>, vector<1x128xf32>,
    %slice3A_1164 = vector.extract_strided_slice %div3A_1063 {offsets = [0, 3200], sizes = [1, 128], strides = [1, 1]} : vector<1x16384xf32> to vector<1x128xf32>
    %swap3A_1165 = arith.constant 281 : index
    %swap3A_1166 = arith.constant 0 : index
    %swap3A_1167 = vector.load %arg3[%swap3A_1165, %swap3A_1166] : memref<512x128xf32, #tpu.memory_space<vmem>>, vector<1x128xf32>
    tpu.vector_store %arg3[%swap3A_1165, %swap3A_1166], %slice3A_1164 {strides = array<i32>} : memref<512x128xf32, #tpu.memory_space<vmem>>, vector<1x128xf32>,
    %slice3A_1168 = vector.extract_strided_slice %div3A_1063 {offsets = [0, 3328], sizes = [1, 128], strides = [1, 1]} : vector<1x16384xf32> to vector<1x128xf32>
    %swap3A_1169 = arith.constant 282 : index
    %swap3A_1170 = arith.constant 0 : index
    %swap3A_1171 = vector.load %arg3[%swap3A_1169, %swap3A_1170] : memref<512x128xf32, #tpu.memory_space<vmem>>, vector<1x128xf32>
    tpu.vector_store %arg3[%swap3A_1169, %swap3A_1170], %slice3A_1168 {strides = array<i32>} : memref<512x128xf32, #tpu.memory_space<vmem>>, vector<1x128xf32>,
    %slice3A_1172 = vector.extract_strided_slice %div3A_1063 {offsets = [0, 3456], sizes = [1, 128], strides = [1, 1]} : vector<1x16384xf32> to vector<1x128xf32>
    %swap3A_1173 = arith.constant 283 : index
    %swap3A_1174 = arith.constant 0 : index
    %swap3A_1175 = vector.load %arg3[%swap3A_1173, %swap3A_1174] : memref<512x128xf32, #tpu.memory_space<vmem>>, vector<1x128xf32>
    tpu.vector_store %arg3[%swap3A_1173, %swap3A_1174], %slice3A_1172 {strides = array<i32>} : memref<512x128xf32, #tpu.memory_space<vmem>>, vector<1x128xf32>,
    %slice3A_1176 = vector.extract_strided_slice %div3A_1063 {offsets = [0, 3584], sizes = [1, 128], strides = [1, 1]} : vector<1x16384xf32> to vector<1x128xf32>
    %swap3A_1177 = arith.constant 284 : index
    %swap3A_1178 = arith.constant 0 : index
    %swap3A_1179 = vector.load %arg3[%swap3A_1177, %swap3A_1178] : memref<512x128xf32, #tpu.memory_space<vmem>>, vector<1x128xf32>
    tpu.vector_store %arg3[%swap3A_1177, %swap3A_1178], %slice3A_1176 {strides = array<i32>} : memref<512x128xf32, #tpu.memory_space<vmem>>, vector<1x128xf32>,
    %slice3A_1180 = vector.extract_strided_slice %div3A_1063 {offsets = [0, 3712], sizes = [1, 128], strides = [1, 1]} : vector<1x16384xf32> to vector<1x128xf32>
    %swap3A_1181 = arith.constant 285 : index
    %swap3A_1182 = arith.constant 0 : index
    %swap3A_1183 = vector.load %arg3[%swap3A_1181, %swap3A_1182] : memref<512x128xf32, #tpu.memory_space<vmem>>, vector<1x128xf32>
    tpu.vector_store %arg3[%swap3A_1181, %swap3A_1182], %slice3A_1180 {strides = array<i32>} : memref<512x128xf32, #tpu.memory_space<vmem>>, vector<1x128xf32>,
    %slice3A_1184 = vector.extract_strided_slice %div3A_1063 {offsets = [0, 3840], sizes = [1, 128], strides = [1, 1]} : vector<1x16384xf32> to vector<1x128xf32>
    %swap3A_1185 = arith.constant 286 : index
    %swap3A_1186 = arith.constant 0 : index
    %swap3A_1187 = vector.load %arg3[%swap3A_1185, %swap3A_1186] : memref<512x128xf32, #tpu.memory_space<vmem>>, vector<1x128xf32>
    tpu.vector_store %arg3[%swap3A_1185, %swap3A_1186], %slice3A_1184 {strides = array<i32>} : memref<512x128xf32, #tpu.memory_space<vmem>>, vector<1x128xf32>,
    %slice3A_1188 = vector.extract_strided_slice %div3A_1063 {offsets = [0, 3968], sizes = [1, 128], strides = [1, 1]} : vector<1x16384xf32> to vector<1x128xf32>
    %swap3A_1189 = arith.constant 287 : index
    %swap3A_1190 = arith.constant 0 : index
    %swap3A_1191 = vector.load %arg3[%swap3A_1189, %swap3A_1190] : memref<512x128xf32, #tpu.memory_space<vmem>>, vector<1x128xf32>
    tpu.vector_store %arg3[%swap3A_1189, %swap3A_1190], %slice3A_1188 {strides = array<i32>} : memref<512x128xf32, #tpu.memory_space<vmem>>, vector<1x128xf32>,
    %slice3A_1192 = vector.extract_strided_slice %div3A_1063 {offsets = [0, 4096], sizes = [1, 128], strides = [1, 1]} : vector<1x16384xf32> to vector<1x128xf32>
    %swap3A_1193 = arith.constant 288 : index
    %swap3A_1194 = arith.constant 0 : index
    %swap3A_1195 = vector.load %arg3[%swap3A_1193, %swap3A_1194] : memref<512x128xf32, #tpu.memory_space<vmem>>, vector<1x128xf32>
    tpu.vector_store %arg3[%swap3A_1193, %swap3A_1194], %slice3A_1192 {strides = array<i32>} : memref<512x128xf32, #tpu.memory_space<vmem>>, vector<1x128xf32>,
    %slice3A_1196 = vector.extract_strided_slice %div3A_1063 {offsets = [0, 4224], sizes = [1, 128], strides = [1, 1]} : vector<1x16384xf32> to vector<1x128xf32>
    %swap3A_1197 = arith.constant 289 : index
    %swap3A_1198 = arith.constant 0 : index
    %swap3A_1199 = vector.load %arg3[%swap3A_1197, %swap3A_1198] : memref<512x128xf32, #tpu.memory_space<vmem>>, vector<1x128xf32>
    tpu.vector_store %arg3[%swap3A_1197, %swap3A_1198], %slice3A_1196 {strides = array<i32>} : memref<512x128xf32, #tpu.memory_space<vmem>>, vector<1x128xf32>,
    %slice3A_1200 = vector.extract_strided_slice %div3A_1063 {offsets = [0, 4352], sizes = [1, 128], strides = [1, 1]} : vector<1x16384xf32> to vector<1x128xf32>
    %swap3A_1201 = arith.constant 290 : index
    %swap3A_1202 = arith.constant 0 : index
    %swap3A_1203 = vector.load %arg3[%swap3A_1201, %swap3A_1202] : memref<512x128xf32, #tpu.memory_space<vmem>>, vector<1x128xf32>
    tpu.vector_store %arg3[%swap3A_1201, %swap3A_1202], %slice3A_1200 {strides = array<i32>} : memref<512x128xf32, #tpu.memory_space<vmem>>, vector<1x128xf32>,
    %slice3A_1204 = vector.extract_strided_slice %div3A_1063 {offsets = [0, 4480], sizes = [1, 128], strides = [1, 1]} : vector<1x16384xf32> to vector<1x128xf32>
    %swap3A_1205 = arith.constant 291 : index
    %swap3A_1206 = arith.constant 0 : index
    %swap3A_1207 = vector.load %arg3[%swap3A_1205, %swap3A_1206] : memref<512x128xf32, #tpu.memory_space<vmem>>, vector<1x128xf32>
    tpu.vector_store %arg3[%swap3A_1205, %swap3A_1206], %slice3A_1204 {strides = array<i32>} : memref<512x128xf32, #tpu.memory_space<vmem>>, vector<1x128xf32>,
    %slice3A_1208 = vector.extract_strided_slice %div3A_1063 {offsets = [0, 4608], sizes = [1, 128], strides = [1, 1]} : vector<1x16384xf32> to vector<1x128xf32>
    %swap3A_1209 = arith.constant 292 : index
    %swap3A_1210 = arith.constant 0 : index
    %swap3A_1211 = vector.load %arg3[%swap3A_1209, %swap3A_1210] : memref<512x128xf32, #tpu.memory_space<vmem>>, vector<1x128xf32>
    tpu.vector_store %arg3[%swap3A_1209, %swap3A_1210], %slice3A_1208 {strides = array<i32>} : memref<512x128xf32, #tpu.memory_space<vmem>>, vector<1x128xf32>,
    %slice3A_1212 = vector.extract_strided_slice %div3A_1063 {offsets = [0, 4736], sizes = [1, 128], strides = [1, 1]} : vector<1x16384xf32> to vector<1x128xf32>
    %swap3A_1213 = arith.constant 293 : index
    %swap3A_1214 = arith.constant 0 : index
    %swap3A_1215 = vector.load %arg3[%swap3A_1213, %swap3A_1214] : memref<512x128xf32, #tpu.memory_space<vmem>>, vector<1x128xf32>
    tpu.vector_store %arg3[%swap3A_1213, %swap3A_1214], %slice3A_1212 {strides = array<i32>} : memref<512x128xf32, #tpu.memory_space<vmem>>, vector<1x128xf32>,
    %slice3A_1216 = vector.extract_strided_slice %div3A_1063 {offsets = [0, 4864], sizes = [1, 128], strides = [1, 1]} : vector<1x16384xf32> to vector<1x128xf32>
    %swap3A_1217 = arith.constant 294 : index
    %swap3A_1218 = arith.constant 0 : index
    %swap3A_1219 = vector.load %arg3[%swap3A_1217, %swap3A_1218] : memref<512x128xf32, #tpu.memory_space<vmem>>, vector<1x128xf32>
    tpu.vector_store %arg3[%swap3A_1217, %swap3A_1218], %slice3A_1216 {strides = array<i32>} : memref<512x128xf32, #tpu.memory_space<vmem>>, vector<1x128xf32>,
    %slice3A_1220 = vector.extract_strided_slice %div3A_1063 {offsets = [0, 4992], sizes = [1, 128], strides = [1, 1]} : vector<1x16384xf32> to vector<1x128xf32>
    %swap3A_1221 = arith.constant 295 : index
    %swap3A_1222 = arith.constant 0 : index
    %swap3A_1223 = vector.load %arg3[%swap3A_1221, %swap3A_1222] : memref<512x128xf32, #tpu.memory_space<vmem>>, vector<1x128xf32>
    tpu.vector_store %arg3[%swap3A_1221, %swap3A_1222], %slice3A_1220 {strides = array<i32>} : memref<512x128xf32, #tpu.memory_space<vmem>>, vector<1x128xf32>,
    %slice3A_1224 = vector.extract_strided_slice %div3A_1063 {offsets = [0, 5120], sizes = [1, 128], strides = [1, 1]} : vector<1x16384xf32> to vector<1x128xf32>
    %swap3A_1225 = arith.constant 296 : index
    %swap3A_1226 = arith.constant 0 : index
    %swap3A_1227 = vector.load %arg3[%swap3A_1225, %swap3A_1226] : memref<512x128xf32, #tpu.memory_space<vmem>>, vector<1x128xf32>
    tpu.vector_store %arg3[%swap3A_1225, %swap3A_1226], %slice3A_1224 {strides = array<i32>} : memref<512x128xf32, #tpu.memory_space<vmem>>, vector<1x128xf32>,
    %slice3A_1228 = vector.extract_strided_slice %div3A_1063 {offsets = [0, 5248], sizes = [1, 128], strides = [1, 1]} : vector<1x16384xf32> to vector<1x128xf32>
    %swap3A_1229 = arith.constant 297 : index
    %swap3A_1230 = arith.constant 0 : index
    %swap3A_1231 = vector.load %arg3[%swap3A_1229, %swap3A_1230] : memref<512x128xf32, #tpu.memory_space<vmem>>, vector<1x128xf32>
    tpu.vector_store %arg3[%swap3A_1229, %swap3A_1230], %slice3A_1228 {strides = array<i32>} : memref<512x128xf32, #tpu.memory_space<vmem>>, vector<1x128xf32>,
    %slice3A_1232 = vector.extract_strided_slice %div3A_1063 {offsets = [0, 5376], sizes = [1, 128], strides = [1, 1]} : vector<1x16384xf32> to vector<1x128xf32>
    %swap3A_1233 = arith.constant 298 : index
    %swap3A_1234 = arith.constant 0 : index
    %swap3A_1235 = vector.load %arg3[%swap3A_1233, %swap3A_1234] : memref<512x128xf32, #tpu.memory_space<vmem>>, vector<1x128xf32>
    tpu.vector_store %arg3[%swap3A_1233, %swap3A_1234], %slice3A_1232 {strides = array<i32>} : memref<512x128xf32, #tpu.memory_space<vmem>>, vector<1x128xf32>,
    %slice3A_1236 = vector.extract_strided_slice %div3A_1063 {offsets = [0, 5504], sizes = [1, 128], strides = [1, 1]} : vector<1x16384xf32> to vector<1x128xf32>
    %swap3A_1237 = arith.constant 299 : index
    %swap3A_1238 = arith.constant 0 : index
    %swap3A_1239 = vector.load %arg3[%swap3A_1237, %swap3A_1238] : memref<512x128xf32, #tpu.memory_space<vmem>>, vector<1x128xf32>
    tpu.vector_store %arg3[%swap3A_1237, %swap3A_1238], %slice3A_1236 {strides = array<i32>} : memref<512x128xf32, #tpu.memory_space<vmem>>, vector<1x128xf32>,
    %slice3A_1240 = vector.extract_strided_slice %div3A_1063 {offsets = [0, 5632], sizes = [1, 128], strides = [1, 1]} : vector<1x16384xf32> to vector<1x128xf32>
    %swap3A_1241 = arith.constant 300 : index
    %swap3A_1242 = arith.constant 0 : index
    %swap3A_1243 = vector.load %arg3[%swap3A_1241, %swap3A_1242] : memref<512x128xf32, #tpu.memory_space<vmem>>, vector<1x128xf32>
    tpu.vector_store %arg3[%swap3A_1241, %swap3A_1242], %slice3A_1240 {strides = array<i32>} : memref<512x128xf32, #tpu.memory_space<vmem>>, vector<1x128xf32>,
    %slice3A_1244 = vector.extract_strided_slice %div3A_1063 {offsets = [0, 5760], sizes = [1, 128], strides = [1, 1]} : vector<1x16384xf32> to vector<1x128xf32>
    %swap3A_1245 = arith.constant 301 : index
    %swap3A_1246 = arith.constant 0 : index
    %swap3A_1247 = vector.load %arg3[%swap3A_1245, %swap3A_1246] : memref<512x128xf32, #tpu.memory_space<vmem>>, vector<1x128xf32>
    tpu.vector_store %arg3[%swap3A_1245, %swap3A_1246], %slice3A_1244 {strides = array<i32>} : memref<512x128xf32, #tpu.memory_space<vmem>>, vector<1x128xf32>,
    %slice3A_1248 = vector.extract_strided_slice %div3A_1063 {offsets = [0, 5888], sizes = [1, 128], strides = [1, 1]} : vector<1x16384xf32> to vector<1x128xf32>
    %swap3A_1249 = arith.constant 302 : index
    %swap3A_1250 = arith.constant 0 : index
    %swap3A_1251 = vector.load %arg3[%swap3A_1249, %swap3A_1250] : memref<512x128xf32, #tpu.memory_space<vmem>>, vector<1x128xf32>
    tpu.vector_store %arg3[%swap3A_1249, %swap3A_1250], %slice3A_1248 {strides = array<i32>} : memref<512x128xf32, #tpu.memory_space<vmem>>, vector<1x128xf32>,
    %slice3A_1252 = vector.extract_strided_slice %div3A_1063 {offsets = [0, 6016], sizes = [1, 128], strides = [1, 1]} : vector<1x16384xf32> to vector<1x128xf32>
    %swap3A_1253 = arith.constant 303 : index
    %swap3A_1254 = arith.constant 0 : index
    %swap3A_1255 = vector.load %arg3[%swap3A_1253, %swap3A_1254] : memref<512x128xf32, #tpu.memory_space<vmem>>, vector<1x128xf32>
    tpu.vector_store %arg3[%swap3A_1253, %swap3A_1254], %slice3A_1252 {strides = array<i32>} : memref<512x128xf32, #tpu.memory_space<vmem>>, vector<1x128xf32>,
    %slice3A_1256 = vector.extract_strided_slice %div3A_1063 {offsets = [0, 6144], sizes = [1, 128], strides = [1, 1]} : vector<1x16384xf32> to vector<1x128xf32>
    %swap3A_1257 = arith.constant 304 : index
    %swap3A_1258 = arith.constant 0 : index
    %swap3A_1259 = vector.load %arg3[%swap3A_1257, %swap3A_1258] : memref<512x128xf32, #tpu.memory_space<vmem>>, vector<1x128xf32>
    tpu.vector_store %arg3[%swap3A_1257, %swap3A_1258], %slice3A_1256 {strides = array<i32>} : memref<512x128xf32, #tpu.memory_space<vmem>>, vector<1x128xf32>,
    %slice3A_1260 = vector.extract_strided_slice %div3A_1063 {offsets = [0, 6272], sizes = [1, 128], strides = [1, 1]} : vector<1x16384xf32> to vector<1x128xf32>
    %swap3A_1261 = arith.constant 305 : index
    %swap3A_1262 = arith.constant 0 : index
    %swap3A_1263 = vector.load %arg3[%swap3A_1261, %swap3A_1262] : memref<512x128xf32, #tpu.memory_space<vmem>>, vector<1x128xf32>
    tpu.vector_store %arg3[%swap3A_1261, %swap3A_1262], %slice3A_1260 {strides = array<i32>} : memref<512x128xf32, #tpu.memory_space<vmem>>, vector<1x128xf32>,
    %slice3A_1264 = vector.extract_strided_slice %div3A_1063 {offsets = [0, 6400], sizes = [1, 128], strides = [1, 1]} : vector<1x16384xf32> to vector<1x128xf32>
    %swap3A_1265 = arith.constant 306 : index
    %swap3A_1266 = arith.constant 0 : index
    %swap3A_1267 = vector.load %arg3[%swap3A_1265, %swap3A_1266] : memref<512x128xf32, #tpu.memory_space<vmem>>, vector<1x128xf32>
    tpu.vector_store %arg3[%swap3A_1265, %swap3A_1266], %slice3A_1264 {strides = array<i32>} : memref<512x128xf32, #tpu.memory_space<vmem>>, vector<1x128xf32>,
    %slice3A_1268 = vector.extract_strided_slice %div3A_1063 {offsets = [0, 6528], sizes = [1, 128], strides = [1, 1]} : vector<1x16384xf32> to vector<1x128xf32>
    %swap3A_1269 = arith.constant 307 : index
    %swap3A_1270 = arith.constant 0 : index
    %swap3A_1271 = vector.load %arg3[%swap3A_1269, %swap3A_1270] : memref<512x128xf32, #tpu.memory_space<vmem>>, vector<1x128xf32>
    tpu.vector_store %arg3[%swap3A_1269, %swap3A_1270], %slice3A_1268 {strides = array<i32>} : memref<512x128xf32, #tpu.memory_space<vmem>>, vector<1x128xf32>,
    %slice3A_1272 = vector.extract_strided_slice %div3A_1063 {offsets = [0, 6656], sizes = [1, 128], strides = [1, 1]} : vector<1x16384xf32> to vector<1x128xf32>
    %swap3A_1273 = arith.constant 308 : index
    %swap3A_1274 = arith.constant 0 : index
    %swap3A_1275 = vector.load %arg3[%swap3A_1273, %swap3A_1274] : memref<512x128xf32, #tpu.memory_space<vmem>>, vector<1x128xf32>
    tpu.vector_store %arg3[%swap3A_1273, %swap3A_1274], %slice3A_1272 {strides = array<i32>} : memref<512x128xf32, #tpu.memory_space<vmem>>, vector<1x128xf32>,
    %slice3A_1276 = vector.extract_strided_slice %div3A_1063 {offsets = [0, 6784], sizes = [1, 128], strides = [1, 1]} : vector<1x16384xf32> to vector<1x128xf32>
    %swap3A_1277 = arith.constant 309 : index
    %swap3A_1278 = arith.constant 0 : index
    %swap3A_1279 = vector.load %arg3[%swap3A_1277, %swap3A_1278] : memref<512x128xf32, #tpu.memory_space<vmem>>, vector<1x128xf32>
    tpu.vector_store %arg3[%swap3A_1277, %swap3A_1278], %slice3A_1276 {strides = array<i32>} : memref<512x128xf32, #tpu.memory_space<vmem>>, vector<1x128xf32>,
    %slice3A_1280 = vector.extract_strided_slice %div3A_1063 {offsets = [0, 6912], sizes = [1, 128], strides = [1, 1]} : vector<1x16384xf32> to vector<1x128xf32>
    %swap3A_1281 = arith.constant 310 : index
    %swap3A_1282 = arith.constant 0 : index
    %swap3A_1283 = vector.load %arg3[%swap3A_1281, %swap3A_1282] : memref<512x128xf32, #tpu.memory_space<vmem>>, vector<1x128xf32>
    tpu.vector_store %arg3[%swap3A_1281, %swap3A_1282], %slice3A_1280 {strides = array<i32>} : memref<512x128xf32, #tpu.memory_space<vmem>>, vector<1x128xf32>,
    %slice3A_1284 = vector.extract_strided_slice %div3A_1063 {offsets = [0, 7040], sizes = [1, 128], strides = [1, 1]} : vector<1x16384xf32> to vector<1x128xf32>
    %swap3A_1285 = arith.constant 311 : index
    %swap3A_1286 = arith.constant 0 : index
    %swap3A_1287 = vector.load %arg3[%swap3A_1285, %swap3A_1286] : memref<512x128xf32, #tpu.memory_space<vmem>>, vector<1x128xf32>
    tpu.vector_store %arg3[%swap3A_1285, %swap3A_1286], %slice3A_1284 {strides = array<i32>} : memref<512x128xf32, #tpu.memory_space<vmem>>, vector<1x128xf32>,
    %slice3A_1288 = vector.extract_strided_slice %div3A_1063 {offsets = [0, 7168], sizes = [1, 128], strides = [1, 1]} : vector<1x16384xf32> to vector<1x128xf32>
    %swap3A_1289 = arith.constant 312 : index
    %swap3A_1290 = arith.constant 0 : index
    %swap3A_1291 = vector.load %arg3[%swap3A_1289, %swap3A_1290] : memref<512x128xf32, #tpu.memory_space<vmem>>, vector<1x128xf32>
    tpu.vector_store %arg3[%swap3A_1289, %swap3A_1290], %slice3A_1288 {strides = array<i32>} : memref<512x128xf32, #tpu.memory_space<vmem>>, vector<1x128xf32>,
    %slice3A_1292 = vector.extract_strided_slice %div3A_1063 {offsets = [0, 7296], sizes = [1, 128], strides = [1, 1]} : vector<1x16384xf32> to vector<1x128xf32>
    %swap3A_1293 = arith.constant 313 : index
    %swap3A_1294 = arith.constant 0 : index
    %swap3A_1295 = vector.load %arg3[%swap3A_1293, %swap3A_1294] : memref<512x128xf32, #tpu.memory_space<vmem>>, vector<1x128xf32>
    tpu.vector_store %arg3[%swap3A_1293, %swap3A_1294], %slice3A_1292 {strides = array<i32>} : memref<512x128xf32, #tpu.memory_space<vmem>>, vector<1x128xf32>,
    %slice3A_1296 = vector.extract_strided_slice %div3A_1063 {offsets = [0, 7424], sizes = [1, 128], strides = [1, 1]} : vector<1x16384xf32> to vector<1x128xf32>
    %swap3A_1297 = arith.constant 314 : index
    %swap3A_1298 = arith.constant 0 : index
    %swap3A_1299 = vector.load %arg3[%swap3A_1297, %swap3A_1298] : memref<512x128xf32, #tpu.memory_space<vmem>>, vector<1x128xf32>
    tpu.vector_store %arg3[%swap3A_1297, %swap3A_1298], %slice3A_1296 {strides = array<i32>} : memref<512x128xf32, #tpu.memory_space<vmem>>, vector<1x128xf32>,
    %slice3A_1300 = vector.extract_strided_slice %div3A_1063 {offsets = [0, 7552], sizes = [1, 128], strides = [1, 1]} : vector<1x16384xf32> to vector<1x128xf32>
    %swap3A_1301 = arith.constant 315 : index
    %swap3A_1302 = arith.constant 0 : index
    %swap3A_1303 = vector.load %arg3[%swap3A_1301, %swap3A_1302] : memref<512x128xf32, #tpu.memory_space<vmem>>, vector<1x128xf32>
    tpu.vector_store %arg3[%swap3A_1301, %swap3A_1302], %slice3A_1300 {strides = array<i32>} : memref<512x128xf32, #tpu.memory_space<vmem>>, vector<1x128xf32>,
    %slice3A_1304 = vector.extract_strided_slice %div3A_1063 {offsets = [0, 7680], sizes = [1, 128], strides = [1, 1]} : vector<1x16384xf32> to vector<1x128xf32>
    %swap3A_1305 = arith.constant 316 : index
    %swap3A_1306 = arith.constant 0 : index
    %swap3A_1307 = vector.load %arg3[%swap3A_1305, %swap3A_1306] : memref<512x128xf32, #tpu.memory_space<vmem>>, vector<1x128xf32>
    tpu.vector_store %arg3[%swap3A_1305, %swap3A_1306], %slice3A_1304 {strides = array<i32>} : memref<512x128xf32, #tpu.memory_space<vmem>>, vector<1x128xf32>,
    %slice3A_1308 = vector.extract_strided_slice %div3A_1063 {offsets = [0, 7808], sizes = [1, 128], strides = [1, 1]} : vector<1x16384xf32> to vector<1x128xf32>
    %swap3A_1309 = arith.constant 317 : index
    %swap3A_1310 = arith.constant 0 : index
    %swap3A_1311 = vector.load %arg3[%swap3A_1309, %swap3A_1310] : memref<512x128xf32, #tpu.memory_space<vmem>>, vector<1x128xf32>
    tpu.vector_store %arg3[%swap3A_1309, %swap3A_1310], %slice3A_1308 {strides = array<i32>} : memref<512x128xf32, #tpu.memory_space<vmem>>, vector<1x128xf32>,
    %slice3A_1312 = vector.extract_strided_slice %div3A_1063 {offsets = [0, 7936], sizes = [1, 128], strides = [1, 1]} : vector<1x16384xf32> to vector<1x128xf32>
    %swap3A_1313 = arith.constant 318 : index
    %swap3A_1314 = arith.constant 0 : index
    %swap3A_1315 = vector.load %arg3[%swap3A_1313, %swap3A_1314] : memref<512x128xf32, #tpu.memory_space<vmem>>, vector<1x128xf32>
    tpu.vector_store %arg3[%swap3A_1313, %swap3A_1314], %slice3A_1312 {strides = array<i32>} : memref<512x128xf32, #tpu.memory_space<vmem>>, vector<1x128xf32>,
    %slice3A_1316 = vector.extract_strided_slice %div3A_1063 {offsets = [0, 8064], sizes = [1, 128], strides = [1, 1]} : vector<1x16384xf32> to vector<1x128xf32>
    %swap3A_1317 = arith.constant 319 : index
    %swap3A_1318 = arith.constant 0 : index
    %swap3A_1319 = vector.load %arg3[%swap3A_1317, %swap3A_1318] : memref<512x128xf32, #tpu.memory_space<vmem>>, vector<1x128xf32>
    tpu.vector_store %arg3[%swap3A_1317, %swap3A_1318], %slice3A_1316 {strides = array<i32>} : memref<512x128xf32, #tpu.memory_space<vmem>>, vector<1x128xf32>,
    %slice3A_1320 = vector.extract_strided_slice %div3A_1063 {offsets = [0, 8192], sizes = [1, 128], strides = [1, 1]} : vector<1x16384xf32> to vector<1x128xf32>
    %swap3A_1321 = arith.constant 320 : index
    %swap3A_1322 = arith.constant 0 : index
    %swap3A_1323 = vector.load %arg3[%swap3A_1321, %swap3A_1322] : memref<512x128xf32, #tpu.memory_space<vmem>>, vector<1x128xf32>
    tpu.vector_store %arg3[%swap3A_1321, %swap3A_1322], %slice3A_1320 {strides = array<i32>} : memref<512x128xf32, #tpu.memory_space<vmem>>, vector<1x128xf32>,
    %slice3A_1324 = vector.extract_strided_slice %div3A_1063 {offsets = [0, 8320], sizes = [1, 128], strides = [1, 1]} : vector<1x16384xf32> to vector<1x128xf32>
    %swap3A_1325 = arith.constant 321 : index
    %swap3A_1326 = arith.constant 0 : index
    %swap3A_1327 = vector.load %arg3[%swap3A_1325, %swap3A_1326] : memref<512x128xf32, #tpu.memory_space<vmem>>, vector<1x128xf32>
    tpu.vector_store %arg3[%swap3A_1325, %swap3A_1326], %slice3A_1324 {strides = array<i32>} : memref<512x128xf32, #tpu.memory_space<vmem>>, vector<1x128xf32>,
    %slice3A_1328 = vector.extract_strided_slice %div3A_1063 {offsets = [0, 8448], sizes = [1, 128], strides = [1, 1]} : vector<1x16384xf32> to vector<1x128xf32>
    %swap3A_1329 = arith.constant 322 : index
    %swap3A_1330 = arith.constant 0 : index
    %swap3A_1331 = vector.load %arg3[%swap3A_1329, %swap3A_1330] : memref<512x128xf32, #tpu.memory_space<vmem>>, vector<1x128xf32>
    tpu.vector_store %arg3[%swap3A_1329, %swap3A_1330], %slice3A_1328 {strides = array<i32>} : memref<512x128xf32, #tpu.memory_space<vmem>>, vector<1x128xf32>,
    %slice3A_1332 = vector.extract_strided_slice %div3A_1063 {offsets = [0, 8576], sizes = [1, 128], strides = [1, 1]} : vector<1x16384xf32> to vector<1x128xf32>
    %swap3A_1333 = arith.constant 323 : index
    %swap3A_1334 = arith.constant 0 : index
    %swap3A_1335 = vector.load %arg3[%swap3A_1333, %swap3A_1334] : memref<512x128xf32, #tpu.memory_space<vmem>>, vector<1x128xf32>
    tpu.vector_store %arg3[%swap3A_1333, %swap3A_1334], %slice3A_1332 {strides = array<i32>} : memref<512x128xf32, #tpu.memory_space<vmem>>, vector<1x128xf32>,
    %slice3A_1336 = vector.extract_strided_slice %div3A_1063 {offsets = [0, 8704], sizes = [1, 128], strides = [1, 1]} : vector<1x16384xf32> to vector<1x128xf32>
    %swap3A_1337 = arith.constant 324 : index
    %swap3A_1338 = arith.constant 0 : index
    %swap3A_1339 = vector.load %arg3[%swap3A_1337, %swap3A_1338] : memref<512x128xf32, #tpu.memory_space<vmem>>, vector<1x128xf32>
    tpu.vector_store %arg3[%swap3A_1337, %swap3A_1338], %slice3A_1336 {strides = array<i32>} : memref<512x128xf32, #tpu.memory_space<vmem>>, vector<1x128xf32>,
    %slice3A_1340 = vector.extract_strided_slice %div3A_1063 {offsets = [0, 8832], sizes = [1, 128], strides = [1, 1]} : vector<1x16384xf32> to vector<1x128xf32>
    %swap3A_1341 = arith.constant 325 : index
    %swap3A_1342 = arith.constant 0 : index
    %swap3A_1343 = vector.load %arg3[%swap3A_1341, %swap3A_1342] : memref<512x128xf32, #tpu.memory_space<vmem>>, vector<1x128xf32>
    tpu.vector_store %arg3[%swap3A_1341, %swap3A_1342], %slice3A_1340 {strides = array<i32>} : memref<512x128xf32, #tpu.memory_space<vmem>>, vector<1x128xf32>,
    %slice3A_1344 = vector.extract_strided_slice %div3A_1063 {offsets = [0, 8960], sizes = [1, 128], strides = [1, 1]} : vector<1x16384xf32> to vector<1x128xf32>
    %swap3A_1345 = arith.constant 326 : index
    %swap3A_1346 = arith.constant 0 : index
    %swap3A_1347 = vector.load %arg3[%swap3A_1345, %swap3A_1346] : memref<512x128xf32, #tpu.memory_space<vmem>>, vector<1x128xf32>
    tpu.vector_store %arg3[%swap3A_1345, %swap3A_1346], %slice3A_1344 {strides = array<i32>} : memref<512x128xf32, #tpu.memory_space<vmem>>, vector<1x128xf32>,
    %slice3A_1348 = vector.extract_strided_slice %div3A_1063 {offsets = [0, 9088], sizes = [1, 128], strides = [1, 1]} : vector<1x16384xf32> to vector<1x128xf32>
    %swap3A_1349 = arith.constant 327 : index
    %swap3A_1350 = arith.constant 0 : index
    %swap3A_1351 = vector.load %arg3[%swap3A_1349, %swap3A_1350] : memref<512x128xf32, #tpu.memory_space<vmem>>, vector<1x128xf32>
    tpu.vector_store %arg3[%swap3A_1349, %swap3A_1350], %slice3A_1348 {strides = array<i32>} : memref<512x128xf32, #tpu.memory_space<vmem>>, vector<1x128xf32>,
    %slice3A_1352 = vector.extract_strided_slice %div3A_1063 {offsets = [0, 9216], sizes = [1, 128], strides = [1, 1]} : vector<1x16384xf32> to vector<1x128xf32>
    %swap3A_1353 = arith.constant 328 : index
    %swap3A_1354 = arith.constant 0 : index
    %swap3A_1355 = vector.load %arg3[%swap3A_1353, %swap3A_1354] : memref<512x128xf32, #tpu.memory_space<vmem>>, vector<1x128xf32>
    tpu.vector_store %arg3[%swap3A_1353, %swap3A_1354], %slice3A_1352 {strides = array<i32>} : memref<512x128xf32, #tpu.memory_space<vmem>>, vector<1x128xf32>,
    %slice3A_1356 = vector.extract_strided_slice %div3A_1063 {offsets = [0, 9344], sizes = [1, 128], strides = [1, 1]} : vector<1x16384xf32> to vector<1x128xf32>
    %swap3A_1357 = arith.constant 329 : index
    %swap3A_1358 = arith.constant 0 : index
    %swap3A_1359 = vector.load %arg3[%swap3A_1357, %swap3A_1358] : memref<512x128xf32, #tpu.memory_space<vmem>>, vector<1x128xf32>
    tpu.vector_store %arg3[%swap3A_1357, %swap3A_1358], %slice3A_1356 {strides = array<i32>} : memref<512x128xf32, #tpu.memory_space<vmem>>, vector<1x128xf32>,
    %slice3A_1360 = vector.extract_strided_slice %div3A_1063 {offsets = [0, 9472], sizes = [1, 128], strides = [1, 1]} : vector<1x16384xf32> to vector<1x128xf32>
    %swap3A_1361 = arith.constant 330 : index
    %swap3A_1362 = arith.constant 0 : index
    %swap3A_1363 = vector.load %arg3[%swap3A_1361, %swap3A_1362] : memref<512x128xf32, #tpu.memory_space<vmem>>, vector<1x128xf32>
    tpu.vector_store %arg3[%swap3A_1361, %swap3A_1362], %slice3A_1360 {strides = array<i32>} : memref<512x128xf32, #tpu.memory_space<vmem>>, vector<1x128xf32>,
    %slice3A_1364 = vector.extract_strided_slice %div3A_1063 {offsets = [0, 9600], sizes = [1, 128], strides = [1, 1]} : vector<1x16384xf32> to vector<1x128xf32>
    %swap3A_1365 = arith.constant 331 : index
    %swap3A_1366 = arith.constant 0 : index
    %swap3A_1367 = vector.load %arg3[%swap3A_1365, %swap3A_1366] : memref<512x128xf32, #tpu.memory_space<vmem>>, vector<1x128xf32>
    tpu.vector_store %arg3[%swap3A_1365, %swap3A_1366], %slice3A_1364 {strides = array<i32>} : memref<512x128xf32, #tpu.memory_space<vmem>>, vector<1x128xf32>,
    %slice3A_1368 = vector.extract_strided_slice %div3A_1063 {offsets = [0, 9728], sizes = [1, 128], strides = [1, 1]} : vector<1x16384xf32> to vector<1x128xf32>
    %swap3A_1369 = arith.constant 332 : index
    %swap3A_1370 = arith.constant 0 : index
    %swap3A_1371 = vector.load %arg3[%swap3A_1369, %swap3A_1370] : memref<512x128xf32, #tpu.memory_space<vmem>>, vector<1x128xf32>
    tpu.vector_store %arg3[%swap3A_1369, %swap3A_1370], %slice3A_1368 {strides = array<i32>} : memref<512x128xf32, #tpu.memory_space<vmem>>, vector<1x128xf32>,
    %slice3A_1372 = vector.extract_strided_slice %div3A_1063 {offsets = [0, 9856], sizes = [1, 128], strides = [1, 1]} : vector<1x16384xf32> to vector<1x128xf32>
    %swap3A_1373 = arith.constant 333 : index
    %swap3A_1374 = arith.constant 0 : index
    %swap3A_1375 = vector.load %arg3[%swap3A_1373, %swap3A_1374] : memref<512x128xf32, #tpu.memory_space<vmem>>, vector<1x128xf32>
    tpu.vector_store %arg3[%swap3A_1373, %swap3A_1374], %slice3A_1372 {strides = array<i32>} : memref<512x128xf32, #tpu.memory_space<vmem>>, vector<1x128xf32>,
    %slice3A_1376 = vector.extract_strided_slice %div3A_1063 {offsets = [0, 9984], sizes = [1, 128], strides = [1, 1]} : vector<1x16384xf32> to vector<1x128xf32>
    %swap3A_1377 = arith.constant 334 : index
    %swap3A_1378 = arith.constant 0 : index
    %swap3A_1379 = vector.load %arg3[%swap3A_1377, %swap3A_1378] : memref<512x128xf32, #tpu.memory_space<vmem>>, vector<1x128xf32>
    tpu.vector_store %arg3[%swap3A_1377, %swap3A_1378], %slice3A_1376 {strides = array<i32>} : memref<512x128xf32, #tpu.memory_space<vmem>>, vector<1x128xf32>,
    %slice3A_1380 = vector.extract_strided_slice %div3A_1063 {offsets = [0, 10112], sizes = [1, 128], strides = [1, 1]} : vector<1x16384xf32> to vector<1x128xf32>
    %swap3A_1381 = arith.constant 335 : index
    %swap3A_1382 = arith.constant 0 : index
    %swap3A_1383 = vector.load %arg3[%swap3A_1381, %swap3A_1382] : memref<512x128xf32, #tpu.memory_space<vmem>>, vector<1x128xf32>
    tpu.vector_store %arg3[%swap3A_1381, %swap3A_1382], %slice3A_1380 {strides = array<i32>} : memref<512x128xf32, #tpu.memory_space<vmem>>, vector<1x128xf32>,
    %slice3A_1384 = vector.extract_strided_slice %div3A_1063 {offsets = [0, 10240], sizes = [1, 128], strides = [1, 1]} : vector<1x16384xf32> to vector<1x128xf32>
    %swap3A_1385 = arith.constant 336 : index
    %swap3A_1386 = arith.constant 0 : index
    %swap3A_1387 = vector.load %arg3[%swap3A_1385, %swap3A_1386] : memref<512x128xf32, #tpu.memory_space<vmem>>, vector<1x128xf32>
    tpu.vector_store %arg3[%swap3A_1385, %swap3A_1386], %slice3A_1384 {strides = array<i32>} : memref<512x128xf32, #tpu.memory_space<vmem>>, vector<1x128xf32>,
    %slice3A_1388 = vector.extract_strided_slice %div3A_1063 {offsets = [0, 10368], sizes = [1, 128], strides = [1, 1]} : vector<1x16384xf32> to vector<1x128xf32>
    %swap3A_1389 = arith.constant 337 : index
    %swap3A_1390 = arith.constant 0 : index
    %swap3A_1391 = vector.load %arg3[%swap3A_1389, %swap3A_1390] : memref<512x128xf32, #tpu.memory_space<vmem>>, vector<1x128xf32>
    tpu.vector_store %arg3[%swap3A_1389, %swap3A_1390], %slice3A_1388 {strides = array<i32>} : memref<512x128xf32, #tpu.memory_space<vmem>>, vector<1x128xf32>,
    %slice3A_1392 = vector.extract_strided_slice %div3A_1063 {offsets = [0, 10496], sizes = [1, 128], strides = [1, 1]} : vector<1x16384xf32> to vector<1x128xf32>
    %swap3A_1393 = arith.constant 338 : index
    %swap3A_1394 = arith.constant 0 : index
    %swap3A_1395 = vector.load %arg3[%swap3A_1393, %swap3A_1394] : memref<512x128xf32, #tpu.memory_space<vmem>>, vector<1x128xf32>
    tpu.vector_store %arg3[%swap3A_1393, %swap3A_1394], %slice3A_1392 {strides = array<i32>} : memref<512x128xf32, #tpu.memory_space<vmem>>, vector<1x128xf32>,
    %slice3A_1396 = vector.extract_strided_slice %div3A_1063 {offsets = [0, 10624], sizes = [1, 128], strides = [1, 1]} : vector<1x16384xf32> to vector<1x128xf32>
    %swap3A_1397 = arith.constant 339 : index
    %swap3A_1398 = arith.constant 0 : index
    %swap3A_1399 = vector.load %arg3[%swap3A_1397, %swap3A_1398] : memref<512x128xf32, #tpu.memory_space<vmem>>, vector<1x128xf32>
    tpu.vector_store %arg3[%swap3A_1397, %swap3A_1398], %slice3A_1396 {strides = array<i32>} : memref<512x128xf32, #tpu.memory_space<vmem>>, vector<1x128xf32>,
    %slice3A_1400 = vector.extract_strided_slice %div3A_1063 {offsets = [0, 10752], sizes = [1, 128], strides = [1, 1]} : vector<1x16384xf32> to vector<1x128xf32>
    %swap3A_1401 = arith.constant 340 : index
    %swap3A_1402 = arith.constant 0 : index
    %swap3A_1403 = vector.load %arg3[%swap3A_1401, %swap3A_1402] : memref<512x128xf32, #tpu.memory_space<vmem>>, vector<1x128xf32>
    tpu.vector_store %arg3[%swap3A_1401, %swap3A_1402], %slice3A_1400 {strides = array<i32>} : memref<512x128xf32, #tpu.memory_space<vmem>>, vector<1x128xf32>,
    %slice3A_1404 = vector.extract_strided_slice %div3A_1063 {offsets = [0, 10880], sizes = [1, 128], strides = [1, 1]} : vector<1x16384xf32> to vector<1x128xf32>
    %swap3A_1405 = arith.constant 341 : index
    %swap3A_1406 = arith.constant 0 : index
    %swap3A_1407 = vector.load %arg3[%swap3A_1405, %swap3A_1406] : memref<512x128xf32, #tpu.memory_space<vmem>>, vector<1x128xf32>
    tpu.vector_store %arg3[%swap3A_1405, %swap3A_1406], %slice3A_1404 {strides = array<i32>} : memref<512x128xf32, #tpu.memory_space<vmem>>, vector<1x128xf32>,
    %slice3A_1408 = vector.extract_strided_slice %div3A_1063 {offsets = [0, 11008], sizes = [1, 128], strides = [1, 1]} : vector<1x16384xf32> to vector<1x128xf32>
    %swap3A_1409 = arith.constant 342 : index
    %swap3A_1410 = arith.constant 0 : index
    %swap3A_1411 = vector.load %arg3[%swap3A_1409, %swap3A_1410] : memref<512x128xf32, #tpu.memory_space<vmem>>, vector<1x128xf32>
    tpu.vector_store %arg3[%swap3A_1409, %swap3A_1410], %slice3A_1408 {strides = array<i32>} : memref<512x128xf32, #tpu.memory_space<vmem>>, vector<1x128xf32>,
    %slice3A_1412 = vector.extract_strided_slice %div3A_1063 {offsets = [0, 11136], sizes = [1, 128], strides = [1, 1]} : vector<1x16384xf32> to vector<1x128xf32>
    %swap3A_1413 = arith.constant 343 : index
    %swap3A_1414 = arith.constant 0 : index
    %swap3A_1415 = vector.load %arg3[%swap3A_1413, %swap3A_1414] : memref<512x128xf32, #tpu.memory_space<vmem>>, vector<1x128xf32>
    tpu.vector_store %arg3[%swap3A_1413, %swap3A_1414], %slice3A_1412 {strides = array<i32>} : memref<512x128xf32, #tpu.memory_space<vmem>>, vector<1x128xf32>,
    %slice3A_1416 = vector.extract_strided_slice %div3A_1063 {offsets = [0, 11264], sizes = [1, 128], strides = [1, 1]} : vector<1x16384xf32> to vector<1x128xf32>
    %swap3A_1417 = arith.constant 344 : index
    %swap3A_1418 = arith.constant 0 : index
    %swap3A_1419 = vector.load %arg3[%swap3A_1417, %swap3A_1418] : memref<512x128xf32, #tpu.memory_space<vmem>>, vector<1x128xf32>
    tpu.vector_store %arg3[%swap3A_1417, %swap3A_1418], %slice3A_1416 {strides = array<i32>} : memref<512x128xf32, #tpu.memory_space<vmem>>, vector<1x128xf32>,
    %slice3A_1420 = vector.extract_strided_slice %div3A_1063 {offsets = [0, 11392], sizes = [1, 128], strides = [1, 1]} : vector<1x16384xf32> to vector<1x128xf32>
    %swap3A_1421 = arith.constant 345 : index
    %swap3A_1422 = arith.constant 0 : index
    %swap3A_1423 = vector.load %arg3[%swap3A_1421, %swap3A_1422] : memref<512x128xf32, #tpu.memory_space<vmem>>, vector<1x128xf32>
    tpu.vector_store %arg3[%swap3A_1421, %swap3A_1422], %slice3A_1420 {strides = array<i32>} : memref<512x128xf32, #tpu.memory_space<vmem>>, vector<1x128xf32>,
    %slice3A_1424 = vector.extract_strided_slice %div3A_1063 {offsets = [0, 11520], sizes = [1, 128], strides = [1, 1]} : vector<1x16384xf32> to vector<1x128xf32>
    %swap3A_1425 = arith.constant 346 : index
    %swap3A_1426 = arith.constant 0 : index
    %swap3A_1427 = vector.load %arg3[%swap3A_1425, %swap3A_1426] : memref<512x128xf32, #tpu.memory_space<vmem>>, vector<1x128xf32>
    tpu.vector_store %arg3[%swap3A_1425, %swap3A_1426], %slice3A_1424 {strides = array<i32>} : memref<512x128xf32, #tpu.memory_space<vmem>>, vector<1x128xf32>,
    %slice3A_1428 = vector.extract_strided_slice %div3A_1063 {offsets = [0, 11648], sizes = [1, 128], strides = [1, 1]} : vector<1x16384xf32> to vector<1x128xf32>
    %swap3A_1429 = arith.constant 347 : index
    %swap3A_1430 = arith.constant 0 : index
    %swap3A_1431 = vector.load %arg3[%swap3A_1429, %swap3A_1430] : memref<512x128xf32, #tpu.memory_space<vmem>>, vector<1x128xf32>
    tpu.vector_store %arg3[%swap3A_1429, %swap3A_1430], %slice3A_1428 {strides = array<i32>} : memref<512x128xf32, #tpu.memory_space<vmem>>, vector<1x128xf32>,
    %slice3A_1432 = vector.extract_strided_slice %div3A_1063 {offsets = [0, 11776], sizes = [1, 128], strides = [1, 1]} : vector<1x16384xf32> to vector<1x128xf32>
    %swap3A_1433 = arith.constant 348 : index
    %swap3A_1434 = arith.constant 0 : index
    %swap3A_1435 = vector.load %arg3[%swap3A_1433, %swap3A_1434] : memref<512x128xf32, #tpu.memory_space<vmem>>, vector<1x128xf32>
    tpu.vector_store %arg3[%swap3A_1433, %swap3A_1434], %slice3A_1432 {strides = array<i32>} : memref<512x128xf32, #tpu.memory_space<vmem>>, vector<1x128xf32>,
    %slice3A_1436 = vector.extract_strided_slice %div3A_1063 {offsets = [0, 11904], sizes = [1, 128], strides = [1, 1]} : vector<1x16384xf32> to vector<1x128xf32>
    %swap3A_1437 = arith.constant 349 : index
    %swap3A_1438 = arith.constant 0 : index
    %swap3A_1439 = vector.load %arg3[%swap3A_1437, %swap3A_1438] : memref<512x128xf32, #tpu.memory_space<vmem>>, vector<1x128xf32>
    tpu.vector_store %arg3[%swap3A_1437, %swap3A_1438], %slice3A_1436 {strides = array<i32>} : memref<512x128xf32, #tpu.memory_space<vmem>>, vector<1x128xf32>,
    %slice3A_1440 = vector.extract_strided_slice %div3A_1063 {offsets = [0, 12032], sizes = [1, 128], strides = [1, 1]} : vector<1x16384xf32> to vector<1x128xf32>
    %swap3A_1441 = arith.constant 350 : index
    %swap3A_1442 = arith.constant 0 : index
    %swap3A_1443 = vector.load %arg3[%swap3A_1441, %swap3A_1442] : memref<512x128xf32, #tpu.memory_space<vmem>>, vector<1x128xf32>
    tpu.vector_store %arg3[%swap3A_1441, %swap3A_1442], %slice3A_1440 {strides = array<i32>} : memref<512x128xf32, #tpu.memory_space<vmem>>, vector<1x128xf32>,
    %slice3A_1444 = vector.extract_strided_slice %div3A_1063 {offsets = [0, 12160], sizes = [1, 128], strides = [1, 1]} : vector<1x16384xf32> to vector<1x128xf32>
    %swap3A_1445 = arith.constant 351 : index
    %swap3A_1446 = arith.constant 0 : index
    %swap3A_1447 = vector.load %arg3[%swap3A_1445, %swap3A_1446] : memref<512x128xf32, #tpu.memory_space<vmem>>, vector<1x128xf32>
    tpu.vector_store %arg3[%swap3A_1445, %swap3A_1446], %slice3A_1444 {strides = array<i32>} : memref<512x128xf32, #tpu.memory_space<vmem>>, vector<1x128xf32>,
    %slice3A_1448 = vector.extract_strided_slice %div3A_1063 {offsets = [0, 12288], sizes = [1, 128], strides = [1, 1]} : vector<1x16384xf32> to vector<1x128xf32>
    %swap3A_1449 = arith.constant 352 : index
    %swap3A_1450 = arith.constant 0 : index
    %swap3A_1451 = vector.load %arg3[%swap3A_1449, %swap3A_1450] : memref<512x128xf32, #tpu.memory_space<vmem>>, vector<1x128xf32>
    tpu.vector_store %arg3[%swap3A_1449, %swap3A_1450], %slice3A_1448 {strides = array<i32>} : memref<512x128xf32, #tpu.memory_space<vmem>>, vector<1x128xf32>,
    %slice3A_1452 = vector.extract_strided_slice %div3A_1063 {offsets = [0, 12416], sizes = [1, 128], strides = [1, 1]} : vector<1x16384xf32> to vector<1x128xf32>
    %swap3A_1453 = arith.constant 353 : index
    %swap3A_1454 = arith.constant 0 : index
    %swap3A_1455 = vector.load %arg3[%swap3A_1453, %swap3A_1454] : memref<512x128xf32, #tpu.memory_space<vmem>>, vector<1x128xf32>
    tpu.vector_store %arg3[%swap3A_1453, %swap3A_1454], %slice3A_1452 {strides = array<i32>} : memref<512x128xf32, #tpu.memory_space<vmem>>, vector<1x128xf32>,
    %slice3A_1456 = vector.extract_strided_slice %div3A_1063 {offsets = [0, 12544], sizes = [1, 128], strides = [1, 1]} : vector<1x16384xf32> to vector<1x128xf32>
    %swap3A_1457 = arith.constant 354 : index
    %swap3A_1458 = arith.constant 0 : index
    %swap3A_1459 = vector.load %arg3[%swap3A_1457, %swap3A_1458] : memref<512x128xf32, #tpu.memory_space<vmem>>, vector<1x128xf32>
    tpu.vector_store %arg3[%swap3A_1457, %swap3A_1458], %slice3A_1456 {strides = array<i32>} : memref<512x128xf32, #tpu.memory_space<vmem>>, vector<1x128xf32>,
    %slice3A_1460 = vector.extract_strided_slice %div3A_1063 {offsets = [0, 12672], sizes = [1, 128], strides = [1, 1]} : vector<1x16384xf32> to vector<1x128xf32>
    %swap3A_1461 = arith.constant 355 : index
    %swap3A_1462 = arith.constant 0 : index
    %swap3A_1463 = vector.load %arg3[%swap3A_1461, %swap3A_1462] : memref<512x128xf32, #tpu.memory_space<vmem>>, vector<1x128xf32>
    tpu.vector_store %arg3[%swap3A_1461, %swap3A_1462], %slice3A_1460 {strides = array<i32>} : memref<512x128xf32, #tpu.memory_space<vmem>>, vector<1x128xf32>,
    %slice3A_1464 = vector.extract_strided_slice %div3A_1063 {offsets = [0, 12800], sizes = [1, 128], strides = [1, 1]} : vector<1x16384xf32> to vector<1x128xf32>
    %swap3A_1465 = arith.constant 356 : index
    %swap3A_1466 = arith.constant 0 : index
    %swap3A_1467 = vector.load %arg3[%swap3A_1465, %swap3A_1466] : memref<512x128xf32, #tpu.memory_space<vmem>>, vector<1x128xf32>
    tpu.vector_store %arg3[%swap3A_1465, %swap3A_1466], %slice3A_1464 {strides = array<i32>} : memref<512x128xf32, #tpu.memory_space<vmem>>, vector<1x128xf32>,
    %slice3A_1468 = vector.extract_strided_slice %div3A_1063 {offsets = [0, 12928], sizes = [1, 128], strides = [1, 1]} : vector<1x16384xf32> to vector<1x128xf32>
    %swap3A_1469 = arith.constant 357 : index
    %swap3A_1470 = arith.constant 0 : index
    %swap3A_1471 = vector.load %arg3[%swap3A_1469, %swap3A_1470] : memref<512x128xf32, #tpu.memory_space<vmem>>, vector<1x128xf32>
    tpu.vector_store %arg3[%swap3A_1469, %swap3A_1470], %slice3A_1468 {strides = array<i32>} : memref<512x128xf32, #tpu.memory_space<vmem>>, vector<1x128xf32>,
    %slice3A_1472 = vector.extract_strided_slice %div3A_1063 {offsets = [0, 13056], sizes = [1, 128], strides = [1, 1]} : vector<1x16384xf32> to vector<1x128xf32>
    %swap3A_1473 = arith.constant 358 : index
    %swap3A_1474 = arith.constant 0 : index
    %swap3A_1475 = vector.load %arg3[%swap3A_1473, %swap3A_1474] : memref<512x128xf32, #tpu.memory_space<vmem>>, vector<1x128xf32>
    tpu.vector_store %arg3[%swap3A_1473, %swap3A_1474], %slice3A_1472 {strides = array<i32>} : memref<512x128xf32, #tpu.memory_space<vmem>>, vector<1x128xf32>,
    %slice3A_1476 = vector.extract_strided_slice %div3A_1063 {offsets = [0, 13184], sizes = [1, 128], strides = [1, 1]} : vector<1x16384xf32> to vector<1x128xf32>
    %swap3A_1477 = arith.constant 359 : index
    %swap3A_1478 = arith.constant 0 : index
    %swap3A_1479 = vector.load %arg3[%swap3A_1477, %swap3A_1478] : memref<512x128xf32, #tpu.memory_space<vmem>>, vector<1x128xf32>
    tpu.vector_store %arg3[%swap3A_1477, %swap3A_1478], %slice3A_1476 {strides = array<i32>} : memref<512x128xf32, #tpu.memory_space<vmem>>, vector<1x128xf32>,
    %slice3A_1480 = vector.extract_strided_slice %div3A_1063 {offsets = [0, 13312], sizes = [1, 128], strides = [1, 1]} : vector<1x16384xf32> to vector<1x128xf32>
    %swap3A_1481 = arith.constant 360 : index
    %swap3A_1482 = arith.constant 0 : index
    %swap3A_1483 = vector.load %arg3[%swap3A_1481, %swap3A_1482] : memref<512x128xf32, #tpu.memory_space<vmem>>, vector<1x128xf32>
    tpu.vector_store %arg3[%swap3A_1481, %swap3A_1482], %slice3A_1480 {strides = array<i32>} : memref<512x128xf32, #tpu.memory_space<vmem>>, vector<1x128xf32>,
    %slice3A_1484 = vector.extract_strided_slice %div3A_1063 {offsets = [0, 13440], sizes = [1, 128], strides = [1, 1]} : vector<1x16384xf32> to vector<1x128xf32>
    %swap3A_1485 = arith.constant 361 : index
    %swap3A_1486 = arith.constant 0 : index
    %swap3A_1487 = vector.load %arg3[%swap3A_1485, %swap3A_1486] : memref<512x128xf32, #tpu.memory_space<vmem>>, vector<1x128xf32>
    tpu.vector_store %arg3[%swap3A_1485, %swap3A_1486], %slice3A_1484 {strides = array<i32>} : memref<512x128xf32, #tpu.memory_space<vmem>>, vector<1x128xf32>,
    %slice3A_1488 = vector.extract_strided_slice %div3A_1063 {offsets = [0, 13568], sizes = [1, 128], strides = [1, 1]} : vector<1x16384xf32> to vector<1x128xf32>
    %swap3A_1489 = arith.constant 362 : index
    %swap3A_1490 = arith.constant 0 : index
    %swap3A_1491 = vector.load %arg3[%swap3A_1489, %swap3A_1490] : memref<512x128xf32, #tpu.memory_space<vmem>>, vector<1x128xf32>
    tpu.vector_store %arg3[%swap3A_1489, %swap3A_1490], %slice3A_1488 {strides = array<i32>} : memref<512x128xf32, #tpu.memory_space<vmem>>, vector<1x128xf32>,
    %slice3A_1492 = vector.extract_strided_slice %div3A_1063 {offsets = [0, 13696], sizes = [1, 128], strides = [1, 1]} : vector<1x16384xf32> to vector<1x128xf32>
    %swap3A_1493 = arith.constant 363 : index
    %swap3A_1494 = arith.constant 0 : index
    %swap3A_1495 = vector.load %arg3[%swap3A_1493, %swap3A_1494] : memref<512x128xf32, #tpu.memory_space<vmem>>, vector<1x128xf32>
    tpu.vector_store %arg3[%swap3A_1493, %swap3A_1494], %slice3A_1492 {strides = array<i32>} : memref<512x128xf32, #tpu.memory_space<vmem>>, vector<1x128xf32>,
    %slice3A_1496 = vector.extract_strided_slice %div3A_1063 {offsets = [0, 13824], sizes = [1, 128], strides = [1, 1]} : vector<1x16384xf32> to vector<1x128xf32>
    %swap3A_1497 = arith.constant 364 : index
    %swap3A_1498 = arith.constant 0 : index
    %swap3A_1499 = vector.load %arg3[%swap3A_1497, %swap3A_1498] : memref<512x128xf32, #tpu.memory_space<vmem>>, vector<1x128xf32>
    tpu.vector_store %arg3[%swap3A_1497, %swap3A_1498], %slice3A_1496 {strides = array<i32>} : memref<512x128xf32, #tpu.memory_space<vmem>>, vector<1x128xf32>,
    %slice3A_1500 = vector.extract_strided_slice %div3A_1063 {offsets = [0, 13952], sizes = [1, 128], strides = [1, 1]} : vector<1x16384xf32> to vector<1x128xf32>
    %swap3A_1501 = arith.constant 365 : index
    %swap3A_1502 = arith.constant 0 : index
    %swap3A_1503 = vector.load %arg3[%swap3A_1501, %swap3A_1502] : memref<512x128xf32, #tpu.memory_space<vmem>>, vector<1x128xf32>
    tpu.vector_store %arg3[%swap3A_1501, %swap3A_1502], %slice3A_1500 {strides = array<i32>} : memref<512x128xf32, #tpu.memory_space<vmem>>, vector<1x128xf32>,
    %slice3A_1504 = vector.extract_strided_slice %div3A_1063 {offsets = [0, 14080], sizes = [1, 128], strides = [1, 1]} : vector<1x16384xf32> to vector<1x128xf32>
    %swap3A_1505 = arith.constant 366 : index
    %swap3A_1506 = arith.constant 0 : index
    %swap3A_1507 = vector.load %arg3[%swap3A_1505, %swap3A_1506] : memref<512x128xf32, #tpu.memory_space<vmem>>, vector<1x128xf32>
    tpu.vector_store %arg3[%swap3A_1505, %swap3A_1506], %slice3A_1504 {strides = array<i32>} : memref<512x128xf32, #tpu.memory_space<vmem>>, vector<1x128xf32>,
    %slice3A_1508 = vector.extract_strided_slice %div3A_1063 {offsets = [0, 14208], sizes = [1, 128], strides = [1, 1]} : vector<1x16384xf32> to vector<1x128xf32>
    %swap3A_1509 = arith.constant 367 : index
    %swap3A_1510 = arith.constant 0 : index
    %swap3A_1511 = vector.load %arg3[%swap3A_1509, %swap3A_1510] : memref<512x128xf32, #tpu.memory_space<vmem>>, vector<1x128xf32>
    tpu.vector_store %arg3[%swap3A_1509, %swap3A_1510], %slice3A_1508 {strides = array<i32>} : memref<512x128xf32, #tpu.memory_space<vmem>>, vector<1x128xf32>,
    %slice3A_1512 = vector.extract_strided_slice %div3A_1063 {offsets = [0, 14336], sizes = [1, 128], strides = [1, 1]} : vector<1x16384xf32> to vector<1x128xf32>
    %swap3A_1513 = arith.constant 368 : index
    %swap3A_1514 = arith.constant 0 : index
    %swap3A_1515 = vector.load %arg3[%swap3A_1513, %swap3A_1514] : memref<512x128xf32, #tpu.memory_space<vmem>>, vector<1x128xf32>
    tpu.vector_store %arg3[%swap3A_1513, %swap3A_1514], %slice3A_1512 {strides = array<i32>} : memref<512x128xf32, #tpu.memory_space<vmem>>, vector<1x128xf32>,
    %slice3A_1516 = vector.extract_strided_slice %div3A_1063 {offsets = [0, 14464], sizes = [1, 128], strides = [1, 1]} : vector<1x16384xf32> to vector<1x128xf32>
    %swap3A_1517 = arith.constant 369 : index
    %swap3A_1518 = arith.constant 0 : index
    %swap3A_1519 = vector.load %arg3[%swap3A_1517, %swap3A_1518] : memref<512x128xf32, #tpu.memory_space<vmem>>, vector<1x128xf32>
    tpu.vector_store %arg3[%swap3A_1517, %swap3A_1518], %slice3A_1516 {strides = array<i32>} : memref<512x128xf32, #tpu.memory_space<vmem>>, vector<1x128xf32>,
    %slice3A_1520 = vector.extract_strided_slice %div3A_1063 {offsets = [0, 14592], sizes = [1, 128], strides = [1, 1]} : vector<1x16384xf32> to vector<1x128xf32>
    %swap3A_1521 = arith.constant 370 : index
    %swap3A_1522 = arith.constant 0 : index
    %swap3A_1523 = vector.load %arg3[%swap3A_1521, %swap3A_1522] : memref<512x128xf32, #tpu.memory_space<vmem>>, vector<1x128xf32>
    tpu.vector_store %arg3[%swap3A_1521, %swap3A_1522], %slice3A_1520 {strides = array<i32>} : memref<512x128xf32, #tpu.memory_space<vmem>>, vector<1x128xf32>,
    %slice3A_1524 = vector.extract_strided_slice %div3A_1063 {offsets = [0, 14720], sizes = [1, 128], strides = [1, 1]} : vector<1x16384xf32> to vector<1x128xf32>
    %swap3A_1525 = arith.constant 371 : index
    %swap3A_1526 = arith.constant 0 : index
    %swap3A_1527 = vector.load %arg3[%swap3A_1525, %swap3A_1526] : memref<512x128xf32, #tpu.memory_space<vmem>>, vector<1x128xf32>
    tpu.vector_store %arg3[%swap3A_1525, %swap3A_1526], %slice3A_1524 {strides = array<i32>} : memref<512x128xf32, #tpu.memory_space<vmem>>, vector<1x128xf32>,
    %slice3A_1528 = vector.extract_strided_slice %div3A_1063 {offsets = [0, 14848], sizes = [1, 128], strides = [1, 1]} : vector<1x16384xf32> to vector<1x128xf32>
    %swap3A_1529 = arith.constant 372 : index
    %swap3A_1530 = arith.constant 0 : index
    %swap3A_1531 = vector.load %arg3[%swap3A_1529, %swap3A_1530] : memref<512x128xf32, #tpu.memory_space<vmem>>, vector<1x128xf32>
    tpu.vector_store %arg3[%swap3A_1529, %swap3A_1530], %slice3A_1528 {strides = array<i32>} : memref<512x128xf32, #tpu.memory_space<vmem>>, vector<1x128xf32>,
    %slice3A_1532 = vector.extract_strided_slice %div3A_1063 {offsets = [0, 14976], sizes = [1, 128], strides = [1, 1]} : vector<1x16384xf32> to vector<1x128xf32>
    %swap3A_1533 = arith.constant 373 : index
    %swap3A_1534 = arith.constant 0 : index
    %swap3A_1535 = vector.load %arg3[%swap3A_1533, %swap3A_1534] : memref<512x128xf32, #tpu.memory_space<vmem>>, vector<1x128xf32>
    tpu.vector_store %arg3[%swap3A_1533, %swap3A_1534], %slice3A_1532 {strides = array<i32>} : memref<512x128xf32, #tpu.memory_space<vmem>>, vector<1x128xf32>,
    %slice3A_1536 = vector.extract_strided_slice %div3A_1063 {offsets = [0, 15104], sizes = [1, 128], strides = [1, 1]} : vector<1x16384xf32> to vector<1x128xf32>
    %swap3A_1537 = arith.constant 374 : index
    %swap3A_1538 = arith.constant 0 : index
    %swap3A_1539 = vector.load %arg3[%swap3A_1537, %swap3A_1538] : memref<512x128xf32, #tpu.memory_space<vmem>>, vector<1x128xf32>
    tpu.vector_store %arg3[%swap3A_1537, %swap3A_1538], %slice3A_1536 {strides = array<i32>} : memref<512x128xf32, #tpu.memory_space<vmem>>, vector<1x128xf32>,
    %slice3A_1540 = vector.extract_strided_slice %div3A_1063 {offsets = [0, 15232], sizes = [1, 128], strides = [1, 1]} : vector<1x16384xf32> to vector<1x128xf32>
    %swap3A_1541 = arith.constant 375 : index
    %swap3A_1542 = arith.constant 0 : index
    %swap3A_1543 = vector.load %arg3[%swap3A_1541, %swap3A_1542] : memref<512x128xf32, #tpu.memory_space<vmem>>, vector<1x128xf32>
    tpu.vector_store %arg3[%swap3A_1541, %swap3A_1542], %slice3A_1540 {strides = array<i32>} : memref<512x128xf32, #tpu.memory_space<vmem>>, vector<1x128xf32>,
    %slice3A_1544 = vector.extract_strided_slice %div3A_1063 {offsets = [0, 15360], sizes = [1, 128], strides = [1, 1]} : vector<1x16384xf32> to vector<1x128xf32>
    %swap3A_1545 = arith.constant 376 : index
    %swap3A_1546 = arith.constant 0 : index
    %swap3A_1547 = vector.load %arg3[%swap3A_1545, %swap3A_1546] : memref<512x128xf32, #tpu.memory_space<vmem>>, vector<1x128xf32>
    tpu.vector_store %arg3[%swap3A_1545, %swap3A_1546], %slice3A_1544 {strides = array<i32>} : memref<512x128xf32, #tpu.memory_space<vmem>>, vector<1x128xf32>,
    %slice3A_1548 = vector.extract_strided_slice %div3A_1063 {offsets = [0, 15488], sizes = [1, 128], strides = [1, 1]} : vector<1x16384xf32> to vector<1x128xf32>
    %swap3A_1549 = arith.constant 377 : index
    %swap3A_1550 = arith.constant 0 : index
    %swap3A_1551 = vector.load %arg3[%swap3A_1549, %swap3A_1550] : memref<512x128xf32, #tpu.memory_space<vmem>>, vector<1x128xf32>
    tpu.vector_store %arg3[%swap3A_1549, %swap3A_1550], %slice3A_1548 {strides = array<i32>} : memref<512x128xf32, #tpu.memory_space<vmem>>, vector<1x128xf32>,
    %slice3A_1552 = vector.extract_strided_slice %div3A_1063 {offsets = [0, 15616], sizes = [1, 128], strides = [1, 1]} : vector<1x16384xf32> to vector<1x128xf32>
    %swap3A_1553 = arith.constant 378 : index
    %swap3A_1554 = arith.constant 0 : index
    %swap3A_1555 = vector.load %arg3[%swap3A_1553, %swap3A_1554] : memref<512x128xf32, #tpu.memory_space<vmem>>, vector<1x128xf32>
    tpu.vector_store %arg3[%swap3A_1553, %swap3A_1554], %slice3A_1552 {strides = array<i32>} : memref<512x128xf32, #tpu.memory_space<vmem>>, vector<1x128xf32>,
    %slice3A_1556 = vector.extract_strided_slice %div3A_1063 {offsets = [0, 15744], sizes = [1, 128], strides = [1, 1]} : vector<1x16384xf32> to vector<1x128xf32>
    %swap3A_1557 = arith.constant 379 : index
    %swap3A_1558 = arith.constant 0 : index
    %swap3A_1559 = vector.load %arg3[%swap3A_1557, %swap3A_1558] : memref<512x128xf32, #tpu.memory_space<vmem>>, vector<1x128xf32>
    tpu.vector_store %arg3[%swap3A_1557, %swap3A_1558], %slice3A_1556 {strides = array<i32>} : memref<512x128xf32, #tpu.memory_space<vmem>>, vector<1x128xf32>,
    %slice3A_1560 = vector.extract_strided_slice %div3A_1063 {offsets = [0, 15872], sizes = [1, 128], strides = [1, 1]} : vector<1x16384xf32> to vector<1x128xf32>
    %swap3A_1561 = arith.constant 380 : index
    %swap3A_1562 = arith.constant 0 : index
    %swap3A_1563 = vector.load %arg3[%swap3A_1561, %swap3A_1562] : memref<512x128xf32, #tpu.memory_space<vmem>>, vector<1x128xf32>
    tpu.vector_store %arg3[%swap3A_1561, %swap3A_1562], %slice3A_1560 {strides = array<i32>} : memref<512x128xf32, #tpu.memory_space<vmem>>, vector<1x128xf32>,
    %slice3A_1564 = vector.extract_strided_slice %div3A_1063 {offsets = [0, 16000], sizes = [1, 128], strides = [1, 1]} : vector<1x16384xf32> to vector<1x128xf32>
    %swap3A_1565 = arith.constant 381 : index
    %swap3A_1566 = arith.constant 0 : index
    %swap3A_1567 = vector.load %arg3[%swap3A_1565, %swap3A_1566] : memref<512x128xf32, #tpu.memory_space<vmem>>, vector<1x128xf32>
    tpu.vector_store %arg3[%swap3A_1565, %swap3A_1566], %slice3A_1564 {strides = array<i32>} : memref<512x128xf32, #tpu.memory_space<vmem>>, vector<1x128xf32>,
    %slice3A_1568 = vector.extract_strided_slice %div3A_1063 {offsets = [0, 16128], sizes = [1, 128], strides = [1, 1]} : vector<1x16384xf32> to vector<1x128xf32>
    %swap3A_1569 = arith.constant 382 : index
    %swap3A_1570 = arith.constant 0 : index
    %swap3A_1571 = vector.load %arg3[%swap3A_1569, %swap3A_1570] : memref<512x128xf32, #tpu.memory_space<vmem>>, vector<1x128xf32>
    tpu.vector_store %arg3[%swap3A_1569, %swap3A_1570], %slice3A_1568 {strides = array<i32>} : memref<512x128xf32, #tpu.memory_space<vmem>>, vector<1x128xf32>,
    %slice3A_1572 = vector.extract_strided_slice %div3A_1063 {offsets = [0, 16256], sizes = [1, 128], strides = [1, 1]} : vector<1x16384xf32> to vector<1x128xf32>
    %swap3A_1573 = arith.constant 383 : index
    %swap3A_1574 = arith.constant 0 : index
    %swap3A_1575 = vector.load %arg3[%swap3A_1573, %swap3A_1574] : memref<512x128xf32, #tpu.memory_space<vmem>>, vector<1x128xf32>
    tpu.vector_store %arg3[%swap3A_1573, %swap3A_1574], %slice3A_1572 {strides = array<i32>} : memref<512x128xf32, #tpu.memory_space<vmem>>, vector<1x128xf32>,
    %get3A_1576 = arith.constant 0 : index
    %get3A_1577 = arith.constant 49152 : index
    %get3A_1578 = vector.load %arg2[%get3A_1576, %get3A_1577] : memref<32x65536xf32, #tpu.memory_space<vmem>>, vector<32x16384xf32>
    %dot_general3A_1579 = arith.constant dense<0.000000e+00> : vector<1x16384xf32>
    %dot_general3A_1580 = tpu.matmul %get3A_1, %get3A_1578, %dot_general3A_1579 {dimension_numbers = #tpu.dot_dimension_numbers<[1], [0], [0], [1], [0, 0, 1, 1], [], []>, transpose_lhs_hint = false} : vector<1x32xf32>, vector<32x16384xf32>, vector<1x16384xf32> -> vector<1x16384xf32>
    %neg3A_1581 = arith.constant 0.000000e+00 : f32
    %neg3A_1582 = vector.broadcast %neg3A_1581 : f32 to vector<1x16384xf32>
    %neg3A_1583 = arith.subf %neg3A_1582, %dot_general3A_1580 : vector<1x16384xf32>
    %exp3A_1584 = math.exp %neg3A_1583 : vector<1x16384xf32>
    %add3A_1585 = arith.constant 1.000000e+00 : f32
    %add3A_1586 = vector.broadcast %add3A_1585 : f32 to vector<1x16384xf32>
    %add3A_1587 = arith.addf %add3A_1586, %exp3A_1584 : vector<1x16384xf32>
    %div3A_1588 = arith.constant 1.000000e+00 : f32
    %div3A_1589 = vector.broadcast %div3A_1588 : f32 to vector<1x16384xf32>
    %div3A_1590 = arith.divf %div3A_1589, %add3A_1587 : vector<1x16384xf32>
    %slice3A_1591 = vector.extract_strided_slice %div3A_1590 {offsets = [0, 0], sizes = [1, 128], strides = [1, 1]} : vector<1x16384xf32> to vector<1x128xf32>
    %swap3A_1592 = arith.constant 384 : index
    %swap3A_1593 = arith.constant 0 : index
    %swap3A_1594 = vector.load %arg3[%swap3A_1592, %swap3A_1593] : memref<512x128xf32, #tpu.memory_space<vmem>>, vector<1x128xf32>
    tpu.vector_store %arg3[%swap3A_1592, %swap3A_1593], %slice3A_1591 {strides = array<i32>} : memref<512x128xf32, #tpu.memory_space<vmem>>, vector<1x128xf32>,
    %slice3A_1595 = vector.extract_strided_slice %div3A_1590 {offsets = [0, 128], sizes = [1, 128], strides = [1, 1]} : vector<1x16384xf32> to vector<1x128xf32>
    %swap3A_1596 = arith.constant 385 : index
    %swap3A_1597 = arith.constant 0 : index
    %swap3A_1598 = vector.load %arg3[%swap3A_1596, %swap3A_1597] : memref<512x128xf32, #tpu.memory_space<vmem>>, vector<1x128xf32>
    tpu.vector_store %arg3[%swap3A_1596, %swap3A_1597], %slice3A_1595 {strides = array<i32>} : memref<512x128xf32, #tpu.memory_space<vmem>>, vector<1x128xf32>,
    %slice3A_1599 = vector.extract_strided_slice %div3A_1590 {offsets = [0, 256], sizes = [1, 128], strides = [1, 1]} : vector<1x16384xf32> to vector<1x128xf32>
    %swap3A_1600 = arith.constant 386 : index
    %swap3A_1601 = arith.constant 0 : index
    %swap3A_1602 = vector.load %arg3[%swap3A_1600, %swap3A_1601] : memref<512x128xf32, #tpu.memory_space<vmem>>, vector<1x128xf32>
    tpu.vector_store %arg3[%swap3A_1600, %swap3A_1601], %slice3A_1599 {strides = array<i32>} : memref<512x128xf32, #tpu.memory_space<vmem>>, vector<1x128xf32>,
    %slice3A_1603 = vector.extract_strided_slice %div3A_1590 {offsets = [0, 384], sizes = [1, 128], strides = [1, 1]} : vector<1x16384xf32> to vector<1x128xf32>
    %swap3A_1604 = arith.constant 387 : index
    %swap3A_1605 = arith.constant 0 : index
    %swap3A_1606 = vector.load %arg3[%swap3A_1604, %swap3A_1605] : memref<512x128xf32, #tpu.memory_space<vmem>>, vector<1x128xf32>
    tpu.vector_store %arg3[%swap3A_1604, %swap3A_1605], %slice3A_1603 {strides = array<i32>} : memref<512x128xf32, #tpu.memory_space<vmem>>, vector<1x128xf32>,
    %slice3A_1607 = vector.extract_strided_slice %div3A_1590 {offsets = [0, 512], sizes = [1, 128], strides = [1, 1]} : vector<1x16384xf32> to vector<1x128xf32>
    %swap3A_1608 = arith.constant 388 : index
    %swap3A_1609 = arith.constant 0 : index
    %swap3A_1610 = vector.load %arg3[%swap3A_1608, %swap3A_1609] : memref<512x128xf32, #tpu.memory_space<vmem>>, vector<1x128xf32>
    tpu.vector_store %arg3[%swap3A_1608, %swap3A_1609], %slice3A_1607 {strides = array<i32>} : memref<512x128xf32, #tpu.memory_space<vmem>>, vector<1x128xf32>,
    %slice3A_1611 = vector.extract_strided_slice %div3A_1590 {offsets = [0, 640], sizes = [1, 128], strides = [1, 1]} : vector<1x16384xf32> to vector<1x128xf32>
    %swap3A_1612 = arith.constant 389 : index
    %swap3A_1613 = arith.constant 0 : index
    %swap3A_1614 = vector.load %arg3[%swap3A_1612, %swap3A_1613] : memref<512x128xf32, #tpu.memory_space<vmem>>, vector<1x128xf32>
    tpu.vector_store %arg3[%swap3A_1612, %swap3A_1613], %slice3A_1611 {strides = array<i32>} : memref<512x128xf32, #tpu.memory_space<vmem>>, vector<1x128xf32>,
    %slice3A_1615 = vector.extract_strided_slice %div3A_1590 {offsets = [0, 768], sizes = [1, 128], strides = [1, 1]} : vector<1x16384xf32> to vector<1x128xf32>
    %swap3A_1616 = arith.constant 390 : index
    %swap3A_1617 = arith.constant 0 : index
    %swap3A_1618 = vector.load %arg3[%swap3A_1616, %swap3A_1617] : memref<512x128xf32, #tpu.memory_space<vmem>>, vector<1x128xf32>
    tpu.vector_store %arg3[%swap3A_1616, %swap3A_1617], %slice3A_1615 {strides = array<i32>} : memref<512x128xf32, #tpu.memory_space<vmem>>, vector<1x128xf32>,
    %slice3A_1619 = vector.extract_strided_slice %div3A_1590 {offsets = [0, 896], sizes = [1, 128], strides = [1, 1]} : vector<1x16384xf32> to vector<1x128xf32>
    %swap3A_1620 = arith.constant 391 : index
    %swap3A_1621 = arith.constant 0 : index
    %swap3A_1622 = vector.load %arg3[%swap3A_1620, %swap3A_1621] : memref<512x128xf32, #tpu.memory_space<vmem>>, vector<1x128xf32>
    tpu.vector_store %arg3[%swap3A_1620, %swap3A_1621], %slice3A_1619 {strides = array<i32>} : memref<512x128xf32, #tpu.memory_space<vmem>>, vector<1x128xf32>,
    %slice3A_1623 = vector.extract_strided_slice %div3A_1590 {offsets = [0, 1024], sizes = [1, 128], strides = [1, 1]} : vector<1x16384xf32> to vector<1x128xf32>
    %swap3A_1624 = arith.constant 392 : index
    %swap3A_1625 = arith.constant 0 : index
    %swap3A_1626 = vector.load %arg3[%swap3A_1624, %swap3A_1625] : memref<512x128xf32, #tpu.memory_space<vmem>>, vector<1x128xf32>
    tpu.vector_store %arg3[%swap3A_1624, %swap3A_1625], %slice3A_1623 {strides = array<i32>} : memref<512x128xf32, #tpu.memory_space<vmem>>, vector<1x128xf32>,
    %slice3A_1627 = vector.extract_strided_slice %div3A_1590 {offsets = [0, 1152], sizes = [1, 128], strides = [1, 1]} : vector<1x16384xf32> to vector<1x128xf32>
    %swap3A_1628 = arith.constant 393 : index
    %swap3A_1629 = arith.constant 0 : index
    %swap3A_1630 = vector.load %arg3[%swap3A_1628, %swap3A_1629] : memref<512x128xf32, #tpu.memory_space<vmem>>, vector<1x128xf32>
    tpu.vector_store %arg3[%swap3A_1628, %swap3A_1629], %slice3A_1627 {strides = array<i32>} : memref<512x128xf32, #tpu.memory_space<vmem>>, vector<1x128xf32>,
    %slice3A_1631 = vector.extract_strided_slice %div3A_1590 {offsets = [0, 1280], sizes = [1, 128], strides = [1, 1]} : vector<1x16384xf32> to vector<1x128xf32>
    %swap3A_1632 = arith.constant 394 : index
    %swap3A_1633 = arith.constant 0 : index
    %swap3A_1634 = vector.load %arg3[%swap3A_1632, %swap3A_1633] : memref<512x128xf32, #tpu.memory_space<vmem>>, vector<1x128xf32>
    tpu.vector_store %arg3[%swap3A_1632, %swap3A_1633], %slice3A_1631 {strides = array<i32>} : memref<512x128xf32, #tpu.memory_space<vmem>>, vector<1x128xf32>,
    %slice3A_1635 = vector.extract_strided_slice %div3A_1590 {offsets = [0, 1408], sizes = [1, 128], strides = [1, 1]} : vector<1x16384xf32> to vector<1x128xf32>
    %swap3A_1636 = arith.constant 395 : index
    %swap3A_1637 = arith.constant 0 : index
    %swap3A_1638 = vector.load %arg3[%swap3A_1636, %swap3A_1637] : memref<512x128xf32, #tpu.memory_space<vmem>>, vector<1x128xf32>
    tpu.vector_store %arg3[%swap3A_1636, %swap3A_1637], %slice3A_1635 {strides = array<i32>} : memref<512x128xf32, #tpu.memory_space<vmem>>, vector<1x128xf32>,
    %slice3A_1639 = vector.extract_strided_slice %div3A_1590 {offsets = [0, 1536], sizes = [1, 128], strides = [1, 1]} : vector<1x16384xf32> to vector<1x128xf32>
    %swap3A_1640 = arith.constant 396 : index
    %swap3A_1641 = arith.constant 0 : index
    %swap3A_1642 = vector.load %arg3[%swap3A_1640, %swap3A_1641] : memref<512x128xf32, #tpu.memory_space<vmem>>, vector<1x128xf32>
    tpu.vector_store %arg3[%swap3A_1640, %swap3A_1641], %slice3A_1639 {strides = array<i32>} : memref<512x128xf32, #tpu.memory_space<vmem>>, vector<1x128xf32>,
    %slice3A_1643 = vector.extract_strided_slice %div3A_1590 {offsets = [0, 1664], sizes = [1, 128], strides = [1, 1]} : vector<1x16384xf32> to vector<1x128xf32>
    %swap3A_1644 = arith.constant 397 : index
    %swap3A_1645 = arith.constant 0 : index
    %swap3A_1646 = vector.load %arg3[%swap3A_1644, %swap3A_1645] : memref<512x128xf32, #tpu.memory_space<vmem>>, vector<1x128xf32>
    tpu.vector_store %arg3[%swap3A_1644, %swap3A_1645], %slice3A_1643 {strides = array<i32>} : memref<512x128xf32, #tpu.memory_space<vmem>>, vector<1x128xf32>,
    %slice3A_1647 = vector.extract_strided_slice %div3A_1590 {offsets = [0, 1792], sizes = [1, 128], strides = [1, 1]} : vector<1x16384xf32> to vector<1x128xf32>
    %swap3A_1648 = arith.constant 398 : index
    %swap3A_1649 = arith.constant 0 : index
    %swap3A_1650 = vector.load %arg3[%swap3A_1648, %swap3A_1649] : memref<512x128xf32, #tpu.memory_space<vmem>>, vector<1x128xf32>
    tpu.vector_store %arg3[%swap3A_1648, %swap3A_1649], %slice3A_1647 {strides = array<i32>} : memref<512x128xf32, #tpu.memory_space<vmem>>, vector<1x128xf32>,
    %slice3A_1651 = vector.extract_strided_slice %div3A_1590 {offsets = [0, 1920], sizes = [1, 128], strides = [1, 1]} : vector<1x16384xf32> to vector<1x128xf32>
    %swap3A_1652 = arith.constant 399 : index
    %swap3A_1653 = arith.constant 0 : index
    %swap3A_1654 = vector.load %arg3[%swap3A_1652, %swap3A_1653] : memref<512x128xf32, #tpu.memory_space<vmem>>, vector<1x128xf32>
    tpu.vector_store %arg3[%swap3A_1652, %swap3A_1653], %slice3A_1651 {strides = array<i32>} : memref<512x128xf32, #tpu.memory_space<vmem>>, vector<1x128xf32>,
    %slice3A_1655 = vector.extract_strided_slice %div3A_1590 {offsets = [0, 2048], sizes = [1, 128], strides = [1, 1]} : vector<1x16384xf32> to vector<1x128xf32>
    %swap3A_1656 = arith.constant 400 : index
    %swap3A_1657 = arith.constant 0 : index
    %swap3A_1658 = vector.load %arg3[%swap3A_1656, %swap3A_1657] : memref<512x128xf32, #tpu.memory_space<vmem>>, vector<1x128xf32>
    tpu.vector_store %arg3[%swap3A_1656, %swap3A_1657], %slice3A_1655 {strides = array<i32>} : memref<512x128xf32, #tpu.memory_space<vmem>>, vector<1x128xf32>,
    %slice3A_1659 = vector.extract_strided_slice %div3A_1590 {offsets = [0, 2176], sizes = [1, 128], strides = [1, 1]} : vector<1x16384xf32> to vector<1x128xf32>
    %swap3A_1660 = arith.constant 401 : index
    %swap3A_1661 = arith.constant 0 : index
    %swap3A_1662 = vector.load %arg3[%swap3A_1660, %swap3A_1661] : memref<512x128xf32, #tpu.memory_space<vmem>>, vector<1x128xf32>
    tpu.vector_store %arg3[%swap3A_1660, %swap3A_1661], %slice3A_1659 {strides = array<i32>} : memref<512x128xf32, #tpu.memory_space<vmem>>, vector<1x128xf32>,
    %slice3A_1663 = vector.extract_strided_slice %div3A_1590 {offsets = [0, 2304], sizes = [1, 128], strides = [1, 1]} : vector<1x16384xf32> to vector<1x128xf32>
    %swap3A_1664 = arith.constant 402 : index
    %swap3A_1665 = arith.constant 0 : index
    %swap3A_1666 = vector.load %arg3[%swap3A_1664, %swap3A_1665] : memref<512x128xf32, #tpu.memory_space<vmem>>, vector<1x128xf32>
    tpu.vector_store %arg3[%swap3A_1664, %swap3A_1665], %slice3A_1663 {strides = array<i32>} : memref<512x128xf32, #tpu.memory_space<vmem>>, vector<1x128xf32>,
    %slice3A_1667 = vector.extract_strided_slice %div3A_1590 {offsets = [0, 2432], sizes = [1, 128], strides = [1, 1]} : vector<1x16384xf32> to vector<1x128xf32>
    %swap3A_1668 = arith.constant 403 : index
    %swap3A_1669 = arith.constant 0 : index
    %swap3A_1670 = vector.load %arg3[%swap3A_1668, %swap3A_1669] : memref<512x128xf32, #tpu.memory_space<vmem>>, vector<1x128xf32>
    tpu.vector_store %arg3[%swap3A_1668, %swap3A_1669], %slice3A_1667 {strides = array<i32>} : memref<512x128xf32, #tpu.memory_space<vmem>>, vector<1x128xf32>,
    %slice3A_1671 = vector.extract_strided_slice %div3A_1590 {offsets = [0, 2560], sizes = [1, 128], strides = [1, 1]} : vector<1x16384xf32> to vector<1x128xf32>
    %swap3A_1672 = arith.constant 404 : index
    %swap3A_1673 = arith.constant 0 : index
    %swap3A_1674 = vector.load %arg3[%swap3A_1672, %swap3A_1673] : memref<512x128xf32, #tpu.memory_space<vmem>>, vector<1x128xf32>
    tpu.vector_store %arg3[%swap3A_1672, %swap3A_1673], %slice3A_1671 {strides = array<i32>} : memref<512x128xf32, #tpu.memory_space<vmem>>, vector<1x128xf32>,
    %slice3A_1675 = vector.extract_strided_slice %div3A_1590 {offsets = [0, 2688], sizes = [1, 128], strides = [1, 1]} : vector<1x16384xf32> to vector<1x128xf32>
    %swap3A_1676 = arith.constant 405 : index
    %swap3A_1677 = arith.constant 0 : index
    %swap3A_1678 = vector.load %arg3[%swap3A_1676, %swap3A_1677] : memref<512x128xf32, #tpu.memory_space<vmem>>, vector<1x128xf32>
    tpu.vector_store %arg3[%swap3A_1676, %swap3A_1677], %slice3A_1675 {strides = array<i32>} : memref<512x128xf32, #tpu.memory_space<vmem>>, vector<1x128xf32>,
    %slice3A_1679 = vector.extract_strided_slice %div3A_1590 {offsets = [0, 2816], sizes = [1, 128], strides = [1, 1]} : vector<1x16384xf32> to vector<1x128xf32>
    %swap3A_1680 = arith.constant 406 : index
    %swap3A_1681 = arith.constant 0 : index
    %swap3A_1682 = vector.load %arg3[%swap3A_1680, %swap3A_1681] : memref<512x128xf32, #tpu.memory_space<vmem>>, vector<1x128xf32>
    tpu.vector_store %arg3[%swap3A_1680, %swap3A_1681], %slice3A_1679 {strides = array<i32>} : memref<512x128xf32, #tpu.memory_space<vmem>>, vector<1x128xf32>,
    %slice3A_1683 = vector.extract_strided_slice %div3A_1590 {offsets = [0, 2944], sizes = [1, 128], strides = [1, 1]} : vector<1x16384xf32> to vector<1x128xf32>
    %swap3A_1684 = arith.constant 407 : index
    %swap3A_1685 = arith.constant 0 : index
    %swap3A_1686 = vector.load %arg3[%swap3A_1684, %swap3A_1685] : memref<512x128xf32, #tpu.memory_space<vmem>>, vector<1x128xf32>
    tpu.vector_store %arg3[%swap3A_1684, %swap3A_1685], %slice3A_1683 {strides = array<i32>} : memref<512x128xf32, #tpu.memory_space<vmem>>, vector<1x128xf32>,
    %slice3A_1687 = vector.extract_strided_slice %div3A_1590 {offsets = [0, 3072], sizes = [1, 128], strides = [1, 1]} : vector<1x16384xf32> to vector<1x128xf32>
    %swap3A_1688 = arith.constant 408 : index
    %swap3A_1689 = arith.constant 0 : index
    %swap3A_1690 = vector.load %arg3[%swap3A_1688, %swap3A_1689] : memref<512x128xf32, #tpu.memory_space<vmem>>, vector<1x128xf32>
    tpu.vector_store %arg3[%swap3A_1688, %swap3A_1689], %slice3A_1687 {strides = array<i32>} : memref<512x128xf32, #tpu.memory_space<vmem>>, vector<1x128xf32>,
    %slice3A_1691 = vector.extract_strided_slice %div3A_1590 {offsets = [0, 3200], sizes = [1, 128], strides = [1, 1]} : vector<1x16384xf32> to vector<1x128xf32>
    %swap3A_1692 = arith.constant 409 : index
    %swap3A_1693 = arith.constant 0 : index
    %swap3A_1694 = vector.load %arg3[%swap3A_1692, %swap3A_1693] : memref<512x128xf32, #tpu.memory_space<vmem>>, vector<1x128xf32>
    tpu.vector_store %arg3[%swap3A_1692, %swap3A_1693], %slice3A_1691 {strides = array<i32>} : memref<512x128xf32, #tpu.memory_space<vmem>>, vector<1x128xf32>,
    %slice3A_1695 = vector.extract_strided_slice %div3A_1590 {offsets = [0, 3328], sizes = [1, 128], strides = [1, 1]} : vector<1x16384xf32> to vector<1x128xf32>
    %swap3A_1696 = arith.constant 410 : index
    %swap3A_1697 = arith.constant 0 : index
    %swap3A_1698 = vector.load %arg3[%swap3A_1696, %swap3A_1697] : memref<512x128xf32, #tpu.memory_space<vmem>>, vector<1x128xf32>
    tpu.vector_store %arg3[%swap3A_1696, %swap3A_1697], %slice3A_1695 {strides = array<i32>} : memref<512x128xf32, #tpu.memory_space<vmem>>, vector<1x128xf32>,
    %slice3A_1699 = vector.extract_strided_slice %div3A_1590 {offsets = [0, 3456], sizes = [1, 128], strides = [1, 1]} : vector<1x16384xf32> to vector<1x128xf32>
    %swap3A_1700 = arith.constant 411 : index
    %swap3A_1701 = arith.constant 0 : index
    %swap3A_1702 = vector.load %arg3[%swap3A_1700, %swap3A_1701] : memref<512x128xf32, #tpu.memory_space<vmem>>, vector<1x128xf32>
    tpu.vector_store %arg3[%swap3A_1700, %swap3A_1701], %slice3A_1699 {strides = array<i32>} : memref<512x128xf32, #tpu.memory_space<vmem>>, vector<1x128xf32>,
    %slice3A_1703 = vector.extract_strided_slice %div3A_1590 {offsets = [0, 3584], sizes = [1, 128], strides = [1, 1]} : vector<1x16384xf32> to vector<1x128xf32>
    %swap3A_1704 = arith.constant 412 : index
    %swap3A_1705 = arith.constant 0 : index
    %swap3A_1706 = vector.load %arg3[%swap3A_1704, %swap3A_1705] : memref<512x128xf32, #tpu.memory_space<vmem>>, vector<1x128xf32>
    tpu.vector_store %arg3[%swap3A_1704, %swap3A_1705], %slice3A_1703 {strides = array<i32>} : memref<512x128xf32, #tpu.memory_space<vmem>>, vector<1x128xf32>,
    %slice3A_1707 = vector.extract_strided_slice %div3A_1590 {offsets = [0, 3712], sizes = [1, 128], strides = [1, 1]} : vector<1x16384xf32> to vector<1x128xf32>
    %swap3A_1708 = arith.constant 413 : index
    %swap3A_1709 = arith.constant 0 : index
    %swap3A_1710 = vector.load %arg3[%swap3A_1708, %swap3A_1709] : memref<512x128xf32, #tpu.memory_space<vmem>>, vector<1x128xf32>
    tpu.vector_store %arg3[%swap3A_1708, %swap3A_1709], %slice3A_1707 {strides = array<i32>} : memref<512x128xf32, #tpu.memory_space<vmem>>, vector<1x128xf32>,
    %slice3A_1711 = vector.extract_strided_slice %div3A_1590 {offsets = [0, 3840], sizes = [1, 128], strides = [1, 1]} : vector<1x16384xf32> to vector<1x128xf32>
    %swap3A_1712 = arith.constant 414 : index
    %swap3A_1713 = arith.constant 0 : index
    %swap3A_1714 = vector.load %arg3[%swap3A_1712, %swap3A_1713] : memref<512x128xf32, #tpu.memory_space<vmem>>, vector<1x128xf32>
    tpu.vector_store %arg3[%swap3A_1712, %swap3A_1713], %slice3A_1711 {strides = array<i32>} : memref<512x128xf32, #tpu.memory_space<vmem>>, vector<1x128xf32>,
    %slice3A_1715 = vector.extract_strided_slice %div3A_1590 {offsets = [0, 3968], sizes = [1, 128], strides = [1, 1]} : vector<1x16384xf32> to vector<1x128xf32>
    %swap3A_1716 = arith.constant 415 : index
    %swap3A_1717 = arith.constant 0 : index
    %swap3A_1718 = vector.load %arg3[%swap3A_1716, %swap3A_1717] : memref<512x128xf32, #tpu.memory_space<vmem>>, vector<1x128xf32>
    tpu.vector_store %arg3[%swap3A_1716, %swap3A_1717], %slice3A_1715 {strides = array<i32>} : memref<512x128xf32, #tpu.memory_space<vmem>>, vector<1x128xf32>,
    %slice3A_1719 = vector.extract_strided_slice %div3A_1590 {offsets = [0, 4096], sizes = [1, 128], strides = [1, 1]} : vector<1x16384xf32> to vector<1x128xf32>
    %swap3A_1720 = arith.constant 416 : index
    %swap3A_1721 = arith.constant 0 : index
    %swap3A_1722 = vector.load %arg3[%swap3A_1720, %swap3A_1721] : memref<512x128xf32, #tpu.memory_space<vmem>>, vector<1x128xf32>
    tpu.vector_store %arg3[%swap3A_1720, %swap3A_1721], %slice3A_1719 {strides = array<i32>} : memref<512x128xf32, #tpu.memory_space<vmem>>, vector<1x128xf32>,
    %slice3A_1723 = vector.extract_strided_slice %div3A_1590 {offsets = [0, 4224], sizes = [1, 128], strides = [1, 1]} : vector<1x16384xf32> to vector<1x128xf32>
    %swap3A_1724 = arith.constant 417 : index
    %swap3A_1725 = arith.constant 0 : index
    %swap3A_1726 = vector.load %arg3[%swap3A_1724, %swap3A_1725] : memref<512x128xf32, #tpu.memory_space<vmem>>, vector<1x128xf32>
    tpu.vector_store %arg3[%swap3A_1724, %swap3A_1725], %slice3A_1723 {strides = array<i32>} : memref<512x128xf32, #tpu.memory_space<vmem>>, vector<1x128xf32>,
    %slice3A_1727 = vector.extract_strided_slice %div3A_1590 {offsets = [0, 4352], sizes = [1, 128], strides = [1, 1]} : vector<1x16384xf32> to vector<1x128xf32>
    %swap3A_1728 = arith.constant 418 : index
    %swap3A_1729 = arith.constant 0 : index
    %swap3A_1730 = vector.load %arg3[%swap3A_1728, %swap3A_1729] : memref<512x128xf32, #tpu.memory_space<vmem>>, vector<1x128xf32>
    tpu.vector_store %arg3[%swap3A_1728, %swap3A_1729], %slice3A_1727 {strides = array<i32>} : memref<512x128xf32, #tpu.memory_space<vmem>>, vector<1x128xf32>,
    %slice3A_1731 = vector.extract_strided_slice %div3A_1590 {offsets = [0, 4480], sizes = [1, 128], strides = [1, 1]} : vector<1x16384xf32> to vector<1x128xf32>
    %swap3A_1732 = arith.constant 419 : index
    %swap3A_1733 = arith.constant 0 : index
    %swap3A_1734 = vector.load %arg3[%swap3A_1732, %swap3A_1733] : memref<512x128xf32, #tpu.memory_space<vmem>>, vector<1x128xf32>
    tpu.vector_store %arg3[%swap3A_1732, %swap3A_1733], %slice3A_1731 {strides = array<i32>} : memref<512x128xf32, #tpu.memory_space<vmem>>, vector<1x128xf32>,
    %slice3A_1735 = vector.extract_strided_slice %div3A_1590 {offsets = [0, 4608], sizes = [1, 128], strides = [1, 1]} : vector<1x16384xf32> to vector<1x128xf32>
    %swap3A_1736 = arith.constant 420 : index
    %swap3A_1737 = arith.constant 0 : index
    %swap3A_1738 = vector.load %arg3[%swap3A_1736, %swap3A_1737] : memref<512x128xf32, #tpu.memory_space<vmem>>, vector<1x128xf32>
    tpu.vector_store %arg3[%swap3A_1736, %swap3A_1737], %slice3A_1735 {strides = array<i32>} : memref<512x128xf32, #tpu.memory_space<vmem>>, vector<1x128xf32>,
    %slice3A_1739 = vector.extract_strided_slice %div3A_1590 {offsets = [0, 4736], sizes = [1, 128], strides = [1, 1]} : vector<1x16384xf32> to vector<1x128xf32>
    %swap3A_1740 = arith.constant 421 : index
    %swap3A_1741 = arith.constant 0 : index
    %swap3A_1742 = vector.load %arg3[%swap3A_1740, %swap3A_1741] : memref<512x128xf32, #tpu.memory_space<vmem>>, vector<1x128xf32>
    tpu.vector_store %arg3[%swap3A_1740, %swap3A_1741], %slice3A_1739 {strides = array<i32>} : memref<512x128xf32, #tpu.memory_space<vmem>>, vector<1x128xf32>,
    %slice3A_1743 = vector.extract_strided_slice %div3A_1590 {offsets = [0, 4864], sizes = [1, 128], strides = [1, 1]} : vector<1x16384xf32> to vector<1x128xf32>
    %swap3A_1744 = arith.constant 422 : index
    %swap3A_1745 = arith.constant 0 : index
    %swap3A_1746 = vector.load %arg3[%swap3A_1744, %swap3A_1745] : memref<512x128xf32, #tpu.memory_space<vmem>>, vector<1x128xf32>
    tpu.vector_store %arg3[%swap3A_1744, %swap3A_1745], %slice3A_1743 {strides = array<i32>} : memref<512x128xf32, #tpu.memory_space<vmem>>, vector<1x128xf32>,
    %slice3A_1747 = vector.extract_strided_slice %div3A_1590 {offsets = [0, 4992], sizes = [1, 128], strides = [1, 1]} : vector<1x16384xf32> to vector<1x128xf32>
    %swap3A_1748 = arith.constant 423 : index
    %swap3A_1749 = arith.constant 0 : index
    %swap3A_1750 = vector.load %arg3[%swap3A_1748, %swap3A_1749] : memref<512x128xf32, #tpu.memory_space<vmem>>, vector<1x128xf32>
    tpu.vector_store %arg3[%swap3A_1748, %swap3A_1749], %slice3A_1747 {strides = array<i32>} : memref<512x128xf32, #tpu.memory_space<vmem>>, vector<1x128xf32>,
    %slice3A_1751 = vector.extract_strided_slice %div3A_1590 {offsets = [0, 5120], sizes = [1, 128], strides = [1, 1]} : vector<1x16384xf32> to vector<1x128xf32>
    %swap3A_1752 = arith.constant 424 : index
    %swap3A_1753 = arith.constant 0 : index
    %swap3A_1754 = vector.load %arg3[%swap3A_1752, %swap3A_1753] : memref<512x128xf32, #tpu.memory_space<vmem>>, vector<1x128xf32>
    tpu.vector_store %arg3[%swap3A_1752, %swap3A_1753], %slice3A_1751 {strides = array<i32>} : memref<512x128xf32, #tpu.memory_space<vmem>>, vector<1x128xf32>,
    %slice3A_1755 = vector.extract_strided_slice %div3A_1590 {offsets = [0, 5248], sizes = [1, 128], strides = [1, 1]} : vector<1x16384xf32> to vector<1x128xf32>
    %swap3A_1756 = arith.constant 425 : index
    %swap3A_1757 = arith.constant 0 : index
    %swap3A_1758 = vector.load %arg3[%swap3A_1756, %swap3A_1757] : memref<512x128xf32, #tpu.memory_space<vmem>>, vector<1x128xf32>
    tpu.vector_store %arg3[%swap3A_1756, %swap3A_1757], %slice3A_1755 {strides = array<i32>} : memref<512x128xf32, #tpu.memory_space<vmem>>, vector<1x128xf32>,
    %slice3A_1759 = vector.extract_strided_slice %div3A_1590 {offsets = [0, 5376], sizes = [1, 128], strides = [1, 1]} : vector<1x16384xf32> to vector<1x128xf32>
    %swap3A_1760 = arith.constant 426 : index
    %swap3A_1761 = arith.constant 0 : index
    %swap3A_1762 = vector.load %arg3[%swap3A_1760, %swap3A_1761] : memref<512x128xf32, #tpu.memory_space<vmem>>, vector<1x128xf32>
    tpu.vector_store %arg3[%swap3A_1760, %swap3A_1761], %slice3A_1759 {strides = array<i32>} : memref<512x128xf32, #tpu.memory_space<vmem>>, vector<1x128xf32>,
    %slice3A_1763 = vector.extract_strided_slice %div3A_1590 {offsets = [0, 5504], sizes = [1, 128], strides = [1, 1]} : vector<1x16384xf32> to vector<1x128xf32>
    %swap3A_1764 = arith.constant 427 : index
    %swap3A_1765 = arith.constant 0 : index
    %swap3A_1766 = vector.load %arg3[%swap3A_1764, %swap3A_1765] : memref<512x128xf32, #tpu.memory_space<vmem>>, vector<1x128xf32>
    tpu.vector_store %arg3[%swap3A_1764, %swap3A_1765], %slice3A_1763 {strides = array<i32>} : memref<512x128xf32, #tpu.memory_space<vmem>>, vector<1x128xf32>,
    %slice3A_1767 = vector.extract_strided_slice %div3A_1590 {offsets = [0, 5632], sizes = [1, 128], strides = [1, 1]} : vector<1x16384xf32> to vector<1x128xf32>
    %swap3A_1768 = arith.constant 428 : index
    %swap3A_1769 = arith.constant 0 : index
    %swap3A_1770 = vector.load %arg3[%swap3A_1768, %swap3A_1769] : memref<512x128xf32, #tpu.memory_space<vmem>>, vector<1x128xf32>
    tpu.vector_store %arg3[%swap3A_1768, %swap3A_1769], %slice3A_1767 {strides = array<i32>} : memref<512x128xf32, #tpu.memory_space<vmem>>, vector<1x128xf32>,
    %slice3A_1771 = vector.extract_strided_slice %div3A_1590 {offsets = [0, 5760], sizes = [1, 128], strides = [1, 1]} : vector<1x16384xf32> to vector<1x128xf32>
    %swap3A_1772 = arith.constant 429 : index
    %swap3A_1773 = arith.constant 0 : index
    %swap3A_1774 = vector.load %arg3[%swap3A_1772, %swap3A_1773] : memref<512x128xf32, #tpu.memory_space<vmem>>, vector<1x128xf32>
    tpu.vector_store %arg3[%swap3A_1772, %swap3A_1773], %slice3A_1771 {strides = array<i32>} : memref<512x128xf32, #tpu.memory_space<vmem>>, vector<1x128xf32>,
    %slice3A_1775 = vector.extract_strided_slice %div3A_1590 {offsets = [0, 5888], sizes = [1, 128], strides = [1, 1]} : vector<1x16384xf32> to vector<1x128xf32>
    %swap3A_1776 = arith.constant 430 : index
    %swap3A_1777 = arith.constant 0 : index
    %swap3A_1778 = vector.load %arg3[%swap3A_1776, %swap3A_1777] : memref<512x128xf32, #tpu.memory_space<vmem>>, vector<1x128xf32>
    tpu.vector_store %arg3[%swap3A_1776, %swap3A_1777], %slice3A_1775 {strides = array<i32>} : memref<512x128xf32, #tpu.memory_space<vmem>>, vector<1x128xf32>,
    %slice3A_1779 = vector.extract_strided_slice %div3A_1590 {offsets = [0, 6016], sizes = [1, 128], strides = [1, 1]} : vector<1x16384xf32> to vector<1x128xf32>
    %swap3A_1780 = arith.constant 431 : index
    %swap3A_1781 = arith.constant 0 : index
    %swap3A_1782 = vector.load %arg3[%swap3A_1780, %swap3A_1781] : memref<512x128xf32, #tpu.memory_space<vmem>>, vector<1x128xf32>
    tpu.vector_store %arg3[%swap3A_1780, %swap3A_1781], %slice3A_1779 {strides = array<i32>} : memref<512x128xf32, #tpu.memory_space<vmem>>, vector<1x128xf32>,
    %slice3A_1783 = vector.extract_strided_slice %div3A_1590 {offsets = [0, 6144], sizes = [1, 128], strides = [1, 1]} : vector<1x16384xf32> to vector<1x128xf32>
    %swap3A_1784 = arith.constant 432 : index
    %swap3A_1785 = arith.constant 0 : index
    %swap3A_1786 = vector.load %arg3[%swap3A_1784, %swap3A_1785] : memref<512x128xf32, #tpu.memory_space<vmem>>, vector<1x128xf32>
    tpu.vector_store %arg3[%swap3A_1784, %swap3A_1785], %slice3A_1783 {strides = array<i32>} : memref<512x128xf32, #tpu.memory_space<vmem>>, vector<1x128xf32>,
    %slice3A_1787 = vector.extract_strided_slice %div3A_1590 {offsets = [0, 6272], sizes = [1, 128], strides = [1, 1]} : vector<1x16384xf32> to vector<1x128xf32>
    %swap3A_1788 = arith.constant 433 : index
    %swap3A_1789 = arith.constant 0 : index
    %swap3A_1790 = vector.load %arg3[%swap3A_1788, %swap3A_1789] : memref<512x128xf32, #tpu.memory_space<vmem>>, vector<1x128xf32>
    tpu.vector_store %arg3[%swap3A_1788, %swap3A_1789], %slice3A_1787 {strides = array<i32>} : memref<512x128xf32, #tpu.memory_space<vmem>>, vector<1x128xf32>,
    %slice3A_1791 = vector.extract_strided_slice %div3A_1590 {offsets = [0, 6400], sizes = [1, 128], strides = [1, 1]} : vector<1x16384xf32> to vector<1x128xf32>
    %swap3A_1792 = arith.constant 434 : index
    %swap3A_1793 = arith.constant 0 : index
    %swap3A_1794 = vector.load %arg3[%swap3A_1792, %swap3A_1793] : memref<512x128xf32, #tpu.memory_space<vmem>>, vector<1x128xf32>
    tpu.vector_store %arg3[%swap3A_1792, %swap3A_1793], %slice3A_1791 {strides = array<i32>} : memref<512x128xf32, #tpu.memory_space<vmem>>, vector<1x128xf32>,
    %slice3A_1795 = vector.extract_strided_slice %div3A_1590 {offsets = [0, 6528], sizes = [1, 128], strides = [1, 1]} : vector<1x16384xf32> to vector<1x128xf32>
    %swap3A_1796 = arith.constant 435 : index
    %swap3A_1797 = arith.constant 0 : index
    %swap3A_1798 = vector.load %arg3[%swap3A_1796, %swap3A_1797] : memref<512x128xf32, #tpu.memory_space<vmem>>, vector<1x128xf32>
    tpu.vector_store %arg3[%swap3A_1796, %swap3A_1797], %slice3A_1795 {strides = array<i32>} : memref<512x128xf32, #tpu.memory_space<vmem>>, vector<1x128xf32>,
    %slice3A_1799 = vector.extract_strided_slice %div3A_1590 {offsets = [0, 6656], sizes = [1, 128], strides = [1, 1]} : vector<1x16384xf32> to vector<1x128xf32>
    %swap3A_1800 = arith.constant 436 : index
    %swap3A_1801 = arith.constant 0 : index
    %swap3A_1802 = vector.load %arg3[%swap3A_1800, %swap3A_1801] : memref<512x128xf32, #tpu.memory_space<vmem>>, vector<1x128xf32>
    tpu.vector_store %arg3[%swap3A_1800, %swap3A_1801], %slice3A_1799 {strides = array<i32>} : memref<512x128xf32, #tpu.memory_space<vmem>>, vector<1x128xf32>,
    %slice3A_1803 = vector.extract_strided_slice %div3A_1590 {offsets = [0, 6784], sizes = [1, 128], strides = [1, 1]} : vector<1x16384xf32> to vector<1x128xf32>
    %swap3A_1804 = arith.constant 437 : index
    %swap3A_1805 = arith.constant 0 : index
    %swap3A_1806 = vector.load %arg3[%swap3A_1804, %swap3A_1805] : memref<512x128xf32, #tpu.memory_space<vmem>>, vector<1x128xf32>
    tpu.vector_store %arg3[%swap3A_1804, %swap3A_1805], %slice3A_1803 {strides = array<i32>} : memref<512x128xf32, #tpu.memory_space<vmem>>, vector<1x128xf32>,
    %slice3A_1807 = vector.extract_strided_slice %div3A_1590 {offsets = [0, 6912], sizes = [1, 128], strides = [1, 1]} : vector<1x16384xf32> to vector<1x128xf32>
    %swap3A_1808 = arith.constant 438 : index
    %swap3A_1809 = arith.constant 0 : index
    %swap3A_1810 = vector.load %arg3[%swap3A_1808, %swap3A_1809] : memref<512x128xf32, #tpu.memory_space<vmem>>, vector<1x128xf32>
    tpu.vector_store %arg3[%swap3A_1808, %swap3A_1809], %slice3A_1807 {strides = array<i32>} : memref<512x128xf32, #tpu.memory_space<vmem>>, vector<1x128xf32>,
    %slice3A_1811 = vector.extract_strided_slice %div3A_1590 {offsets = [0, 7040], sizes = [1, 128], strides = [1, 1]} : vector<1x16384xf32> to vector<1x128xf32>
    %swap3A_1812 = arith.constant 439 : index
    %swap3A_1813 = arith.constant 0 : index
    %swap3A_1814 = vector.load %arg3[%swap3A_1812, %swap3A_1813] : memref<512x128xf32, #tpu.memory_space<vmem>>, vector<1x128xf32>
    tpu.vector_store %arg3[%swap3A_1812, %swap3A_1813], %slice3A_1811 {strides = array<i32>} : memref<512x128xf32, #tpu.memory_space<vmem>>, vector<1x128xf32>,
    %slice3A_1815 = vector.extract_strided_slice %div3A_1590 {offsets = [0, 7168], sizes = [1, 128], strides = [1, 1]} : vector<1x16384xf32> to vector<1x128xf32>
    %swap3A_1816 = arith.constant 440 : index
    %swap3A_1817 = arith.constant 0 : index
    %swap3A_1818 = vector.load %arg3[%swap3A_1816, %swap3A_1817] : memref<512x128xf32, #tpu.memory_space<vmem>>, vector<1x128xf32>
    tpu.vector_store %arg3[%swap3A_1816, %swap3A_1817], %slice3A_1815 {strides = array<i32>} : memref<512x128xf32, #tpu.memory_space<vmem>>, vector<1x128xf32>,
    %slice3A_1819 = vector.extract_strided_slice %div3A_1590 {offsets = [0, 7296], sizes = [1, 128], strides = [1, 1]} : vector<1x16384xf32> to vector<1x128xf32>
    %swap3A_1820 = arith.constant 441 : index
    %swap3A_1821 = arith.constant 0 : index
    %swap3A_1822 = vector.load %arg3[%swap3A_1820, %swap3A_1821] : memref<512x128xf32, #tpu.memory_space<vmem>>, vector<1x128xf32>
    tpu.vector_store %arg3[%swap3A_1820, %swap3A_1821], %slice3A_1819 {strides = array<i32>} : memref<512x128xf32, #tpu.memory_space<vmem>>, vector<1x128xf32>,
    %slice3A_1823 = vector.extract_strided_slice %div3A_1590 {offsets = [0, 7424], sizes = [1, 128], strides = [1, 1]} : vector<1x16384xf32> to vector<1x128xf32>
    %swap3A_1824 = arith.constant 442 : index
    %swap3A_1825 = arith.constant 0 : index
    %swap3A_1826 = vector.load %arg3[%swap3A_1824, %swap3A_1825] : memref<512x128xf32, #tpu.memory_space<vmem>>, vector<1x128xf32>
    tpu.vector_store %arg3[%swap3A_1824, %swap3A_1825], %slice3A_1823 {strides = array<i32>} : memref<512x128xf32, #tpu.memory_space<vmem>>, vector<1x128xf32>,
    %slice3A_1827 = vector.extract_strided_slice %div3A_1590 {offsets = [0, 7552], sizes = [1, 128], strides = [1, 1]} : vector<1x16384xf32> to vector<1x128xf32>
    %swap3A_1828 = arith.constant 443 : index
    %swap3A_1829 = arith.constant 0 : index
    %swap3A_1830 = vector.load %arg3[%swap3A_1828, %swap3A_1829] : memref<512x128xf32, #tpu.memory_space<vmem>>, vector<1x128xf32>
    tpu.vector_store %arg3[%swap3A_1828, %swap3A_1829], %slice3A_1827 {strides = array<i32>} : memref<512x128xf32, #tpu.memory_space<vmem>>, vector<1x128xf32>,
    %slice3A_1831 = vector.extract_strided_slice %div3A_1590 {offsets = [0, 7680], sizes = [1, 128], strides = [1, 1]} : vector<1x16384xf32> to vector<1x128xf32>
    %swap3A_1832 = arith.constant 444 : index
    %swap3A_1833 = arith.constant 0 : index
    %swap3A_1834 = vector.load %arg3[%swap3A_1832, %swap3A_1833] : memref<512x128xf32, #tpu.memory_space<vmem>>, vector<1x128xf32>
    tpu.vector_store %arg3[%swap3A_1832, %swap3A_1833], %slice3A_1831 {strides = array<i32>} : memref<512x128xf32, #tpu.memory_space<vmem>>, vector<1x128xf32>,
    %slice3A_1835 = vector.extract_strided_slice %div3A_1590 {offsets = [0, 7808], sizes = [1, 128], strides = [1, 1]} : vector<1x16384xf32> to vector<1x128xf32>
    %swap3A_1836 = arith.constant 445 : index
    %swap3A_1837 = arith.constant 0 : index
    %swap3A_1838 = vector.load %arg3[%swap3A_1836, %swap3A_1837] : memref<512x128xf32, #tpu.memory_space<vmem>>, vector<1x128xf32>
    tpu.vector_store %arg3[%swap3A_1836, %swap3A_1837], %slice3A_1835 {strides = array<i32>} : memref<512x128xf32, #tpu.memory_space<vmem>>, vector<1x128xf32>,
    %slice3A_1839 = vector.extract_strided_slice %div3A_1590 {offsets = [0, 7936], sizes = [1, 128], strides = [1, 1]} : vector<1x16384xf32> to vector<1x128xf32>
    %swap3A_1840 = arith.constant 446 : index
    %swap3A_1841 = arith.constant 0 : index
    %swap3A_1842 = vector.load %arg3[%swap3A_1840, %swap3A_1841] : memref<512x128xf32, #tpu.memory_space<vmem>>, vector<1x128xf32>
    tpu.vector_store %arg3[%swap3A_1840, %swap3A_1841], %slice3A_1839 {strides = array<i32>} : memref<512x128xf32, #tpu.memory_space<vmem>>, vector<1x128xf32>,
    %slice3A_1843 = vector.extract_strided_slice %div3A_1590 {offsets = [0, 8064], sizes = [1, 128], strides = [1, 1]} : vector<1x16384xf32> to vector<1x128xf32>
    %swap3A_1844 = arith.constant 447 : index
    %swap3A_1845 = arith.constant 0 : index
    %swap3A_1846 = vector.load %arg3[%swap3A_1844, %swap3A_1845] : memref<512x128xf32, #tpu.memory_space<vmem>>, vector<1x128xf32>
    tpu.vector_store %arg3[%swap3A_1844, %swap3A_1845], %slice3A_1843 {strides = array<i32>} : memref<512x128xf32, #tpu.memory_space<vmem>>, vector<1x128xf32>,
    %slice3A_1847 = vector.extract_strided_slice %div3A_1590 {offsets = [0, 8192], sizes = [1, 128], strides = [1, 1]} : vector<1x16384xf32> to vector<1x128xf32>
    %swap3A_1848 = arith.constant 448 : index
    %swap3A_1849 = arith.constant 0 : index
    %swap3A_1850 = vector.load %arg3[%swap3A_1848, %swap3A_1849] : memref<512x128xf32, #tpu.memory_space<vmem>>, vector<1x128xf32>
    tpu.vector_store %arg3[%swap3A_1848, %swap3A_1849], %slice3A_1847 {strides = array<i32>} : memref<512x128xf32, #tpu.memory_space<vmem>>, vector<1x128xf32>,
    %slice3A_1851 = vector.extract_strided_slice %div3A_1590 {offsets = [0, 8320], sizes = [1, 128], strides = [1, 1]} : vector<1x16384xf32> to vector<1x128xf32>
    %swap3A_1852 = arith.constant 449 : index
    %swap3A_1853 = arith.constant 0 : index
    %swap3A_1854 = vector.load %arg3[%swap3A_1852, %swap3A_1853] : memref<512x128xf32, #tpu.memory_space<vmem>>, vector<1x128xf32>
    tpu.vector_store %arg3[%swap3A_1852, %swap3A_1853], %slice3A_1851 {strides = array<i32>} : memref<512x128xf32, #tpu.memory_space<vmem>>, vector<1x128xf32>,
    %slice3A_1855 = vector.extract_strided_slice %div3A_1590 {offsets = [0, 8448], sizes = [1, 128], strides = [1, 1]} : vector<1x16384xf32> to vector<1x128xf32>
    %swap3A_1856 = arith.constant 450 : index
    %swap3A_1857 = arith.constant 0 : index
    %swap3A_1858 = vector.load %arg3[%swap3A_1856, %swap3A_1857] : memref<512x128xf32, #tpu.memory_space<vmem>>, vector<1x128xf32>
    tpu.vector_store %arg3[%swap3A_1856, %swap3A_1857], %slice3A_1855 {strides = array<i32>} : memref<512x128xf32, #tpu.memory_space<vmem>>, vector<1x128xf32>,
    %slice3A_1859 = vector.extract_strided_slice %div3A_1590 {offsets = [0, 8576], sizes = [1, 128], strides = [1, 1]} : vector<1x16384xf32> to vector<1x128xf32>
    %swap3A_1860 = arith.constant 451 : index
    %swap3A_1861 = arith.constant 0 : index
    %swap3A_1862 = vector.load %arg3[%swap3A_1860, %swap3A_1861] : memref<512x128xf32, #tpu.memory_space<vmem>>, vector<1x128xf32>
    tpu.vector_store %arg3[%swap3A_1860, %swap3A_1861], %slice3A_1859 {strides = array<i32>} : memref<512x128xf32, #tpu.memory_space<vmem>>, vector<1x128xf32>,
    %slice3A_1863 = vector.extract_strided_slice %div3A_1590 {offsets = [0, 8704], sizes = [1, 128], strides = [1, 1]} : vector<1x16384xf32> to vector<1x128xf32>
    %swap3A_1864 = arith.constant 452 : index
    %swap3A_1865 = arith.constant 0 : index
    %swap3A_1866 = vector.load %arg3[%swap3A_1864, %swap3A_1865] : memref<512x128xf32, #tpu.memory_space<vmem>>, vector<1x128xf32>
    tpu.vector_store %arg3[%swap3A_1864, %swap3A_1865], %slice3A_1863 {strides = array<i32>} : memref<512x128xf32, #tpu.memory_space<vmem>>, vector<1x128xf32>,
    %slice3A_1867 = vector.extract_strided_slice %div3A_1590 {offsets = [0, 8832], sizes = [1, 128], strides = [1, 1]} : vector<1x16384xf32> to vector<1x128xf32>
    %swap3A_1868 = arith.constant 453 : index
    %swap3A_1869 = arith.constant 0 : index
    %swap3A_1870 = vector.load %arg3[%swap3A_1868, %swap3A_1869] : memref<512x128xf32, #tpu.memory_space<vmem>>, vector<1x128xf32>
    tpu.vector_store %arg3[%swap3A_1868, %swap3A_1869], %slice3A_1867 {strides = array<i32>} : memref<512x128xf32, #tpu.memory_space<vmem>>, vector<1x128xf32>,
    %slice3A_1871 = vector.extract_strided_slice %div3A_1590 {offsets = [0, 8960], sizes = [1, 128], strides = [1, 1]} : vector<1x16384xf32> to vector<1x128xf32>
    %swap3A_1872 = arith.constant 454 : index
    %swap3A_1873 = arith.constant 0 : index
    %swap3A_1874 = vector.load %arg3[%swap3A_1872, %swap3A_1873] : memref<512x128xf32, #tpu.memory_space<vmem>>, vector<1x128xf32>
    tpu.vector_store %arg3[%swap3A_1872, %swap3A_1873], %slice3A_1871 {strides = array<i32>} : memref<512x128xf32, #tpu.memory_space<vmem>>, vector<1x128xf32>,
    %slice3A_1875 = vector.extract_strided_slice %div3A_1590 {offsets = [0, 9088], sizes = [1, 128], strides = [1, 1]} : vector<1x16384xf32> to vector<1x128xf32>
    %swap3A_1876 = arith.constant 455 : index
    %swap3A_1877 = arith.constant 0 : index
    %swap3A_1878 = vector.load %arg3[%swap3A_1876, %swap3A_1877] : memref<512x128xf32, #tpu.memory_space<vmem>>, vector<1x128xf32>
    tpu.vector_store %arg3[%swap3A_1876, %swap3A_1877], %slice3A_1875 {strides = array<i32>} : memref<512x128xf32, #tpu.memory_space<vmem>>, vector<1x128xf32>,
    %slice3A_1879 = vector.extract_strided_slice %div3A_1590 {offsets = [0, 9216], sizes = [1, 128], strides = [1, 1]} : vector<1x16384xf32> to vector<1x128xf32>
    %swap3A_1880 = arith.constant 456 : index
    %swap3A_1881 = arith.constant 0 : index
    %swap3A_1882 = vector.load %arg3[%swap3A_1880, %swap3A_1881] : memref<512x128xf32, #tpu.memory_space<vmem>>, vector<1x128xf32>
    tpu.vector_store %arg3[%swap3A_1880, %swap3A_1881], %slice3A_1879 {strides = array<i32>} : memref<512x128xf32, #tpu.memory_space<vmem>>, vector<1x128xf32>,
    %slice3A_1883 = vector.extract_strided_slice %div3A_1590 {offsets = [0, 9344], sizes = [1, 128], strides = [1, 1]} : vector<1x16384xf32> to vector<1x128xf32>
    %swap3A_1884 = arith.constant 457 : index
    %swap3A_1885 = arith.constant 0 : index
    %swap3A_1886 = vector.load %arg3[%swap3A_1884, %swap3A_1885] : memref<512x128xf32, #tpu.memory_space<vmem>>, vector<1x128xf32>
    tpu.vector_store %arg3[%swap3A_1884, %swap3A_1885], %slice3A_1883 {strides = array<i32>} : memref<512x128xf32, #tpu.memory_space<vmem>>, vector<1x128xf32>,
    %slice3A_1887 = vector.extract_strided_slice %div3A_1590 {offsets = [0, 9472], sizes = [1, 128], strides = [1, 1]} : vector<1x16384xf32> to vector<1x128xf32>
    %swap3A_1888 = arith.constant 458 : index
    %swap3A_1889 = arith.constant 0 : index
    %swap3A_1890 = vector.load %arg3[%swap3A_1888, %swap3A_1889] : memref<512x128xf32, #tpu.memory_space<vmem>>, vector<1x128xf32>
    tpu.vector_store %arg3[%swap3A_1888, %swap3A_1889], %slice3A_1887 {strides = array<i32>} : memref<512x128xf32, #tpu.memory_space<vmem>>, vector<1x128xf32>,
    %slice3A_1891 = vector.extract_strided_slice %div3A_1590 {offsets = [0, 9600], sizes = [1, 128], strides = [1, 1]} : vector<1x16384xf32> to vector<1x128xf32>
    %swap3A_1892 = arith.constant 459 : index
    %swap3A_1893 = arith.constant 0 : index
    %swap3A_1894 = vector.load %arg3[%swap3A_1892, %swap3A_1893] : memref<512x128xf32, #tpu.memory_space<vmem>>, vector<1x128xf32>
    tpu.vector_store %arg3[%swap3A_1892, %swap3A_1893], %slice3A_1891 {strides = array<i32>} : memref<512x128xf32, #tpu.memory_space<vmem>>, vector<1x128xf32>,
    %slice3A_1895 = vector.extract_strided_slice %div3A_1590 {offsets = [0, 9728], sizes = [1, 128], strides = [1, 1]} : vector<1x16384xf32> to vector<1x128xf32>
    %swap3A_1896 = arith.constant 460 : index
    %swap3A_1897 = arith.constant 0 : index
    %swap3A_1898 = vector.load %arg3[%swap3A_1896, %swap3A_1897] : memref<512x128xf32, #tpu.memory_space<vmem>>, vector<1x128xf32>
    tpu.vector_store %arg3[%swap3A_1896, %swap3A_1897], %slice3A_1895 {strides = array<i32>} : memref<512x128xf32, #tpu.memory_space<vmem>>, vector<1x128xf32>,
    %slice3A_1899 = vector.extract_strided_slice %div3A_1590 {offsets = [0, 9856], sizes = [1, 128], strides = [1, 1]} : vector<1x16384xf32> to vector<1x128xf32>
    %swap3A_1900 = arith.constant 461 : index
    %swap3A_1901 = arith.constant 0 : index
    %swap3A_1902 = vector.load %arg3[%swap3A_1900, %swap3A_1901] : memref<512x128xf32, #tpu.memory_space<vmem>>, vector<1x128xf32>
    tpu.vector_store %arg3[%swap3A_1900, %swap3A_1901], %slice3A_1899 {strides = array<i32>} : memref<512x128xf32, #tpu.memory_space<vmem>>, vector<1x128xf32>,
    %slice3A_1903 = vector.extract_strided_slice %div3A_1590 {offsets = [0, 9984], sizes = [1, 128], strides = [1, 1]} : vector<1x16384xf32> to vector<1x128xf32>
    %swap3A_1904 = arith.constant 462 : index
    %swap3A_1905 = arith.constant 0 : index
    %swap3A_1906 = vector.load %arg3[%swap3A_1904, %swap3A_1905] : memref<512x128xf32, #tpu.memory_space<vmem>>, vector<1x128xf32>
    tpu.vector_store %arg3[%swap3A_1904, %swap3A_1905], %slice3A_1903 {strides = array<i32>} : memref<512x128xf32, #tpu.memory_space<vmem>>, vector<1x128xf32>,
    %slice3A_1907 = vector.extract_strided_slice %div3A_1590 {offsets = [0, 10112], sizes = [1, 128], strides = [1, 1]} : vector<1x16384xf32> to vector<1x128xf32>
    %swap3A_1908 = arith.constant 463 : index
    %swap3A_1909 = arith.constant 0 : index
    %swap3A_1910 = vector.load %arg3[%swap3A_1908, %swap3A_1909] : memref<512x128xf32, #tpu.memory_space<vmem>>, vector<1x128xf32>
    tpu.vector_store %arg3[%swap3A_1908, %swap3A_1909], %slice3A_1907 {strides = array<i32>} : memref<512x128xf32, #tpu.memory_space<vmem>>, vector<1x128xf32>,
    %slice3A_1911 = vector.extract_strided_slice %div3A_1590 {offsets = [0, 10240], sizes = [1, 128], strides = [1, 1]} : vector<1x16384xf32> to vector<1x128xf32>
    %swap3A_1912 = arith.constant 464 : index
    %swap3A_1913 = arith.constant 0 : index
    %swap3A_1914 = vector.load %arg3[%swap3A_1912, %swap3A_1913] : memref<512x128xf32, #tpu.memory_space<vmem>>, vector<1x128xf32>
    tpu.vector_store %arg3[%swap3A_1912, %swap3A_1913], %slice3A_1911 {strides = array<i32>} : memref<512x128xf32, #tpu.memory_space<vmem>>, vector<1x128xf32>,
    %slice3A_1915 = vector.extract_strided_slice %div3A_1590 {offsets = [0, 10368], sizes = [1, 128], strides = [1, 1]} : vector<1x16384xf32> to vector<1x128xf32>
    %swap3A_1916 = arith.constant 465 : index
    %swap3A_1917 = arith.constant 0 : index
    %swap3A_1918 = vector.load %arg3[%swap3A_1916, %swap3A_1917] : memref<512x128xf32, #tpu.memory_space<vmem>>, vector<1x128xf32>
    tpu.vector_store %arg3[%swap3A_1916, %swap3A_1917], %slice3A_1915 {strides = array<i32>} : memref<512x128xf32, #tpu.memory_space<vmem>>, vector<1x128xf32>,
    %slice3A_1919 = vector.extract_strided_slice %div3A_1590 {offsets = [0, 10496], sizes = [1, 128], strides = [1, 1]} : vector<1x16384xf32> to vector<1x128xf32>
    %swap3A_1920 = arith.constant 466 : index
    %swap3A_1921 = arith.constant 0 : index
    %swap3A_1922 = vector.load %arg3[%swap3A_1920, %swap3A_1921] : memref<512x128xf32, #tpu.memory_space<vmem>>, vector<1x128xf32>
    tpu.vector_store %arg3[%swap3A_1920, %swap3A_1921], %slice3A_1919 {strides = array<i32>} : memref<512x128xf32, #tpu.memory_space<vmem>>, vector<1x128xf32>,
    %slice3A_1923 = vector.extract_strided_slice %div3A_1590 {offsets = [0, 10624], sizes = [1, 128], strides = [1, 1]} : vector<1x16384xf32> to vector<1x128xf32>
    %swap3A_1924 = arith.constant 467 : index
    %swap3A_1925 = arith.constant 0 : index
    %swap3A_1926 = vector.load %arg3[%swap3A_1924, %swap3A_1925] : memref<512x128xf32, #tpu.memory_space<vmem>>, vector<1x128xf32>
    tpu.vector_store %arg3[%swap3A_1924, %swap3A_1925], %slice3A_1923 {strides = array<i32>} : memref<512x128xf32, #tpu.memory_space<vmem>>, vector<1x128xf32>,
    %slice3A_1927 = vector.extract_strided_slice %div3A_1590 {offsets = [0, 10752], sizes = [1, 128], strides = [1, 1]} : vector<1x16384xf32> to vector<1x128xf32>
    %swap3A_1928 = arith.constant 468 : index
    %swap3A_1929 = arith.constant 0 : index
    %swap3A_1930 = vector.load %arg3[%swap3A_1928, %swap3A_1929] : memref<512x128xf32, #tpu.memory_space<vmem>>, vector<1x128xf32>
    tpu.vector_store %arg3[%swap3A_1928, %swap3A_1929], %slice3A_1927 {strides = array<i32>} : memref<512x128xf32, #tpu.memory_space<vmem>>, vector<1x128xf32>,
    %slice3A_1931 = vector.extract_strided_slice %div3A_1590 {offsets = [0, 10880], sizes = [1, 128], strides = [1, 1]} : vector<1x16384xf32> to vector<1x128xf32>
    %swap3A_1932 = arith.constant 469 : index
    %swap3A_1933 = arith.constant 0 : index
    %swap3A_1934 = vector.load %arg3[%swap3A_1932, %swap3A_1933] : memref<512x128xf32, #tpu.memory_space<vmem>>, vector<1x128xf32>
    tpu.vector_store %arg3[%swap3A_1932, %swap3A_1933], %slice3A_1931 {strides = array<i32>} : memref<512x128xf32, #tpu.memory_space<vmem>>, vector<1x128xf32>,
    %slice3A_1935 = vector.extract_strided_slice %div3A_1590 {offsets = [0, 11008], sizes = [1, 128], strides = [1, 1]} : vector<1x16384xf32> to vector<1x128xf32>
    %swap3A_1936 = arith.constant 470 : index
    %swap3A_1937 = arith.constant 0 : index
    %swap3A_1938 = vector.load %arg3[%swap3A_1936, %swap3A_1937] : memref<512x128xf32, #tpu.memory_space<vmem>>, vector<1x128xf32>
    tpu.vector_store %arg3[%swap3A_1936, %swap3A_1937], %slice3A_1935 {strides = array<i32>} : memref<512x128xf32, #tpu.memory_space<vmem>>, vector<1x128xf32>,
    %slice3A_1939 = vector.extract_strided_slice %div3A_1590 {offsets = [0, 11136], sizes = [1, 128], strides = [1, 1]} : vector<1x16384xf32> to vector<1x128xf32>
    %swap3A_1940 = arith.constant 471 : index
    %swap3A_1941 = arith.constant 0 : index
    %swap3A_1942 = vector.load %arg3[%swap3A_1940, %swap3A_1941] : memref<512x128xf32, #tpu.memory_space<vmem>>, vector<1x128xf32>
    tpu.vector_store %arg3[%swap3A_1940, %swap3A_1941], %slice3A_1939 {strides = array<i32>} : memref<512x128xf32, #tpu.memory_space<vmem>>, vector<1x128xf32>,
    %slice3A_1943 = vector.extract_strided_slice %div3A_1590 {offsets = [0, 11264], sizes = [1, 128], strides = [1, 1]} : vector<1x16384xf32> to vector<1x128xf32>
    %swap3A_1944 = arith.constant 472 : index
    %swap3A_1945 = arith.constant 0 : index
    %swap3A_1946 = vector.load %arg3[%swap3A_1944, %swap3A_1945] : memref<512x128xf32, #tpu.memory_space<vmem>>, vector<1x128xf32>
    tpu.vector_store %arg3[%swap3A_1944, %swap3A_1945], %slice3A_1943 {strides = array<i32>} : memref<512x128xf32, #tpu.memory_space<vmem>>, vector<1x128xf32>,
    %slice3A_1947 = vector.extract_strided_slice %div3A_1590 {offsets = [0, 11392], sizes = [1, 128], strides = [1, 1]} : vector<1x16384xf32> to vector<1x128xf32>
    %swap3A_1948 = arith.constant 473 : index
    %swap3A_1949 = arith.constant 0 : index
    %swap3A_1950 = vector.load %arg3[%swap3A_1948, %swap3A_1949] : memref<512x128xf32, #tpu.memory_space<vmem>>, vector<1x128xf32>
    tpu.vector_store %arg3[%swap3A_1948, %swap3A_1949], %slice3A_1947 {strides = array<i32>} : memref<512x128xf32, #tpu.memory_space<vmem>>, vector<1x128xf32>,
    %slice3A_1951 = vector.extract_strided_slice %div3A_1590 {offsets = [0, 11520], sizes = [1, 128], strides = [1, 1]} : vector<1x16384xf32> to vector<1x128xf32>
    %swap3A_1952 = arith.constant 474 : index
    %swap3A_1953 = arith.constant 0 : index
    %swap3A_1954 = vector.load %arg3[%swap3A_1952, %swap3A_1953] : memref<512x128xf32, #tpu.memory_space<vmem>>, vector<1x128xf32>
    tpu.vector_store %arg3[%swap3A_1952, %swap3A_1953], %slice3A_1951 {strides = array<i32>} : memref<512x128xf32, #tpu.memory_space<vmem>>, vector<1x128xf32>,
    %slice3A_1955 = vector.extract_strided_slice %div3A_1590 {offsets = [0, 11648], sizes = [1, 128], strides = [1, 1]} : vector<1x16384xf32> to vector<1x128xf32>
    %swap3A_1956 = arith.constant 475 : index
    %swap3A_1957 = arith.constant 0 : index
    %swap3A_1958 = vector.load %arg3[%swap3A_1956, %swap3A_1957] : memref<512x128xf32, #tpu.memory_space<vmem>>, vector<1x128xf32>
    tpu.vector_store %arg3[%swap3A_1956, %swap3A_1957], %slice3A_1955 {strides = array<i32>} : memref<512x128xf32, #tpu.memory_space<vmem>>, vector<1x128xf32>,
    %slice3A_1959 = vector.extract_strided_slice %div3A_1590 {offsets = [0, 11776], sizes = [1, 128], strides = [1, 1]} : vector<1x16384xf32> to vector<1x128xf32>
    %swap3A_1960 = arith.constant 476 : index
    %swap3A_1961 = arith.constant 0 : index
    %swap3A_1962 = vector.load %arg3[%swap3A_1960, %swap3A_1961] : memref<512x128xf32, #tpu.memory_space<vmem>>, vector<1x128xf32>
    tpu.vector_store %arg3[%swap3A_1960, %swap3A_1961], %slice3A_1959 {strides = array<i32>} : memref<512x128xf32, #tpu.memory_space<vmem>>, vector<1x128xf32>,
    %slice3A_1963 = vector.extract_strided_slice %div3A_1590 {offsets = [0, 11904], sizes = [1, 128], strides = [1, 1]} : vector<1x16384xf32> to vector<1x128xf32>
    %swap3A_1964 = arith.constant 477 : index
    %swap3A_1965 = arith.constant 0 : index
    %swap3A_1966 = vector.load %arg3[%swap3A_1964, %swap3A_1965] : memref<512x128xf32, #tpu.memory_space<vmem>>, vector<1x128xf32>
    tpu.vector_store %arg3[%swap3A_1964, %swap3A_1965], %slice3A_1963 {strides = array<i32>} : memref<512x128xf32, #tpu.memory_space<vmem>>, vector<1x128xf32>,
    %slice3A_1967 = vector.extract_strided_slice %div3A_1590 {offsets = [0, 12032], sizes = [1, 128], strides = [1, 1]} : vector<1x16384xf32> to vector<1x128xf32>
    %swap3A_1968 = arith.constant 478 : index
    %swap3A_1969 = arith.constant 0 : index
    %swap3A_1970 = vector.load %arg3[%swap3A_1968, %swap3A_1969] : memref<512x128xf32, #tpu.memory_space<vmem>>, vector<1x128xf32>
    tpu.vector_store %arg3[%swap3A_1968, %swap3A_1969], %slice3A_1967 {strides = array<i32>} : memref<512x128xf32, #tpu.memory_space<vmem>>, vector<1x128xf32>,
    %slice3A_1971 = vector.extract_strided_slice %div3A_1590 {offsets = [0, 12160], sizes = [1, 128], strides = [1, 1]} : vector<1x16384xf32> to vector<1x128xf32>
    %swap3A_1972 = arith.constant 479 : index
    %swap3A_1973 = arith.constant 0 : index
    %swap3A_1974 = vector.load %arg3[%swap3A_1972, %swap3A_1973] : memref<512x128xf32, #tpu.memory_space<vmem>>, vector<1x128xf32>
    tpu.vector_store %arg3[%swap3A_1972, %swap3A_1973], %slice3A_1971 {strides = array<i32>} : memref<512x128xf32, #tpu.memory_space<vmem>>, vector<1x128xf32>,
    %slice3A_1975 = vector.extract_strided_slice %div3A_1590 {offsets = [0, 12288], sizes = [1, 128], strides = [1, 1]} : vector<1x16384xf32> to vector<1x128xf32>
    %swap3A_1976 = arith.constant 480 : index
    %swap3A_1977 = arith.constant 0 : index
    %swap3A_1978 = vector.load %arg3[%swap3A_1976, %swap3A_1977] : memref<512x128xf32, #tpu.memory_space<vmem>>, vector<1x128xf32>
    tpu.vector_store %arg3[%swap3A_1976, %swap3A_1977], %slice3A_1975 {strides = array<i32>} : memref<512x128xf32, #tpu.memory_space<vmem>>, vector<1x128xf32>,
    %slice3A_1979 = vector.extract_strided_slice %div3A_1590 {offsets = [0, 12416], sizes = [1, 128], strides = [1, 1]} : vector<1x16384xf32> to vector<1x128xf32>
    %swap3A_1980 = arith.constant 481 : index
    %swap3A_1981 = arith.constant 0 : index
    %swap3A_1982 = vector.load %arg3[%swap3A_1980, %swap3A_1981] : memref<512x128xf32, #tpu.memory_space<vmem>>, vector<1x128xf32>
    tpu.vector_store %arg3[%swap3A_1980, %swap3A_1981], %slice3A_1979 {strides = array<i32>} : memref<512x128xf32, #tpu.memory_space<vmem>>, vector<1x128xf32>,
    %slice3A_1983 = vector.extract_strided_slice %div3A_1590 {offsets = [0, 12544], sizes = [1, 128], strides = [1, 1]} : vector<1x16384xf32> to vector<1x128xf32>
    %swap3A_1984 = arith.constant 482 : index
    %swap3A_1985 = arith.constant 0 : index
    %swap3A_1986 = vector.load %arg3[%swap3A_1984, %swap3A_1985] : memref<512x128xf32, #tpu.memory_space<vmem>>, vector<1x128xf32>
    tpu.vector_store %arg3[%swap3A_1984, %swap3A_1985], %slice3A_1983 {strides = array<i32>} : memref<512x128xf32, #tpu.memory_space<vmem>>, vector<1x128xf32>,
    %slice3A_1987 = vector.extract_strided_slice %div3A_1590 {offsets = [0, 12672], sizes = [1, 128], strides = [1, 1]} : vector<1x16384xf32> to vector<1x128xf32>
    %swap3A_1988 = arith.constant 483 : index
    %swap3A_1989 = arith.constant 0 : index
    %swap3A_1990 = vector.load %arg3[%swap3A_1988, %swap3A_1989] : memref<512x128xf32, #tpu.memory_space<vmem>>, vector<1x128xf32>
    tpu.vector_store %arg3[%swap3A_1988, %swap3A_1989], %slice3A_1987 {strides = array<i32>} : memref<512x128xf32, #tpu.memory_space<vmem>>, vector<1x128xf32>,
    %slice3A_1991 = vector.extract_strided_slice %div3A_1590 {offsets = [0, 12800], sizes = [1, 128], strides = [1, 1]} : vector<1x16384xf32> to vector<1x128xf32>
    %swap3A_1992 = arith.constant 484 : index
    %swap3A_1993 = arith.constant 0 : index
    %swap3A_1994 = vector.load %arg3[%swap3A_1992, %swap3A_1993] : memref<512x128xf32, #tpu.memory_space<vmem>>, vector<1x128xf32>
    tpu.vector_store %arg3[%swap3A_1992, %swap3A_1993], %slice3A_1991 {strides = array<i32>} : memref<512x128xf32, #tpu.memory_space<vmem>>, vector<1x128xf32>,
    %slice3A_1995 = vector.extract_strided_slice %div3A_1590 {offsets = [0, 12928], sizes = [1, 128], strides = [1, 1]} : vector<1x16384xf32> to vector<1x128xf32>
    %swap3A_1996 = arith.constant 485 : index
    %swap3A_1997 = arith.constant 0 : index
    %swap3A_1998 = vector.load %arg3[%swap3A_1996, %swap3A_1997] : memref<512x128xf32, #tpu.memory_space<vmem>>, vector<1x128xf32>
    tpu.vector_store %arg3[%swap3A_1996, %swap3A_1997], %slice3A_1995 {strides = array<i32>} : memref<512x128xf32, #tpu.memory_space<vmem>>, vector<1x128xf32>,
    %slice3A_1999 = vector.extract_strided_slice %div3A_1590 {offsets = [0, 13056], sizes = [1, 128], strides = [1, 1]} : vector<1x16384xf32> to vector<1x128xf32>
    %swap3A_2000 = arith.constant 486 : index
    %swap3A_2001 = arith.constant 0 : index
    %swap3A_2002 = vector.load %arg3[%swap3A_2000, %swap3A_2001] : memref<512x128xf32, #tpu.memory_space<vmem>>, vector<1x128xf32>
    tpu.vector_store %arg3[%swap3A_2000, %swap3A_2001], %slice3A_1999 {strides = array<i32>} : memref<512x128xf32, #tpu.memory_space<vmem>>, vector<1x128xf32>,
    %slice3A_2003 = vector.extract_strided_slice %div3A_1590 {offsets = [0, 13184], sizes = [1, 128], strides = [1, 1]} : vector<1x16384xf32> to vector<1x128xf32>
    %swap3A_2004 = arith.constant 487 : index
    %swap3A_2005 = arith.constant 0 : index
    %swap3A_2006 = vector.load %arg3[%swap3A_2004, %swap3A_2005] : memref<512x128xf32, #tpu.memory_space<vmem>>, vector<1x128xf32>
    tpu.vector_store %arg3[%swap3A_2004, %swap3A_2005], %slice3A_2003 {strides = array<i32>} : memref<512x128xf32, #tpu.memory_space<vmem>>, vector<1x128xf32>,
    %slice3A_2007 = vector.extract_strided_slice %div3A_1590 {offsets = [0, 13312], sizes = [1, 128], strides = [1, 1]} : vector<1x16384xf32> to vector<1x128xf32>
    %swap3A_2008 = arith.constant 488 : index
    %swap3A_2009 = arith.constant 0 : index
    %swap3A_2010 = vector.load %arg3[%swap3A_2008, %swap3A_2009] : memref<512x128xf32, #tpu.memory_space<vmem>>, vector<1x128xf32>
    tpu.vector_store %arg3[%swap3A_2008, %swap3A_2009], %slice3A_2007 {strides = array<i32>} : memref<512x128xf32, #tpu.memory_space<vmem>>, vector<1x128xf32>,
    %slice3A_2011 = vector.extract_strided_slice %div3A_1590 {offsets = [0, 13440], sizes = [1, 128], strides = [1, 1]} : vector<1x16384xf32> to vector<1x128xf32>
    %swap3A_2012 = arith.constant 489 : index
    %swap3A_2013 = arith.constant 0 : index
    %swap3A_2014 = vector.load %arg3[%swap3A_2012, %swap3A_2013] : memref<512x128xf32, #tpu.memory_space<vmem>>, vector<1x128xf32>
    tpu.vector_store %arg3[%swap3A_2012, %swap3A_2013], %slice3A_2011 {strides = array<i32>} : memref<512x128xf32, #tpu.memory_space<vmem>>, vector<1x128xf32>,
    %slice3A_2015 = vector.extract_strided_slice %div3A_1590 {offsets = [0, 13568], sizes = [1, 128], strides = [1, 1]} : vector<1x16384xf32> to vector<1x128xf32>
    %swap3A_2016 = arith.constant 490 : index
    %swap3A_2017 = arith.constant 0 : index
    %swap3A_2018 = vector.load %arg3[%swap3A_2016, %swap3A_2017] : memref<512x128xf32, #tpu.memory_space<vmem>>, vector<1x128xf32>
    tpu.vector_store %arg3[%swap3A_2016, %swap3A_2017], %slice3A_2015 {strides = array<i32>} : memref<512x128xf32, #tpu.memory_space<vmem>>, vector<1x128xf32>,
    %slice3A_2019 = vector.extract_strided_slice %div3A_1590 {offsets = [0, 13696], sizes = [1, 128], strides = [1, 1]} : vector<1x16384xf32> to vector<1x128xf32>
    %swap3A_2020 = arith.constant 491 : index
    %swap3A_2021 = arith.constant 0 : index
    %swap3A_2022 = vector.load %arg3[%swap3A_2020, %swap3A_2021] : memref<512x128xf32, #tpu.memory_space<vmem>>, vector<1x128xf32>
    tpu.vector_store %arg3[%swap3A_2020, %swap3A_2021], %slice3A_2019 {strides = array<i32>} : memref<512x128xf32, #tpu.memory_space<vmem>>, vector<1x128xf32>,
    %slice3A_2023 = vector.extract_strided_slice %div3A_1590 {offsets = [0, 13824], sizes = [1, 128], strides = [1, 1]} : vector<1x16384xf32> to vector<1x128xf32>
    %swap3A_2024 = arith.constant 492 : index
    %swap3A_2025 = arith.constant 0 : index
    %swap3A_2026 = vector.load %arg3[%swap3A_2024, %swap3A_2025] : memref<512x128xf32, #tpu.memory_space<vmem>>, vector<1x128xf32>
    tpu.vector_store %arg3[%swap3A_2024, %swap3A_2025], %slice3A_2023 {strides = array<i32>} : memref<512x128xf32, #tpu.memory_space<vmem>>, vector<1x128xf32>,
    %slice3A_2027 = vector.extract_strided_slice %div3A_1590 {offsets = [0, 13952], sizes = [1, 128], strides = [1, 1]} : vector<1x16384xf32> to vector<1x128xf32>
    %swap3A_2028 = arith.constant 493 : index
    %swap3A_2029 = arith.constant 0 : index
    %swap3A_2030 = vector.load %arg3[%swap3A_2028, %swap3A_2029] : memref<512x128xf32, #tpu.memory_space<vmem>>, vector<1x128xf32>
    tpu.vector_store %arg3[%swap3A_2028, %swap3A_2029], %slice3A_2027 {strides = array<i32>} : memref<512x128xf32, #tpu.memory_space<vmem>>, vector<1x128xf32>,
    %slice3A_2031 = vector.extract_strided_slice %div3A_1590 {offsets = [0, 14080], sizes = [1, 128], strides = [1, 1]} : vector<1x16384xf32> to vector<1x128xf32>
    %swap3A_2032 = arith.constant 494 : index
    %swap3A_2033 = arith.constant 0 : index
    %swap3A_2034 = vector.load %arg3[%swap3A_2032, %swap3A_2033] : memref<512x128xf32, #tpu.memory_space<vmem>>, vector<1x128xf32>
    tpu.vector_store %arg3[%swap3A_2032, %swap3A_2033], %slice3A_2031 {strides = array<i32>} : memref<512x128xf32, #tpu.memory_space<vmem>>, vector<1x128xf32>,
    %slice3A_2035 = vector.extract_strided_slice %div3A_1590 {offsets = [0, 14208], sizes = [1, 128], strides = [1, 1]} : vector<1x16384xf32> to vector<1x128xf32>
    %swap3A_2036 = arith.constant 495 : index
    %swap3A_2037 = arith.constant 0 : index
    %swap3A_2038 = vector.load %arg3[%swap3A_2036, %swap3A_2037] : memref<512x128xf32, #tpu.memory_space<vmem>>, vector<1x128xf32>
    tpu.vector_store %arg3[%swap3A_2036, %swap3A_2037], %slice3A_2035 {strides = array<i32>} : memref<512x128xf32, #tpu.memory_space<vmem>>, vector<1x128xf32>,
    %slice3A_2039 = vector.extract_strided_slice %div3A_1590 {offsets = [0, 14336], sizes = [1, 128], strides = [1, 1]} : vector<1x16384xf32> to vector<1x128xf32>
    %swap3A_2040 = arith.constant 496 : index
    %swap3A_2041 = arith.constant 0 : index
    %swap3A_2042 = vector.load %arg3[%swap3A_2040, %swap3A_2041] : memref<512x128xf32, #tpu.memory_space<vmem>>, vector<1x128xf32>
    tpu.vector_store %arg3[%swap3A_2040, %swap3A_2041], %slice3A_2039 {strides = array<i32>} : memref<512x128xf32, #tpu.memory_space<vmem>>, vector<1x128xf32>,
    %slice3A_2043 = vector.extract_strided_slice %div3A_1590 {offsets = [0, 14464], sizes = [1, 128], strides = [1, 1]} : vector<1x16384xf32> to vector<1x128xf32>
    %swap3A_2044 = arith.constant 497 : index
    %swap3A_2045 = arith.constant 0 : index
    %swap3A_2046 = vector.load %arg3[%swap3A_2044, %swap3A_2045] : memref<512x128xf32, #tpu.memory_space<vmem>>, vector<1x128xf32>
    tpu.vector_store %arg3[%swap3A_2044, %swap3A_2045], %slice3A_2043 {strides = array<i32>} : memref<512x128xf32, #tpu.memory_space<vmem>>, vector<1x128xf32>,
    %slice3A_2047 = vector.extract_strided_slice %div3A_1590 {offsets = [0, 14592], sizes = [1, 128], strides = [1, 1]} : vector<1x16384xf32> to vector<1x128xf32>
    %swap3A_2048 = arith.constant 498 : index
    %swap3A_2049 = arith.constant 0 : index
    %swap3A_2050 = vector.load %arg3[%swap3A_2048, %swap3A_2049] : memref<512x128xf32, #tpu.memory_space<vmem>>, vector<1x128xf32>
    tpu.vector_store %arg3[%swap3A_2048, %swap3A_2049], %slice3A_2047 {strides = array<i32>} : memref<512x128xf32, #tpu.memory_space<vmem>>, vector<1x128xf32>,
    %slice3A_2051 = vector.extract_strided_slice %div3A_1590 {offsets = [0, 14720], sizes = [1, 128], strides = [1, 1]} : vector<1x16384xf32> to vector<1x128xf32>
    %swap3A_2052 = arith.constant 499 : index
    %swap3A_2053 = arith.constant 0 : index
    %swap3A_2054 = vector.load %arg3[%swap3A_2052, %swap3A_2053] : memref<512x128xf32, #tpu.memory_space<vmem>>, vector<1x128xf32>
    tpu.vector_store %arg3[%swap3A_2052, %swap3A_2053], %slice3A_2051 {strides = array<i32>} : memref<512x128xf32, #tpu.memory_space<vmem>>, vector<1x128xf32>,
    %slice3A_2055 = vector.extract_strided_slice %div3A_1590 {offsets = [0, 14848], sizes = [1, 128], strides = [1, 1]} : vector<1x16384xf32> to vector<1x128xf32>
    %swap3A_2056 = arith.constant 500 : index
    %swap3A_2057 = arith.constant 0 : index
    %swap3A_2058 = vector.load %arg3[%swap3A_2056, %swap3A_2057] : memref<512x128xf32, #tpu.memory_space<vmem>>, vector<1x128xf32>
    tpu.vector_store %arg3[%swap3A_2056, %swap3A_2057], %slice3A_2055 {strides = array<i32>} : memref<512x128xf32, #tpu.memory_space<vmem>>, vector<1x128xf32>,
    %slice3A_2059 = vector.extract_strided_slice %div3A_1590 {offsets = [0, 14976], sizes = [1, 128], strides = [1, 1]} : vector<1x16384xf32> to vector<1x128xf32>
    %swap3A_2060 = arith.constant 501 : index
    %swap3A_2061 = arith.constant 0 : index
    %swap3A_2062 = vector.load %arg3[%swap3A_2060, %swap3A_2061] : memref<512x128xf32, #tpu.memory_space<vmem>>, vector<1x128xf32>
    tpu.vector_store %arg3[%swap3A_2060, %swap3A_2061], %slice3A_2059 {strides = array<i32>} : memref<512x128xf32, #tpu.memory_space<vmem>>, vector<1x128xf32>,
    %slice3A_2063 = vector.extract_strided_slice %div3A_1590 {offsets = [0, 15104], sizes = [1, 128], strides = [1, 1]} : vector<1x16384xf32> to vector<1x128xf32>
    %swap3A_2064 = arith.constant 502 : index
    %swap3A_2065 = arith.constant 0 : index
    %swap3A_2066 = vector.load %arg3[%swap3A_2064, %swap3A_2065] : memref<512x128xf32, #tpu.memory_space<vmem>>, vector<1x128xf32>
    tpu.vector_store %arg3[%swap3A_2064, %swap3A_2065], %slice3A_2063 {strides = array<i32>} : memref<512x128xf32, #tpu.memory_space<vmem>>, vector<1x128xf32>,
    %slice3A_2067 = vector.extract_strided_slice %div3A_1590 {offsets = [0, 15232], sizes = [1, 128], strides = [1, 1]} : vector<1x16384xf32> to vector<1x128xf32>
    %swap3A_2068 = arith.constant 503 : index
    %swap3A_2069 = arith.constant 0 : index
    %swap3A_2070 = vector.load %arg3[%swap3A_2068, %swap3A_2069] : memref<512x128xf32, #tpu.memory_space<vmem>>, vector<1x128xf32>
    tpu.vector_store %arg3[%swap3A_2068, %swap3A_2069], %slice3A_2067 {strides = array<i32>} : memref<512x128xf32, #tpu.memory_space<vmem>>, vector<1x128xf32>,
    %slice3A_2071 = vector.extract_strided_slice %div3A_1590 {offsets = [0, 15360], sizes = [1, 128], strides = [1, 1]} : vector<1x16384xf32> to vector<1x128xf32>
    %swap3A_2072 = arith.constant 504 : index
    %swap3A_2073 = arith.constant 0 : index
    %swap3A_2074 = vector.load %arg3[%swap3A_2072, %swap3A_2073] : memref<512x128xf32, #tpu.memory_space<vmem>>, vector<1x128xf32>
    tpu.vector_store %arg3[%swap3A_2072, %swap3A_2073], %slice3A_2071 {strides = array<i32>} : memref<512x128xf32, #tpu.memory_space<vmem>>, vector<1x128xf32>,
    %slice3A_2075 = vector.extract_strided_slice %div3A_1590 {offsets = [0, 15488], sizes = [1, 128], strides = [1, 1]} : vector<1x16384xf32> to vector<1x128xf32>
    %swap3A_2076 = arith.constant 505 : index
    %swap3A_2077 = arith.constant 0 : index
    %swap3A_2078 = vector.load %arg3[%swap3A_2076, %swap3A_2077] : memref<512x128xf32, #tpu.memory_space<vmem>>, vector<1x128xf32>
    tpu.vector_store %arg3[%swap3A_2076, %swap3A_2077], %slice3A_2075 {strides = array<i32>} : memref<512x128xf32, #tpu.memory_space<vmem>>, vector<1x128xf32>,
    %slice3A_2079 = vector.extract_strided_slice %div3A_1590 {offsets = [0, 15616], sizes = [1, 128], strides = [1, 1]} : vector<1x16384xf32> to vector<1x128xf32>
    %swap3A_2080 = arith.constant 506 : index
    %swap3A_2081 = arith.constant 0 : index
    %swap3A_2082 = vector.load %arg3[%swap3A_2080, %swap3A_2081] : memref<512x128xf32, #tpu.memory_space<vmem>>, vector<1x128xf32>
    tpu.vector_store %arg3[%swap3A_2080, %swap3A_2081], %slice3A_2079 {strides = array<i32>} : memref<512x128xf32, #tpu.memory_space<vmem>>, vector<1x128xf32>,
    %slice3A_2083 = vector.extract_strided_slice %div3A_1590 {offsets = [0, 15744], sizes = [1, 128], strides = [1, 1]} : vector<1x16384xf32> to vector<1x128xf32>
    %swap3A_2084 = arith.constant 507 : index
    %swap3A_2085 = arith.constant 0 : index
    %swap3A_2086 = vector.load %arg3[%swap3A_2084, %swap3A_2085] : memref<512x128xf32, #tpu.memory_space<vmem>>, vector<1x128xf32>
    tpu.vector_store %arg3[%swap3A_2084, %swap3A_2085], %slice3A_2083 {strides = array<i32>} : memref<512x128xf32, #tpu.memory_space<vmem>>, vector<1x128xf32>,
    %slice3A_2087 = vector.extract_strided_slice %div3A_1590 {offsets = [0, 15872], sizes = [1, 128], strides = [1, 1]} : vector<1x16384xf32> to vector<1x128xf32>
    %swap3A_2088 = arith.constant 508 : index
    %swap3A_2089 = arith.constant 0 : index
    %swap3A_2090 = vector.load %arg3[%swap3A_2088, %swap3A_2089] : memref<512x128xf32, #tpu.memory_space<vmem>>, vector<1x128xf32>
    tpu.vector_store %arg3[%swap3A_2088, %swap3A_2089], %slice3A_2087 {strides = array<i32>} : memref<512x128xf32, #tpu.memory_space<vmem>>, vector<1x128xf32>,
    %slice3A_2091 = vector.extract_strided_slice %div3A_1590 {offsets = [0, 16000], sizes = [1, 128], strides = [1, 1]} : vector<1x16384xf32> to vector<1x128xf32>
    %swap3A_2092 = arith.constant 509 : index
    %swap3A_2093 = arith.constant 0 : index
    %swap3A_2094 = vector.load %arg3[%swap3A_2092, %swap3A_2093] : memref<512x128xf32, #tpu.memory_space<vmem>>, vector<1x128xf32>
    tpu.vector_store %arg3[%swap3A_2092, %swap3A_2093], %slice3A_2091 {strides = array<i32>} : memref<512x128xf32, #tpu.memory_space<vmem>>, vector<1x128xf32>,
    %slice3A_2095 = vector.extract_strided_slice %div3A_1590 {offsets = [0, 16128], sizes = [1, 128], strides = [1, 1]} : vector<1x16384xf32> to vector<1x128xf32>
    %swap3A_2096 = arith.constant 510 : index
    %swap3A_2097 = arith.constant 0 : index
    %swap3A_2098 = vector.load %arg3[%swap3A_2096, %swap3A_2097] : memref<512x128xf32, #tpu.memory_space<vmem>>, vector<1x128xf32>
    tpu.vector_store %arg3[%swap3A_2096, %swap3A_2097], %slice3A_2095 {strides = array<i32>} : memref<512x128xf32, #tpu.memory_space<vmem>>, vector<1x128xf32>,
    %slice3A_2099 = vector.extract_strided_slice %div3A_1590 {offsets = [0, 16256], sizes = [1, 128], strides = [1, 1]} : vector<1x16384xf32> to vector<1x128xf32>
    %swap3A_2100 = arith.constant 511 : index
    %swap3A_2101 = arith.constant 0 : index
    %swap3A_2102 = vector.load %arg3[%swap3A_2100, %swap3A_2101] : memref<512x128xf32, #tpu.memory_space<vmem>>, vector<1x128xf32>
    tpu.vector_store %arg3[%swap3A_2100, %swap3A_2101], %slice3A_2099 {strides = array<i32>} : memref<512x128xf32, #tpu.memory_space<vmem>>, vector<1x128xf32>,
    return
  }
  func.func @transform_0(%arg0: i32) -> (i32, i32) {
    %c0_i32 = arith.constant 0 : i32
    %c0_i32_0 = arith.constant 0 : i32
    %c0_i32_1 = arith.constant 0 : i32
    return %c0_i32, %c0_i32_0 : i32, i32
  }
  func.func @transform_1(%arg0: i32) -> (i32, i32) {
    %c0_i32 = arith.constant 0 : i32
    %c0_i32_0 = arith.constant 0 : i32
    return %c0_i32, %arg0 : i32, i32
  }
  func.func @transform_2(%arg0: i32) -> (i32, i32) {
    %c0_i32 = arith.constant 0 : i32
    %c0_i32_0 = arith.constant 0 : i32
    return %arg0, %c0_i32 : i32, i32
  }
}

</mosaic_0001>

<sc_bundles>
// kernel: kernel.4.cloned.1.call-start
scs
__scs_entry_jumppad:
0x0: {  	(pc) =	sbr.rel $0x88, $3  }
0x1: {  	(tag) =	ssettag $0x0;
	lr =	simm.s32 $0x1  }
0x2: {  	[smem:$0x3F9E] =	sst lr;
	_ =	strace $0xD0000000  }
0x3: {  	_ = 	snop  }
0x4: {  	_ = 	snop  }
0x5: {  	_ = 	snop  }
0x6: {  	_ = 	snop  }
0x7: {  	_ = 	snop  }
__scs_overlays_trampoline_lowered:
0x8: {  	[smem:$0x3FAD] =	sst s0  }
0x9: {  	[smem:$0x3FAE] =	sst s1  }
0xa: {  	[smem:$0x3FAF] =	sst s2  }
0xb: {  	[smem:$0x3FB0] =	sst s3  }
0xc: {  	[smem:$0x3FB1] =	sst s4  }
0xd: {  	[smem:$0x3FB2] =	sst s5  }
0xe: {  	[smem:$0x3FB3] =	sst s6  }
0xf: {  	[smem:$0x3FB4] =	sst s7  }
0x10: {  	[smem:$0x3FB5] =	sst s8  }
0x11: {  	[smem:$0x3FB6] =	sst s9;
	s0 =	simm.s32 @!p0 $0x0  }
0x12: {  	s1 =	sld [smem:$0x3F9C];
	s0 =	simm.s32 @p0 $0x1  }
0x13: {  	[smem:$0x3FB7] =	sst s0;
	s0 =	simm.s32 @!p1 $0x0  }
0x14: {  	s2 =	sld [smem:$0x3F9B];
	s0 =	simm.s32 @p1 $0x1  }
0x15: {  	[smem:$0x3FB8] =	sst s0;
	s0 =	simm.s32 @!p2 $0x0  }
0x16: {  	s3 =	sld [smem:$0x3FDB];
	s0 =	simm.s32 @p2 $0x1  }
0x17: {  	s4 =	simm.s32 $0x1BF5;
	[smem:$0x3FBA] =	sst s0  }
0x18: {  	s0 =	sld [smem:$0x3F9D];
	_ =	swait.ge [sflag:s4], $0x0  }
0x19: {  	s7 =	sld [smem:$0x3F9E]  }
0x1a: {  	s8 =	sadd.s32 $0xFFFFE003, lr  }
0x1b: {  	s9 =	sadd.s32 $0xFFFFFEF7, lr;
	s5 =	simm.s32 $0xFFFFFFFF;
	p2 =	slt.u32 s8, $0xFFFFF086  }
0x1c: {  	p1 =	slt.u32 s9, $0xF7A;
	s5 =	simm.s32 @!p2 $0x0  }
0x1d: {  	s5 =	simm.s32 @p1 $0x1;
	p0 =	seq.s32 s7, s2  }
0x1e: {  	s7 =	smul.u32 @!p0 $0xF7A, s2;
	p2 =	seq.s32 @!p0 s5, $0x0  }
0x1f: {  	s9 =	smul.u32 $0xF7A, s1;
	s8 =	simm.s32 @!p0 $0x1BF5;
	p2 =	por !p2, p0  }
0x20: {  	[sflag:s8] =	ssyncset.s32 @!p0 $0xFFFFF086;
	s6 =	sadd.s32 @!p0 s3, s7;
	s7 =	simm.s32 @!p0 $0x108  }
0x21: {  	s3 =	sadd.s32 s3, s9;
	s6 =	sadd.s32 @!p0 $0x88, s6;
	s7 =	simm.s32 @p2 $0x1082  }
0x22: {  	[simem:s7], [sflag:s8] =	dma.local @!p0 [hbm:s6], $0xF7A  }
0x23: {  	s9 =	sor.u32 $0xD0000000, s2;
	s6 =	simm.s32 $0x108;
	_ =	swait.ge @!p0 [sflag:s8], $0x0  }
0x24: {  	s3 =	sadd.s32 $0x88, s3;
	s6 =	simm.s32 @!p1 $0x1082;
	[sflag:s4] =	ssyncset.s32 $0xFFFFF086  }
0x25: {  	[simem:s6], [sflag:s4] =	dma.local [hbm:s3], $0xF7A  }
0x26: {  	[smem:$0x3F9E] =	sst s1;
	(tag) =	ssettag s2;
	_ =	strace s9  }
0x27: {  	s1 =	sld [smem:$0x3FAE]  }
0x28: {  	s2 =	sld [smem:$0x3FAF]  }
0x29: {  	s4 =	sld [smem:$0x3FB1]  }
0x2a: {  	p0 =	seq.s32 s5, $0x0;
	s5 =	sld [smem:$0x3FB2]  }
0x2b: {  	s6 =	sld [smem:$0x3FB3]  }
0x2c: {  	s7 =	sld [smem:$0x3FB4]  }
0x2d: {  	s3 =	simm.s32 $0x108;
	s8 =	sld [smem:$0x3FB5]  }
0x2e: {  	s3 =	simm.s32 @!p0 $0x1082;
	s9 =	sld [smem:$0x3FB6]  }
0x2f: {  	lr =	sadd.s32 s0, s3;
	s0 =	sld [smem:$0x3FAD]  }
0x30: {  	s3 =	sld [smem:$0x3FB0]  }
0x31: {  	[smem:$0x3FB9] =	sst s10  }
0x32: {  	s10 =	sld [smem:$0x3FB7];
	_ =	sdelay $0x3  }
0x33: {  	p0 =	seq.s32 s10, $0x1;
	s10 =	sld [smem:$0x3FB9];
	_ =	sdelay $0x3  }
0x34: {  	[smem:$0x3FB9] =	sst s10  }
0x35: {  	s10 =	sld [smem:$0x3FB8];
	_ =	sdelay $0x3  }
0x36: {  	p1 =	seq.s32 s10, $0x1;
	s10 =	sld [smem:$0x3FB9];
	_ =	sdelay $0x3  }
0x37: {  	[smem:$0x3FB9] =	sst s10  }
0x38: {  	s10 =	sld [smem:$0x3FBA]  }
0x39: {  	_ = 	snop;
	(pc) =	sbr.ind lr, $3  }
0x3a: {  	_ = 	snop  }
0x3b: {  	_ = 	snop  }
0x3c: {  	p2 =	seq.s32 s10, $0x1;
	s10 =	sld [smem:$0x3FB9]  }
0x3d: {  	_ =	shalt  }
0x3e: {  	_ =	shalt  }
0x3f: {  	_ =	shalt  }
0x40: {  	_ =	shalt  }
0x41: {  	_ =	shalt  }
0x42: {  	_ =	shalt  }
0x43: {  	_ =	shalt  }
0x44: {  	_ =	shalt  }
0x45: {  	_ =	shalt  }
0x46: {  	_ =	shalt  }
0x47: {  	_ =	shalt  }
0x48: {  	_ =	shalt  }
0x49: {  	_ =	shalt  }
0x4a: {  	_ =	shalt  }
0x4b: {  	_ =	shalt  }
0x4c: {  	_ =	shalt  }
0x4d: {  	_ =	shalt  }
0x4e: {  	_ =	shalt  }
0x4f: {  	_ =	shalt  }
0x50: {  	_ =	shalt  }
0x51: {  	_ =	shalt  }
0x52: {  	_ =	shalt  }
0x53: {  	_ =	shalt  }
0x54: {  	_ =	shalt  }
0x55: {  	_ =	shalt  }
0x56: {  	_ =	shalt  }
0x57: {  	_ =	shalt  }
0x58: {  	_ =	shalt  }
0x59: {  	_ =	shalt  }
0x5a: {  	_ =	shalt  }
0x5b: {  	_ =	shalt  }
0x5c: {  	_ =	shalt  }
0x5d: {  	_ =	shalt  }
0x5e: {  	_ =	shalt  }
0x5f: {  	_ =	shalt  }
0x60: {  	_ =	shalt  }
0x61: {  	_ =	shalt  }
0x62: {  	_ =	shalt  }
0x63: {  	_ =	shalt  }
0x64: {  	_ =	shalt  }
0x65: {  	_ =	shalt  }
0x66: {  	_ =	shalt  }
0x67: {  	_ =	shalt  }
0x68: {  	_ =	shalt  }
0x69: {  	_ =	shalt  }
0x6a: {  	_ =	shalt  }
0x6b: {  	_ =	shalt  }
0x6c: {  	_ =	shalt  }
0x6d: {  	_ =	shalt  }
0x6e: {  	_ =	shalt  }
0x6f: {  	_ =	shalt  }
0x70: {  	_ =	shalt  }
0x71: {  	_ =	shalt  }
0x72: {  	_ =	shalt  }
0x73: {  	_ =	shalt  }
0x74: {  	_ =	shalt  }
0x75: {  	_ =	shalt  }
0x76: {  	_ =	shalt  }
0x77: {  	_ =	shalt  }
0x78: {  	_ =	shalt  }
0x79: {  	_ =	shalt  }
0x7a: {  	_ =	shalt  }
0x7b: {  	_ =	shalt  }
0x7c: {  	_ =	shalt  }
0x7d: {  	_ =	shalt  }
0x7e: {  	_ =	shalt  }
0x7f: {  	_ =	shalt  }
0x80: {  	_ =	shalt  }
0x81: {  	_ =	shalt  }
0x82: {  	_ =	shalt  }
0x83: {  	_ =	shalt  }
0x84: {  	_ =	shalt  }
0x85: {  	_ =	shalt  }
0x86: {  	_ =	shalt  }
0x87: {  	_ =	shalt  }
.Lfunc_end0:
.L_simem_size_0:
called_computation_lowered:
.L_overlay_start_0:
0x88: {  	s2 =	sld [smem:$0x3FD9]  }
0x89: {  	s3 =	sld [smem:$0x3FFE];
	_ =	sdelay $0x1  }
0x8a: {  	s1 =	srdreg.scid  }
0x8b: {  	s0 =	sand.u32 $0x1, s1  }
0x8c: {  	s17 =	sshll.u32 s0, $0xA;
	s2 =	sadd.s32 s3, s2  }
0x8d: {  	s2 =	sadd.s32 s2, s17  }
0x8e: {  	[smem:$0x3FC5] =	sst s2  }
0x8f: {  	_ = 	snop  }
0x90: {  	s2 =	sld [smem:$0x3FD0];
	(tm) =	ssettm $0x1  }
0x91: {  	s18 =	sld [smem:$0x3FFB];
	_ =	sdelay $0x3  }
0x92: {  	_ =	strace s18  }
0x93: {  	s3 =	sld [smem:$0x3FFC];
	_ =	sdelay $0x3  }
0x94: {  	_ =	strace s3  }
0x95: {  	s3 =	sld [smem:$0x3FFD];
	_ =	sdelay $0x3  }
0x96: {  	_ =	strace s3  }
0x97: {  	_ =	strace $0x8FFFFFFF  }
0x98: {  	s19 =	sld [smem:$0x3FDB];
	_ =	sdelay $0x1  }
0x99: {  	s4 =	simm.s32 $_scs_section_size  }
0x9a: {  	s5 =	simm.s32 $_size__tile_overlayer_lowered;
	s6 =	simm.s32 $_tile_overlayer_lowered  }
0x9b: {  	s22 =	simm.s32 $0x1BFF;
	s21 =	sshll.u32 s6, $0x1;
	s3 =	sadd.s32 s4, s19  }
0x9c: {  	s7 =	simm.s32 $0x0;
	s20 =	sshll.u32 s5, $0x1;
	s5 =	sadd.s32 s21, s3  }
0x9d: {  	[timem:s7], [sflag:s22] =	dma.local [hbm:s5], s20  }
0x9e: {  	_ =	swait.ge [sflag:s22], s20  }
0x9f: {  	s4 =	ssub.s32 $0x0, s20;
	[sflag:s22] =	ssyncset.done $0x0  }
0xa0: {  	[sflag:s22] =	ssyncadd.s32 s4;
	_ =	sdelay $0x1  }
0xa1: {  	s23 =	simm.s32 $0x1B8B  }
0xa2: {  	_ =	swait.ge [sflag:s23], $0x1  }
0xa3: {  	[sflag:s23] =	ssyncset.done $0x0  }
0xa4: {  	s25 =	simm.s32 $0x1B8E;
	s24 =	sld [smem:$0x3FFE];
	[sflag:s23] =	ssyncadd.s32 $0xFFFFFFFF  }
0xa5: {  	s26 =	simm.s32 $execute0_lowered;
	[smem:$0x3FD2] =	sst s25  }
0xa6: {  	s5 =	sshll.u32 s26, $0x1;
	_ =	strace $0x80000046;
	[dreg:$0x1] =	wrdreg $0xFFFFFFFF  }
0xa7: {  	s28 =	simm.s32 $_size_execute0_lowered;
	s3 =	sadd.s32 s3, s5;
	[dreg:$0x0] =	wrdreg $0x0  }
0xa8: {  	s5 =	sshll.u32 s28, $0x1;
	[dreg:$0x2] =	wrdreg s3  }
0xa9: {  	[dreg:$0x3] =	wrdreg s5  }
0xaa: {  	[dreg:$0x4] =	wrdreg $0xC0  }
0xab: {  	_ =	task [dreg:s7], $0x5FFFF  }
0xac: {  	[dreg:$0x1] =	wrdreg $0xFFFFFFFF  }
0xad: {  	[dreg:$0x0] =	wrdreg $0x60  }
0xae: {  	[dreg:$0x2] =	wrdreg s24  }
0xaf: {  	[dreg:$0x3] =	wrdreg s2  }
0xb0: {  	[dreg:$0x4] =	wrdreg $0x9  }
0xb1: {  	_ =	task.clear_ibuf [dreg:s7], $0x5FFFF;
	_ =	strace $0x90000046  }
0xb2: {  	s29 =	simm.s32 $0x9;
	_ =	strace $0x80000048  }
0xb3: {  	_ =	swait.ge [sflag:s29], $0x1  }
0xb4: {  	[sflag:s29] =	ssyncadd.s32 $0xFFFFFFFF  }
0xb5: {  	_ =	strace $0x90000048  }
0xb6: {  	_ =	sfence  }
0xb7: {  	s30 =	sld [smem:$0x0];
	_ =	sdelay $0x2  }
0xb8: {  	s31 =	sshll.u32 s1, $0xD;
	s1 =	sshrl.u32 s1, $0x2  }
0xb9: {  	s3 =	sand.u32 $0x4000, s31;
	s1 =	sadd.s32 s1, s30  }
0xba: {  	s0 =	sor.u32 s3, s0;
	s1 =	sshll.u32 s1, $0x11  }
0xbb: {  	s0 =	sor.u32 s1, s0  }
0xbc: {  	s0 =	sadd.s32 $0x8F2B, s0  }
0xbd: {  	[sflag:s0] =	ssyncadd.remote.s32 $0x1  }
0xbe: {  	_ =	sfence.sel $0xFFFF  }
0xbf: {  	[dreg:$0x0] =	wrdreg $0xFFFFFFFF;
	(pc) =	sbr.abs _section_cstart, $3  }
0xc0: {  	[dreg:$0x1] =	wrdreg $0xFFFFFFFF  }
0xc1: {  	_ =	task.clear_ibuf [dreg:s7], $0x2FFFF;
	_ =	strace $0x9FFFFFFF  }
0xc2: {  	(tm) =	ssettm $0x7FFFFFFF  }
0xc3: {  	_ =	shalt  }
tec
execute0_lowered:
.L_overlay_start_1:
0x0: {  	(tag) =	ssettag $0x1  }
0x1: {  	s3 =	rddreg [dreg:$0x0]  }
0x2: {  	s5 =	rddreg [dreg:$0x1];
	v0 =	vlaneseq.u32  }
0x3: {  	s0 =	rddreg [dreg:$0x2];
	v0 =	vmul.u32 $0x80, v0  }
0x4: {  	s1 =	stileid.u32;
	s4 =	srdreg.scid  }
0x5: {  	s2 =	simm.s32 $0x0;
	s10 =	simm.s32 $0x200;
	s11 =	simm.s32 $0x600;
	v1 =	vor.u32 $0x800, v0  }
0x6: {  	s12 =	simm.s32 $0x280;
	s13 =	simm.s32 $0x4600;
	s14 =	simm.s32 $0x300;
	v2 =	vor.u32 $0x1000, v0;
	v3 =	vor.u32 $0x1800, v0;
	v4 =	vor.u32 $0x2000, v0  }
0x7: {  	s15 =	simm.s32 $0x8600;
	s16 =	simm.s32 $0x380;
	s17 =	simm.s32 $0xC600;
	v5 =	vor.u32 $0x2800, v0;
	v6 =	vor.u32 $0x3000, v0;
	v7 =	vor.u32 $0x3800, v0  }
0x8: {  	s18 =	simm.s32 $0x1;
	s19 =	simm.s32 $0x10600;
	s4 =	sand.u32 $0x1, s4;
	v8 =	vor.u32 $0x4000, v0;
	v9 =	vor.u32 $0x4800, v0;
	v10 =	vor.u32 $0x5000, v0  }
0x9: {  	s6 =	sshll.u32 s1, $0x1;
	[smem:$0x7FF] =	sst s2;
	s7 =	sshll.u32 s1, $0x7;
	v11 =	vor.u32 $0x5800, v0;
	v12 =	vor.u32 $0x6000, v0;
	v13 =	vor.u32 $0x6800, v0  }
0xa: {  	s6 =	sor.u32 s4, s6;
	_ =	strace $0x80000047;
	s7 =	sand.u32 $0x600, s7;
	v14 =	vor.u32 $0x7000, v0;
	v15 =	vor.u32 $0x7800, v0;
	v16 =	vor.u32 $0x8000, v0  }
0xb: {  	s4 =	ssub.s32 $0x2, s4;
	s8 =	sshll.u32 s6, $0x4;
	s7 =	sadd.s32 s7, s3;
	v17 =	vor.u32 $0x8800, v0;
	v18 =	vor.u32 $0x9000, v0;
	v19 =	vor.u32 $0x9800, v0  }
0xc: {  	s3 =	sadd.s32 $0x1000, s3;
	s9 =	sshrl.u32 s4, $0x1;
	s6 =	sshll.u32 s6, $0x6;
	v20 =	vor.u32 $0xA000, v0;
	v21 =	vor.u32 $0xA800, v0;
	v22 =	vor.u32 $0xB000, v0  }
0xd: {  	v23 =	vor.u32 $0xB800, v0;
	v24 =	vor.u32 $0xC000, v0;
	v25 =	vor.u32 $0xC800, v0;
	s8 =	sand.u32 $0x70, s8;
	s31 =	ssub.s32 s4, s9;
	s5 =	sadd.s32 s5, s6  }
0xe: {  	v26 =	vor.u32 $0xD000, v0;
	v27 =	vor.u32 $0xD800, v0;
	v28 =	vor.u32 $0xE000, v0;
	s9 =	simm.s32 $0x2;
	s7 =	sadd.s32 s8, s7;
	s6 =	smax.u32 s31, $0x1  }
0xf: {  	v29 =	vor.u32 $0xE800, v0;
	v30 =	vor.u32 $0xF000, v0;
	v31 =	vor.u32 $0xF800, v0;
	s8 =	simm.s32 $0x400;
	s4 =	sadd.s32 $0x800, s7;
	s7 =	simm.s32 $0x80  }
.LBB2_1:
0x10: {  	[tilespmem:s2], [sflag:$0x2] =	stream.strided.gather [hbm4b:s4+s7], $0x200, s8, s7, $0x38;
	[tilespmem:$0x10800] =	vst v63  }
0x11: {  	_ =	swait.ge [sflag:s9], $0x200  }
0x12: {  	[sflag:s9] =	ssyncset.done $0x0  }
0x13: {  	[sflag:s9] =	ssyncadd.s32 $0xFFFFFE00  }
0x14: {  	v32 =	vld [tilespmem:$0x0];
	_ =	sdelay $0x1  }
0x15: {  	v33 =	vld [tilespmem:$0x10];
	_ =	sdelay $0x1  }
0x16: {  	v34 =	vld [tilespmem:$0x20]  }
0x17: {  	v35 =	vshra.s32 v32, $0x7  }
0x18: {  	v51 =	vld [tilespmem:$0x30];
	v32 =	vand.u32 $0x7F, v32;
	[tilespmem:$0x200] =	vst v35  }
0x19: {  	v52 =	vshra.s32 v33, $0x7;
	[tilespmem:$0x400] =	vst v32  }
0x1a: {  	v54 =	vld [tilespmem:$0x40];
	v53 =	vand.u32 $0x7F, v33;
	[tilespmem:$0x210] =	vst v52  }
0x1b: {  	v55 =	vshra.s32 v34, $0x7;
	[tilespmem:$0x410] =	vst v53  }
0x1c: {  	v57 =	vld [tilespmem:$0x50];
	v56 =	vand.u32 $0x7F, v34;
	[tilespmem:$0x220] =	vst v55  }
0x1d: {  	v58 =	vshra.s32 v51, $0x7;
	[tilespmem:$0x420] =	vst v56  }
0x1e: {  	v60 =	vld [tilespmem:$0x60];
	v59 =	vand.u32 $0x7F, v51;
	[tilespmem:$0x230] =	vst v58  }
0x1f: {  	v61 =	vshra.s32 v54, $0x7;
	[tilespmem:$0x430] =	vst v59  }
0x20: {  	v63 =	vld [tilespmem:$0x70];
	v62 =	vand.u32 $0x7F, v54;
	[tilespmem:$0x240] =	vst v61  }
0x21: {  	v36 =	vshra.s32 v57, $0x7;
	[tilespmem:$0x440] =	vst v62  }
0x22: {  	v38 =	vld [tilespmem:$0x80];
	v37 =	vand.u32 $0x7F, v57;
	[tilespmem:$0x250] =	vst v36  }
0x23: {  	v39 =	vshra.s32 v60, $0x7;
	[tilespmem:$0x450] =	vst v37  }
0x24: {  	v41 =	vld [tilespmem:$0x90];
	v40 =	vand.u32 $0x7F, v60;
	[tilespmem:$0x260] =	vst v39  }
0x25: {  	v42 =	vshra.s32 v63, $0x7;
	[tilespmem:$0x460] =	vst v40  }
0x26: {  	v44 =	vld [tilespmem:$0xA0];
	v43 =	vand.u32 $0x7F, v63;
	[tilespmem:$0x270] =	vst v42  }
0x27: {  	v47 =	vld [tilespmem:$0xB0];
	v45 =	vshra.s32 v38, $0x7;
	[tilespmem:$0x470] =	vst v43  }
0x28: {  	v50 =	vld [tilespmem:$0xC0];
	v46 =	vand.u32 $0x7F, v38;
	[tilespmem:$0x280] =	vst v45  }
0x29: {  	v48 =	vshra.s32 v41, $0x7;
	[tilespmem:$0x480] =	vst v46  }
0x2a: {  	v49 =	vand.u32 $0x7F, v41;
	[tilespmem:$0x290] =	vst v48  }
0x2b: {  	v51 =	vshra.s32 v44, $0x7;
	[tilespmem:$0x490] =	vst v49  }
0x2c: {  	v54 =	vshra.s32 v47, $0x7;
	[tilespmem:$0x2A0] =	vst v51;
	v53 =	vld [tilespmem:$0xD0]  }
0x2d: {  	v57 =	vshra.s32 v50, $0x7;
	[tilespmem:$0x2B0] =	vst v54  }
0x2e: {  	v52 =	vand.u32 $0x7F, v44;
	v56 =	vld [tilespmem:$0xE0];
	[tilespmem:$0x2C0] =	vst v57  }
0x2f: {  	v55 =	vand.u32 $0x7F, v47;
	[tilespmem:$0x4A0] =	vst v52  }
0x30: {  	v58 =	vand.u32 $0x7F, v50;
	v59 =	vld [tilespmem:$0xF0];
	[tilespmem:$0x4B0] =	vst v55  }
0x31: {  	[tilespmem:$0x4C0] =	vst v58;
	v60 =	vshra.s32 v53, $0x7  }
0x32: {  	v62 =	vld [tilespmem:$0x100];
	v61 =	vand.u32 $0x7F, v53;
	[tilespmem:$0x2D0] =	vst v60  }
0x33: {  	v63 =	vshra.s32 v56, $0x7;
	[tilespmem:$0x4D0] =	vst v61  }
0x34: {  	v37 =	vld [tilespmem:$0x110];
	v36 =	vand.u32 $0x7F, v56;
	[tilespmem:$0x2E0] =	vst v63  }
0x35: {  	v38 =	vshra.s32 v59, $0x7;
	[tilespmem:$0x4E0] =	vst v36  }
0x36: {  	v40 =	vld [tilespmem:$0x120];
	v39 =	vand.u32 $0x7F, v59;
	[tilespmem:$0x2F0] =	vst v38  }
0x37: {  	v41 =	vshra.s32 v62, $0x7;
	[tilespmem:$0x4F0] =	vst v39  }
0x38: {  	v43 =	vld [tilespmem:$0x130];
	v42 =	vand.u32 $0x7F, v62;
	[tilespmem:$0x300] =	vst v41  }
0x39: {  	v44 =	vshra.s32 v37, $0x7;
	[tilespmem:$0x500] =	vst v42  }
0x3a: {  	v46 =	vld [tilespmem:$0x140];
	v45 =	vand.u32 $0x7F, v37;
	[tilespmem:$0x310] =	vst v44  }
0x3b: {  	v47 =	vshra.s32 v40, $0x7;
	[tilespmem:$0x510] =	vst v45  }
0x3c: {  	v49 =	vld [tilespmem:$0x150];
	v48 =	vand.u32 $0x7F, v40;
	[tilespmem:$0x320] =	vst v47  }
0x3d: {  	v50 =	vshra.s32 v43, $0x7;
	[tilespmem:$0x520] =	vst v48  }
0x3e: {  	v52 =	vld [tilespmem:$0x160];
	v51 =	vand.u32 $0x7F, v43;
	[tilespmem:$0x330] =	vst v50  }
0x3f: {  	v53 =	vshra.s32 v46, $0x7;
	[tilespmem:$0x530] =	vst v51  }
0x40: {  	v55 =	vld [tilespmem:$0x170];
	v54 =	vand.u32 $0x7F, v46;
	[tilespmem:$0x340] =	vst v53  }
0x41: {  	v56 =	vshra.s32 v49, $0x7;
	[tilespmem:$0x540] =	vst v54  }
0x42: {  	v58 =	vld [tilespmem:$0x180];
	v57 =	vand.u32 $0x7F, v49;
	[tilespmem:$0x350] =	vst v56  }
0x43: {  	[tilespmem:$0x550] =	vst v57;
	v59 =	vshra.s32 v52, $0x7  }
0x44: {  	v60 =	vand.u32 $0x7F, v52;
	v61 =	vld [tilespmem:$0x190];
	[tilespmem:$0x360] =	vst v59  }
0x45: {  	v62 =	vshra.s32 v55, $0x7;
	[tilespmem:$0x560] =	vst v60  }
0x46: {  	v63 =	vand.u32 $0x7F, v55;
	v36 =	vld [tilespmem:$0x1A0];
	[tilespmem:$0x370] =	vst v62  }
0x47: {  	v37 =	vshra.s32 v58, $0x7;
	[tilespmem:$0x570] =	vst v63  }
0x48: {  	v38 =	vand.u32 $0x7F, v58;
	v39 =	vld [tilespmem:$0x1B0];
	[tilespmem:$0x380] =	vst v37  }
0x49: {  	[tilespmem:$0x580] =	vst v38;
	v40 =	vshra.s32 v61, $0x7  }
0x4a: {  	v42 =	vld [tilespmem:$0x1C0];
	v41 =	vand.u32 $0x7F, v61;
	[tilespmem:$0x390] =	vst v40  }
0x4b: {  	v43 =	vshra.s32 v36, $0x7;
	[tilespmem:$0x590] =	vst v41  }
0x4c: {  	v45 =	vld [tilespmem:$0x1D0];
	v44 =	vand.u32 $0x7F, v36;
	[tilespmem:$0x3A0] =	vst v43  }
0x4d: {  	v46 =	vshra.s32 v39, $0x7;
	[tilespmem:$0x5A0] =	vst v44  }
0x4e: {  	v48 =	vld [tilespmem:$0x1E0];
	v47 =	vand.u32 $0x7F, v39;
	[tilespmem:$0x3B0] =	vst v46  }
0x4f: {  	v49 =	vshra.s32 v42, $0x7;
	[tilespmem:$0x5B0] =	vst v47  }
0x50: {  	v51 =	vld [tilespmem:$0x1F0];
	v50 =	vand.u32 $0x7F, v42;
	[tilespmem:$0x3C0] =	vst v49  }
0x51: {  	v52 =	vshra.s32 v45, $0x7;
	[tilespmem:$0x5C0] =	vst v50  }
0x52: {  	v53 =	vand.u32 $0x7F, v45;
	[tilespmem:$0x3D0] =	vst v52  }
0x53: {  	v54 =	vshra.s32 v48, $0x7;
	[tilespmem:$0x5D0] =	vst v53  }
0x54: {  	v55 =	vand.u32 $0x7F, v48;
	[tilespmem:$0x3E0] =	vst v54  }
0x55: {  	v56 =	vshra.s32 v51, $0x7;
	[tilespmem:$0x5E0] =	vst v55  }
0x56: {  	v57 =	vand.u32 $0x7F, v51;
	[tilespmem:$0x3F0] =	vst v56  }
0x57: {  	[tilespmem:$0x5F0] =	vst v57  }
0x58: {  	[tilespmem:s11], [sflag:$0x1] =	stream.indirect.gather [hbm4b:s3+s7], $0x80, s10, s7, $0xb8;
	[tilespmem:$0x10800] =	vst v63  }
0x59: {  	_ = 	snop  }
0x5a: {  	[tilespmem:s13], [sflag:$0x1] =	stream.indirect.gather [hbm4b:s3+s7], $0x80, s12, s7, $0xb8;
	[tilespmem:$0x10800] =	vst v63  }
0x5b: {  	_ = 	snop  }
0x5c: {  	[tilespmem:s15], [sflag:$0x1] =	stream.indirect.gather [hbm4b:s3+s7], $0x80, s14, s7, $0xb8;
	[tilespmem:$0x10800] =	vst v63  }
0x5d: {  	_ = 	snop  }
0x5e: {  	[tilespmem:s17], [sflag:$0x1] =	stream.indirect.gather [hbm4b:s3+s7], $0x80, s16, s7, $0xb8;
	[tilespmem:$0x10800] =	vst v63  }
0x5f: {  	_ =	swait.ge [sflag:s18], $0x4000  }
0x60: {  	[sflag:s18] =	ssyncset.done $0x0  }
0x61: {  	[sflag:s18] =	ssyncadd.s32 $0xFFFFC000  }
0x62: {  	_ =	swait.ge [sflag:s18], $0x4000  }
0x63: {  	[sflag:s18] =	ssyncset.done $0x0  }
0x64: {  	[sflag:s18] =	ssyncadd.s32 $0xFFFFC000  }
0x65: {  	_ =	swait.ge [sflag:s18], $0x4000  }
0x66: {  	[sflag:s18] =	ssyncset.done $0x0  }
0x67: {  	[sflag:s18] =	ssyncadd.s32 $0xFFFFC000  }
0x68: {  	_ =	swait.ge [sflag:s18], $0x4000  }
0x69: {  	[sflag:s18] =	ssyncset.done $0x0  }
0x6a: {  	[sflag:s18] =	ssyncadd.s32 $0xFFFFC000  }
0x6b: {  	v58 =	vld [tilespmem:$0x400];
	_ =	sdelay $0x4  }
0x6c: {  	v32 =	vadd.s32 v0, v58  }
0x6d: {  	v59 =	vld [tilespmem:$0x410];
	_ =	sdelay $0x3  }
0x6e: {  	v32 =	vld.idx.msk [tilespmem:v32+s11+$0x0], $0xffff  }
0x6f: {  	v33 =	vadd.s32 v1, v59  }
0x70: {  	v60 =	vld [tilespmem:$0x420];
	_ =	sdelay $0x2  }
0x71: {  	[tilespmem:$0x10600] =	vst v32  }
0x72: {  	v32 =	vld.idx.msk [tilespmem:v33+s11+$0x0], $0xffff  }
0x73: {  	v61 =	vadd.s32 v2, v60  }
0x74: {  	v62 =	vld [tilespmem:$0x430];
	_ =	sdelay $0x2  }
0x75: {  	[tilespmem:$0x10610] =	vst v32  }
0x76: {  	v32 =	vld.idx.msk [tilespmem:v61+s11+$0x0], $0xffff  }
0x77: {  	v63 =	vadd.s32 v3, v62  }
0x78: {  	v36 =	vld [tilespmem:$0x440];
	_ =	sdelay $0x2  }
0x79: {  	[tilespmem:$0x10620] =	vst v32  }
0x7a: {  	v32 =	vld.idx.msk [tilespmem:v63+s11+$0x0], $0xffff  }
0x7b: {  	v37 =	vadd.s32 v4, v36  }
0x7c: {  	v38 =	vld [tilespmem:$0x450];
	_ =	sdelay $0x2  }
0x7d: {  	[tilespmem:$0x10630] =	vst v32  }
0x7e: {  	v32 =	vld.idx.msk [tilespmem:v37+s11+$0x0], $0xffff  }
0x7f: {  	v39 =	vadd.s32 v5, v38  }
0x80: {  	v40 =	vld [tilespmem:$0x460];
	_ =	sdelay $0x2  }
0x81: {  	[tilespmem:$0x10640] =	vst v32  }
0x82: {  	v32 =	vld.idx.msk [tilespmem:v39+s11+$0x0], $0xffff  }
0x83: {  	v41 =	vadd.s32 v6, v40  }
0x84: {  	v42 =	vld [tilespmem:$0x470];
	_ =	sdelay $0x2  }
0x85: {  	[tilespmem:$0x10650] =	vst v32  }
0x86: {  	v32 =	vld.idx.msk [tilespmem:v41+s11+$0x0], $0xffff  }
0x87: {  	v43 =	vadd.s32 v7, v42  }
0x88: {  	v44 =	vld [tilespmem:$0x480];
	_ =	sdelay $0x2  }
0x89: {  	[tilespmem:$0x10660] =	vst v32  }
0x8a: {  	v32 =	vld.idx.msk [tilespmem:v43+s11+$0x0], $0xffff  }
0x8b: {  	v45 =	vadd.s32 v8, v44  }
0x8c: {  	v46 =	vld [tilespmem:$0x490];
	_ =	sdelay $0x2  }
0x8d: {  	[tilespmem:$0x10670] =	vst v32  }
0x8e: {  	v32 =	vld.idx.msk [tilespmem:v45+s11+$0x0], $0xffff  }
0x8f: {  	v47 =	vadd.s32 v9, v46  }
0x90: {  	v48 =	vld [tilespmem:$0x4A0];
	_ =	sdelay $0x2  }
0x91: {  	[tilespmem:$0x10680] =	vst v32  }
0x92: {  	v32 =	vld.idx.msk [tilespmem:v47+s11+$0x0], $0xffff  }
0x93: {  	v49 =	vadd.s32 v10, v48  }
0x94: {  	v50 =	vld [tilespmem:$0x4B0];
	_ =	sdelay $0x2  }
0x95: {  	[tilespmem:$0x10690] =	vst v32  }
0x96: {  	v32 =	vld.idx.msk [tilespmem:v49+s11+$0x0], $0xffff  }
0x97: {  	v51 =	vadd.s32 v11, v50  }
0x98: {  	v52 =	vld [tilespmem:$0x4C0];
	_ =	sdelay $0x2  }
0x99: {  	[tilespmem:$0x106A0] =	vst v32  }
0x9a: {  	v32 =	vld.idx.msk [tilespmem:v51+s11+$0x0], $0xffff  }
0x9b: {  	v53 =	vadd.s32 v12, v52  }
0x9c: {  	v54 =	vld [tilespmem:$0x4D0];
	_ =	sdelay $0x2  }
0x9d: {  	[tilespmem:$0x106B0] =	vst v32  }
0x9e: {  	v32 =	vld.idx.msk [tilespmem:v53+s11+$0x0], $0xffff  }
0x9f: {  	v55 =	vadd.s32 v13, v54  }
0xa0: {  	v56 =	vld [tilespmem:$0x4E0];
	_ =	sdelay $0x2  }
0xa1: {  	[tilespmem:$0x106C0] =	vst v32  }
0xa2: {  	v32 =	vld.idx.msk [tilespmem:v55+s11+$0x0], $0xffff  }
0xa3: {  	v57 =	vadd.s32 v14, v56  }
0xa4: {  	v58 =	vld [tilespmem:$0x4F0];
	_ =	sdelay $0x2  }
0xa5: {  	[tilespmem:$0x106D0] =	vst v32  }
0xa6: {  	v32 =	vld.idx.msk [tilespmem:v57+s11+$0x0], $0xffff  }
0xa7: {  	v59 =	vadd.s32 v15, v58  }
0xa8: {  	v60 =	vld [tilespmem:$0x500];
	_ =	sdelay $0x2  }
0xa9: {  	[tilespmem:$0x106E0] =	vst v32  }
0xaa: {  	v32 =	vld.idx.msk [tilespmem:v59+s11+$0x0], $0xffff  }
0xab: {  	v61 =	vadd.s32 v16, v60  }
0xac: {  	v62 =	vld [tilespmem:$0x510];
	_ =	sdelay $0x2  }
0xad: {  	[tilespmem:$0x106F0] =	vst v32  }
0xae: {  	v32 =	vld.idx.msk [tilespmem:v61+s11+$0x0], $0xffff  }
0xaf: {  	v63 =	vadd.s32 v17, v62  }
0xb0: {  	v36 =	vld [tilespmem:$0x520];
	_ =	sdelay $0x2  }
0xb1: {  	[tilespmem:$0x10700] =	vst v32  }
0xb2: {  	v32 =	vld.idx.msk [tilespmem:v63+s11+$0x0], $0xffff  }
0xb3: {  	v37 =	vadd.s32 v18, v36  }
0xb4: {  	v38 =	vld [tilespmem:$0x530];
	_ =	sdelay $0x2  }
0xb5: {  	[tilespmem:$0x10710] =	vst v32  }
0xb6: {  	v32 =	vld.idx.msk [tilespmem:v37+s11+$0x0], $0xffff  }
0xb7: {  	v39 =	vadd.s32 v19, v38  }
0xb8: {  	v40 =	vld [tilespmem:$0x540];
	_ =	sdelay $0x2  }
0xb9: {  	[tilespmem:$0x10720] =	vst v32  }
0xba: {  	v32 =	vld.idx.msk [tilespmem:v39+s11+$0x0], $0xffff  }
0xbb: {  	v41 =	vadd.s32 v20, v40  }
0xbc: {  	v42 =	vld [tilespmem:$0x550];
	_ =	sdelay $0x2  }
0xbd: {  	[tilespmem:$0x10730] =	vst v32  }
0xbe: {  	v32 =	vld.idx.msk [tilespmem:v41+s11+$0x0], $0xffff  }
0xbf: {  	v43 =	vadd.s32 v21, v42  }
0xc0: {  	v44 =	vld [tilespmem:$0x560];
	_ =	sdelay $0x2  }
0xc1: {  	[tilespmem:$0x10740] =	vst v32  }
0xc2: {  	v32 =	vld.idx.msk [tilespmem:v43+s11+$0x0], $0xffff  }
0xc3: {  	v45 =	vadd.s32 v22, v44  }
0xc4: {  	v46 =	vld [tilespmem:$0x570];
	_ =	sdelay $0x2  }
0xc5: {  	[tilespmem:$0x10750] =	vst v32  }
0xc6: {  	v32 =	vld.idx.msk [tilespmem:v45+s11+$0x0], $0xffff  }
0xc7: {  	v47 =	vadd.s32 v23, v46  }
0xc8: {  	v48 =	vld [tilespmem:$0x580];
	_ =	sdelay $0x2  }
0xc9: {  	[tilespmem:$0x10760] =	vst v32  }
0xca: {  	v32 =	vld.idx.msk [tilespmem:v47+s11+$0x0], $0xffff  }
0xcb: {  	v49 =	vadd.s32 v24, v48  }
0xcc: {  	v50 =	vld [tilespmem:$0x590];
	_ =	sdelay $0x2  }
0xcd: {  	[tilespmem:$0x10770] =	vst v32  }
0xce: {  	v32 =	vld.idx.msk [tilespmem:v49+s11+$0x0], $0xffff  }
0xcf: {  	v51 =	vadd.s32 v25, v50  }
0xd0: {  	v52 =	vld [tilespmem:$0x5A0];
	_ =	sdelay $0x2  }
0xd1: {  	[tilespmem:$0x10780] =	vst v32  }
0xd2: {  	v32 =	vld.idx.msk [tilespmem:v51+s11+$0x0], $0xffff  }
0xd3: {  	v53 =	vadd.s32 v26, v52  }
0xd4: {  	v54 =	vld [tilespmem:$0x5B0];
	_ =	sdelay $0x2  }
0xd5: {  	[tilespmem:$0x10790] =	vst v32  }
0xd6: {  	v32 =	vld.idx.msk [tilespmem:v53+s11+$0x0], $0xffff  }
0xd7: {  	v55 =	vadd.s32 v27, v54  }
0xd8: {  	v56 =	vld [tilespmem:$0x5C0];
	_ =	sdelay $0x2  }
0xd9: {  	[tilespmem:$0x107A0] =	vst v32  }
0xda: {  	v32 =	vld.idx.msk [tilespmem:v55+s11+$0x0], $0xffff  }
0xdb: {  	v57 =	vadd.s32 v28, v56  }
0xdc: {  	v58 =	vld [tilespmem:$0x5D0];
	_ =	sdelay $0x2  }
0xdd: {  	[tilespmem:$0x107B0] =	vst v32  }
0xde: {  	v32 =	vld.idx.msk [tilespmem:v57+s11+$0x0], $0xffff  }
0xdf: {  	v59 =	vadd.s32 v29, v58  }
0xe0: {  	v60 =	vld [tilespmem:$0x5E0];
	_ =	sdelay $0x2  }
0xe1: {  	[tilespmem:$0x107C0] =	vst v32  }
0xe2: {  	v32 =	vld.idx.msk [tilespmem:v59+s11+$0x0], $0xffff  }
0xe3: {  	v61 =	vadd.s32 v30, v60  }
0xe4: {  	v62 =	vld [tilespmem:$0x5F0];
	_ =	sdelay $0x2  }
0xe5: {  	[tilespmem:$0x107D0] =	vst v32  }
0xe6: {  	v32 =	vld.idx.msk [tilespmem:v61+s11+$0x0], $0xffff  }
0xe7: {  	v63 =	vadd.s32 v31, v62;
	_ =	sdelay $0x3  }
0xe8: {  	[tilespmem:$0x107E0] =	vst v32  }
0xe9: {  	v32 =	vld.idx.msk [tilespmem:v63+s11+$0x0], $0xffff;
	_ =	sdelay $0x3  }
0xea: {  	p0 =	sne.s32 s6, $0x1  }
.Ltmp0:
0xeb: {  	[tilespmem:$0x107F0] =	vst v32;
	(pc) =	sbr.rel @p0 .LBB2_1-.Ltmp0, $4  }
0xec: {  	[hbm4b:s5+s2] =	stream.linear.scatter [tilespmem:s19], [sflag:$0x2], $0x200, $0x38;
	[tilespmem:$0x10800] =	vst v63  }
0xed: {  	_ =	swait.ge [sflag:s9], $0x200  }
0xee: {  	[sflag:s9] =	ssyncset.done $0x0  }
0xef: {  	s6 =	sadd.s32 $0xFFFFFFFF, s6;
	[sflag:s9] =	ssyncadd.s32 $0xFFFFFE00  }
0xf0: {  	_ =	sfence.sel $0x180000  }
0xf1: {  	[bflag:$0x0] =	sbarrier.arrive $0xFFFF  }
0xf2: {  	p0 =	sne.s32 s1, $0x0;
	_ =	strace $0x90000047  }
0xf3: {  	s0 =	sadd.s32 @!p0 $0x100000, s0;
	[bflag:$0x2] =	sbarrier.arrive $0xFFFF  }
0xf4: {  	[sflag:s0] =	ssyncadd.tile.s32 @!p0 $0x1;
	_ =	shalt  }
.Lfunc_end2:
_tile_overlayer_lowered:
.L_overlay_start_2:
0xf5: {  	(tag) =	ssettag $0x2  }
0xf6: {  	s0 =	rddreg [dreg:$0x0];
	s2 =	stileid.u32  }
0xf7: {  	s1 =	rddreg [dreg:$0x1];
	p0 =	sne.s32 s2, $0x0  }
0xf8: {  	s3 =	rddreg [dreg:$0x2];
	[bflag:$0x3] =	sbarrier.arrive $0xFFFF;
	s2 =	simm.s32 @!p0 $0x1C02  }
0xf9: {  	[timem:s3], [sflag:s2] =	dma.local @!p0 [hbm:s0], s1  }
0xfa: {  	s0 =	simm.s32 @!p0 $0x2  }
0xfb: {  	_ =	swait.ge @!p0 [sflag:s0], s1  }
0xfc: {  	s1 =	ssub.s32 @!p0 $0x0, s1;
	[sflag:s0] =	ssyncset.done @!p0 $0x0  }
0xfd: {  	[sflag:s0] =	ssyncadd.s32 @!p0 s1  }
0xfe: {  	[bflag:$0x3] =	sbarrier.arrive $0xFFFF  }
0xff: {  	_ =	shalt  }

</sc_bundles>
